<compile_context>
chip_gen: v7x
topology: tpu7x:2x2x1
jax: 0.10.2.dev20260603
libtpu: 0.0.44.dev20260713+nightly
codegen_flags: <defaults>
</compile_context>

<pallas_src>
import dataclasses
import functools

import jax
import jax.numpy as jnp
from jax import lax
from jax.experimental import pallas as pl
from jax.experimental.pallas import tpu as pltpu
from jax.experimental.pallas import tpu_sc as plsc

N_NODES_ = 10000
D_ = 128
N_EDGES_ = 320000

NC = 2
NS = 16
NW = NC * NS
LANES = 16

PER_W = N_EDGES_ // NW
E = 80
NCHUNK = PER_W // E


def _gae_decode(z, src_idx, dst_idx):
    mesh = plsc.VectorSubcoreMesh(core_axis_name="c", subcore_axis_name="s")

    cp = pltpu.CompilerParams()
    if "needs_layout_passes" in pltpu.CompilerParams.__dataclass_fields__:
        cp = dataclasses.replace(cp, needs_layout_passes=False)

    @functools.partial(
        pl.kernel,
        compiler_params=cp,
        out_type=jax.ShapeDtypeStruct((N_EDGES_,), jnp.float32),
        mesh=mesh,
        scratch_types=[
            pltpu.VMEM((PER_W,), jnp.int32),
            pltpu.VMEM((PER_W,), jnp.int32),
            pltpu.VMEM((E, D_), jnp.float32),
            pltpu.VMEM((E, D_), jnp.float32),
            pltpu.VMEM((E, D_), jnp.float32),
            pltpu.VMEM((E, D_), jnp.float32),
            pltpu.VMEM((PER_W,), jnp.float32),
            pltpu.VMEM((LANES, LANES + 1), jnp.float32),
            pltpu.VMEM((LANES, LANES + 1), jnp.float32),
            pltpu.SemaphoreType.DMA,
            pltpu.SemaphoreType.DMA,
        ],
    )
    def kern(z_hbm, si_hbm, di_hbm, out_hbm, si_all, di_all,
             srows0, drows0, srows1, drows1, out_all, part, part2,
             sem0, sem1):
        wid = lax.axis_index("s") * NC + lax.axis_index("c")
        wbase = wid * PER_W

        pltpu.sync_copy(si_hbm.at[pl.ds(wbase, PER_W)], si_all)
        pltpu.sync_copy(di_hbm.at[pl.ds(wbase, PER_W)], di_all)

        def fire(j, sb, db, sem):
            pltpu.async_copy(z_hbm.at[si_all.at[pl.ds(j * E, E)]], sb, sem)
            pltpu.async_copy(z_hbm.at[di_all.at[pl.ds(j * E, E)]], db, sem)

        def wait(j, sb, db, sem):
            pltpu.make_async_copy(
                z_hbm.at[si_all.at[pl.ds(j * E, E)]], sb, sem).wait()
            pltpu.make_async_copy(
                z_hbm.at[di_all.at[pl.ds(j * E, E)]], db, sem).wait()

        def compute(j, sb, db):
            @pl.loop(0, E, step=LANES)
            def _grp(g):
                for el in range(LANES):
                    acc = (sb[g + el, pl.ds(0, LANES)]
                           * db[g + el, pl.ds(0, LANES)])
                    for c in range(1, D_ // LANES):
                        acc = acc + (sb[g + el, pl.ds(c * LANES, LANES)]
                                     * db[g + el, pl.ds(c * LANES, LANES)])
                    part[el, pl.ds(0, LANES)] = acc
                rows = lax.iota(jnp.int32, LANES)
                tot = plsc.load_gather(
                    part, [rows, jnp.zeros((LANES,), jnp.int32)])
                for col in range(1, LANES):
                    tot = tot + plsc.load_gather(
                        part, [rows, jnp.full((LANES,), col, jnp.int32)])
                out_all[pl.ds(j * E + g, LANES)] = 1.0 / (1.0 + jnp.exp(-tot))

        fire(0, srows0, drows0, sem0)
        fire(1, srows1, drows1, sem1)

        @pl.loop(0, NCHUNK - 1, step=2)
        def _pair(j):
            wait(j, srows0, drows0, sem0)
            compute(j, srows0, drows0)
            fire(j + 2, srows0, drows0, sem0)
            wait(j + 1, srows1, drows1, sem1)
            compute(j + 1, srows1, drows1)

            @pl.when(j + 3 < NCHUNK)
            def _():
                fire(j + 3, srows1, drows1, sem1)

        wait(NCHUNK - 1, srows0, drows0, sem0)
        compute(NCHUNK - 1, srows0, drows0)

        pltpu.sync_copy(out_all, out_hbm.at[pl.ds(wbase, PER_W)])

    return kern(z, src_idx, dst_idx)


@jax.jit
def kernel(z, edge_index):
    src = edge_index[0].astype(jnp.int32)
    dst = edge_index[1].astype(jnp.int32)
    return _gae_decode(z, src, dst)

# --- scband reference (transcript-rebuilt; emitter-appended) ---
"""Pipeline reference for scband-gae-70677981823583 (READ-ONLY COPY).

The authoritative reference and input builder live on the scoring server;
editing this copy changes nothing except your own understanding.
"""

import jax, jax.numpy as jnp
import numpy as np

N_NODES = 10000
D_FEAT = 128
N_EDGES = 320000


def setup_inputs(seed: int = 0) -> dict:
    key = jax.random.key(seed)
    k1, k2 = jax.random.split(key)
    z = jax.random.normal(k1, (N_NODES, D_FEAT), dtype=jnp.float32)
    edge_index = jax.random.randint(k2, (2, N_EDGES), 0, N_NODES, dtype=jnp.int64 if jax.config.jax_enable_x64 else jnp.int32)
    return {"z": z, "edge_index": edge_index}


def reference(z, edge_index):
    # InnerProductDecoder.forward (GAE.decode path):
    # value = (z[edge_index[0]] * z[edge_index[1]]).sum(dim=1); sigmoid(value)
    src = jnp.take(z, edge_index[0], axis=0)
    dst = jnp.take(z, edge_index[1], axis=0)
    value = jnp.sum(src * dst, axis=1)
    return jax.nn.sigmoid(value)

if __name__ == "__main__":
    import jax
    _d = setup_inputs()
    print(jax.jit(kernel)(*tuple(_d.values())))

</pallas_src>

<mosaic_0001>
#map = affine_map<(d0, d1) -> (0, 0)>
#map1 = affine_map<(d0, d1) -> (0)>
module attributes {stable_mosaic.version = 14 : i64} {
  func.func @kern(%arg0: i32, %arg1: i32, %arg2: memref<10000x128xf32, #tpu.memory_space<hbm>>, %arg3: memref<320000xi32, #tpu.memory_space<hbm>>, %arg4: memref<320000xi32, #tpu.memory_space<hbm>>, %arg5: memref<320000xf32, #tpu.memory_space<hbm>>, %arg6: memref<10000xi32, #tpu.memory_space<vmem>>, %arg7: memref<10000xi32, #tpu.memory_space<vmem>>, %arg8: memref<80x128xf32, #tpu.memory_space<vmem>>, %arg9: memref<80x128xf32, #tpu.memory_space<vmem>>, %arg10: memref<80x128xf32, #tpu.memory_space<vmem>>, %arg11: memref<80x128xf32, #tpu.memory_space<vmem>>, %arg12: memref<10000xf32, #tpu.memory_space<vmem>>, %arg13: memref<16x17xf32, #tpu.memory_space<vmem>>, %arg14: memref<16x17xf32, #tpu.memory_space<vmem>>, %arg15: memref<!tpu.dma_semaphore, #tpu.memory_space<semaphore_mem>>, %arg16: memref<!tpu.dma_semaphore, #tpu.memory_space<semaphore_mem>>) attributes {dimension_semantics = [#tpu.dimension_semantics<core_parallel>, #tpu.dimension_semantics<subcore_parallel>], iteration_bounds = array<i64: 2, 16>, scalar_prefetch = 0 : i64, scratch_operands = 11 : i64, tpu.core_type = #tpu.core_type<sc_vector_subcore>, window_params = [{transform_indices = #map}, {transform_indices = #map1}, {transform_indices = #map1}, {transform_indices = #map1}]} {
    %mul3A = arith.constant 2 : i32
    %mul3A_0 = arith.muli %arg1, %mul3A : i32
    %add3A = arith.addi %mul3A_0, %arg0 : i32
    %mul3A_1 = arith.constant 10000 : i32
    %mul3A_2 = arith.muli %add3A, %mul3A_1 : i32
    "tpu.region"() ({
      %run_scoped3A = tpu.sem_alloc : memref<!tpu.dma_semaphore, #tpu.memory_space<semaphore_mem>>
      %dma_start3A_40 = tpu.memref_slice %arg3[%mul3A_2] : memref<320000xi32, #tpu.memory_space<hbm>> -> memref<10000xi32, #tpu.memory_space<hbm>>
      %dma_start3A_41 = tpu.memref_slice %arg3[%mul3A_2] : memref<320000xi32, #tpu.memory_space<hbm>> -> memref<10000xi32, #tpu.memory_space<hbm>>
      tpu.enqueue_dma source(%dma_start3A_41 : memref<10000xi32, #tpu.memory_space<hbm>>) target(%arg6 : memref<10000xi32, #tpu.memory_space<vmem>>) target_semaphore(%run_scoped3A : memref<!tpu.dma_semaphore, #tpu.memory_space<semaphore_mem>>)
      %dma_wait3A_42 = tpu.memref_slice %arg3[%mul3A_2] : memref<320000xi32, #tpu.memory_space<hbm>> -> memref<10000xi32, #tpu.memory_space<hbm>>
      %dma_wait3A_43 = tpu.memref_slice %arg3[%mul3A_2] : memref<320000xi32, #tpu.memory_space<hbm>> -> memref<10000xi32, #tpu.memory_space<hbm>>
      tpu.wait_dma2 semaphore(%run_scoped3A : memref<!tpu.dma_semaphore, #tpu.memory_space<semaphore_mem>>) src(%dma_wait3A_43 : memref<10000xi32, #tpu.memory_space<hbm>>) dst(%arg6 : memref<10000xi32, #tpu.memory_space<vmem>>)
      tpu.yield
    }) : () -> ()
    "tpu.region"() ({
      %run_scoped3A = tpu.sem_alloc : memref<!tpu.dma_semaphore, #tpu.memory_space<semaphore_mem>>
      %dma_start3A_40 = tpu.memref_slice %arg4[%mul3A_2] : memref<320000xi32, #tpu.memory_space<hbm>> -> memref<10000xi32, #tpu.memory_space<hbm>>
      %dma_start3A_41 = tpu.memref_slice %arg4[%mul3A_2] : memref<320000xi32, #tpu.memory_space<hbm>> -> memref<10000xi32, #tpu.memory_space<hbm>>
      tpu.enqueue_dma source(%dma_start3A_41 : memref<10000xi32, #tpu.memory_space<hbm>>) target(%arg7 : memref<10000xi32, #tpu.memory_space<vmem>>) target_semaphore(%run_scoped3A : memref<!tpu.dma_semaphore, #tpu.memory_space<semaphore_mem>>)
      %dma_wait3A_42 = tpu.memref_slice %arg4[%mul3A_2] : memref<320000xi32, #tpu.memory_space<hbm>> -> memref<10000xi32, #tpu.memory_space<hbm>>
      %dma_wait3A_43 = tpu.memref_slice %arg4[%mul3A_2] : memref<320000xi32, #tpu.memory_space<hbm>> -> memref<10000xi32, #tpu.memory_space<hbm>>
      tpu.wait_dma2 semaphore(%run_scoped3A : memref<!tpu.dma_semaphore, #tpu.memory_space<semaphore_mem>>) src(%dma_wait3A_43 : memref<10000xi32, #tpu.memory_space<hbm>>) dst(%arg7 : memref<10000xi32, #tpu.memory_space<vmem>>)
      tpu.yield
    }) : () -> ()
    %dma_start3A = arith.constant 0 : i32
    %dma_start3A_3 = tpu.memref_slice %arg6[%dma_start3A] : memref<10000xi32, #tpu.memory_space<vmem>> -> memref<80xi32, #tpu.memory_space<vmem>>
    %dma_start3A_4 = arith.constant 0 : i32
    %dma_start3A_5 = arith.constant 0 : i32
    %dma_start3A_6 = tpu.memref_slice %arg2[%dma_start3A_4, %dma_start3A_5] : memref<10000x128xf32, #tpu.memory_space<hbm>> -> memref<10000x128xf32, #tpu.memory_space<hbm>>
    tpu.enqueue_indirect_dma source(%dma_start3A_6 : memref<10000x128xf32, #tpu.memory_space<hbm>>) target(%arg8 : memref<80x128xf32, #tpu.memory_space<vmem>>) offsets(%dma_start3A_3 : memref<80xi32, #tpu.memory_space<vmem>>) semaphore(%arg15 : memref<!tpu.dma_semaphore, #tpu.memory_space<semaphore_mem>>)
    %dma_start3A_7 = arith.constant 0 : i32
    %dma_start3A_8 = tpu.memref_slice %arg7[%dma_start3A_7] : memref<10000xi32, #tpu.memory_space<vmem>> -> memref<80xi32, #tpu.memory_space<vmem>>
    %dma_start3A_9 = arith.constant 0 : i32
    %dma_start3A_10 = arith.constant 0 : i32
    %dma_start3A_11 = tpu.memref_slice %arg2[%dma_start3A_9, %dma_start3A_10] : memref<10000x128xf32, #tpu.memory_space<hbm>> -> memref<10000x128xf32, #tpu.memory_space<hbm>>
    tpu.enqueue_indirect_dma source(%dma_start3A_11 : memref<10000x128xf32, #tpu.memory_space<hbm>>) target(%arg9 : memref<80x128xf32, #tpu.memory_space<vmem>>) offsets(%dma_start3A_8 : memref<80xi32, #tpu.memory_space<vmem>>) semaphore(%arg15 : memref<!tpu.dma_semaphore, #tpu.memory_space<semaphore_mem>>)
    %dma_start3A_12 = arith.constant 80 : i32
    %dma_start3A_13 = tpu.memref_slice %arg6[%dma_start3A_12] : memref<10000xi32, #tpu.memory_space<vmem>> -> memref<80xi32, #tpu.memory_space<vmem>>
    %dma_start3A_14 = arith.constant 0 : i32
    %dma_start3A_15 = arith.constant 0 : i32
    %dma_start3A_16 = tpu.memref_slice %arg2[%dma_start3A_14, %dma_start3A_15] : memref<10000x128xf32, #tpu.memory_space<hbm>> -> memref<10000x128xf32, #tpu.memory_space<hbm>>
    tpu.enqueue_indirect_dma source(%dma_start3A_16 : memref<10000x128xf32, #tpu.memory_space<hbm>>) target(%arg10 : memref<80x128xf32, #tpu.memory_space<vmem>>) offsets(%dma_start3A_13 : memref<80xi32, #tpu.memory_space<vmem>>) semaphore(%arg16 : memref<!tpu.dma_semaphore, #tpu.memory_space<semaphore_mem>>)
    %dma_start3A_17 = arith.constant 80 : i32
    %dma_start3A_18 = tpu.memref_slice %arg7[%dma_start3A_17] : memref<10000xi32, #tpu.memory_space<vmem>> -> memref<80xi32, #tpu.memory_space<vmem>>
    %dma_start3A_19 = arith.constant 0 : i32
    %dma_start3A_20 = arith.constant 0 : i32
    %dma_start3A_21 = tpu.memref_slice %arg2[%dma_start3A_19, %dma_start3A_20] : memref<10000x128xf32, #tpu.memory_space<hbm>> -> memref<10000x128xf32, #tpu.memory_space<hbm>>
    tpu.enqueue_indirect_dma source(%dma_start3A_21 : memref<10000x128xf32, #tpu.memory_space<hbm>>) target(%arg11 : memref<80x128xf32, #tpu.memory_space<vmem>>) offsets(%dma_start3A_18 : memref<80xi32, #tpu.memory_space<vmem>>) semaphore(%arg16 : memref<!tpu.dma_semaphore, #tpu.memory_space<semaphore_mem>>)
    %scan3A = arith.constant 0 : i32
    %scan3A_22 = arith.constant 62 : i32
    %scan3A_23 = arith.addi %scan3A, %scan3A_22 : i32
    %scan3A_24 = arith.constant 1 : i32
    scf.for %scan3A_40 = %scan3A to %scan3A_23 step %scan3A_24  : i32 {
      %mul3A_41 = arith.constant 2 : i32
      %mul3A_42 = arith.muli %scan3A_40, %mul3A_41 : i32
      %add3A_43 = arith.constant 0 : i32
      %add3A_44 = arith.addi %add3A_43, %mul3A_42 : i32
      %mul3A_45 = arith.constant 80 : i32
      %mul3A_46 = arith.muli %add3A_44, %mul3A_45 : i32
      %dma_wait3A_47 = tpu.memref_slice %arg6[%mul3A_46] : memref<10000xi32, #tpu.memory_space<vmem>> -> memref<80xi32, #tpu.memory_space<vmem>>
      %dma_wait3A_48 = arith.constant 0 : i32
      %dma_wait3A_49 = arith.constant 0 : i32
      %dma_wait3A_50 = tpu.memref_slice %arg2[%dma_wait3A_48, %dma_wait3A_49] : memref<10000x128xf32, #tpu.memory_space<hbm>> -> memref<10000x128xf32, #tpu.memory_space<hbm>>
      tpu.wait_indirect_dma semaphore(%arg15 : memref<!tpu.dma_semaphore, #tpu.memory_space<semaphore_mem>>) src(%dma_wait3A_50 : memref<10000x128xf32, #tpu.memory_space<hbm>>) dst(%arg8 : memref<80x128xf32, #tpu.memory_space<vmem>>)
      %mul3A_51 = arith.constant 80 : i32
      %mul3A_52 = arith.muli %add3A_44, %mul3A_51 : i32
      %dma_wait3A_53 = tpu.memref_slice %arg7[%mul3A_52] : memref<10000xi32, #tpu.memory_space<vmem>> -> memref<80xi32, #tpu.memory_space<vmem>>
      %dma_wait3A_54 = arith.constant 0 : i32
      %dma_wait3A_55 = arith.constant 0 : i32
      %dma_wait3A_56 = tpu.memref_slice %arg2[%dma_wait3A_54, %dma_wait3A_55] : memref<10000x128xf32, #tpu.memory_space<hbm>> -> memref<10000x128xf32, #tpu.memory_space<hbm>>
      tpu.wait_indirect_dma semaphore(%arg15 : memref<!tpu.dma_semaphore, #tpu.memory_space<semaphore_mem>>) src(%dma_wait3A_56 : memref<10000x128xf32, #tpu.memory_space<hbm>>) dst(%arg9 : memref<80x128xf32, #tpu.memory_space<vmem>>)
      %scan3A_57 = arith.constant 0 : i32
      %scan3A_58 = arith.constant 5 : i32
      %scan3A_59 = arith.addi %scan3A_57, %scan3A_58 : i32
      %scan3A_60 = arith.constant 1 : i32
      scf.for %scan3A_101 = %scan3A_57 to %scan3A_59 step %scan3A_60  : i32 {
        %mul3A_102 = arith.constant 16 : i32
        %mul3A_103 = arith.muli %scan3A_101, %mul3A_102 : i32
        %add3A_104 = arith.constant 0 : i32
        %add3A_105 = arith.addi %add3A_104, %mul3A_103 : i32
        %add3A_106 = arith.constant 0 : i32
        %add3A_107 = arith.addi %add3A_105, %add3A_106 : i32
        %get3A = arith.index_cast %add3A_107 : i32 to index
        %get3A_108 = arith.constant 0 : index
        %get3A_109 = tpu.vector_load %arg8[%get3A, %get3A_108] {strides = array<i32>} : memref<80x128xf32, #tpu.memory_space<vmem>>, vector<16xf32>,
        %add3A_110 = arith.constant 0 : i32
        %add3A_111 = arith.addi %add3A_105, %add3A_110 : i32
        %get3A_112 = arith.index_cast %add3A_111 : i32 to index
        %get3A_113 = arith.constant 0 : index
        %get3A_114 = tpu.vector_load %arg9[%get3A_112, %get3A_113] {strides = array<i32>} : memref<80x128xf32, #tpu.memory_space<vmem>>, vector<16xf32>,
        %mul3A_115 = arith.mulf %get3A_109, %get3A_114 : vector<16xf32>
        %add3A_116 = arith.constant 0 : i32
        %add3A_117 = arith.addi %add3A_105, %add3A_116 : i32
        %get3A_118 = arith.index_cast %add3A_117 : i32 to index
        %get3A_119 = arith.constant 16 : index
        %get3A_120 = tpu.vector_load %arg8[%get3A_118, %get3A_119] {strides = array<i32>} : memref<80x128xf32, #tpu.memory_space<vmem>>, vector<16xf32>,
        %add3A_121 = arith.constant 0 : i32
        %add3A_122 = arith.addi %add3A_105, %add3A_121 : i32
        %get3A_123 = arith.index_cast %add3A_122 : i32 to index
        %get3A_124 = arith.constant 16 : index
        %get3A_125 = tpu.vector_load %arg9[%get3A_123, %get3A_124] {strides = array<i32>} : memref<80x128xf32, #tpu.memory_space<vmem>>, vector<16xf32>,
        %mul3A_126 = arith.mulf %get3A_120, %get3A_125 : vector<16xf32>
        %add3A_127 = arith.addf %mul3A_115, %mul3A_126 : vector<16xf32>
        %add3A_128 = arith.constant 0 : i32
        %add3A_129 = arith.addi %add3A_105, %add3A_128 : i32
        %get3A_130 = arith.index_cast %add3A_129 : i32 to index
        %get3A_131 = arith.constant 32 : index
        %get3A_132 = tpu.vector_load %arg8[%get3A_130, %get3A_131] {strides = array<i32>} : memref<80x128xf32, #tpu.memory_space<vmem>>, vector<16xf32>,
        %add3A_133 = arith.constant 0 : i32
        %add3A_134 = arith.addi %add3A_105, %add3A_133 : i32
        %get3A_135 = arith.index_cast %add3A_134 : i32 to index
        %get3A_136 = arith.constant 32 : index
        %get3A_137 = tpu.vector_load %arg9[%get3A_135, %get3A_136] {strides = array<i32>} : memref<80x128xf32, #tpu.memory_space<vmem>>, vector<16xf32>,
        %mul3A_138 = arith.mulf %get3A_132, %get3A_137 : vector<16xf32>
        %add3A_139 = arith.addf %add3A_127, %mul3A_138 : vector<16xf32>
        %add3A_140 = arith.constant 0 : i32
        %add3A_141 = arith.addi %add3A_105, %add3A_140 : i32
        %get3A_142 = arith.index_cast %add3A_141 : i32 to index
        %get3A_143 = arith.constant 48 : index
        %get3A_144 = tpu.vector_load %arg8[%get3A_142, %get3A_143] {strides = array<i32>} : memref<80x128xf32, #tpu.memory_space<vmem>>, vector<16xf32>,
        %add3A_145 = arith.constant 0 : i32
        %add3A_146 = arith.addi %add3A_105, %add3A_145 : i32
        %get3A_147 = arith.index_cast %add3A_146 : i32 to index
        %get3A_148 = arith.constant 48 : index
        %get3A_149 = tpu.vector_load %arg9[%get3A_147, %get3A_148] {strides = array<i32>} : memref<80x128xf32, #tpu.memory_space<vmem>>, vector<16xf32>,
        %mul3A_150 = arith.mulf %get3A_144, %get3A_149 : vector<16xf32>
        %add3A_151 = arith.addf %add3A_139, %mul3A_150 : vector<16xf32>
        %add3A_152 = arith.constant 0 : i32
        %add3A_153 = arith.addi %add3A_105, %add3A_152 : i32
        %get3A_154 = arith.index_cast %add3A_153 : i32 to index
        %get3A_155 = arith.constant 64 : index
        %get3A_156 = tpu.vector_load %arg8[%get3A_154, %get3A_155] {strides = array<i32>} : memref<80x128xf32, #tpu.memory_space<vmem>>, vector<16xf32>,
        %add3A_157 = arith.constant 0 : i32
        %add3A_158 = arith.addi %add3A_105, %add3A_157 : i32
        %get3A_159 = arith.index_cast %add3A_158 : i32 to index
        %get3A_160 = arith.constant 64 : index
        %get3A_161 = tpu.vector_load %arg9[%get3A_159, %get3A_160] {strides = array<i32>} : memref<80x128xf32, #tpu.memory_space<vmem>>, vector<16xf32>,
        %mul3A_162 = arith.mulf %get3A_156, %get3A_161 : vector<16xf32>
        %add3A_163 = arith.addf %add3A_151, %mul3A_162 : vector<16xf32>
        %add3A_164 = arith.constant 0 : i32
        %add3A_165 = arith.addi %add3A_105, %add3A_164 : i32
        %get3A_166 = arith.index_cast %add3A_165 : i32 to index
        %get3A_167 = arith.constant 80 : index
        %get3A_168 = tpu.vector_load %arg8[%get3A_166, %get3A_167] {strides = array<i32>} : memref<80x128xf32, #tpu.memory_space<vmem>>, vector<16xf32>,
        %add3A_169 = arith.constant 0 : i32
        %add3A_170 = arith.addi %add3A_105, %add3A_169 : i32
        %get3A_171 = arith.index_cast %add3A_170 : i32 to index
        %get3A_172 = arith.constant 80 : index
        %get3A_173 = tpu.vector_load %arg9[%get3A_171, %get3A_172] {strides = array<i32>} : memref<80x128xf32, #tpu.memory_space<vmem>>, vector<16xf32>,
        %mul3A_174 = arith.mulf %get3A_168, %get3A_173 : vector<16xf32>
        %add3A_175 = arith.addf %add3A_163, %mul3A_174 : vector<16xf32>
        %add3A_176 = arith.constant 0 : i32
        %add3A_177 = arith.addi %add3A_105, %add3A_176 : i32
        %get3A_178 = arith.index_cast %add3A_177 : i32 to index
        %get3A_179 = arith.constant 96 : index
        %get3A_180 = tpu.vector_load %arg8[%get3A_178, %get3A_179] {strides = array<i32>} : memref<80x128xf32, #tpu.memory_space<vmem>>, vector<16xf32>,
        %add3A_181 = arith.constant 0 : i32
        %add3A_182 = arith.addi %add3A_105, %add3A_181 : i32
        %get3A_183 = arith.index_cast %add3A_182 : i32 to index
        %get3A_184 = arith.constant 96 : index
        %get3A_185 = tpu.vector_load %arg9[%get3A_183, %get3A_184] {strides = array<i32>} : memref<80x128xf32, #tpu.memory_space<vmem>>, vector<16xf32>,
        %mul3A_186 = arith.mulf %get3A_180, %get3A_185 : vector<16xf32>
        %add3A_187 = arith.addf %add3A_175, %mul3A_186 : vector<16xf32>
        %add3A_188 = arith.constant 0 : i32
        %add3A_189 = arith.addi %add3A_105, %add3A_188 : i32
        %get3A_190 = arith.index_cast %add3A_189 : i32 to index
        %get3A_191 = arith.constant 112 : index
        %get3A_192 = tpu.vector_load %arg8[%get3A_190, %get3A_191] {strides = array<i32>} : memref<80x128xf32, #tpu.memory_space<vmem>>, vector<16xf32>,
        %add3A_193 = arith.constant 0 : i32
        %add3A_194 = arith.addi %add3A_105, %add3A_193 : i32
        %get3A_195 = arith.index_cast %add3A_194 : i32 to index
        %get3A_196 = arith.constant 112 : index
        %get3A_197 = tpu.vector_load %arg9[%get3A_195, %get3A_196] {strides = array<i32>} : memref<80x128xf32, #tpu.memory_space<vmem>>, vector<16xf32>,
        %mul3A_198 = arith.mulf %get3A_192, %get3A_197 : vector<16xf32>
        %add3A_199 = arith.addf %add3A_187, %mul3A_198 : vector<16xf32>
        %swap3A = arith.constant 0 : i32
        %swap3A_200 = arith.index_cast %swap3A : i32 to index
        %swap3A_201 = arith.constant 0 : index
        %swap3A_202 = tpu.vector_load %arg13[%swap3A_200, %swap3A_201] {strides = array<i32>} : memref<16x17xf32, #tpu.memory_space<vmem>>, vector<16xf32>,
        tpu.vector_store %arg13[%swap3A_200, %swap3A_201], %add3A_199 {strides = array<i32>} : memref<16x17xf32, #tpu.memory_space<vmem>>, vector<16xf32>,
        %add3A_203 = arith.constant 1 : i32
        %add3A_204 = arith.addi %add3A_105, %add3A_203 : i32
        %get3A_205 = arith.index_cast %add3A_204 : i32 to index
        %get3A_206 = arith.constant 0 : index
        %get3A_207 = tpu.vector_load %arg8[%get3A_205, %get3A_206] {strides = array<i32>} : memref<80x128xf32, #tpu.memory_space<vmem>>, vector<16xf32>,
        %add3A_208 = arith.constant 1 : i32
        %add3A_209 = arith.addi %add3A_105, %add3A_208 : i32
        %get3A_210 = arith.index_cast %add3A_209 : i32 to index
        %get3A_211 = arith.constant 0 : index
        %get3A_212 = tpu.vector_load %arg9[%get3A_210, %get3A_211] {strides = array<i32>} : memref<80x128xf32, #tpu.memory_space<vmem>>, vector<16xf32>,
        %mul3A_213 = arith.mulf %get3A_207, %get3A_212 : vector<16xf32>
        %add3A_214 = arith.constant 1 : i32
        %add3A_215 = arith.addi %add3A_105, %add3A_214 : i32
        %get3A_216 = arith.index_cast %add3A_215 : i32 to index
        %get3A_217 = arith.constant 16 : index
        %get3A_218 = tpu.vector_load %arg8[%get3A_216, %get3A_217] {strides = array<i32>} : memref<80x128xf32, #tpu.memory_space<vmem>>, vector<16xf32>,
        %add3A_219 = arith.constant 1 : i32
        %add3A_220 = arith.addi %add3A_105, %add3A_219 : i32
        %get3A_221 = arith.index_cast %add3A_220 : i32 to index
        %get3A_222 = arith.constant 16 : index
        %get3A_223 = tpu.vector_load %arg9[%get3A_221, %get3A_222] {strides = array<i32>} : memref<80x128xf32, #tpu.memory_space<vmem>>, vector<16xf32>,
        %mul3A_224 = arith.mulf %get3A_218, %get3A_223 : vector<16xf32>
        %add3A_225 = arith.addf %mul3A_213, %mul3A_224 : vector<16xf32>
        %add3A_226 = arith.constant 1 : i32
        %add3A_227 = arith.addi %add3A_105, %add3A_226 : i32
        %get3A_228 = arith.index_cast %add3A_227 : i32 to index
        %get3A_229 = arith.constant 32 : index
        %get3A_230 = tpu.vector_load %arg8[%get3A_228, %get3A_229] {strides = array<i32>} : memref<80x128xf32, #tpu.memory_space<vmem>>, vector<16xf32>,
        %add3A_231 = arith.constant 1 : i32
        %add3A_232 = arith.addi %add3A_105, %add3A_231 : i32
        %get3A_233 = arith.index_cast %add3A_232 : i32 to index
        %get3A_234 = arith.constant 32 : index
        %get3A_235 = tpu.vector_load %arg9[%get3A_233, %get3A_234] {strides = array<i32>} : memref<80x128xf32, #tpu.memory_space<vmem>>, vector<16xf32>,
        %mul3A_236 = arith.mulf %get3A_230, %get3A_235 : vector<16xf32>
        %add3A_237 = arith.addf %add3A_225, %mul3A_236 : vector<16xf32>
        %add3A_238 = arith.constant 1 : i32
        %add3A_239 = arith.addi %add3A_105, %add3A_238 : i32
        %get3A_240 = arith.index_cast %add3A_239 : i32 to index
        %get3A_241 = arith.constant 48 : index
        %get3A_242 = tpu.vector_load %arg8[%get3A_240, %get3A_241] {strides = array<i32>} : memref<80x128xf32, #tpu.memory_space<vmem>>, vector<16xf32>,
        %add3A_243 = arith.constant 1 : i32
        %add3A_244 = arith.addi %add3A_105, %add3A_243 : i32
        %get3A_245 = arith.index_cast %add3A_244 : i32 to index
        %get3A_246 = arith.constant 48 : index
        %get3A_247 = tpu.vector_load %arg9[%get3A_245, %get3A_246] {strides = array<i32>} : memref<80x128xf32, #tpu.memory_space<vmem>>, vector<16xf32>,
        %mul3A_248 = arith.mulf %get3A_242, %get3A_247 : vector<16xf32>
        %add3A_249 = arith.addf %add3A_237, %mul3A_248 : vector<16xf32>
        %add3A_250 = arith.constant 1 : i32
        %add3A_251 = arith.addi %add3A_105, %add3A_250 : i32
        %get3A_252 = arith.index_cast %add3A_251 : i32 to index
        %get3A_253 = arith.constant 64 : index
        %get3A_254 = tpu.vector_load %arg8[%get3A_252, %get3A_253] {strides = array<i32>} : memref<80x128xf32, #tpu.memory_space<vmem>>, vector<16xf32>,
        %add3A_255 = arith.constant 1 : i32
        %add3A_256 = arith.addi %add3A_105, %add3A_255 : i32
        %get3A_257 = arith.index_cast %add3A_256 : i32 to index
        %get3A_258 = arith.constant 64 : index
        %get3A_259 = tpu.vector_load %arg9[%get3A_257, %get3A_258] {strides = array<i32>} : memref<80x128xf32, #tpu.memory_space<vmem>>, vector<16xf32>,
        %mul3A_260 = arith.mulf %get3A_254, %get3A_259 : vector<16xf32>
        %add3A_261 = arith.addf %add3A_249, %mul3A_260 : vector<16xf32>
        %add3A_262 = arith.constant 1 : i32
        %add3A_263 = arith.addi %add3A_105, %add3A_262 : i32
        %get3A_264 = arith.index_cast %add3A_263 : i32 to index
        %get3A_265 = arith.constant 80 : index
        %get3A_266 = tpu.vector_load %arg8[%get3A_264, %get3A_265] {strides = array<i32>} : memref<80x128xf32, #tpu.memory_space<vmem>>, vector<16xf32>,
        %add3A_267 = arith.constant 1 : i32
        %add3A_268 = arith.addi %add3A_105, %add3A_267 : i32
        %get3A_269 = arith.index_cast %add3A_268 : i32 to index
        %get3A_270 = arith.constant 80 : index
        %get3A_271 = tpu.vector_load %arg9[%get3A_269, %get3A_270] {strides = array<i32>} : memref<80x128xf32, #tpu.memory_space<vmem>>, vector<16xf32>,
        %mul3A_272 = arith.mulf %get3A_266, %get3A_271 : vector<16xf32>
        %add3A_273 = arith.addf %add3A_261, %mul3A_272 : vector<16xf32>
        %add3A_274 = arith.constant 1 : i32
        %add3A_275 = arith.addi %add3A_105, %add3A_274 : i32
        %get3A_276 = arith.index_cast %add3A_275 : i32 to index
        %get3A_277 = arith.constant 96 : index
        %get3A_278 = tpu.vector_load %arg8[%get3A_276, %get3A_277] {strides = array<i32>} : memref<80x128xf32, #tpu.memory_space<vmem>>, vector<16xf32>,
        %add3A_279 = arith.constant 1 : i32
        %add3A_280 = arith.addi %add3A_105, %add3A_279 : i32
        %get3A_281 = arith.index_cast %add3A_280 : i32 to index
        %get3A_282 = arith.constant 96 : index
        %get3A_283 = tpu.vector_load %arg9[%get3A_281, %get3A_282] {strides = array<i32>} : memref<80x128xf32, #tpu.memory_space<vmem>>, vector<16xf32>,
        %mul3A_284 = arith.mulf %get3A_278, %get3A_283 : vector<16xf32>
        %add3A_285 = arith.addf %add3A_273, %mul3A_284 : vector<16xf32>
        %add3A_286 = arith.constant 1 : i32
        %add3A_287 = arith.addi %add3A_105, %add3A_286 : i32
        %get3A_288 = arith.index_cast %add3A_287 : i32 to index
        %get3A_289 = arith.constant 112 : index
        %get3A_290 = tpu.vector_load %arg8[%get3A_288, %get3A_289] {strides = array<i32>} : memref<80x128xf32, #tpu.memory_space<vmem>>, vector<16xf32>,
        %add3A_291 = arith.constant 1 : i32
        %add3A_292 = arith.addi %add3A_105, %add3A_291 : i32
        %get3A_293 = arith.index_cast %add3A_292 : i32 to index
        %get3A_294 = arith.constant 112 : index
        %get3A_295 = tpu.vector_load %arg9[%get3A_293, %get3A_294] {strides = array<i32>} : memref<80x128xf32, #tpu.memory_space<vmem>>, vector<16xf32>,
        %mul3A_296 = arith.mulf %get3A_290, %get3A_295 : vector<16xf32>
        %add3A_297 = arith.addf %add3A_285, %mul3A_296 : vector<16xf32>
        %swap3A_298 = arith.constant 1 : i32
        %swap3A_299 = arith.index_cast %swap3A_298 : i32 to index
        %swap3A_300 = arith.constant 0 : index
        %swap3A_301 = tpu.vector_load %arg13[%swap3A_299, %swap3A_300] {strides = array<i32>} : memref<16x17xf32, #tpu.memory_space<vmem>>, vector<16xf32>,
        tpu.vector_store %arg13[%swap3A_299, %swap3A_300], %add3A_297 {strides = array<i32>} : memref<16x17xf32, #tpu.memory_space<vmem>>, vector<16xf32>,
        %add3A_302 = arith.constant 2 : i32
        %add3A_303 = arith.addi %add3A_105, %add3A_302 : i32
        %get3A_304 = arith.index_cast %add3A_303 : i32 to index
        %get3A_305 = arith.constant 0 : index
        %get3A_306 = tpu.vector_load %arg8[%get3A_304, %get3A_305] {strides = array<i32>} : memref<80x128xf32, #tpu.memory_space<vmem>>, vector<16xf32>,
        %add3A_307 = arith.constant 2 : i32
        %add3A_308 = arith.addi %add3A_105, %add3A_307 : i32
        %get3A_309 = arith.index_cast %add3A_308 : i32 to index
        %get3A_310 = arith.constant 0 : index
        %get3A_311 = tpu.vector_load %arg9[%get3A_309, %get3A_310] {strides = array<i32>} : memref<80x128xf32, #tpu.memory_space<vmem>>, vector<16xf32>,
        %mul3A_312 = arith.mulf %get3A_306, %get3A_311 : vector<16xf32>
        %add3A_313 = arith.constant 2 : i32
        %add3A_314 = arith.addi %add3A_105, %add3A_313 : i32
        %get3A_315 = arith.index_cast %add3A_314 : i32 to index
        %get3A_316 = arith.constant 16 : index
        %get3A_317 = tpu.vector_load %arg8[%get3A_315, %get3A_316] {strides = array<i32>} : memref<80x128xf32, #tpu.memory_space<vmem>>, vector<16xf32>,
        %add3A_318 = arith.constant 2 : i32
        %add3A_319 = arith.addi %add3A_105, %add3A_318 : i32
        %get3A_320 = arith.index_cast %add3A_319 : i32 to index
        %get3A_321 = arith.constant 16 : index
        %get3A_322 = tpu.vector_load %arg9[%get3A_320, %get3A_321] {strides = array<i32>} : memref<80x128xf32, #tpu.memory_space<vmem>>, vector<16xf32>,
        %mul3A_323 = arith.mulf %get3A_317, %get3A_322 : vector<16xf32>
        %add3A_324 = arith.addf %mul3A_312, %mul3A_323 : vector<16xf32>
        %add3A_325 = arith.constant 2 : i32
        %add3A_326 = arith.addi %add3A_105, %add3A_325 : i32
        %get3A_327 = arith.index_cast %add3A_326 : i32 to index
        %get3A_328 = arith.constant 32 : index
        %get3A_329 = tpu.vector_load %arg8[%get3A_327, %get3A_328] {strides = array<i32>} : memref<80x128xf32, #tpu.memory_space<vmem>>, vector<16xf32>,
        %add3A_330 = arith.constant 2 : i32
        %add3A_331 = arith.addi %add3A_105, %add3A_330 : i32
        %get3A_332 = arith.index_cast %add3A_331 : i32 to index
        %get3A_333 = arith.constant 32 : index
        %get3A_334 = tpu.vector_load %arg9[%get3A_332, %get3A_333] {strides = array<i32>} : memref<80x128xf32, #tpu.memory_space<vmem>>, vector<16xf32>,
        %mul3A_335 = arith.mulf %get3A_329, %get3A_334 : vector<16xf32>
        %add3A_336 = arith.addf %add3A_324, %mul3A_335 : vector<16xf32>
        %add3A_337 = arith.constant 2 : i32
        %add3A_338 = arith.addi %add3A_105, %add3A_337 : i32
        %get3A_339 = arith.index_cast %add3A_338 : i32 to index
        %get3A_340 = arith.constant 48 : index
        %get3A_341 = tpu.vector_load %arg8[%get3A_339, %get3A_340] {strides = array<i32>} : memref<80x128xf32, #tpu.memory_space<vmem>>, vector<16xf32>,
        %add3A_342 = arith.constant 2 : i32
        %add3A_343 = arith.addi %add3A_105, %add3A_342 : i32
        %get3A_344 = arith.index_cast %add3A_343 : i32 to index
        %get3A_345 = arith.constant 48 : index
        %get3A_346 = tpu.vector_load %arg9[%get3A_344, %get3A_345] {strides = array<i32>} : memref<80x128xf32, #tpu.memory_space<vmem>>, vector<16xf32>,
        %mul3A_347 = arith.mulf %get3A_341, %get3A_346 : vector<16xf32>
        %add3A_348 = arith.addf %add3A_336, %mul3A_347 : vector<16xf32>
        %add3A_349 = arith.constant 2 : i32
        %add3A_350 = arith.addi %add3A_105, %add3A_349 : i32
        %get3A_351 = arith.index_cast %add3A_350 : i32 to index
        %get3A_352 = arith.constant 64 : index
        %get3A_353 = tpu.vector_load %arg8[%get3A_351, %get3A_352] {strides = array<i32>} : memref<80x128xf32, #tpu.memory_space<vmem>>, vector<16xf32>,
        %add3A_354 = arith.constant 2 : i32
        %add3A_355 = arith.addi %add3A_105, %add3A_354 : i32
        %get3A_356 = arith.index_cast %add3A_355 : i32 to index
        %get3A_357 = arith.constant 64 : index
        %get3A_358 = tpu.vector_load %arg9[%get3A_356, %get3A_357] {strides = array<i32>} : memref<80x128xf32, #tpu.memory_space<vmem>>, vector<16xf32>,
        %mul3A_359 = arith.mulf %get3A_353, %get3A_358 : vector<16xf32>
        %add3A_360 = arith.addf %add3A_348, %mul3A_359 : vector<16xf32>
        %add3A_361 = arith.constant 2 : i32
        %add3A_362 = arith.addi %add3A_105, %add3A_361 : i32
        %get3A_363 = arith.index_cast %add3A_362 : i32 to index
        %get3A_364 = arith.constant 80 : index
        %get3A_365 = tpu.vector_load %arg8[%get3A_363, %get3A_364] {strides = array<i32>} : memref<80x128xf32, #tpu.memory_space<vmem>>, vector<16xf32>,
        %add3A_366 = arith.constant 2 : i32
        %add3A_367 = arith.addi %add3A_105, %add3A_366 : i32
        %get3A_368 = arith.index_cast %add3A_367 : i32 to index
        %get3A_369 = arith.constant 80 : index
        %get3A_370 = tpu.vector_load %arg9[%get3A_368, %get3A_369] {strides = array<i32>} : memref<80x128xf32, #tpu.memory_space<vmem>>, vector<16xf32>,
        %mul3A_371 = arith.mulf %get3A_365, %get3A_370 : vector<16xf32>
        %add3A_372 = arith.addf %add3A_360, %mul3A_371 : vector<16xf32>
        %add3A_373 = arith.constant 2 : i32
        %add3A_374 = arith.addi %add3A_105, %add3A_373 : i32
        %get3A_375 = arith.index_cast %add3A_374 : i32 to index
        %get3A_376 = arith.constant 96 : index
        %get3A_377 = tpu.vector_load %arg8[%get3A_375, %get3A_376] {strides = array<i32>} : memref<80x128xf32, #tpu.memory_space<vmem>>, vector<16xf32>,
        %add3A_378 = arith.constant 2 : i32
        %add3A_379 = arith.addi %add3A_105, %add3A_378 : i32
        %get3A_380 = arith.index_cast %add3A_379 : i32 to index
        %get3A_381 = arith.constant 96 : index
        %get3A_382 = tpu.vector_load %arg9[%get3A_380, %get3A_381] {strides = array<i32>} : memref<80x128xf32, #tpu.memory_space<vmem>>, vector<16xf32>,
        %mul3A_383 = arith.mulf %get3A_377, %get3A_382 : vector<16xf32>
        %add3A_384 = arith.addf %add3A_372, %mul3A_383 : vector<16xf32>
        %add3A_385 = arith.constant 2 : i32
        %add3A_386 = arith.addi %add3A_105, %add3A_385 : i32
        %get3A_387 = arith.index_cast %add3A_386 : i32 to index
        %get3A_388 = arith.constant 112 : index
        %get3A_389 = tpu.vector_load %arg8[%get3A_387, %get3A_388] {strides = array<i32>} : memref<80x128xf32, #tpu.memory_space<vmem>>, vector<16xf32>,
        %add3A_390 = arith.constant 2 : i32
        %add3A_391 = arith.addi %add3A_105, %add3A_390 : i32
        %get3A_392 = arith.index_cast %add3A_391 : i32 to index
        %get3A_393 = arith.constant 112 : index
        %get3A_394 = tpu.vector_load %arg9[%get3A_392, %get3A_393] {strides = array<i32>} : memref<80x128xf32, #tpu.memory_space<vmem>>, vector<16xf32>,
        %mul3A_395 = arith.mulf %get3A_389, %get3A_394 : vector<16xf32>
        %add3A_396 = arith.addf %add3A_384, %mul3A_395 : vector<16xf32>
        %swap3A_397 = arith.constant 2 : i32
        %swap3A_398 = arith.index_cast %swap3A_397 : i32 to index
        %swap3A_399 = arith.constant 0 : index
        %swap3A_400 = tpu.vector_load %arg13[%swap3A_398, %swap3A_399] {strides = array<i32>} : memref<16x17xf32, #tpu.memory_space<vmem>>, vector<16xf32>,
        tpu.vector_store %arg13[%swap3A_398, %swap3A_399], %add3A_396 {strides = array<i32>} : memref<16x17xf32, #tpu.memory_space<vmem>>, vector<16xf32>,
        %add3A_401 = arith.constant 3 : i32
        %add3A_402 = arith.addi %add3A_105, %add3A_401 : i32
        %get3A_403 = arith.index_cast %add3A_402 : i32 to index
        %get3A_404 = arith.constant 0 : index
        %get3A_405 = tpu.vector_load %arg8[%get3A_403, %get3A_404] {strides = array<i32>} : memref<80x128xf32, #tpu.memory_space<vmem>>, vector<16xf32>,
        %add3A_406 = arith.constant 3 : i32
        %add3A_407 = arith.addi %add3A_105, %add3A_406 : i32
        %get3A_408 = arith.index_cast %add3A_407 : i32 to index
        %get3A_409 = arith.constant 0 : index
        %get3A_410 = tpu.vector_load %arg9[%get3A_408, %get3A_409] {strides = array<i32>} : memref<80x128xf32, #tpu.memory_space<vmem>>, vector<16xf32>,
        %mul3A_411 = arith.mulf %get3A_405, %get3A_410 : vector<16xf32>
        %add3A_412 = arith.constant 3 : i32
        %add3A_413 = arith.addi %add3A_105, %add3A_412 : i32
        %get3A_414 = arith.index_cast %add3A_413 : i32 to index
        %get3A_415 = arith.constant 16 : index
        %get3A_416 = tpu.vector_load %arg8[%get3A_414, %get3A_415] {strides = array<i32>} : memref<80x128xf32, #tpu.memory_space<vmem>>, vector<16xf32>,
        %add3A_417 = arith.constant 3 : i32
        %add3A_418 = arith.addi %add3A_105, %add3A_417 : i32
        %get3A_419 = arith.index_cast %add3A_418 : i32 to index
        %get3A_420 = arith.constant 16 : index
        %get3A_421 = tpu.vector_load %arg9[%get3A_419, %get3A_420] {strides = array<i32>} : memref<80x128xf32, #tpu.memory_space<vmem>>, vector<16xf32>,
        %mul3A_422 = arith.mulf %get3A_416, %get3A_421 : vector<16xf32>
        %add3A_423 = arith.addf %mul3A_411, %mul3A_422 : vector<16xf32>
        %add3A_424 = arith.constant 3 : i32
        %add3A_425 = arith.addi %add3A_105, %add3A_424 : i32
        %get3A_426 = arith.index_cast %add3A_425 : i32 to index
        %get3A_427 = arith.constant 32 : index
        %get3A_428 = tpu.vector_load %arg8[%get3A_426, %get3A_427] {strides = array<i32>} : memref<80x128xf32, #tpu.memory_space<vmem>>, vector<16xf32>,
        %add3A_429 = arith.constant 3 : i32
        %add3A_430 = arith.addi %add3A_105, %add3A_429 : i32
        %get3A_431 = arith.index_cast %add3A_430 : i32 to index
        %get3A_432 = arith.constant 32 : index
        %get3A_433 = tpu.vector_load %arg9[%get3A_431, %get3A_432] {strides = array<i32>} : memref<80x128xf32, #tpu.memory_space<vmem>>, vector<16xf32>,
        %mul3A_434 = arith.mulf %get3A_428, %get3A_433 : vector<16xf32>
        %add3A_435 = arith.addf %add3A_423, %mul3A_434 : vector<16xf32>
        %add3A_436 = arith.constant 3 : i32
        %add3A_437 = arith.addi %add3A_105, %add3A_436 : i32
        %get3A_438 = arith.index_cast %add3A_437 : i32 to index
        %get3A_439 = arith.constant 48 : index
        %get3A_440 = tpu.vector_load %arg8[%get3A_438, %get3A_439] {strides = array<i32>} : memref<80x128xf32, #tpu.memory_space<vmem>>, vector<16xf32>,
        %add3A_441 = arith.constant 3 : i32
        %add3A_442 = arith.addi %add3A_105, %add3A_441 : i32
        %get3A_443 = arith.index_cast %add3A_442 : i32 to index
        %get3A_444 = arith.constant 48 : index
        %get3A_445 = tpu.vector_load %arg9[%get3A_443, %get3A_444] {strides = array<i32>} : memref<80x128xf32, #tpu.memory_space<vmem>>, vector<16xf32>,
        %mul3A_446 = arith.mulf %get3A_440, %get3A_445 : vector<16xf32>
        %add3A_447 = arith.addf %add3A_435, %mul3A_446 : vector<16xf32>
        %add3A_448 = arith.constant 3 : i32
        %add3A_449 = arith.addi %add3A_105, %add3A_448 : i32
        %get3A_450 = arith.index_cast %add3A_449 : i32 to index
        %get3A_451 = arith.constant 64 : index
        %get3A_452 = tpu.vector_load %arg8[%get3A_450, %get3A_451] {strides = array<i32>} : memref<80x128xf32, #tpu.memory_space<vmem>>, vector<16xf32>,
        %add3A_453 = arith.constant 3 : i32
        %add3A_454 = arith.addi %add3A_105, %add3A_453 : i32
        %get3A_455 = arith.index_cast %add3A_454 : i32 to index
        %get3A_456 = arith.constant 64 : index
        %get3A_457 = tpu.vector_load %arg9[%get3A_455, %get3A_456] {strides = array<i32>} : memref<80x128xf32, #tpu.memory_space<vmem>>, vector<16xf32>,
        %mul3A_458 = arith.mulf %get3A_452, %get3A_457 : vector<16xf32>
        %add3A_459 = arith.addf %add3A_447, %mul3A_458 : vector<16xf32>
        %add3A_460 = arith.constant 3 : i32
        %add3A_461 = arith.addi %add3A_105, %add3A_460 : i32
        %get3A_462 = arith.index_cast %add3A_461 : i32 to index
        %get3A_463 = arith.constant 80 : index
        %get3A_464 = tpu.vector_load %arg8[%get3A_462, %get3A_463] {strides = array<i32>} : memref<80x128xf32, #tpu.memory_space<vmem>>, vector<16xf32>,
        %add3A_465 = arith.constant 3 : i32
        %add3A_466 = arith.addi %add3A_105, %add3A_465 : i32
        %get3A_467 = arith.index_cast %add3A_466 : i32 to index
        %get3A_468 = arith.constant 80 : index
        %get3A_469 = tpu.vector_load %arg9[%get3A_467, %get3A_468] {strides = array<i32>} : memref<80x128xf32, #tpu.memory_space<vmem>>, vector<16xf32>,
        %mul3A_470 = arith.mulf %get3A_464, %get3A_469 : vector<16xf32>
        %add3A_471 = arith.addf %add3A_459, %mul3A_470 : vector<16xf32>
        %add3A_472 = arith.constant 3 : i32
        %add3A_473 = arith.addi %add3A_105, %add3A_472 : i32
        %get3A_474 = arith.index_cast %add3A_473 : i32 to index
        %get3A_475 = arith.constant 96 : index
        %get3A_476 = tpu.vector_load %arg8[%get3A_474, %get3A_475] {strides = array<i32>} : memref<80x128xf32, #tpu.memory_space<vmem>>, vector<16xf32>,
        %add3A_477 = arith.constant 3 : i32
        %add3A_478 = arith.addi %add3A_105, %add3A_477 : i32
        %get3A_479 = arith.index_cast %add3A_478 : i32 to index
        %get3A_480 = arith.constant 96 : index
        %get3A_481 = tpu.vector_load %arg9[%get3A_479, %get3A_480] {strides = array<i32>} : memref<80x128xf32, #tpu.memory_space<vmem>>, vector<16xf32>,
        %mul3A_482 = arith.mulf %get3A_476, %get3A_481 : vector<16xf32>
        %add3A_483 = arith.addf %add3A_471, %mul3A_482 : vector<16xf32>
        %add3A_484 = arith.constant 3 : i32
        %add3A_485 = arith.addi %add3A_105, %add3A_484 : i32
        %get3A_486 = arith.index_cast %add3A_485 : i32 to index
        %get3A_487 = arith.constant 112 : index
        %get3A_488 = tpu.vector_load %arg8[%get3A_486, %get3A_487] {strides = array<i32>} : memref<80x128xf32, #tpu.memory_space<vmem>>, vector<16xf32>,
        %add3A_489 = arith.constant 3 : i32
        %add3A_490 = arith.addi %add3A_105, %add3A_489 : i32
        %get3A_491 = arith.index_cast %add3A_490 : i32 to index
        %get3A_492 = arith.constant 112 : index
        %get3A_493 = tpu.vector_load %arg9[%get3A_491, %get3A_492] {strides = array<i32>} : memref<80x128xf32, #tpu.memory_space<vmem>>, vector<16xf32>,
        %mul3A_494 = arith.mulf %get3A_488, %get3A_493 : vector<16xf32>
        %add3A_495 = arith.addf %add3A_483, %mul3A_494 : vector<16xf32>
        %swap3A_496 = arith.constant 3 : i32
        %swap3A_497 = arith.index_cast %swap3A_496 : i32 to index
        %swap3A_498 = arith.constant 0 : index
        %swap3A_499 = tpu.vector_load %arg13[%swap3A_497, %swap3A_498] {strides = array<i32>} : memref<16x17xf32, #tpu.memory_space<vmem>>, vector<16xf32>,
        tpu.vector_store %arg13[%swap3A_497, %swap3A_498], %add3A_495 {strides = array<i32>} : memref<16x17xf32, #tpu.memory_space<vmem>>, vector<16xf32>,
        %add3A_500 = arith.constant 4 : i32
        %add3A_501 = arith.addi %add3A_105, %add3A_500 : i32
        %get3A_502 = arith.index_cast %add3A_501 : i32 to index
        %get3A_503 = arith.constant 0 : index
        %get3A_504 = tpu.vector_load %arg8[%get3A_502, %get3A_503] {strides = array<i32>} : memref<80x128xf32, #tpu.memory_space<vmem>>, vector<16xf32>,
        %add3A_505 = arith.constant 4 : i32
        %add3A_506 = arith.addi %add3A_105, %add3A_505 : i32
        %get3A_507 = arith.index_cast %add3A_506 : i32 to index
        %get3A_508 = arith.constant 0 : index
        %get3A_509 = tpu.vector_load %arg9[%get3A_507, %get3A_508] {strides = array<i32>} : memref<80x128xf32, #tpu.memory_space<vmem>>, vector<16xf32>,
        %mul3A_510 = arith.mulf %get3A_504, %get3A_509 : vector<16xf32>
        %add3A_511 = arith.constant 4 : i32
        %add3A_512 = arith.addi %add3A_105, %add3A_511 : i32
        %get3A_513 = arith.index_cast %add3A_512 : i32 to index
        %get3A_514 = arith.constant 16 : index
        %get3A_515 = tpu.vector_load %arg8[%get3A_513, %get3A_514] {strides = array<i32>} : memref<80x128xf32, #tpu.memory_space<vmem>>, vector<16xf32>,
        %add3A_516 = arith.constant 4 : i32
        %add3A_517 = arith.addi %add3A_105, %add3A_516 : i32
        %get3A_518 = arith.index_cast %add3A_517 : i32 to index
        %get3A_519 = arith.constant 16 : index
        %get3A_520 = tpu.vector_load %arg9[%get3A_518, %get3A_519] {strides = array<i32>} : memref<80x128xf32, #tpu.memory_space<vmem>>, vector<16xf32>,
        %mul3A_521 = arith.mulf %get3A_515, %get3A_520 : vector<16xf32>
        %add3A_522 = arith.addf %mul3A_510, %mul3A_521 : vector<16xf32>
        %add3A_523 = arith.constant 4 : i32
        %add3A_524 = arith.addi %add3A_105, %add3A_523 : i32
        %get3A_525 = arith.index_cast %add3A_524 : i32 to index
        %get3A_526 = arith.constant 32 : index
        %get3A_527 = tpu.vector_load %arg8[%get3A_525, %get3A_526] {strides = array<i32>} : memref<80x128xf32, #tpu.memory_space<vmem>>, vector<16xf32>,
        %add3A_528 = arith.constant 4 : i32
        %add3A_529 = arith.addi %add3A_105, %add3A_528 : i32
        %get3A_530 = arith.index_cast %add3A_529 : i32 to index
        %get3A_531 = arith.constant 32 : index
        %get3A_532 = tpu.vector_load %arg9[%get3A_530, %get3A_531] {strides = array<i32>} : memref<80x128xf32, #tpu.memory_space<vmem>>, vector<16xf32>,
        %mul3A_533 = arith.mulf %get3A_527, %get3A_532 : vector<16xf32>
        %add3A_534 = arith.addf %add3A_522, %mul3A_533 : vector<16xf32>
        %add3A_535 = arith.constant 4 : i32
        %add3A_536 = arith.addi %add3A_105, %add3A_535 : i32
        %get3A_537 = arith.index_cast %add3A_536 : i32 to index
        %get3A_538 = arith.constant 48 : index
        %get3A_539 = tpu.vector_load %arg8[%get3A_537, %get3A_538] {strides = array<i32>} : memref<80x128xf32, #tpu.memory_space<vmem>>, vector<16xf32>,
        %add3A_540 = arith.constant 4 : i32
        %add3A_541 = arith.addi %add3A_105, %add3A_540 : i32
        %get3A_542 = arith.index_cast %add3A_541 : i32 to index
        %get3A_543 = arith.constant 48 : index
        %get3A_544 = tpu.vector_load %arg9[%get3A_542, %get3A_543] {strides = array<i32>} : memref<80x128xf32, #tpu.memory_space<vmem>>, vector<16xf32>,
        %mul3A_545 = arith.mulf %get3A_539, %get3A_544 : vector<16xf32>
        %add3A_546 = arith.addf %add3A_534, %mul3A_545 : vector<16xf32>
        %add3A_547 = arith.constant 4 : i32
        %add3A_548 = arith.addi %add3A_105, %add3A_547 : i32
        %get3A_549 = arith.index_cast %add3A_548 : i32 to index
        %get3A_550 = arith.constant 64 : index
        %get3A_551 = tpu.vector_load %arg8[%get3A_549, %get3A_550] {strides = array<i32>} : memref<80x128xf32, #tpu.memory_space<vmem>>, vector<16xf32>,
        %add3A_552 = arith.constant 4 : i32
        %add3A_553 = arith.addi %add3A_105, %add3A_552 : i32
        %get3A_554 = arith.index_cast %add3A_553 : i32 to index
        %get3A_555 = arith.constant 64 : index
        %get3A_556 = tpu.vector_load %arg9[%get3A_554, %get3A_555] {strides = array<i32>} : memref<80x128xf32, #tpu.memory_space<vmem>>, vector<16xf32>,
        %mul3A_557 = arith.mulf %get3A_551, %get3A_556 : vector<16xf32>
        %add3A_558 = arith.addf %add3A_546, %mul3A_557 : vector<16xf32>
        %add3A_559 = arith.constant 4 : i32
        %add3A_560 = arith.addi %add3A_105, %add3A_559 : i32
        %get3A_561 = arith.index_cast %add3A_560 : i32 to index
        %get3A_562 = arith.constant 80 : index
        %get3A_563 = tpu.vector_load %arg8[%get3A_561, %get3A_562] {strides = array<i32>} : memref<80x128xf32, #tpu.memory_space<vmem>>, vector<16xf32>,
        %add3A_564 = arith.constant 4 : i32
        %add3A_565 = arith.addi %add3A_105, %add3A_564 : i32
        %get3A_566 = arith.index_cast %add3A_565 : i32 to index
        %get3A_567 = arith.constant 80 : index
        %get3A_568 = tpu.vector_load %arg9[%get3A_566, %get3A_567] {strides = array<i32>} : memref<80x128xf32, #tpu.memory_space<vmem>>, vector<16xf32>,
        %mul3A_569 = arith.mulf %get3A_563, %get3A_568 : vector<16xf32>
        %add3A_570 = arith.addf %add3A_558, %mul3A_569 : vector<16xf32>
        %add3A_571 = arith.constant 4 : i32
        %add3A_572 = arith.addi %add3A_105, %add3A_571 : i32
        %get3A_573 = arith.index_cast %add3A_572 : i32 to index
        %get3A_574 = arith.constant 96 : index
        %get3A_575 = tpu.vector_load %arg8[%get3A_573, %get3A_574] {strides = array<i32>} : memref<80x128xf32, #tpu.memory_space<vmem>>, vector<16xf32>,
        %add3A_576 = arith.constant 4 : i32
        %add3A_577 = arith.addi %add3A_105, %add3A_576 : i32
        %get3A_578 = arith.index_cast %add3A_577 : i32 to index
        %get3A_579 = arith.constant 96 : index
        %get3A_580 = tpu.vector_load %arg9[%get3A_578, %get3A_579] {strides = array<i32>} : memref<80x128xf32, #tpu.memory_space<vmem>>, vector<16xf32>,
        %mul3A_581 = arith.mulf %get3A_575, %get3A_580 : vector<16xf32>
        %add3A_582 = arith.addf %add3A_570, %mul3A_581 : vector<16xf32>
        %add3A_583 = arith.constant 4 : i32
        %add3A_584 = arith.addi %add3A_105, %add3A_583 : i32
        %get3A_585 = arith.index_cast %add3A_584 : i32 to index
        %get3A_586 = arith.constant 112 : index
        %get3A_587 = tpu.vector_load %arg8[%get3A_585, %get3A_586] {strides = array<i32>} : memref<80x128xf32, #tpu.memory_space<vmem>>, vector<16xf32>,
        %add3A_588 = arith.constant 4 : i32
        %add3A_589 = arith.addi %add3A_105, %add3A_588 : i32
        %get3A_590 = arith.index_cast %add3A_589 : i32 to index
        %get3A_591 = arith.constant 112 : index
        %get3A_592 = tpu.vector_load %arg9[%get3A_590, %get3A_591] {strides = array<i32>} : memref<80x128xf32, #tpu.memory_space<vmem>>, vector<16xf32>,
        %mul3A_593 = arith.mulf %get3A_587, %get3A_592 : vector<16xf32>
        %add3A_594 = arith.addf %add3A_582, %mul3A_593 : vector<16xf32>
        %swap3A_595 = arith.constant 4 : i32
        %swap3A_596 = arith.index_cast %swap3A_595 : i32 to index
        %swap3A_597 = arith.constant 0 : index
        %swap3A_598 = tpu.vector_load %arg13[%swap3A_596, %swap3A_597] {strides = array<i32>} : memref<16x17xf32, #tpu.memory_space<vmem>>, vector<16xf32>,
        tpu.vector_store %arg13[%swap3A_596, %swap3A_597], %add3A_594 {strides = array<i32>} : memref<16x17xf32, #tpu.memory_space<vmem>>, vector<16xf32>,
        %add3A_599 = arith.constant 5 : i32
        %add3A_600 = arith.addi %add3A_105, %add3A_599 : i32
        %get3A_601 = arith.index_cast %add3A_600 : i32 to index
        %get3A_602 = arith.constant 0 : index
        %get3A_603 = tpu.vector_load %arg8[%get3A_601, %get3A_602] {strides = array<i32>} : memref<80x128xf32, #tpu.memory_space<vmem>>, vector<16xf32>,
        %add3A_604 = arith.constant 5 : i32
        %add3A_605 = arith.addi %add3A_105, %add3A_604 : i32
        %get3A_606 = arith.index_cast %add3A_605 : i32 to index
        %get3A_607 = arith.constant 0 : index
        %get3A_608 = tpu.vector_load %arg9[%get3A_606, %get3A_607] {strides = array<i32>} : memref<80x128xf32, #tpu.memory_space<vmem>>, vector<16xf32>,
        %mul3A_609 = arith.mulf %get3A_603, %get3A_608 : vector<16xf32>
        %add3A_610 = arith.constant 5 : i32
        %add3A_611 = arith.addi %add3A_105, %add3A_610 : i32
        %get3A_612 = arith.index_cast %add3A_611 : i32 to index
        %get3A_613 = arith.constant 16 : index
        %get3A_614 = tpu.vector_load %arg8[%get3A_612, %get3A_613] {strides = array<i32>} : memref<80x128xf32, #tpu.memory_space<vmem>>, vector<16xf32>,
        %add3A_615 = arith.constant 5 : i32
        %add3A_616 = arith.addi %add3A_105, %add3A_615 : i32
        %get3A_617 = arith.index_cast %add3A_616 : i32 to index
        %get3A_618 = arith.constant 16 : index
        %get3A_619 = tpu.vector_load %arg9[%get3A_617, %get3A_618] {strides = array<i32>} : memref<80x128xf32, #tpu.memory_space<vmem>>, vector<16xf32>,
        %mul3A_620 = arith.mulf %get3A_614, %get3A_619 : vector<16xf32>
        %add3A_621 = arith.addf %mul3A_609, %mul3A_620 : vector<16xf32>
        %add3A_622 = arith.constant 5 : i32
        %add3A_623 = arith.addi %add3A_105, %add3A_622 : i32
        %get3A_624 = arith.index_cast %add3A_623 : i32 to index
        %get3A_625 = arith.constant 32 : index
        %get3A_626 = tpu.vector_load %arg8[%get3A_624, %get3A_625] {strides = array<i32>} : memref<80x128xf32, #tpu.memory_space<vmem>>, vector<16xf32>,
        %add3A_627 = arith.constant 5 : i32
        %add3A_628 = arith.addi %add3A_105, %add3A_627 : i32
        %get3A_629 = arith.index_cast %add3A_628 : i32 to index
        %get3A_630 = arith.constant 32 : index
        %get3A_631 = tpu.vector_load %arg9[%get3A_629, %get3A_630] {strides = array<i32>} : memref<80x128xf32, #tpu.memory_space<vmem>>, vector<16xf32>,
        %mul3A_632 = arith.mulf %get3A_626, %get3A_631 : vector<16xf32>
        %add3A_633 = arith.addf %add3A_621, %mul3A_632 : vector<16xf32>
        %add3A_634 = arith.constant 5 : i32
        %add3A_635 = arith.addi %add3A_105, %add3A_634 : i32
        %get3A_636 = arith.index_cast %add3A_635 : i32 to index
        %get3A_637 = arith.constant 48 : index
        %get3A_638 = tpu.vector_load %arg8[%get3A_636, %get3A_637] {strides = array<i32>} : memref<80x128xf32, #tpu.memory_space<vmem>>, vector<16xf32>,
        %add3A_639 = arith.constant 5 : i32
        %add3A_640 = arith.addi %add3A_105, %add3A_639 : i32
        %get3A_641 = arith.index_cast %add3A_640 : i32 to index
        %get3A_642 = arith.constant 48 : index
        %get3A_643 = tpu.vector_load %arg9[%get3A_641, %get3A_642] {strides = array<i32>} : memref<80x128xf32, #tpu.memory_space<vmem>>, vector<16xf32>,
        %mul3A_644 = arith.mulf %get3A_638, %get3A_643 : vector<16xf32>
        %add3A_645 = arith.addf %add3A_633, %mul3A_644 : vector<16xf32>
        %add3A_646 = arith.constant 5 : i32
        %add3A_647 = arith.addi %add3A_105, %add3A_646 : i32
        %get3A_648 = arith.index_cast %add3A_647 : i32 to index
        %get3A_649 = arith.constant 64 : index
        %get3A_650 = tpu.vector_load %arg8[%get3A_648, %get3A_649] {strides = array<i32>} : memref<80x128xf32, #tpu.memory_space<vmem>>, vector<16xf32>,
        %add3A_651 = arith.constant 5 : i32
        %add3A_652 = arith.addi %add3A_105, %add3A_651 : i32
        %get3A_653 = arith.index_cast %add3A_652 : i32 to index
        %get3A_654 = arith.constant 64 : index
        %get3A_655 = tpu.vector_load %arg9[%get3A_653, %get3A_654] {strides = array<i32>} : memref<80x128xf32, #tpu.memory_space<vmem>>, vector<16xf32>,
        %mul3A_656 = arith.mulf %get3A_650, %get3A_655 : vector<16xf32>
        %add3A_657 = arith.addf %add3A_645, %mul3A_656 : vector<16xf32>
        %add3A_658 = arith.constant 5 : i32
        %add3A_659 = arith.addi %add3A_105, %add3A_658 : i32
        %get3A_660 = arith.index_cast %add3A_659 : i32 to index
        %get3A_661 = arith.constant 80 : index
        %get3A_662 = tpu.vector_load %arg8[%get3A_660, %get3A_661] {strides = array<i32>} : memref<80x128xf32, #tpu.memory_space<vmem>>, vector<16xf32>,
        %add3A_663 = arith.constant 5 : i32
        %add3A_664 = arith.addi %add3A_105, %add3A_663 : i32
        %get3A_665 = arith.index_cast %add3A_664 : i32 to index
        %get3A_666 = arith.constant 80 : index
        %get3A_667 = tpu.vector_load %arg9[%get3A_665, %get3A_666] {strides = array<i32>} : memref<80x128xf32, #tpu.memory_space<vmem>>, vector<16xf32>,
        %mul3A_668 = arith.mulf %get3A_662, %get3A_667 : vector<16xf32>
        %add3A_669 = arith.addf %add3A_657, %mul3A_668 : vector<16xf32>
        %add3A_670 = arith.constant 5 : i32
        %add3A_671 = arith.addi %add3A_105, %add3A_670 : i32
        %get3A_672 = arith.index_cast %add3A_671 : i32 to index
        %get3A_673 = arith.constant 96 : index
        %get3A_674 = tpu.vector_load %arg8[%get3A_672, %get3A_673] {strides = array<i32>} : memref<80x128xf32, #tpu.memory_space<vmem>>, vector<16xf32>,
        %add3A_675 = arith.constant 5 : i32
        %add3A_676 = arith.addi %add3A_105, %add3A_675 : i32
        %get3A_677 = arith.index_cast %add3A_676 : i32 to index
        %get3A_678 = arith.constant 96 : index
        %get3A_679 = tpu.vector_load %arg9[%get3A_677, %get3A_678] {strides = array<i32>} : memref<80x128xf32, #tpu.memory_space<vmem>>, vector<16xf32>,
        %mul3A_680 = arith.mulf %get3A_674, %get3A_679 : vector<16xf32>
        %add3A_681 = arith.addf %add3A_669, %mul3A_680 : vector<16xf32>
        %add3A_682 = arith.constant 5 : i32
        %add3A_683 = arith.addi %add3A_105, %add3A_682 : i32
        %get3A_684 = arith.index_cast %add3A_683 : i32 to index
        %get3A_685 = arith.constant 112 : index
        %get3A_686 = tpu.vector_load %arg8[%get3A_684, %get3A_685] {strides = array<i32>} : memref<80x128xf32, #tpu.memory_space<vmem>>, vector<16xf32>,
        %add3A_687 = arith.constant 5 : i32
        %add3A_688 = arith.addi %add3A_105, %add3A_687 : i32
        %get3A_689 = arith.index_cast %add3A_688 : i32 to index
        %get3A_690 = arith.constant 112 : index
        %get3A_691 = tpu.vector_load %arg9[%get3A_689, %get3A_690] {strides = array<i32>} : memref<80x128xf32, #tpu.memory_space<vmem>>, vector<16xf32>,
        %mul3A_692 = arith.mulf %get3A_686, %get3A_691 : vector<16xf32>
        %add3A_693 = arith.addf %add3A_681, %mul3A_692 : vector<16xf32>
        %swap3A_694 = arith.constant 5 : i32
        %swap3A_695 = arith.index_cast %swap3A_694 : i32 to index
        %swap3A_696 = arith.constant 0 : index
        %swap3A_697 = tpu.vector_load %arg13[%swap3A_695, %swap3A_696] {strides = array<i32>} : memref<16x17xf32, #tpu.memory_space<vmem>>, vector<16xf32>,
        tpu.vector_store %arg13[%swap3A_695, %swap3A_696], %add3A_693 {strides = array<i32>} : memref<16x17xf32, #tpu.memory_space<vmem>>, vector<16xf32>,
        %add3A_698 = arith.constant 6 : i32
        %add3A_699 = arith.addi %add3A_105, %add3A_698 : i32
        %get3A_700 = arith.index_cast %add3A_699 : i32 to index
        %get3A_701 = arith.constant 0 : index
        %get3A_702 = tpu.vector_load %arg8[%get3A_700, %get3A_701] {strides = array<i32>} : memref<80x128xf32, #tpu.memory_space<vmem>>, vector<16xf32>,
        %add3A_703 = arith.constant 6 : i32
        %add3A_704 = arith.addi %add3A_105, %add3A_703 : i32
        %get3A_705 = arith.index_cast %add3A_704 : i32 to index
        %get3A_706 = arith.constant 0 : index
        %get3A_707 = tpu.vector_load %arg9[%get3A_705, %get3A_706] {strides = array<i32>} : memref<80x128xf32, #tpu.memory_space<vmem>>, vector<16xf32>,
        %mul3A_708 = arith.mulf %get3A_702, %get3A_707 : vector<16xf32>
        %add3A_709 = arith.constant 6 : i32
        %add3A_710 = arith.addi %add3A_105, %add3A_709 : i32
        %get3A_711 = arith.index_cast %add3A_710 : i32 to index
        %get3A_712 = arith.constant 16 : index
        %get3A_713 = tpu.vector_load %arg8[%get3A_711, %get3A_712] {strides = array<i32>} : memref<80x128xf32, #tpu.memory_space<vmem>>, vector<16xf32>,
        %add3A_714 = arith.constant 6 : i32
        %add3A_715 = arith.addi %add3A_105, %add3A_714 : i32
        %get3A_716 = arith.index_cast %add3A_715 : i32 to index
        %get3A_717 = arith.constant 16 : index
        %get3A_718 = tpu.vector_load %arg9[%get3A_716, %get3A_717] {strides = array<i32>} : memref<80x128xf32, #tpu.memory_space<vmem>>, vector<16xf32>,
        %mul3A_719 = arith.mulf %get3A_713, %get3A_718 : vector<16xf32>
        %add3A_720 = arith.addf %mul3A_708, %mul3A_719 : vector<16xf32>
        %add3A_721 = arith.constant 6 : i32
        %add3A_722 = arith.addi %add3A_105, %add3A_721 : i32
        %get3A_723 = arith.index_cast %add3A_722 : i32 to index
        %get3A_724 = arith.constant 32 : index
        %get3A_725 = tpu.vector_load %arg8[%get3A_723, %get3A_724] {strides = array<i32>} : memref<80x128xf32, #tpu.memory_space<vmem>>, vector<16xf32>,
        %add3A_726 = arith.constant 6 : i32
        %add3A_727 = arith.addi %add3A_105, %add3A_726 : i32
        %get3A_728 = arith.index_cast %add3A_727 : i32 to index
        %get3A_729 = arith.constant 32 : index
        %get3A_730 = tpu.vector_load %arg9[%get3A_728, %get3A_729] {strides = array<i32>} : memref<80x128xf32, #tpu.memory_space<vmem>>, vector<16xf32>,
        %mul3A_731 = arith.mulf %get3A_725, %get3A_730 : vector<16xf32>
        %add3A_732 = arith.addf %add3A_720, %mul3A_731 : vector<16xf32>
        %add3A_733 = arith.constant 6 : i32
        %add3A_734 = arith.addi %add3A_105, %add3A_733 : i32
        %get3A_735 = arith.index_cast %add3A_734 : i32 to index
        %get3A_736 = arith.constant 48 : index
        %get3A_737 = tpu.vector_load %arg8[%get3A_735, %get3A_736] {strides = array<i32>} : memref<80x128xf32, #tpu.memory_space<vmem>>, vector<16xf32>,
        %add3A_738 = arith.constant 6 : i32
        %add3A_739 = arith.addi %add3A_105, %add3A_738 : i32
        %get3A_740 = arith.index_cast %add3A_739 : i32 to index
        %get3A_741 = arith.constant 48 : index
        %get3A_742 = tpu.vector_load %arg9[%get3A_740, %get3A_741] {strides = array<i32>} : memref<80x128xf32, #tpu.memory_space<vmem>>, vector<16xf32>,
        %mul3A_743 = arith.mulf %get3A_737, %get3A_742 : vector<16xf32>
        %add3A_744 = arith.addf %add3A_732, %mul3A_743 : vector<16xf32>
        %add3A_745 = arith.constant 6 : i32
        %add3A_746 = arith.addi %add3A_105, %add3A_745 : i32
        %get3A_747 = arith.index_cast %add3A_746 : i32 to index
        %get3A_748 = arith.constant 64 : index
        %get3A_749 = tpu.vector_load %arg8[%get3A_747, %get3A_748] {strides = array<i32>} : memref<80x128xf32, #tpu.memory_space<vmem>>, vector<16xf32>,
        %add3A_750 = arith.constant 6 : i32
        %add3A_751 = arith.addi %add3A_105, %add3A_750 : i32
        %get3A_752 = arith.index_cast %add3A_751 : i32 to index
        %get3A_753 = arith.constant 64 : index
        %get3A_754 = tpu.vector_load %arg9[%get3A_752, %get3A_753] {strides = array<i32>} : memref<80x128xf32, #tpu.memory_space<vmem>>, vector<16xf32>,
        %mul3A_755 = arith.mulf %get3A_749, %get3A_754 : vector<16xf32>
        %add3A_756 = arith.addf %add3A_744, %mul3A_755 : vector<16xf32>
        %add3A_757 = arith.constant 6 : i32
        %add3A_758 = arith.addi %add3A_105, %add3A_757 : i32
        %get3A_759 = arith.index_cast %add3A_758 : i32 to index
        %get3A_760 = arith.constant 80 : index
        %get3A_761 = tpu.vector_load %arg8[%get3A_759, %get3A_760] {strides = array<i32>} : memref<80x128xf32, #tpu.memory_space<vmem>>, vector<16xf32>,
        %add3A_762 = arith.constant 6 : i32
        %add3A_763 = arith.addi %add3A_105, %add3A_762 : i32
        %get3A_764 = arith.index_cast %add3A_763 : i32 to index
        %get3A_765 = arith.constant 80 : index
        %get3A_766 = tpu.vector_load %arg9[%get3A_764, %get3A_765] {strides = array<i32>} : memref<80x128xf32, #tpu.memory_space<vmem>>, vector<16xf32>,
        %mul3A_767 = arith.mulf %get3A_761, %get3A_766 : vector<16xf32>
        %add3A_768 = arith.addf %add3A_756, %mul3A_767 : vector<16xf32>
        %add3A_769 = arith.constant 6 : i32
        %add3A_770 = arith.addi %add3A_105, %add3A_769 : i32
        %get3A_771 = arith.index_cast %add3A_770 : i32 to index
        %get3A_772 = arith.constant 96 : index
        %get3A_773 = tpu.vector_load %arg8[%get3A_771, %get3A_772] {strides = array<i32>} : memref<80x128xf32, #tpu.memory_space<vmem>>, vector<16xf32>,
        %add3A_774 = arith.constant 6 : i32
        %add3A_775 = arith.addi %add3A_105, %add3A_774 : i32
        %get3A_776 = arith.index_cast %add3A_775 : i32 to index
        %get3A_777 = arith.constant 96 : index
        %get3A_778 = tpu.vector_load %arg9[%get3A_776, %get3A_777] {strides = array<i32>} : memref<80x128xf32, #tpu.memory_space<vmem>>, vector<16xf32>,
        %mul3A_779 = arith.mulf %get3A_773, %get3A_778 : vector<16xf32>
        %add3A_780 = arith.addf %add3A_768, %mul3A_779 : vector<16xf32>
        %add3A_781 = arith.constant 6 : i32
        %add3A_782 = arith.addi %add3A_105, %add3A_781 : i32
        %get3A_783 = arith.index_cast %add3A_782 : i32 to index
        %get3A_784 = arith.constant 112 : index
        %get3A_785 = tpu.vector_load %arg8[%get3A_783, %get3A_784] {strides = array<i32>} : memref<80x128xf32, #tpu.memory_space<vmem>>, vector<16xf32>,
        %add3A_786 = arith.constant 6 : i32
        %add3A_787 = arith.addi %add3A_105, %add3A_786 : i32
        %get3A_788 = arith.index_cast %add3A_787 : i32 to index
        %get3A_789 = arith.constant 112 : index
        %get3A_790 = tpu.vector_load %arg9[%get3A_788, %get3A_789] {strides = array<i32>} : memref<80x128xf32, #tpu.memory_space<vmem>>, vector<16xf32>,
        %mul3A_791 = arith.mulf %get3A_785, %get3A_790 : vector<16xf32>
        %add3A_792 = arith.addf %add3A_780, %mul3A_791 : vector<16xf32>
        %swap3A_793 = arith.constant 6 : i32
        %swap3A_794 = arith.index_cast %swap3A_793 : i32 to index
        %swap3A_795 = arith.constant 0 : index
        %swap3A_796 = tpu.vector_load %arg13[%swap3A_794, %swap3A_795] {strides = array<i32>} : memref<16x17xf32, #tpu.memory_space<vmem>>, vector<16xf32>,
        tpu.vector_store %arg13[%swap3A_794, %swap3A_795], %add3A_792 {strides = array<i32>} : memref<16x17xf32, #tpu.memory_space<vmem>>, vector<16xf32>,
        %add3A_797 = arith.constant 7 : i32
        %add3A_798 = arith.addi %add3A_105, %add3A_797 : i32
        %get3A_799 = arith.index_cast %add3A_798 : i32 to index
        %get3A_800 = arith.constant 0 : index
        %get3A_801 = tpu.vector_load %arg8[%get3A_799, %get3A_800] {strides = array<i32>} : memref<80x128xf32, #tpu.memory_space<vmem>>, vector<16xf32>,
        %add3A_802 = arith.constant 7 : i32
        %add3A_803 = arith.addi %add3A_105, %add3A_802 : i32
        %get3A_804 = arith.index_cast %add3A_803 : i32 to index
        %get3A_805 = arith.constant 0 : index
        %get3A_806 = tpu.vector_load %arg9[%get3A_804, %get3A_805] {strides = array<i32>} : memref<80x128xf32, #tpu.memory_space<vmem>>, vector<16xf32>,
        %mul3A_807 = arith.mulf %get3A_801, %get3A_806 : vector<16xf32>
        %add3A_808 = arith.constant 7 : i32
        %add3A_809 = arith.addi %add3A_105, %add3A_808 : i32
        %get3A_810 = arith.index_cast %add3A_809 : i32 to index
        %get3A_811 = arith.constant 16 : index
        %get3A_812 = tpu.vector_load %arg8[%get3A_810, %get3A_811] {strides = array<i32>} : memref<80x128xf32, #tpu.memory_space<vmem>>, vector<16xf32>,
        %add3A_813 = arith.constant 7 : i32
        %add3A_814 = arith.addi %add3A_105, %add3A_813 : i32
        %get3A_815 = arith.index_cast %add3A_814 : i32 to index
        %get3A_816 = arith.constant 16 : index
        %get3A_817 = tpu.vector_load %arg9[%get3A_815, %get3A_816] {strides = array<i32>} : memref<80x128xf32, #tpu.memory_space<vmem>>, vector<16xf32>,
        %mul3A_818 = arith.mulf %get3A_812, %get3A_817 : vector<16xf32>
        %add3A_819 = arith.addf %mul3A_807, %mul3A_818 : vector<16xf32>
        %add3A_820 = arith.constant 7 : i32
        %add3A_821 = arith.addi %add3A_105, %add3A_820 : i32
        %get3A_822 = arith.index_cast %add3A_821 : i32 to index
        %get3A_823 = arith.constant 32 : index
        %get3A_824 = tpu.vector_load %arg8[%get3A_822, %get3A_823] {strides = array<i32>} : memref<80x128xf32, #tpu.memory_space<vmem>>, vector<16xf32>,
        %add3A_825 = arith.constant 7 : i32
        %add3A_826 = arith.addi %add3A_105, %add3A_825 : i32
        %get3A_827 = arith.index_cast %add3A_826 : i32 to index
        %get3A_828 = arith.constant 32 : index
        %get3A_829 = tpu.vector_load %arg9[%get3A_827, %get3A_828] {strides = array<i32>} : memref<80x128xf32, #tpu.memory_space<vmem>>, vector<16xf32>,
        %mul3A_830 = arith.mulf %get3A_824, %get3A_829 : vector<16xf32>
        %add3A_831 = arith.addf %add3A_819, %mul3A_830 : vector<16xf32>
        %add3A_832 = arith.constant 7 : i32
        %add3A_833 = arith.addi %add3A_105, %add3A_832 : i32
        %get3A_834 = arith.index_cast %add3A_833 : i32 to index
        %get3A_835 = arith.constant 48 : index
        %get3A_836 = tpu.vector_load %arg8[%get3A_834, %get3A_835] {strides = array<i32>} : memref<80x128xf32, #tpu.memory_space<vmem>>, vector<16xf32>,
        %add3A_837 = arith.constant 7 : i32
        %add3A_838 = arith.addi %add3A_105, %add3A_837 : i32
        %get3A_839 = arith.index_cast %add3A_838 : i32 to index
        %get3A_840 = arith.constant 48 : index
        %get3A_841 = tpu.vector_load %arg9[%get3A_839, %get3A_840] {strides = array<i32>} : memref<80x128xf32, #tpu.memory_space<vmem>>, vector<16xf32>,
        %mul3A_842 = arith.mulf %get3A_836, %get3A_841 : vector<16xf32>
        %add3A_843 = arith.addf %add3A_831, %mul3A_842 : vector<16xf32>
        %add3A_844 = arith.constant 7 : i32
        %add3A_845 = arith.addi %add3A_105, %add3A_844 : i32
        %get3A_846 = arith.index_cast %add3A_845 : i32 to index
        %get3A_847 = arith.constant 64 : index
        %get3A_848 = tpu.vector_load %arg8[%get3A_846, %get3A_847] {strides = array<i32>} : memref<80x128xf32, #tpu.memory_space<vmem>>, vector<16xf32>,
        %add3A_849 = arith.constant 7 : i32
        %add3A_850 = arith.addi %add3A_105, %add3A_849 : i32
        %get3A_851 = arith.index_cast %add3A_850 : i32 to index
        %get3A_852 = arith.constant 64 : index
        %get3A_853 = tpu.vector_load %arg9[%get3A_851, %get3A_852] {strides = array<i32>} : memref<80x128xf32, #tpu.memory_space<vmem>>, vector<16xf32>,
        %mul3A_854 = arith.mulf %get3A_848, %get3A_853 : vector<16xf32>
        %add3A_855 = arith.addf %add3A_843, %mul3A_854 : vector<16xf32>
        %add3A_856 = arith.constant 7 : i32
        %add3A_857 = arith.addi %add3A_105, %add3A_856 : i32
        %get3A_858 = arith.index_cast %add3A_857 : i32 to index
        %get3A_859 = arith.constant 80 : index
        %get3A_860 = tpu.vector_load %arg8[%get3A_858, %get3A_859] {strides = array<i32>} : memref<80x128xf32, #tpu.memory_space<vmem>>, vector<16xf32>,
        %add3A_861 = arith.constant 7 : i32
        %add3A_862 = arith.addi %add3A_105, %add3A_861 : i32
        %get3A_863 = arith.index_cast %add3A_862 : i32 to index
        %get3A_864 = arith.constant 80 : index
        %get3A_865 = tpu.vector_load %arg9[%get3A_863, %get3A_864] {strides = array<i32>} : memref<80x128xf32, #tpu.memory_space<vmem>>, vector<16xf32>,
        %mul3A_866 = arith.mulf %get3A_860, %get3A_865 : vector<16xf32>
        %add3A_867 = arith.addf %add3A_855, %mul3A_866 : vector<16xf32>
        %add3A_868 = arith.constant 7 : i32
        %add3A_869 = arith.addi %add3A_105, %add3A_868 : i32
        %get3A_870 = arith.index_cast %add3A_869 : i32 to index
        %get3A_871 = arith.constant 96 : index
        %get3A_872 = tpu.vector_load %arg8[%get3A_870, %get3A_871] {strides = array<i32>} : memref<80x128xf32, #tpu.memory_space<vmem>>, vector<16xf32>,
        %add3A_873 = arith.constant 7 : i32
        %add3A_874 = arith.addi %add3A_105, %add3A_873 : i32
        %get3A_875 = arith.index_cast %add3A_874 : i32 to index
        %get3A_876 = arith.constant 96 : index
        %get3A_877 = tpu.vector_load %arg9[%get3A_875, %get3A_876] {strides = array<i32>} : memref<80x128xf32, #tpu.memory_space<vmem>>, vector<16xf32>,
        %mul3A_878 = arith.mulf %get3A_872, %get3A_877 : vector<16xf32>
        %add3A_879 = arith.addf %add3A_867, %mul3A_878 : vector<16xf32>
        %add3A_880 = arith.constant 7 : i32
        %add3A_881 = arith.addi %add3A_105, %add3A_880 : i32
        %get3A_882 = arith.index_cast %add3A_881 : i32 to index
        %get3A_883 = arith.constant 112 : index
        %get3A_884 = tpu.vector_load %arg8[%get3A_882, %get3A_883] {strides = array<i32>} : memref<80x128xf32, #tpu.memory_space<vmem>>, vector<16xf32>,
        %add3A_885 = arith.constant 7 : i32
        %add3A_886 = arith.addi %add3A_105, %add3A_885 : i32
        %get3A_887 = arith.index_cast %add3A_886 : i32 to index
        %get3A_888 = arith.constant 112 : index
        %get3A_889 = tpu.vector_load %arg9[%get3A_887, %get3A_888] {strides = array<i32>} : memref<80x128xf32, #tpu.memory_space<vmem>>, vector<16xf32>,
        %mul3A_890 = arith.mulf %get3A_884, %get3A_889 : vector<16xf32>
        %add3A_891 = arith.addf %add3A_879, %mul3A_890 : vector<16xf32>
        %swap3A_892 = arith.constant 7 : i32
        %swap3A_893 = arith.index_cast %swap3A_892 : i32 to index
        %swap3A_894 = arith.constant 0 : index
        %swap3A_895 = tpu.vector_load %arg13[%swap3A_893, %swap3A_894] {strides = array<i32>} : memref<16x17xf32, #tpu.memory_space<vmem>>, vector<16xf32>,
        tpu.vector_store %arg13[%swap3A_893, %swap3A_894], %add3A_891 {strides = array<i32>} : memref<16x17xf32, #tpu.memory_space<vmem>>, vector<16xf32>,
        %add3A_896 = arith.constant 8 : i32
        %add3A_897 = arith.addi %add3A_105, %add3A_896 : i32
        %get3A_898 = arith.index_cast %add3A_897 : i32 to index
        %get3A_899 = arith.constant 0 : index
        %get3A_900 = tpu.vector_load %arg8[%get3A_898, %get3A_899] {strides = array<i32>} : memref<80x128xf32, #tpu.memory_space<vmem>>, vector<16xf32>,
        %add3A_901 = arith.constant 8 : i32
        %add3A_902 = arith.addi %add3A_105, %add3A_901 : i32
        %get3A_903 = arith.index_cast %add3A_902 : i32 to index
        %get3A_904 = arith.constant 0 : index
        %get3A_905 = tpu.vector_load %arg9[%get3A_903, %get3A_904] {strides = array<i32>} : memref<80x128xf32, #tpu.memory_space<vmem>>, vector<16xf32>,
        %mul3A_906 = arith.mulf %get3A_900, %get3A_905 : vector<16xf32>
        %add3A_907 = arith.constant 8 : i32
        %add3A_908 = arith.addi %add3A_105, %add3A_907 : i32
        %get3A_909 = arith.index_cast %add3A_908 : i32 to index
        %get3A_910 = arith.constant 16 : index
        %get3A_911 = tpu.vector_load %arg8[%get3A_909, %get3A_910] {strides = array<i32>} : memref<80x128xf32, #tpu.memory_space<vmem>>, vector<16xf32>,
        %add3A_912 = arith.constant 8 : i32
        %add3A_913 = arith.addi %add3A_105, %add3A_912 : i32
        %get3A_914 = arith.index_cast %add3A_913 : i32 to index
        %get3A_915 = arith.constant 16 : index
        %get3A_916 = tpu.vector_load %arg9[%get3A_914, %get3A_915] {strides = array<i32>} : memref<80x128xf32, #tpu.memory_space<vmem>>, vector<16xf32>,
        %mul3A_917 = arith.mulf %get3A_911, %get3A_916 : vector<16xf32>
        %add3A_918 = arith.addf %mul3A_906, %mul3A_917 : vector<16xf32>
        %add3A_919 = arith.constant 8 : i32
        %add3A_920 = arith.addi %add3A_105, %add3A_919 : i32
        %get3A_921 = arith.index_cast %add3A_920 : i32 to index
        %get3A_922 = arith.constant 32 : index
        %get3A_923 = tpu.vector_load %arg8[%get3A_921, %get3A_922] {strides = array<i32>} : memref<80x128xf32, #tpu.memory_space<vmem>>, vector<16xf32>,
        %add3A_924 = arith.constant 8 : i32
        %add3A_925 = arith.addi %add3A_105, %add3A_924 : i32
        %get3A_926 = arith.index_cast %add3A_925 : i32 to index
        %get3A_927 = arith.constant 32 : index
        %get3A_928 = tpu.vector_load %arg9[%get3A_926, %get3A_927] {strides = array<i32>} : memref<80x128xf32, #tpu.memory_space<vmem>>, vector<16xf32>,
        %mul3A_929 = arith.mulf %get3A_923, %get3A_928 : vector<16xf32>
        %add3A_930 = arith.addf %add3A_918, %mul3A_929 : vector<16xf32>
        %add3A_931 = arith.constant 8 : i32
        %add3A_932 = arith.addi %add3A_105, %add3A_931 : i32
        %get3A_933 = arith.index_cast %add3A_932 : i32 to index
        %get3A_934 = arith.constant 48 : index
        %get3A_935 = tpu.vector_load %arg8[%get3A_933, %get3A_934] {strides = array<i32>} : memref<80x128xf32, #tpu.memory_space<vmem>>, vector<16xf32>,
        %add3A_936 = arith.constant 8 : i32
        %add3A_937 = arith.addi %add3A_105, %add3A_936 : i32
        %get3A_938 = arith.index_cast %add3A_937 : i32 to index
        %get3A_939 = arith.constant 48 : index
        %get3A_940 = tpu.vector_load %arg9[%get3A_938, %get3A_939] {strides = array<i32>} : memref<80x128xf32, #tpu.memory_space<vmem>>, vector<16xf32>,
        %mul3A_941 = arith.mulf %get3A_935, %get3A_940 : vector<16xf32>
        %add3A_942 = arith.addf %add3A_930, %mul3A_941 : vector<16xf32>
        %add3A_943 = arith.constant 8 : i32
        %add3A_944 = arith.addi %add3A_105, %add3A_943 : i32
        %get3A_945 = arith.index_cast %add3A_944 : i32 to index
        %get3A_946 = arith.constant 64 : index
        %get3A_947 = tpu.vector_load %arg8[%get3A_945, %get3A_946] {strides = array<i32>} : memref<80x128xf32, #tpu.memory_space<vmem>>, vector<16xf32>,
        %add3A_948 = arith.constant 8 : i32
        %add3A_949 = arith.addi %add3A_105, %add3A_948 : i32
        %get3A_950 = arith.index_cast %add3A_949 : i32 to index
        %get3A_951 = arith.constant 64 : index
        %get3A_952 = tpu.vector_load %arg9[%get3A_950, %get3A_951] {strides = array<i32>} : memref<80x128xf32, #tpu.memory_space<vmem>>, vector<16xf32>,
        %mul3A_953 = arith.mulf %get3A_947, %get3A_952 : vector<16xf32>
        %add3A_954 = arith.addf %add3A_942, %mul3A_953 : vector<16xf32>
        %add3A_955 = arith.constant 8 : i32
        %add3A_956 = arith.addi %add3A_105, %add3A_955 : i32
        %get3A_957 = arith.index_cast %add3A_956 : i32 to index
        %get3A_958 = arith.constant 80 : index
        %get3A_959 = tpu.vector_load %arg8[%get3A_957, %get3A_958] {strides = array<i32>} : memref<80x128xf32, #tpu.memory_space<vmem>>, vector<16xf32>,
        %add3A_960 = arith.constant 8 : i32
        %add3A_961 = arith.addi %add3A_105, %add3A_960 : i32
        %get3A_962 = arith.index_cast %add3A_961 : i32 to index
        %get3A_963 = arith.constant 80 : index
        %get3A_964 = tpu.vector_load %arg9[%get3A_962, %get3A_963] {strides = array<i32>} : memref<80x128xf32, #tpu.memory_space<vmem>>, vector<16xf32>,
        %mul3A_965 = arith.mulf %get3A_959, %get3A_964 : vector<16xf32>
        %add3A_966 = arith.addf %add3A_954, %mul3A_965 : vector<16xf32>
        %add3A_967 = arith.constant 8 : i32
        %add3A_968 = arith.addi %add3A_105, %add3A_967 : i32
        %get3A_969 = arith.index_cast %add3A_968 : i32 to index
        %get3A_970 = arith.constant 96 : index
        %get3A_971 = tpu.vector_load %arg8[%get3A_969, %get3A_970] {strides = array<i32>} : memref<80x128xf32, #tpu.memory_space<vmem>>, vector<16xf32>,
        %add3A_972 = arith.constant 8 : i32
        %add3A_973 = arith.addi %add3A_105, %add3A_972 : i32
        %get3A_974 = arith.index_cast %add3A_973 : i32 to index
        %get3A_975 = arith.constant 96 : index
        %get3A_976 = tpu.vector_load %arg9[%get3A_974, %get3A_975] {strides = array<i32>} : memref<80x128xf32, #tpu.memory_space<vmem>>, vector<16xf32>,
        %mul3A_977 = arith.mulf %get3A_971, %get3A_976 : vector<16xf32>
        %add3A_978 = arith.addf %add3A_966, %mul3A_977 : vector<16xf32>
        %add3A_979 = arith.constant 8 : i32
        %add3A_980 = arith.addi %add3A_105, %add3A_979 : i32
        %get3A_981 = arith.index_cast %add3A_980 : i32 to index
        %get3A_982 = arith.constant 112 : index
        %get3A_983 = tpu.vector_load %arg8[%get3A_981, %get3A_982] {strides = array<i32>} : memref<80x128xf32, #tpu.memory_space<vmem>>, vector<16xf32>,
        %add3A_984 = arith.constant 8 : i32
        %add3A_985 = arith.addi %add3A_105, %add3A_984 : i32
        %get3A_986 = arith.index_cast %add3A_985 : i32 to index
        %get3A_987 = arith.constant 112 : index
        %get3A_988 = tpu.vector_load %arg9[%get3A_986, %get3A_987] {strides = array<i32>} : memref<80x128xf32, #tpu.memory_space<vmem>>, vector<16xf32>,
        %mul3A_989 = arith.mulf %get3A_983, %get3A_988 : vector<16xf32>
        %add3A_990 = arith.addf %add3A_978, %mul3A_989 : vector<16xf32>
        %swap3A_991 = arith.constant 8 : i32
        %swap3A_992 = arith.index_cast %swap3A_991 : i32 to index
        %swap3A_993 = arith.constant 0 : index
        %swap3A_994 = tpu.vector_load %arg13[%swap3A_992, %swap3A_993] {strides = array<i32>} : memref<16x17xf32, #tpu.memory_space<vmem>>, vector<16xf32>,
        tpu.vector_store %arg13[%swap3A_992, %swap3A_993], %add3A_990 {strides = array<i32>} : memref<16x17xf32, #tpu.memory_space<vmem>>, vector<16xf32>,
        %add3A_995 = arith.constant 9 : i32
        %add3A_996 = arith.addi %add3A_105, %add3A_995 : i32
        %get3A_997 = arith.index_cast %add3A_996 : i32 to index
        %get3A_998 = arith.constant 0 : index
        %get3A_999 = tpu.vector_load %arg8[%get3A_997, %get3A_998] {strides = array<i32>} : memref<80x128xf32, #tpu.memory_space<vmem>>, vector<16xf32>,
        %add3A_1000 = arith.constant 9 : i32
        %add3A_1001 = arith.addi %add3A_105, %add3A_1000 : i32
        %get3A_1002 = arith.index_cast %add3A_1001 : i32 to index
        %get3A_1003 = arith.constant 0 : index
        %get3A_1004 = tpu.vector_load %arg9[%get3A_1002, %get3A_1003] {strides = array<i32>} : memref<80x128xf32, #tpu.memory_space<vmem>>, vector<16xf32>,
        %mul3A_1005 = arith.mulf %get3A_999, %get3A_1004 : vector<16xf32>
        %add3A_1006 = arith.constant 9 : i32
        %add3A_1007 = arith.addi %add3A_105, %add3A_1006 : i32
        %get3A_1008 = arith.index_cast %add3A_1007 : i32 to index
        %get3A_1009 = arith.constant 16 : index
        %get3A_1010 = tpu.vector_load %arg8[%get3A_1008, %get3A_1009] {strides = array<i32>} : memref<80x128xf32, #tpu.memory_space<vmem>>, vector<16xf32>,
        %add3A_1011 = arith.constant 9 : i32
        %add3A_1012 = arith.addi %add3A_105, %add3A_1011 : i32
        %get3A_1013 = arith.index_cast %add3A_1012 : i32 to index
        %get3A_1014 = arith.constant 16 : index
        %get3A_1015 = tpu.vector_load %arg9[%get3A_1013, %get3A_1014] {strides = array<i32>} : memref<80x128xf32, #tpu.memory_space<vmem>>, vector<16xf32>,
        %mul3A_1016 = arith.mulf %get3A_1010, %get3A_1015 : vector<16xf32>
        %add3A_1017 = arith.addf %mul3A_1005, %mul3A_1016 : vector<16xf32>
        %add3A_1018 = arith.constant 9 : i32
        %add3A_1019 = arith.addi %add3A_105, %add3A_1018 : i32
        %get3A_1020 = arith.index_cast %add3A_1019 : i32 to index
        %get3A_1021 = arith.constant 32 : index
        %get3A_1022 = tpu.vector_load %arg8[%get3A_1020, %get3A_1021] {strides = array<i32>} : memref<80x128xf32, #tpu.memory_space<vmem>>, vector<16xf32>,
        %add3A_1023 = arith.constant 9 : i32
        %add3A_1024 = arith.addi %add3A_105, %add3A_1023 : i32
        %get3A_1025 = arith.index_cast %add3A_1024 : i32 to index
        %get3A_1026 = arith.constant 32 : index
        %get3A_1027 = tpu.vector_load %arg9[%get3A_1025, %get3A_1026] {strides = array<i32>} : memref<80x128xf32, #tpu.memory_space<vmem>>, vector<16xf32>,
        %mul3A_1028 = arith.mulf %get3A_1022, %get3A_1027 : vector<16xf32>
        %add3A_1029 = arith.addf %add3A_1017, %mul3A_1028 : vector<16xf32>
        %add3A_1030 = arith.constant 9 : i32
        %add3A_1031 = arith.addi %add3A_105, %add3A_1030 : i32
        %get3A_1032 = arith.index_cast %add3A_1031 : i32 to index
        %get3A_1033 = arith.constant 48 : index
        %get3A_1034 = tpu.vector_load %arg8[%get3A_1032, %get3A_1033] {strides = array<i32>} : memref<80x128xf32, #tpu.memory_space<vmem>>, vector<16xf32>,
        %add3A_1035 = arith.constant 9 : i32
        %add3A_1036 = arith.addi %add3A_105, %add3A_1035 : i32
        %get3A_1037 = arith.index_cast %add3A_1036 : i32 to index
        %get3A_1038 = arith.constant 48 : index
        %get3A_1039 = tpu.vector_load %arg9[%get3A_1037, %get3A_1038] {strides = array<i32>} : memref<80x128xf32, #tpu.memory_space<vmem>>, vector<16xf32>,
        %mul3A_1040 = arith.mulf %get3A_1034, %get3A_1039 : vector<16xf32>
        %add3A_1041 = arith.addf %add3A_1029, %mul3A_1040 : vector<16xf32>
        %add3A_1042 = arith.constant 9 : i32
        %add3A_1043 = arith.addi %add3A_105, %add3A_1042 : i32
        %get3A_1044 = arith.index_cast %add3A_1043 : i32 to index
        %get3A_1045 = arith.constant 64 : index
        %get3A_1046 = tpu.vector_load %arg8[%get3A_1044, %get3A_1045] {strides = array<i32>} : memref<80x128xf32, #tpu.memory_space<vmem>>, vector<16xf32>,
        %add3A_1047 = arith.constant 9 : i32
        %add3A_1048 = arith.addi %add3A_105, %add3A_1047 : i32
        %get3A_1049 = arith.index_cast %add3A_1048 : i32 to index
        %get3A_1050 = arith.constant 64 : index
        %get3A_1051 = tpu.vector_load %arg9[%get3A_1049, %get3A_1050] {strides = array<i32>} : memref<80x128xf32, #tpu.memory_space<vmem>>, vector<16xf32>,
        %mul3A_1052 = arith.mulf %get3A_1046, %get3A_1051 : vector<16xf32>
        %add3A_1053 = arith.addf %add3A_1041, %mul3A_1052 : vector<16xf32>
        %add3A_1054 = arith.constant 9 : i32
        %add3A_1055 = arith.addi %add3A_105, %add3A_1054 : i32
        %get3A_1056 = arith.index_cast %add3A_1055 : i32 to index
        %get3A_1057 = arith.constant 80 : index
        %get3A_1058 = tpu.vector_load %arg8[%get3A_1056, %get3A_1057] {strides = array<i32>} : memref<80x128xf32, #tpu.memory_space<vmem>>, vector<16xf32>,
        %add3A_1059 = arith.constant 9 : i32
        %add3A_1060 = arith.addi %add3A_105, %add3A_1059 : i32
        %get3A_1061 = arith.index_cast %add3A_1060 : i32 to index
        %get3A_1062 = arith.constant 80 : index
        %get3A_1063 = tpu.vector_load %arg9[%get3A_1061, %get3A_1062] {strides = array<i32>} : memref<80x128xf32, #tpu.memory_space<vmem>>, vector<16xf32>,
        %mul3A_1064 = arith.mulf %get3A_1058, %get3A_1063 : vector<16xf32>
        %add3A_1065 = arith.addf %add3A_1053, %mul3A_1064 : vector<16xf32>
        %add3A_1066 = arith.constant 9 : i32
        %add3A_1067 = arith.addi %add3A_105, %add3A_1066 : i32
        %get3A_1068 = arith.index_cast %add3A_1067 : i32 to index
        %get3A_1069 = arith.constant 96 : index
        %get3A_1070 = tpu.vector_load %arg8[%get3A_1068, %get3A_1069] {strides = array<i32>} : memref<80x128xf32, #tpu.memory_space<vmem>>, vector<16xf32>,
        %add3A_1071 = arith.constant 9 : i32
        %add3A_1072 = arith.addi %add3A_105, %add3A_1071 : i32
        %get3A_1073 = arith.index_cast %add3A_1072 : i32 to index
        %get3A_1074 = arith.constant 96 : index
        %get3A_1075 = tpu.vector_load %arg9[%get3A_1073, %get3A_1074] {strides = array<i32>} : memref<80x128xf32, #tpu.memory_space<vmem>>, vector<16xf32>,
        %mul3A_1076 = arith.mulf %get3A_1070, %get3A_1075 : vector<16xf32>
        %add3A_1077 = arith.addf %add3A_1065, %mul3A_1076 : vector<16xf32>
        %add3A_1078 = arith.constant 9 : i32
        %add3A_1079 = arith.addi %add3A_105, %add3A_1078 : i32
        %get3A_1080 = arith.index_cast %add3A_1079 : i32 to index
        %get3A_1081 = arith.constant 112 : index
        %get3A_1082 = tpu.vector_load %arg8[%get3A_1080, %get3A_1081] {strides = array<i32>} : memref<80x128xf32, #tpu.memory_space<vmem>>, vector<16xf32>,
        %add3A_1083 = arith.constant 9 : i32
        %add3A_1084 = arith.addi %add3A_105, %add3A_1083 : i32
        %get3A_1085 = arith.index_cast %add3A_1084 : i32 to index
        %get3A_1086 = arith.constant 112 : index
        %get3A_1087 = tpu.vector_load %arg9[%get3A_1085, %get3A_1086] {strides = array<i32>} : memref<80x128xf32, #tpu.memory_space<vmem>>, vector<16xf32>,
        %mul3A_1088 = arith.mulf %get3A_1082, %get3A_1087 : vector<16xf32>
        %add3A_1089 = arith.addf %add3A_1077, %mul3A_1088 : vector<16xf32>
        %swap3A_1090 = arith.constant 9 : i32
        %swap3A_1091 = arith.index_cast %swap3A_1090 : i32 to index
        %swap3A_1092 = arith.constant 0 : index
        %swap3A_1093 = tpu.vector_load %arg13[%swap3A_1091, %swap3A_1092] {strides = array<i32>} : memref<16x17xf32, #tpu.memory_space<vmem>>, vector<16xf32>,
        tpu.vector_store %arg13[%swap3A_1091, %swap3A_1092], %add3A_1089 {strides = array<i32>} : memref<16x17xf32, #tpu.memory_space<vmem>>, vector<16xf32>,
        %add3A_1094 = arith.constant 10 : i32
        %add3A_1095 = arith.addi %add3A_105, %add3A_1094 : i32
        %get3A_1096 = arith.index_cast %add3A_1095 : i32 to index
        %get3A_1097 = arith.constant 0 : index
        %get3A_1098 = tpu.vector_load %arg8[%get3A_1096, %get3A_1097] {strides = array<i32>} : memref<80x128xf32, #tpu.memory_space<vmem>>, vector<16xf32>,
        %add3A_1099 = arith.constant 10 : i32
        %add3A_1100 = arith.addi %add3A_105, %add3A_1099 : i32
        %get3A_1101 = arith.index_cast %add3A_1100 : i32 to index
        %get3A_1102 = arith.constant 0 : index
        %get3A_1103 = tpu.vector_load %arg9[%get3A_1101, %get3A_1102] {strides = array<i32>} : memref<80x128xf32, #tpu.memory_space<vmem>>, vector<16xf32>,
        %mul3A_1104 = arith.mulf %get3A_1098, %get3A_1103 : vector<16xf32>
        %add3A_1105 = arith.constant 10 : i32
        %add3A_1106 = arith.addi %add3A_105, %add3A_1105 : i32
        %get3A_1107 = arith.index_cast %add3A_1106 : i32 to index
        %get3A_1108 = arith.constant 16 : index
        %get3A_1109 = tpu.vector_load %arg8[%get3A_1107, %get3A_1108] {strides = array<i32>} : memref<80x128xf32, #tpu.memory_space<vmem>>, vector<16xf32>,
        %add3A_1110 = arith.constant 10 : i32
        %add3A_1111 = arith.addi %add3A_105, %add3A_1110 : i32
        %get3A_1112 = arith.index_cast %add3A_1111 : i32 to index
        %get3A_1113 = arith.constant 16 : index
        %get3A_1114 = tpu.vector_load %arg9[%get3A_1112, %get3A_1113] {strides = array<i32>} : memref<80x128xf32, #tpu.memory_space<vmem>>, vector<16xf32>,
        %mul3A_1115 = arith.mulf %get3A_1109, %get3A_1114 : vector<16xf32>
        %add3A_1116 = arith.addf %mul3A_1104, %mul3A_1115 : vector<16xf32>
        %add3A_1117 = arith.constant 10 : i32
        %add3A_1118 = arith.addi %add3A_105, %add3A_1117 : i32
        %get3A_1119 = arith.index_cast %add3A_1118 : i32 to index
        %get3A_1120 = arith.constant 32 : index
        %get3A_1121 = tpu.vector_load %arg8[%get3A_1119, %get3A_1120] {strides = array<i32>} : memref<80x128xf32, #tpu.memory_space<vmem>>, vector<16xf32>,
        %add3A_1122 = arith.constant 10 : i32
        %add3A_1123 = arith.addi %add3A_105, %add3A_1122 : i32
        %get3A_1124 = arith.index_cast %add3A_1123 : i32 to index
        %get3A_1125 = arith.constant 32 : index
        %get3A_1126 = tpu.vector_load %arg9[%get3A_1124, %get3A_1125] {strides = array<i32>} : memref<80x128xf32, #tpu.memory_space<vmem>>, vector<16xf32>,
        %mul3A_1127 = arith.mulf %get3A_1121, %get3A_1126 : vector<16xf32>
        %add3A_1128 = arith.addf %add3A_1116, %mul3A_1127 : vector<16xf32>
        %add3A_1129 = arith.constant 10 : i32
        %add3A_1130 = arith.addi %add3A_105, %add3A_1129 : i32
        %get3A_1131 = arith.index_cast %add3A_1130 : i32 to index
        %get3A_1132 = arith.constant 48 : index
        %get3A_1133 = tpu.vector_load %arg8[%get3A_1131, %get3A_1132] {strides = array<i32>} : memref<80x128xf32, #tpu.memory_space<vmem>>, vector<16xf32>,
        %add3A_1134 = arith.constant 10 : i32
        %add3A_1135 = arith.addi %add3A_105, %add3A_1134 : i32
        %get3A_1136 = arith.index_cast %add3A_1135 : i32 to index
        %get3A_1137 = arith.constant 48 : index
        %get3A_1138 = tpu.vector_load %arg9[%get3A_1136, %get3A_1137] {strides = array<i32>} : memref<80x128xf32, #tpu.memory_space<vmem>>, vector<16xf32>,
        %mul3A_1139 = arith.mulf %get3A_1133, %get3A_1138 : vector<16xf32>
        %add3A_1140 = arith.addf %add3A_1128, %mul3A_1139 : vector<16xf32>
        %add3A_1141 = arith.constant 10 : i32
        %add3A_1142 = arith.addi %add3A_105, %add3A_1141 : i32
        %get3A_1143 = arith.index_cast %add3A_1142 : i32 to index
        %get3A_1144 = arith.constant 64 : index
        %get3A_1145 = tpu.vector_load %arg8[%get3A_1143, %get3A_1144] {strides = array<i32>} : memref<80x128xf32, #tpu.memory_space<vmem>>, vector<16xf32>,
        %add3A_1146 = arith.constant 10 : i32
        %add3A_1147 = arith.addi %add3A_105, %add3A_1146 : i32
        %get3A_1148 = arith.index_cast %add3A_1147 : i32 to index
        %get3A_1149 = arith.constant 64 : index
        %get3A_1150 = tpu.vector_load %arg9[%get3A_1148, %get3A_1149] {strides = array<i32>} : memref<80x128xf32, #tpu.memory_space<vmem>>, vector<16xf32>,
        %mul3A_1151 = arith.mulf %get3A_1145, %get3A_1150 : vector<16xf32>
        %add3A_1152 = arith.addf %add3A_1140, %mul3A_1151 : vector<16xf32>
        %add3A_1153 = arith.constant 10 : i32
        %add3A_1154 = arith.addi %add3A_105, %add3A_1153 : i32
        %get3A_1155 = arith.index_cast %add3A_1154 : i32 to index
        %get3A_1156 = arith.constant 80 : index
        %get3A_1157 = tpu.vector_load %arg8[%get3A_1155, %get3A_1156] {strides = array<i32>} : memref<80x128xf32, #tpu.memory_space<vmem>>, vector<16xf32>,
        %add3A_1158 = arith.constant 10 : i32
        %add3A_1159 = arith.addi %add3A_105, %add3A_1158 : i32
        %get3A_1160 = arith.index_cast %add3A_1159 : i32 to index
        %get3A_1161 = arith.constant 80 : index
        %get3A_1162 = tpu.vector_load %arg9[%get3A_1160, %get3A_1161] {strides = array<i32>} : memref<80x128xf32, #tpu.memory_space<vmem>>, vector<16xf32>,
        %mul3A_1163 = arith.mulf %get3A_1157, %get3A_1162 : vector<16xf32>
        %add3A_1164 = arith.addf %add3A_1152, %mul3A_1163 : vector<16xf32>
        %add3A_1165 = arith.constant 10 : i32
        %add3A_1166 = arith.addi %add3A_105, %add3A_1165 : i32
        %get3A_1167 = arith.index_cast %add3A_1166 : i32 to index
        %get3A_1168 = arith.constant 96 : index
        %get3A_1169 = tpu.vector_load %arg8[%get3A_1167, %get3A_1168] {strides = array<i32>} : memref<80x128xf32, #tpu.memory_space<vmem>>, vector<16xf32>,
        %add3A_1170 = arith.constant 10 : i32
        %add3A_1171 = arith.addi %add3A_105, %add3A_1170 : i32
        %get3A_1172 = arith.index_cast %add3A_1171 : i32 to index
        %get3A_1173 = arith.constant 96 : index
        %get3A_1174 = tpu.vector_load %arg9[%get3A_1172, %get3A_1173] {strides = array<i32>} : memref<80x128xf32, #tpu.memory_space<vmem>>, vector<16xf32>,
        %mul3A_1175 = arith.mulf %get3A_1169, %get3A_1174 : vector<16xf32>
        %add3A_1176 = arith.addf %add3A_1164, %mul3A_1175 : vector<16xf32>
        %add3A_1177 = arith.constant 10 : i32
        %add3A_1178 = arith.addi %add3A_105, %add3A_1177 : i32
        %get3A_1179 = arith.index_cast %add3A_1178 : i32 to index
        %get3A_1180 = arith.constant 112 : index
        %get3A_1181 = tpu.vector_load %arg8[%get3A_1179, %get3A_1180] {strides = array<i32>} : memref<80x128xf32, #tpu.memory_space<vmem>>, vector<16xf32>,
        %add3A_1182 = arith.constant 10 : i32
        %add3A_1183 = arith.addi %add3A_105, %add3A_1182 : i32
        %get3A_1184 = arith.index_cast %add3A_1183 : i32 to index
        %get3A_1185 = arith.constant 112 : index
        %get3A_1186 = tpu.vector_load %arg9[%get3A_1184, %get3A_1185] {strides = array<i32>} : memref<80x128xf32, #tpu.memory_space<vmem>>, vector<16xf32>,
        %mul3A_1187 = arith.mulf %get3A_1181, %get3A_1186 : vector<16xf32>
        %add3A_1188 = arith.addf %add3A_1176, %mul3A_1187 : vector<16xf32>
        %swap3A_1189 = arith.constant 10 : i32
        %swap3A_1190 = arith.index_cast %swap3A_1189 : i32 to index
        %swap3A_1191 = arith.constant 0 : index
        %swap3A_1192 = tpu.vector_load %arg13[%swap3A_1190, %swap3A_1191] {strides = array<i32>} : memref<16x17xf32, #tpu.memory_space<vmem>>, vector<16xf32>,
        tpu.vector_store %arg13[%swap3A_1190, %swap3A_1191], %add3A_1188 {strides = array<i32>} : memref<16x17xf32, #tpu.memory_space<vmem>>, vector<16xf32>,
        %add3A_1193 = arith.constant 11 : i32
        %add3A_1194 = arith.addi %add3A_105, %add3A_1193 : i32
        %get3A_1195 = arith.index_cast %add3A_1194 : i32 to index
        %get3A_1196 = arith.constant 0 : index
        %get3A_1197 = tpu.vector_load %arg8[%get3A_1195, %get3A_1196] {strides = array<i32>} : memref<80x128xf32, #tpu.memory_space<vmem>>, vector<16xf32>,
        %add3A_1198 = arith.constant 11 : i32
        %add3A_1199 = arith.addi %add3A_105, %add3A_1198 : i32
        %get3A_1200 = arith.index_cast %add3A_1199 : i32 to index
        %get3A_1201 = arith.constant 0 : index
        %get3A_1202 = tpu.vector_load %arg9[%get3A_1200, %get3A_1201] {strides = array<i32>} : memref<80x128xf32, #tpu.memory_space<vmem>>, vector<16xf32>,
        %mul3A_1203 = arith.mulf %get3A_1197, %get3A_1202 : vector<16xf32>
        %add3A_1204 = arith.constant 11 : i32
        %add3A_1205 = arith.addi %add3A_105, %add3A_1204 : i32
        %get3A_1206 = arith.index_cast %add3A_1205 : i32 to index
        %get3A_1207 = arith.constant 16 : index
        %get3A_1208 = tpu.vector_load %arg8[%get3A_1206, %get3A_1207] {strides = array<i32>} : memref<80x128xf32, #tpu.memory_space<vmem>>, vector<16xf32>,
        %add3A_1209 = arith.constant 11 : i32
        %add3A_1210 = arith.addi %add3A_105, %add3A_1209 : i32
        %get3A_1211 = arith.index_cast %add3A_1210 : i32 to index
        %get3A_1212 = arith.constant 16 : index
        %get3A_1213 = tpu.vector_load %arg9[%get3A_1211, %get3A_1212] {strides = array<i32>} : memref<80x128xf32, #tpu.memory_space<vmem>>, vector<16xf32>,
        %mul3A_1214 = arith.mulf %get3A_1208, %get3A_1213 : vector<16xf32>
        %add3A_1215 = arith.addf %mul3A_1203, %mul3A_1214 : vector<16xf32>
        %add3A_1216 = arith.constant 11 : i32
        %add3A_1217 = arith.addi %add3A_105, %add3A_1216 : i32
        %get3A_1218 = arith.index_cast %add3A_1217 : i32 to index
        %get3A_1219 = arith.constant 32 : index
        %get3A_1220 = tpu.vector_load %arg8[%get3A_1218, %get3A_1219] {strides = array<i32>} : memref<80x128xf32, #tpu.memory_space<vmem>>, vector<16xf32>,
        %add3A_1221 = arith.constant 11 : i32
        %add3A_1222 = arith.addi %add3A_105, %add3A_1221 : i32
        %get3A_1223 = arith.index_cast %add3A_1222 : i32 to index
        %get3A_1224 = arith.constant 32 : index
        %get3A_1225 = tpu.vector_load %arg9[%get3A_1223, %get3A_1224] {strides = array<i32>} : memref<80x128xf32, #tpu.memory_space<vmem>>, vector<16xf32>,
        %mul3A_1226 = arith.mulf %get3A_1220, %get3A_1225 : vector<16xf32>
        %add3A_1227 = arith.addf %add3A_1215, %mul3A_1226 : vector<16xf32>
        %add3A_1228 = arith.constant 11 : i32
        %add3A_1229 = arith.addi %add3A_105, %add3A_1228 : i32
        %get3A_1230 = arith.index_cast %add3A_1229 : i32 to index
        %get3A_1231 = arith.constant 48 : index
        %get3A_1232 = tpu.vector_load %arg8[%get3A_1230, %get3A_1231] {strides = array<i32>} : memref<80x128xf32, #tpu.memory_space<vmem>>, vector<16xf32>,
        %add3A_1233 = arith.constant 11 : i32
        %add3A_1234 = arith.addi %add3A_105, %add3A_1233 : i32
        %get3A_1235 = arith.index_cast %add3A_1234 : i32 to index
        %get3A_1236 = arith.constant 48 : index
        %get3A_1237 = tpu.vector_load %arg9[%get3A_1235, %get3A_1236] {strides = array<i32>} : memref<80x128xf32, #tpu.memory_space<vmem>>, vector<16xf32>,
        %mul3A_1238 = arith.mulf %get3A_1232, %get3A_1237 : vector<16xf32>
        %add3A_1239 = arith.addf %add3A_1227, %mul3A_1238 : vector<16xf32>
        %add3A_1240 = arith.constant 11 : i32
        %add3A_1241 = arith.addi %add3A_105, %add3A_1240 : i32
        %get3A_1242 = arith.index_cast %add3A_1241 : i32 to index
        %get3A_1243 = arith.constant 64 : index
        %get3A_1244 = tpu.vector_load %arg8[%get3A_1242, %get3A_1243] {strides = array<i32>} : memref<80x128xf32, #tpu.memory_space<vmem>>, vector<16xf32>,
        %add3A_1245 = arith.constant 11 : i32
        %add3A_1246 = arith.addi %add3A_105, %add3A_1245 : i32
        %get3A_1247 = arith.index_cast %add3A_1246 : i32 to index
        %get3A_1248 = arith.constant 64 : index
        %get3A_1249 = tpu.vector_load %arg9[%get3A_1247, %get3A_1248] {strides = array<i32>} : memref<80x128xf32, #tpu.memory_space<vmem>>, vector<16xf32>,
        %mul3A_1250 = arith.mulf %get3A_1244, %get3A_1249 : vector<16xf32>
        %add3A_1251 = arith.addf %add3A_1239, %mul3A_1250 : vector<16xf32>
        %add3A_1252 = arith.constant 11 : i32
        %add3A_1253 = arith.addi %add3A_105, %add3A_1252 : i32
        %get3A_1254 = arith.index_cast %add3A_1253 : i32 to index
        %get3A_1255 = arith.constant 80 : index
        %get3A_1256 = tpu.vector_load %arg8[%get3A_1254, %get3A_1255] {strides = array<i32>} : memref<80x128xf32, #tpu.memory_space<vmem>>, vector<16xf32>,
        %add3A_1257 = arith.constant 11 : i32
        %add3A_1258 = arith.addi %add3A_105, %add3A_1257 : i32
        %get3A_1259 = arith.index_cast %add3A_1258 : i32 to index
        %get3A_1260 = arith.constant 80 : index
        %get3A_1261 = tpu.vector_load %arg9[%get3A_1259, %get3A_1260] {strides = array<i32>} : memref<80x128xf32, #tpu.memory_space<vmem>>, vector<16xf32>,
        %mul3A_1262 = arith.mulf %get3A_1256, %get3A_1261 : vector<16xf32>
        %add3A_1263 = arith.addf %add3A_1251, %mul3A_1262 : vector<16xf32>
        %add3A_1264 = arith.constant 11 : i32
        %add3A_1265 = arith.addi %add3A_105, %add3A_1264 : i32
        %get3A_1266 = arith.index_cast %add3A_1265 : i32 to index
        %get3A_1267 = arith.constant 96 : index
        %get3A_1268 = tpu.vector_load %arg8[%get3A_1266, %get3A_1267] {strides = array<i32>} : memref<80x128xf32, #tpu.memory_space<vmem>>, vector<16xf32>,
        %add3A_1269 = arith.constant 11 : i32
        %add3A_1270 = arith.addi %add3A_105, %add3A_1269 : i32
        %get3A_1271 = arith.index_cast %add3A_1270 : i32 to index
        %get3A_1272 = arith.constant 96 : index
        %get3A_1273 = tpu.vector_load %arg9[%get3A_1271, %get3A_1272] {strides = array<i32>} : memref<80x128xf32, #tpu.memory_space<vmem>>, vector<16xf32>,
        %mul3A_1274 = arith.mulf %get3A_1268, %get3A_1273 : vector<16xf32>
        %add3A_1275 = arith.addf %add3A_1263, %mul3A_1274 : vector<16xf32>
        %add3A_1276 = arith.constant 11 : i32
        %add3A_1277 = arith.addi %add3A_105, %add3A_1276 : i32
        %get3A_1278 = arith.index_cast %add3A_1277 : i32 to index
        %get3A_1279 = arith.constant 112 : index
        %get3A_1280 = tpu.vector_load %arg8[%get3A_1278, %get3A_1279] {strides = array<i32>} : memref<80x128xf32, #tpu.memory_space<vmem>>, vector<16xf32>,
        %add3A_1281 = arith.constant 11 : i32
        %add3A_1282 = arith.addi %add3A_105, %add3A_1281 : i32
        %get3A_1283 = arith.index_cast %add3A_1282 : i32 to index
        %get3A_1284 = arith.constant 112 : index
        %get3A_1285 = tpu.vector_load %arg9[%get3A_1283, %get3A_1284] {strides = array<i32>} : memref<80x128xf32, #tpu.memory_space<vmem>>, vector<16xf32>,
        %mul3A_1286 = arith.mulf %get3A_1280, %get3A_1285 : vector<16xf32>
        %add3A_1287 = arith.addf %add3A_1275, %mul3A_1286 : vector<16xf32>
        %swap3A_1288 = arith.constant 11 : i32
        %swap3A_1289 = arith.index_cast %swap3A_1288 : i32 to index
        %swap3A_1290 = arith.constant 0 : index
        %swap3A_1291 = tpu.vector_load %arg13[%swap3A_1289, %swap3A_1290] {strides = array<i32>} : memref<16x17xf32, #tpu.memory_space<vmem>>, vector<16xf32>,
        tpu.vector_store %arg13[%swap3A_1289, %swap3A_1290], %add3A_1287 {strides = array<i32>} : memref<16x17xf32, #tpu.memory_space<vmem>>, vector<16xf32>,
        %add3A_1292 = arith.constant 12 : i32
        %add3A_1293 = arith.addi %add3A_105, %add3A_1292 : i32
        %get3A_1294 = arith.index_cast %add3A_1293 : i32 to index
        %get3A_1295 = arith.constant 0 : index
        %get3A_1296 = tpu.vector_load %arg8[%get3A_1294, %get3A_1295] {strides = array<i32>} : memref<80x128xf32, #tpu.memory_space<vmem>>, vector<16xf32>,
        %add3A_1297 = arith.constant 12 : i32
        %add3A_1298 = arith.addi %add3A_105, %add3A_1297 : i32
        %get3A_1299 = arith.index_cast %add3A_1298 : i32 to index
        %get3A_1300 = arith.constant 0 : index
        %get3A_1301 = tpu.vector_load %arg9[%get3A_1299, %get3A_1300] {strides = array<i32>} : memref<80x128xf32, #tpu.memory_space<vmem>>, vector<16xf32>,
        %mul3A_1302 = arith.mulf %get3A_1296, %get3A_1301 : vector<16xf32>
        %add3A_1303 = arith.constant 12 : i32
        %add3A_1304 = arith.addi %add3A_105, %add3A_1303 : i32
        %get3A_1305 = arith.index_cast %add3A_1304 : i32 to index
        %get3A_1306 = arith.constant 16 : index
        %get3A_1307 = tpu.vector_load %arg8[%get3A_1305, %get3A_1306] {strides = array<i32>} : memref<80x128xf32, #tpu.memory_space<vmem>>, vector<16xf32>,
        %add3A_1308 = arith.constant 12 : i32
        %add3A_1309 = arith.addi %add3A_105, %add3A_1308 : i32
        %get3A_1310 = arith.index_cast %add3A_1309 : i32 to index
        %get3A_1311 = arith.constant 16 : index
        %get3A_1312 = tpu.vector_load %arg9[%get3A_1310, %get3A_1311] {strides = array<i32>} : memref<80x128xf32, #tpu.memory_space<vmem>>, vector<16xf32>,
        %mul3A_1313 = arith.mulf %get3A_1307, %get3A_1312 : vector<16xf32>
        %add3A_1314 = arith.addf %mul3A_1302, %mul3A_1313 : vector<16xf32>
        %add3A_1315 = arith.constant 12 : i32
        %add3A_1316 = arith.addi %add3A_105, %add3A_1315 : i32
        %get3A_1317 = arith.index_cast %add3A_1316 : i32 to index
        %get3A_1318 = arith.constant 32 : index
        %get3A_1319 = tpu.vector_load %arg8[%get3A_1317, %get3A_1318] {strides = array<i32>} : memref<80x128xf32, #tpu.memory_space<vmem>>, vector<16xf32>,
        %add3A_1320 = arith.constant 12 : i32
        %add3A_1321 = arith.addi %add3A_105, %add3A_1320 : i32
        %get3A_1322 = arith.index_cast %add3A_1321 : i32 to index
        %get3A_1323 = arith.constant 32 : index
        %get3A_1324 = tpu.vector_load %arg9[%get3A_1322, %get3A_1323] {strides = array<i32>} : memref<80x128xf32, #tpu.memory_space<vmem>>, vector<16xf32>,
        %mul3A_1325 = arith.mulf %get3A_1319, %get3A_1324 : vector<16xf32>
        %add3A_1326 = arith.addf %add3A_1314, %mul3A_1325 : vector<16xf32>
        %add3A_1327 = arith.constant 12 : i32
        %add3A_1328 = arith.addi %add3A_105, %add3A_1327 : i32
        %get3A_1329 = arith.index_cast %add3A_1328 : i32 to index
        %get3A_1330 = arith.constant 48 : index
        %get3A_1331 = tpu.vector_load %arg8[%get3A_1329, %get3A_1330] {strides = array<i32>} : memref<80x128xf32, #tpu.memory_space<vmem>>, vector<16xf32>,
        %add3A_1332 = arith.constant 12 : i32
        %add3A_1333 = arith.addi %add3A_105, %add3A_1332 : i32
        %get3A_1334 = arith.index_cast %add3A_1333 : i32 to index
        %get3A_1335 = arith.constant 48 : index
        %get3A_1336 = tpu.vector_load %arg9[%get3A_1334, %get3A_1335] {strides = array<i32>} : memref<80x128xf32, #tpu.memory_space<vmem>>, vector<16xf32>,
        %mul3A_1337 = arith.mulf %get3A_1331, %get3A_1336 : vector<16xf32>
        %add3A_1338 = arith.addf %add3A_1326, %mul3A_1337 : vector<16xf32>
        %add3A_1339 = arith.constant 12 : i32
        %add3A_1340 = arith.addi %add3A_105, %add3A_1339 : i32
        %get3A_1341 = arith.index_cast %add3A_1340 : i32 to index
        %get3A_1342 = arith.constant 64 : index
        %get3A_1343 = tpu.vector_load %arg8[%get3A_1341, %get3A_1342] {strides = array<i32>} : memref<80x128xf32, #tpu.memory_space<vmem>>, vector<16xf32>,
        %add3A_1344 = arith.constant 12 : i32
        %add3A_1345 = arith.addi %add3A_105, %add3A_1344 : i32
        %get3A_1346 = arith.index_cast %add3A_1345 : i32 to index
        %get3A_1347 = arith.constant 64 : index
        %get3A_1348 = tpu.vector_load %arg9[%get3A_1346, %get3A_1347] {strides = array<i32>} : memref<80x128xf32, #tpu.memory_space<vmem>>, vector<16xf32>,
        %mul3A_1349 = arith.mulf %get3A_1343, %get3A_1348 : vector<16xf32>
        %add3A_1350 = arith.addf %add3A_1338, %mul3A_1349 : vector<16xf32>
        %add3A_1351 = arith.constant 12 : i32
        %add3A_1352 = arith.addi %add3A_105, %add3A_1351 : i32
        %get3A_1353 = arith.index_cast %add3A_1352 : i32 to index
        %get3A_1354 = arith.constant 80 : index
        %get3A_1355 = tpu.vector_load %arg8[%get3A_1353, %get3A_1354] {strides = array<i32>} : memref<80x128xf32, #tpu.memory_space<vmem>>, vector<16xf32>,
        %add3A_1356 = arith.constant 12 : i32
        %add3A_1357 = arith.addi %add3A_105, %add3A_1356 : i32
        %get3A_1358 = arith.index_cast %add3A_1357 : i32 to index
        %get3A_1359 = arith.constant 80 : index
        %get3A_1360 = tpu.vector_load %arg9[%get3A_1358, %get3A_1359] {strides = array<i32>} : memref<80x128xf32, #tpu.memory_space<vmem>>, vector<16xf32>,
        %mul3A_1361 = arith.mulf %get3A_1355, %get3A_1360 : vector<16xf32>
        %add3A_1362 = arith.addf %add3A_1350, %mul3A_1361 : vector<16xf32>
        %add3A_1363 = arith.constant 12 : i32
        %add3A_1364 = arith.addi %add3A_105, %add3A_1363 : i32
        %get3A_1365 = arith.index_cast %add3A_1364 : i32 to index
        %get3A_1366 = arith.constant 96 : index
        %get3A_1367 = tpu.vector_load %arg8[%get3A_1365, %get3A_1366] {strides = array<i32>} : memref<80x128xf32, #tpu.memory_space<vmem>>, vector<16xf32>,
        %add3A_1368 = arith.constant 12 : i32
        %add3A_1369 = arith.addi %add3A_105, %add3A_1368 : i32
        %get3A_1370 = arith.index_cast %add3A_1369 : i32 to index
        %get3A_1371 = arith.constant 96 : index
        %get3A_1372 = tpu.vector_load %arg9[%get3A_1370, %get3A_1371] {strides = array<i32>} : memref<80x128xf32, #tpu.memory_space<vmem>>, vector<16xf32>,
        %mul3A_1373 = arith.mulf %get3A_1367, %get3A_1372 : vector<16xf32>
        %add3A_1374 = arith.addf %add3A_1362, %mul3A_1373 : vector<16xf32>
        %add3A_1375 = arith.constant 12 : i32
        %add3A_1376 = arith.addi %add3A_105, %add3A_1375 : i32
        %get3A_1377 = arith.index_cast %add3A_1376 : i32 to index
        %get3A_1378 = arith.constant 112 : index
        %get3A_1379 = tpu.vector_load %arg8[%get3A_1377, %get3A_1378] {strides = array<i32>} : memref<80x128xf32, #tpu.memory_space<vmem>>, vector<16xf32>,
        %add3A_1380 = arith.constant 12 : i32
        %add3A_1381 = arith.addi %add3A_105, %add3A_1380 : i32
        %get3A_1382 = arith.index_cast %add3A_1381 : i32 to index
        %get3A_1383 = arith.constant 112 : index
        %get3A_1384 = tpu.vector_load %arg9[%get3A_1382, %get3A_1383] {strides = array<i32>} : memref<80x128xf32, #tpu.memory_space<vmem>>, vector<16xf32>,
        %mul3A_1385 = arith.mulf %get3A_1379, %get3A_1384 : vector<16xf32>
        %add3A_1386 = arith.addf %add3A_1374, %mul3A_1385 : vector<16xf32>
        %swap3A_1387 = arith.constant 12 : i32
        %swap3A_1388 = arith.index_cast %swap3A_1387 : i32 to index
        %swap3A_1389 = arith.constant 0 : index
        %swap3A_1390 = tpu.vector_load %arg13[%swap3A_1388, %swap3A_1389] {strides = array<i32>} : memref<16x17xf32, #tpu.memory_space<vmem>>, vector<16xf32>,
        tpu.vector_store %arg13[%swap3A_1388, %swap3A_1389], %add3A_1386 {strides = array<i32>} : memref<16x17xf32, #tpu.memory_space<vmem>>, vector<16xf32>,
        %add3A_1391 = arith.constant 13 : i32
        %add3A_1392 = arith.addi %add3A_105, %add3A_1391 : i32
        %get3A_1393 = arith.index_cast %add3A_1392 : i32 to index
        %get3A_1394 = arith.constant 0 : index
        %get3A_1395 = tpu.vector_load %arg8[%get3A_1393, %get3A_1394] {strides = array<i32>} : memref<80x128xf32, #tpu.memory_space<vmem>>, vector<16xf32>,
        %add3A_1396 = arith.constant 13 : i32
        %add3A_1397 = arith.addi %add3A_105, %add3A_1396 : i32
        %get3A_1398 = arith.index_cast %add3A_1397 : i32 to index
        %get3A_1399 = arith.constant 0 : index
        %get3A_1400 = tpu.vector_load %arg9[%get3A_1398, %get3A_1399] {strides = array<i32>} : memref<80x128xf32, #tpu.memory_space<vmem>>, vector<16xf32>,
        %mul3A_1401 = arith.mulf %get3A_1395, %get3A_1400 : vector<16xf32>
        %add3A_1402 = arith.constant 13 : i32
        %add3A_1403 = arith.addi %add3A_105, %add3A_1402 : i32
        %get3A_1404 = arith.index_cast %add3A_1403 : i32 to index
        %get3A_1405 = arith.constant 16 : index
        %get3A_1406 = tpu.vector_load %arg8[%get3A_1404, %get3A_1405] {strides = array<i32>} : memref<80x128xf32, #tpu.memory_space<vmem>>, vector<16xf32>,
        %add3A_1407 = arith.constant 13 : i32
        %add3A_1408 = arith.addi %add3A_105, %add3A_1407 : i32
        %get3A_1409 = arith.index_cast %add3A_1408 : i32 to index
        %get3A_1410 = arith.constant 16 : index
        %get3A_1411 = tpu.vector_load %arg9[%get3A_1409, %get3A_1410] {strides = array<i32>} : memref<80x128xf32, #tpu.memory_space<vmem>>, vector<16xf32>,
        %mul3A_1412 = arith.mulf %get3A_1406, %get3A_1411 : vector<16xf32>
        %add3A_1413 = arith.addf %mul3A_1401, %mul3A_1412 : vector<16xf32>
        %add3A_1414 = arith.constant 13 : i32
        %add3A_1415 = arith.addi %add3A_105, %add3A_1414 : i32
        %get3A_1416 = arith.index_cast %add3A_1415 : i32 to index
        %get3A_1417 = arith.constant 32 : index
        %get3A_1418 = tpu.vector_load %arg8[%get3A_1416, %get3A_1417] {strides = array<i32>} : memref<80x128xf32, #tpu.memory_space<vmem>>, vector<16xf32>,
        %add3A_1419 = arith.constant 13 : i32
        %add3A_1420 = arith.addi %add3A_105, %add3A_1419 : i32
        %get3A_1421 = arith.index_cast %add3A_1420 : i32 to index
        %get3A_1422 = arith.constant 32 : index
        %get3A_1423 = tpu.vector_load %arg9[%get3A_1421, %get3A_1422] {strides = array<i32>} : memref<80x128xf32, #tpu.memory_space<vmem>>, vector<16xf32>,
        %mul3A_1424 = arith.mulf %get3A_1418, %get3A_1423 : vector<16xf32>
        %add3A_1425 = arith.addf %add3A_1413, %mul3A_1424 : vector<16xf32>
        %add3A_1426 = arith.constant 13 : i32
        %add3A_1427 = arith.addi %add3A_105, %add3A_1426 : i32
        %get3A_1428 = arith.index_cast %add3A_1427 : i32 to index
        %get3A_1429 = arith.constant 48 : index
        %get3A_1430 = tpu.vector_load %arg8[%get3A_1428, %get3A_1429] {strides = array<i32>} : memref<80x128xf32, #tpu.memory_space<vmem>>, vector<16xf32>,
        %add3A_1431 = arith.constant 13 : i32
        %add3A_1432 = arith.addi %add3A_105, %add3A_1431 : i32
        %get3A_1433 = arith.index_cast %add3A_1432 : i32 to index
        %get3A_1434 = arith.constant 48 : index
        %get3A_1435 = tpu.vector_load %arg9[%get3A_1433, %get3A_1434] {strides = array<i32>} : memref<80x128xf32, #tpu.memory_space<vmem>>, vector<16xf32>,
        %mul3A_1436 = arith.mulf %get3A_1430, %get3A_1435 : vector<16xf32>
        %add3A_1437 = arith.addf %add3A_1425, %mul3A_1436 : vector<16xf32>
        %add3A_1438 = arith.constant 13 : i32
        %add3A_1439 = arith.addi %add3A_105, %add3A_1438 : i32
        %get3A_1440 = arith.index_cast %add3A_1439 : i32 to index
        %get3A_1441 = arith.constant 64 : index
        %get3A_1442 = tpu.vector_load %arg8[%get3A_1440, %get3A_1441] {strides = array<i32>} : memref<80x128xf32, #tpu.memory_space<vmem>>, vector<16xf32>,
        %add3A_1443 = arith.constant 13 : i32
        %add3A_1444 = arith.addi %add3A_105, %add3A_1443 : i32
        %get3A_1445 = arith.index_cast %add3A_1444 : i32 to index
        %get3A_1446 = arith.constant 64 : index
        %get3A_1447 = tpu.vector_load %arg9[%get3A_1445, %get3A_1446] {strides = array<i32>} : memref<80x128xf32, #tpu.memory_space<vmem>>, vector<16xf32>,
        %mul3A_1448 = arith.mulf %get3A_1442, %get3A_1447 : vector<16xf32>
        %add3A_1449 = arith.addf %add3A_1437, %mul3A_1448 : vector<16xf32>
        %add3A_1450 = arith.constant 13 : i32
        %add3A_1451 = arith.addi %add3A_105, %add3A_1450 : i32
        %get3A_1452 = arith.index_cast %add3A_1451 : i32 to index
        %get3A_1453 = arith.constant 80 : index
        %get3A_1454 = tpu.vector_load %arg8[%get3A_1452, %get3A_1453] {strides = array<i32>} : memref<80x128xf32, #tpu.memory_space<vmem>>, vector<16xf32>,
        %add3A_1455 = arith.constant 13 : i32
        %add3A_1456 = arith.addi %add3A_105, %add3A_1455 : i32
        %get3A_1457 = arith.index_cast %add3A_1456 : i32 to index
        %get3A_1458 = arith.constant 80 : index
        %get3A_1459 = tpu.vector_load %arg9[%get3A_1457, %get3A_1458] {strides = array<i32>} : memref<80x128xf32, #tpu.memory_space<vmem>>, vector<16xf32>,
        %mul3A_1460 = arith.mulf %get3A_1454, %get3A_1459 : vector<16xf32>
        %add3A_1461 = arith.addf %add3A_1449, %mul3A_1460 : vector<16xf32>
        %add3A_1462 = arith.constant 13 : i32
        %add3A_1463 = arith.addi %add3A_105, %add3A_1462 : i32
        %get3A_1464 = arith.index_cast %add3A_1463 : i32 to index
        %get3A_1465 = arith.constant 96 : index
        %get3A_1466 = tpu.vector_load %arg8[%get3A_1464, %get3A_1465] {strides = array<i32>} : memref<80x128xf32, #tpu.memory_space<vmem>>, vector<16xf32>,
        %add3A_1467 = arith.constant 13 : i32
        %add3A_1468 = arith.addi %add3A_105, %add3A_1467 : i32
        %get3A_1469 = arith.index_cast %add3A_1468 : i32 to index
        %get3A_1470 = arith.constant 96 : index
        %get3A_1471 = tpu.vector_load %arg9[%get3A_1469, %get3A_1470] {strides = array<i32>} : memref<80x128xf32, #tpu.memory_space<vmem>>, vector<16xf32>,
        %mul3A_1472 = arith.mulf %get3A_1466, %get3A_1471 : vector<16xf32>
        %add3A_1473 = arith.addf %add3A_1461, %mul3A_1472 : vector<16xf32>
        %add3A_1474 = arith.constant 13 : i32
        %add3A_1475 = arith.addi %add3A_105, %add3A_1474 : i32
        %get3A_1476 = arith.index_cast %add3A_1475 : i32 to index
        %get3A_1477 = arith.constant 112 : index
        %get3A_1478 = tpu.vector_load %arg8[%get3A_1476, %get3A_1477] {strides = array<i32>} : memref<80x128xf32, #tpu.memory_space<vmem>>, vector<16xf32>,
        %add3A_1479 = arith.constant 13 : i32
        %add3A_1480 = arith.addi %add3A_105, %add3A_1479 : i32
        %get3A_1481 = arith.index_cast %add3A_1480 : i32 to index
        %get3A_1482 = arith.constant 112 : index
        %get3A_1483 = tpu.vector_load %arg9[%get3A_1481, %get3A_1482] {strides = array<i32>} : memref<80x128xf32, #tpu.memory_space<vmem>>, vector<16xf32>,
        %mul3A_1484 = arith.mulf %get3A_1478, %get3A_1483 : vector<16xf32>
        %add3A_1485 = arith.addf %add3A_1473, %mul3A_1484 : vector<16xf32>
        %swap3A_1486 = arith.constant 13 : i32
        %swap3A_1487 = arith.index_cast %swap3A_1486 : i32 to index
        %swap3A_1488 = arith.constant 0 : index
        %swap3A_1489 = tpu.vector_load %arg13[%swap3A_1487, %swap3A_1488] {strides = array<i32>} : memref<16x17xf32, #tpu.memory_space<vmem>>, vector<16xf32>,
        tpu.vector_store %arg13[%swap3A_1487, %swap3A_1488], %add3A_1485 {strides = array<i32>} : memref<16x17xf32, #tpu.memory_space<vmem>>, vector<16xf32>,
        %add3A_1490 = arith.constant 14 : i32
        %add3A_1491 = arith.addi %add3A_105, %add3A_1490 : i32
        %get3A_1492 = arith.index_cast %add3A_1491 : i32 to index
        %get3A_1493 = arith.constant 0 : index
        %get3A_1494 = tpu.vector_load %arg8[%get3A_1492, %get3A_1493] {strides = array<i32>} : memref<80x128xf32, #tpu.memory_space<vmem>>, vector<16xf32>,
        %add3A_1495 = arith.constant 14 : i32
        %add3A_1496 = arith.addi %add3A_105, %add3A_1495 : i32
        %get3A_1497 = arith.index_cast %add3A_1496 : i32 to index
        %get3A_1498 = arith.constant 0 : index
        %get3A_1499 = tpu.vector_load %arg9[%get3A_1497, %get3A_1498] {strides = array<i32>} : memref<80x128xf32, #tpu.memory_space<vmem>>, vector<16xf32>,
        %mul3A_1500 = arith.mulf %get3A_1494, %get3A_1499 : vector<16xf32>
        %add3A_1501 = arith.constant 14 : i32
        %add3A_1502 = arith.addi %add3A_105, %add3A_1501 : i32
        %get3A_1503 = arith.index_cast %add3A_1502 : i32 to index
        %get3A_1504 = arith.constant 16 : index
        %get3A_1505 = tpu.vector_load %arg8[%get3A_1503, %get3A_1504] {strides = array<i32>} : memref<80x128xf32, #tpu.memory_space<vmem>>, vector<16xf32>,
        %add3A_1506 = arith.constant 14 : i32
        %add3A_1507 = arith.addi %add3A_105, %add3A_1506 : i32
        %get3A_1508 = arith.index_cast %add3A_1507 : i32 to index
        %get3A_1509 = arith.constant 16 : index
        %get3A_1510 = tpu.vector_load %arg9[%get3A_1508, %get3A_1509] {strides = array<i32>} : memref<80x128xf32, #tpu.memory_space<vmem>>, vector<16xf32>,
        %mul3A_1511 = arith.mulf %get3A_1505, %get3A_1510 : vector<16xf32>
        %add3A_1512 = arith.addf %mul3A_1500, %mul3A_1511 : vector<16xf32>
        %add3A_1513 = arith.constant 14 : i32
        %add3A_1514 = arith.addi %add3A_105, %add3A_1513 : i32
        %get3A_1515 = arith.index_cast %add3A_1514 : i32 to index
        %get3A_1516 = arith.constant 32 : index
        %get3A_1517 = tpu.vector_load %arg8[%get3A_1515, %get3A_1516] {strides = array<i32>} : memref<80x128xf32, #tpu.memory_space<vmem>>, vector<16xf32>,
        %add3A_1518 = arith.constant 14 : i32
        %add3A_1519 = arith.addi %add3A_105, %add3A_1518 : i32
        %get3A_1520 = arith.index_cast %add3A_1519 : i32 to index
        %get3A_1521 = arith.constant 32 : index
        %get3A_1522 = tpu.vector_load %arg9[%get3A_1520, %get3A_1521] {strides = array<i32>} : memref<80x128xf32, #tpu.memory_space<vmem>>, vector<16xf32>,
        %mul3A_1523 = arith.mulf %get3A_1517, %get3A_1522 : vector<16xf32>
        %add3A_1524 = arith.addf %add3A_1512, %mul3A_1523 : vector<16xf32>
        %add3A_1525 = arith.constant 14 : i32
        %add3A_1526 = arith.addi %add3A_105, %add3A_1525 : i32
        %get3A_1527 = arith.index_cast %add3A_1526 : i32 to index
        %get3A_1528 = arith.constant 48 : index
        %get3A_1529 = tpu.vector_load %arg8[%get3A_1527, %get3A_1528] {strides = array<i32>} : memref<80x128xf32, #tpu.memory_space<vmem>>, vector<16xf32>,
        %add3A_1530 = arith.constant 14 : i32
        %add3A_1531 = arith.addi %add3A_105, %add3A_1530 : i32
        %get3A_1532 = arith.index_cast %add3A_1531 : i32 to index
        %get3A_1533 = arith.constant 48 : index
        %get3A_1534 = tpu.vector_load %arg9[%get3A_1532, %get3A_1533] {strides = array<i32>} : memref<80x128xf32, #tpu.memory_space<vmem>>, vector<16xf32>,
        %mul3A_1535 = arith.mulf %get3A_1529, %get3A_1534 : vector<16xf32>
        %add3A_1536 = arith.addf %add3A_1524, %mul3A_1535 : vector<16xf32>
        %add3A_1537 = arith.constant 14 : i32
        %add3A_1538 = arith.addi %add3A_105, %add3A_1537 : i32
        %get3A_1539 = arith.index_cast %add3A_1538 : i32 to index
        %get3A_1540 = arith.constant 64 : index
        %get3A_1541 = tpu.vector_load %arg8[%get3A_1539, %get3A_1540] {strides = array<i32>} : memref<80x128xf32, #tpu.memory_space<vmem>>, vector<16xf32>,
        %add3A_1542 = arith.constant 14 : i32
        %add3A_1543 = arith.addi %add3A_105, %add3A_1542 : i32
        %get3A_1544 = arith.index_cast %add3A_1543 : i32 to index
        %get3A_1545 = arith.constant 64 : index
        %get3A_1546 = tpu.vector_load %arg9[%get3A_1544, %get3A_1545] {strides = array<i32>} : memref<80x128xf32, #tpu.memory_space<vmem>>, vector<16xf32>,
        %mul3A_1547 = arith.mulf %get3A_1541, %get3A_1546 : vector<16xf32>
        %add3A_1548 = arith.addf %add3A_1536, %mul3A_1547 : vector<16xf32>
        %add3A_1549 = arith.constant 14 : i32
        %add3A_1550 = arith.addi %add3A_105, %add3A_1549 : i32
        %get3A_1551 = arith.index_cast %add3A_1550 : i32 to index
        %get3A_1552 = arith.constant 80 : index
        %get3A_1553 = tpu.vector_load %arg8[%get3A_1551, %get3A_1552] {strides = array<i32>} : memref<80x128xf32, #tpu.memory_space<vmem>>, vector<16xf32>,
        %add3A_1554 = arith.constant 14 : i32
        %add3A_1555 = arith.addi %add3A_105, %add3A_1554 : i32
        %get3A_1556 = arith.index_cast %add3A_1555 : i32 to index
        %get3A_1557 = arith.constant 80 : index
        %get3A_1558 = tpu.vector_load %arg9[%get3A_1556, %get3A_1557] {strides = array<i32>} : memref<80x128xf32, #tpu.memory_space<vmem>>, vector<16xf32>,
        %mul3A_1559 = arith.mulf %get3A_1553, %get3A_1558 : vector<16xf32>
        %add3A_1560 = arith.addf %add3A_1548, %mul3A_1559 : vector<16xf32>
        %add3A_1561 = arith.constant 14 : i32
        %add3A_1562 = arith.addi %add3A_105, %add3A_1561 : i32
        %get3A_1563 = arith.index_cast %add3A_1562 : i32 to index
        %get3A_1564 = arith.constant 96 : index
        %get3A_1565 = tpu.vector_load %arg8[%get3A_1563, %get3A_1564] {strides = array<i32>} : memref<80x128xf32, #tpu.memory_space<vmem>>, vector<16xf32>,
        %add3A_1566 = arith.constant 14 : i32
        %add3A_1567 = arith.addi %add3A_105, %add3A_1566 : i32
        %get3A_1568 = arith.index_cast %add3A_1567 : i32 to index
        %get3A_1569 = arith.constant 96 : index
        %get3A_1570 = tpu.vector_load %arg9[%get3A_1568, %get3A_1569] {strides = array<i32>} : memref<80x128xf32, #tpu.memory_space<vmem>>, vector<16xf32>,
        %mul3A_1571 = arith.mulf %get3A_1565, %get3A_1570 : vector<16xf32>
        %add3A_1572 = arith.addf %add3A_1560, %mul3A_1571 : vector<16xf32>
        %add3A_1573 = arith.constant 14 : i32
        %add3A_1574 = arith.addi %add3A_105, %add3A_1573 : i32
        %get3A_1575 = arith.index_cast %add3A_1574 : i32 to index
        %get3A_1576 = arith.constant 112 : index
        %get3A_1577 = tpu.vector_load %arg8[%get3A_1575, %get3A_1576] {strides = array<i32>} : memref<80x128xf32, #tpu.memory_space<vmem>>, vector<16xf32>,
        %add3A_1578 = arith.constant 14 : i32
        %add3A_1579 = arith.addi %add3A_105, %add3A_1578 : i32
        %get3A_1580 = arith.index_cast %add3A_1579 : i32 to index
        %get3A_1581 = arith.constant 112 : index
        %get3A_1582 = tpu.vector_load %arg9[%get3A_1580, %get3A_1581] {strides = array<i32>} : memref<80x128xf32, #tpu.memory_space<vmem>>, vector<16xf32>,
        %mul3A_1583 = arith.mulf %get3A_1577, %get3A_1582 : vector<16xf32>
        %add3A_1584 = arith.addf %add3A_1572, %mul3A_1583 : vector<16xf32>
        %swap3A_1585 = arith.constant 14 : i32
        %swap3A_1586 = arith.index_cast %swap3A_1585 : i32 to index
        %swap3A_1587 = arith.constant 0 : index
        %swap3A_1588 = tpu.vector_load %arg13[%swap3A_1586, %swap3A_1587] {strides = array<i32>} : memref<16x17xf32, #tpu.memory_space<vmem>>, vector<16xf32>,
        tpu.vector_store %arg13[%swap3A_1586, %swap3A_1587], %add3A_1584 {strides = array<i32>} : memref<16x17xf32, #tpu.memory_space<vmem>>, vector<16xf32>,
        %add3A_1589 = arith.constant 15 : i32
        %add3A_1590 = arith.addi %add3A_105, %add3A_1589 : i32
        %get3A_1591 = arith.index_cast %add3A_1590 : i32 to index
        %get3A_1592 = arith.constant 0 : index
        %get3A_1593 = tpu.vector_load %arg8[%get3A_1591, %get3A_1592] {strides = array<i32>} : memref<80x128xf32, #tpu.memory_space<vmem>>, vector<16xf32>,
        %add3A_1594 = arith.constant 15 : i32
        %add3A_1595 = arith.addi %add3A_105, %add3A_1594 : i32
        %get3A_1596 = arith.index_cast %add3A_1595 : i32 to index
        %get3A_1597 = arith.constant 0 : index
        %get3A_1598 = tpu.vector_load %arg9[%get3A_1596, %get3A_1597] {strides = array<i32>} : memref<80x128xf32, #tpu.memory_space<vmem>>, vector<16xf32>,
        %mul3A_1599 = arith.mulf %get3A_1593, %get3A_1598 : vector<16xf32>
        %add3A_1600 = arith.constant 15 : i32
        %add3A_1601 = arith.addi %add3A_105, %add3A_1600 : i32
        %get3A_1602 = arith.index_cast %add3A_1601 : i32 to index
        %get3A_1603 = arith.constant 16 : index
        %get3A_1604 = tpu.vector_load %arg8[%get3A_1602, %get3A_1603] {strides = array<i32>} : memref<80x128xf32, #tpu.memory_space<vmem>>, vector<16xf32>,
        %add3A_1605 = arith.constant 15 : i32
        %add3A_1606 = arith.addi %add3A_105, %add3A_1605 : i32
        %get3A_1607 = arith.index_cast %add3A_1606 : i32 to index
        %get3A_1608 = arith.constant 16 : index
        %get3A_1609 = tpu.vector_load %arg9[%get3A_1607, %get3A_1608] {strides = array<i32>} : memref<80x128xf32, #tpu.memory_space<vmem>>, vector<16xf32>,
        %mul3A_1610 = arith.mulf %get3A_1604, %get3A_1609 : vector<16xf32>
        %add3A_1611 = arith.addf %mul3A_1599, %mul3A_1610 : vector<16xf32>
        %add3A_1612 = arith.constant 15 : i32
        %add3A_1613 = arith.addi %add3A_105, %add3A_1612 : i32
        %get3A_1614 = arith.index_cast %add3A_1613 : i32 to index
        %get3A_1615 = arith.constant 32 : index
        %get3A_1616 = tpu.vector_load %arg8[%get3A_1614, %get3A_1615] {strides = array<i32>} : memref<80x128xf32, #tpu.memory_space<vmem>>, vector<16xf32>,
        %add3A_1617 = arith.constant 15 : i32
        %add3A_1618 = arith.addi %add3A_105, %add3A_1617 : i32
        %get3A_1619 = arith.index_cast %add3A_1618 : i32 to index
        %get3A_1620 = arith.constant 32 : index
        %get3A_1621 = tpu.vector_load %arg9[%get3A_1619, %get3A_1620] {strides = array<i32>} : memref<80x128xf32, #tpu.memory_space<vmem>>, vector<16xf32>,
        %mul3A_1622 = arith.mulf %get3A_1616, %get3A_1621 : vector<16xf32>
        %add3A_1623 = arith.addf %add3A_1611, %mul3A_1622 : vector<16xf32>
        %add3A_1624 = arith.constant 15 : i32
        %add3A_1625 = arith.addi %add3A_105, %add3A_1624 : i32
        %get3A_1626 = arith.index_cast %add3A_1625 : i32 to index
        %get3A_1627 = arith.constant 48 : index
        %get3A_1628 = tpu.vector_load %arg8[%get3A_1626, %get3A_1627] {strides = array<i32>} : memref<80x128xf32, #tpu.memory_space<vmem>>, vector<16xf32>,
        %add3A_1629 = arith.constant 15 : i32
        %add3A_1630 = arith.addi %add3A_105, %add3A_1629 : i32
        %get3A_1631 = arith.index_cast %add3A_1630 : i32 to index
        %get3A_1632 = arith.constant 48 : index
        %get3A_1633 = tpu.vector_load %arg9[%get3A_1631, %get3A_1632] {strides = array<i32>} : memref<80x128xf32, #tpu.memory_space<vmem>>, vector<16xf32>,
        %mul3A_1634 = arith.mulf %get3A_1628, %get3A_1633 : vector<16xf32>
        %add3A_1635 = arith.addf %add3A_1623, %mul3A_1634 : vector<16xf32>
        %add3A_1636 = arith.constant 15 : i32
        %add3A_1637 = arith.addi %add3A_105, %add3A_1636 : i32
        %get3A_1638 = arith.index_cast %add3A_1637 : i32 to index
        %get3A_1639 = arith.constant 64 : index
        %get3A_1640 = tpu.vector_load %arg8[%get3A_1638, %get3A_1639] {strides = array<i32>} : memref<80x128xf32, #tpu.memory_space<vmem>>, vector<16xf32>,
        %add3A_1641 = arith.constant 15 : i32
        %add3A_1642 = arith.addi %add3A_105, %add3A_1641 : i32
        %get3A_1643 = arith.index_cast %add3A_1642 : i32 to index
        %get3A_1644 = arith.constant 64 : index
        %get3A_1645 = tpu.vector_load %arg9[%get3A_1643, %get3A_1644] {strides = array<i32>} : memref<80x128xf32, #tpu.memory_space<vmem>>, vector<16xf32>,
        %mul3A_1646 = arith.mulf %get3A_1640, %get3A_1645 : vector<16xf32>
        %add3A_1647 = arith.addf %add3A_1635, %mul3A_1646 : vector<16xf32>
        %add3A_1648 = arith.constant 15 : i32
        %add3A_1649 = arith.addi %add3A_105, %add3A_1648 : i32
        %get3A_1650 = arith.index_cast %add3A_1649 : i32 to index
        %get3A_1651 = arith.constant 80 : index
        %get3A_1652 = tpu.vector_load %arg8[%get3A_1650, %get3A_1651] {strides = array<i32>} : memref<80x128xf32, #tpu.memory_space<vmem>>, vector<16xf32>,
        %add3A_1653 = arith.constant 15 : i32
        %add3A_1654 = arith.addi %add3A_105, %add3A_1653 : i32
        %get3A_1655 = arith.index_cast %add3A_1654 : i32 to index
        %get3A_1656 = arith.constant 80 : index
        %get3A_1657 = tpu.vector_load %arg9[%get3A_1655, %get3A_1656] {strides = array<i32>} : memref<80x128xf32, #tpu.memory_space<vmem>>, vector<16xf32>,
        %mul3A_1658 = arith.mulf %get3A_1652, %get3A_1657 : vector<16xf32>
        %add3A_1659 = arith.addf %add3A_1647, %mul3A_1658 : vector<16xf32>
        %add3A_1660 = arith.constant 15 : i32
        %add3A_1661 = arith.addi %add3A_105, %add3A_1660 : i32
        %get3A_1662 = arith.index_cast %add3A_1661 : i32 to index
        %get3A_1663 = arith.constant 96 : index
        %get3A_1664 = tpu.vector_load %arg8[%get3A_1662, %get3A_1663] {strides = array<i32>} : memref<80x128xf32, #tpu.memory_space<vmem>>, vector<16xf32>,
        %add3A_1665 = arith.constant 15 : i32
        %add3A_1666 = arith.addi %add3A_105, %add3A_1665 : i32
        %get3A_1667 = arith.index_cast %add3A_1666 : i32 to index
        %get3A_1668 = arith.constant 96 : index
        %get3A_1669 = tpu.vector_load %arg9[%get3A_1667, %get3A_1668] {strides = array<i32>} : memref<80x128xf32, #tpu.memory_space<vmem>>, vector<16xf32>,
        %mul3A_1670 = arith.mulf %get3A_1664, %get3A_1669 : vector<16xf32>
        %add3A_1671 = arith.addf %add3A_1659, %mul3A_1670 : vector<16xf32>
        %add3A_1672 = arith.constant 15 : i32
        %add3A_1673 = arith.addi %add3A_105, %add3A_1672 : i32
        %get3A_1674 = arith.index_cast %add3A_1673 : i32 to index
        %get3A_1675 = arith.constant 112 : index
        %get3A_1676 = tpu.vector_load %arg8[%get3A_1674, %get3A_1675] {strides = array<i32>} : memref<80x128xf32, #tpu.memory_space<vmem>>, vector<16xf32>,
        %add3A_1677 = arith.constant 15 : i32
        %add3A_1678 = arith.addi %add3A_105, %add3A_1677 : i32
        %get3A_1679 = arith.index_cast %add3A_1678 : i32 to index
        %get3A_1680 = arith.constant 112 : index
        %get3A_1681 = tpu.vector_load %arg9[%get3A_1679, %get3A_1680] {strides = array<i32>} : memref<80x128xf32, #tpu.memory_space<vmem>>, vector<16xf32>,
        %mul3A_1682 = arith.mulf %get3A_1676, %get3A_1681 : vector<16xf32>
        %add3A_1683 = arith.addf %add3A_1671, %mul3A_1682 : vector<16xf32>
        %swap3A_1684 = arith.constant 15 : i32
        %swap3A_1685 = arith.index_cast %swap3A_1684 : i32 to index
        %swap3A_1686 = arith.constant 0 : index
        %swap3A_1687 = tpu.vector_load %arg13[%swap3A_1685, %swap3A_1686] {strides = array<i32>} : memref<16x17xf32, #tpu.memory_space<vmem>>, vector<16xf32>,
        tpu.vector_store %arg13[%swap3A_1685, %swap3A_1686], %add3A_1683 {strides = array<i32>} : memref<16x17xf32, #tpu.memory_space<vmem>>, vector<16xf32>,
        %iota3A = tpu.iota {dimensions = array<i32: 0>} : vector<16xi32>
        %broadcast_in_dim3A = arith.constant 0 : i32
        %broadcast_in_dim3A_1688 = vector.broadcast %broadcast_in_dim3A : i32 to vector<16xi32>
        %gather3A = tpu.vector_load_idx %arg13[%iota3A, %broadcast_in_dim3A_1688] : memref<16x17xf32, #tpu.memory_space<vmem>>[vector<16xi32>, vector<16xi32>], vector<16xf32>,
        %broadcast_in_dim3A_1689 = arith.constant 1 : i32
        %broadcast_in_dim3A_1690 = vector.broadcast %broadcast_in_dim3A_1689 : i32 to vector<16xi32>
        %gather3A_1691 = tpu.vector_load_idx %arg13[%iota3A, %broadcast_in_dim3A_1690] : memref<16x17xf32, #tpu.memory_space<vmem>>[vector<16xi32>, vector<16xi32>], vector<16xf32>,
        %add3A_1692 = arith.addf %gather3A, %gather3A_1691 : vector<16xf32>
        %broadcast_in_dim3A_1693 = arith.constant 2 : i32
        %broadcast_in_dim3A_1694 = vector.broadcast %broadcast_in_dim3A_1693 : i32 to vector<16xi32>
        %gather3A_1695 = tpu.vector_load_idx %arg13[%iota3A, %broadcast_in_dim3A_1694] : memref<16x17xf32, #tpu.memory_space<vmem>>[vector<16xi32>, vector<16xi32>], vector<16xf32>,
        %add3A_1696 = arith.addf %add3A_1692, %gather3A_1695 : vector<16xf32>
        %broadcast_in_dim3A_1697 = arith.constant 3 : i32
        %broadcast_in_dim3A_1698 = vector.broadcast %broadcast_in_dim3A_1697 : i32 to vector<16xi32>
        %gather3A_1699 = tpu.vector_load_idx %arg13[%iota3A, %broadcast_in_dim3A_1698] : memref<16x17xf32, #tpu.memory_space<vmem>>[vector<16xi32>, vector<16xi32>], vector<16xf32>,
        %add3A_1700 = arith.addf %add3A_1696, %gather3A_1699 : vector<16xf32>
        %broadcast_in_dim3A_1701 = arith.constant 4 : i32
        %broadcast_in_dim3A_1702 = vector.broadcast %broadcast_in_dim3A_1701 : i32 to vector<16xi32>
        %gather3A_1703 = tpu.vector_load_idx %arg13[%iota3A, %broadcast_in_dim3A_1702] : memref<16x17xf32, #tpu.memory_space<vmem>>[vector<16xi32>, vector<16xi32>], vector<16xf32>,
        %add3A_1704 = arith.addf %add3A_1700, %gather3A_1703 : vector<16xf32>
        %broadcast_in_dim3A_1705 = arith.constant 5 : i32
        %broadcast_in_dim3A_1706 = vector.broadcast %broadcast_in_dim3A_1705 : i32 to vector<16xi32>
        %gather3A_1707 = tpu.vector_load_idx %arg13[%iota3A, %broadcast_in_dim3A_1706] : memref<16x17xf32, #tpu.memory_space<vmem>>[vector<16xi32>, vector<16xi32>], vector<16xf32>,
        %add3A_1708 = arith.addf %add3A_1704, %gather3A_1707 : vector<16xf32>
        %broadcast_in_dim3A_1709 = arith.constant 6 : i32
        %broadcast_in_dim3A_1710 = vector.broadcast %broadcast_in_dim3A_1709 : i32 to vector<16xi32>
        %gather3A_1711 = tpu.vector_load_idx %arg13[%iota3A, %broadcast_in_dim3A_1710] : memref<16x17xf32, #tpu.memory_space<vmem>>[vector<16xi32>, vector<16xi32>], vector<16xf32>,
        %add3A_1712 = arith.addf %add3A_1708, %gather3A_1711 : vector<16xf32>
        %broadcast_in_dim3A_1713 = arith.constant 7 : i32
        %broadcast_in_dim3A_1714 = vector.broadcast %broadcast_in_dim3A_1713 : i32 to vector<16xi32>
        %gather3A_1715 = tpu.vector_load_idx %arg13[%iota3A, %broadcast_in_dim3A_1714] : memref<16x17xf32, #tpu.memory_space<vmem>>[vector<16xi32>, vector<16xi32>], vector<16xf32>,
        %add3A_1716 = arith.addf %add3A_1712, %gather3A_1715 : vector<16xf32>
        %broadcast_in_dim3A_1717 = arith.constant 8 : i32
        %broadcast_in_dim3A_1718 = vector.broadcast %broadcast_in_dim3A_1717 : i32 to vector<16xi32>
        %gather3A_1719 = tpu.vector_load_idx %arg13[%iota3A, %broadcast_in_dim3A_1718] : memref<16x17xf32, #tpu.memory_space<vmem>>[vector<16xi32>, vector<16xi32>], vector<16xf32>,
        %add3A_1720 = arith.addf %add3A_1716, %gather3A_1719 : vector<16xf32>
        %broadcast_in_dim3A_1721 = arith.constant 9 : i32
        %broadcast_in_dim3A_1722 = vector.broadcast %broadcast_in_dim3A_1721 : i32 to vector<16xi32>
        %gather3A_1723 = tpu.vector_load_idx %arg13[%iota3A, %broadcast_in_dim3A_1722] : memref<16x17xf32, #tpu.memory_space<vmem>>[vector<16xi32>, vector<16xi32>], vector<16xf32>,
        %add3A_1724 = arith.addf %add3A_1720, %gather3A_1723 : vector<16xf32>
        %broadcast_in_dim3A_1725 = arith.constant 10 : i32
        %broadcast_in_dim3A_1726 = vector.broadcast %broadcast_in_dim3A_1725 : i32 to vector<16xi32>
        %gather3A_1727 = tpu.vector_load_idx %arg13[%iota3A, %broadcast_in_dim3A_1726] : memref<16x17xf32, #tpu.memory_space<vmem>>[vector<16xi32>, vector<16xi32>], vector<16xf32>,
        %add3A_1728 = arith.addf %add3A_1724, %gather3A_1727 : vector<16xf32>
        %broadcast_in_dim3A_1729 = arith.constant 11 : i32
        %broadcast_in_dim3A_1730 = vector.broadcast %broadcast_in_dim3A_1729 : i32 to vector<16xi32>
        %gather3A_1731 = tpu.vector_load_idx %arg13[%iota3A, %broadcast_in_dim3A_1730] : memref<16x17xf32, #tpu.memory_space<vmem>>[vector<16xi32>, vector<16xi32>], vector<16xf32>,
        %add3A_1732 = arith.addf %add3A_1728, %gather3A_1731 : vector<16xf32>
        %broadcast_in_dim3A_1733 = arith.constant 12 : i32
        %broadcast_in_dim3A_1734 = vector.broadcast %broadcast_in_dim3A_1733 : i32 to vector<16xi32>
        %gather3A_1735 = tpu.vector_load_idx %arg13[%iota3A, %broadcast_in_dim3A_1734] : memref<16x17xf32, #tpu.memory_space<vmem>>[vector<16xi32>, vector<16xi32>], vector<16xf32>,
        %add3A_1736 = arith.addf %add3A_1732, %gather3A_1735 : vector<16xf32>
        %broadcast_in_dim3A_1737 = arith.constant 13 : i32
        %broadcast_in_dim3A_1738 = vector.broadcast %broadcast_in_dim3A_1737 : i32 to vector<16xi32>
        %gather3A_1739 = tpu.vector_load_idx %arg13[%iota3A, %broadcast_in_dim3A_1738] : memref<16x17xf32, #tpu.memory_space<vmem>>[vector<16xi32>, vector<16xi32>], vector<16xf32>,
        %add3A_1740 = arith.addf %add3A_1736, %gather3A_1739 : vector<16xf32>
        %broadcast_in_dim3A_1741 = arith.constant 14 : i32
        %broadcast_in_dim3A_1742 = vector.broadcast %broadcast_in_dim3A_1741 : i32 to vector<16xi32>
        %gather3A_1743 = tpu.vector_load_idx %arg13[%iota3A, %broadcast_in_dim3A_1742] : memref<16x17xf32, #tpu.memory_space<vmem>>[vector<16xi32>, vector<16xi32>], vector<16xf32>,
        %add3A_1744 = arith.addf %add3A_1740, %gather3A_1743 : vector<16xf32>
        %broadcast_in_dim3A_1745 = arith.constant 15 : i32
        %broadcast_in_dim3A_1746 = vector.broadcast %broadcast_in_dim3A_1745 : i32 to vector<16xi32>
        %gather3A_1747 = tpu.vector_load_idx %arg13[%iota3A, %broadcast_in_dim3A_1746] : memref<16x17xf32, #tpu.memory_space<vmem>>[vector<16xi32>, vector<16xi32>], vector<16xf32>,
        %add3A_1748 = arith.addf %add3A_1744, %gather3A_1747 : vector<16xf32>
        %neg3A = arith.constant 0.000000e+00 : f32
        %neg3A_1749 = vector.broadcast %neg3A : f32 to vector<16xf32>
        %neg3A_1750 = arith.subf %neg3A_1749, %add3A_1748 : vector<16xf32>
        %exp3A = math.exp %neg3A_1750 : vector<16xf32>
        %add3A_1751 = arith.constant 1.000000e+00 : f32
        %add3A_1752 = vector.broadcast %add3A_1751 : f32 to vector<16xf32>
        %add3A_1753 = arith.addf %add3A_1752, %exp3A : vector<16xf32>
        %div3A = arith.constant 1.000000e+00 : f32
        %div3A_1754 = vector.broadcast %div3A : f32 to vector<16xf32>
        %div3A_1755 = arith.divf %div3A_1754, %add3A_1753 : vector<16xf32>
        %mul3A_1756 = arith.constant 80 : i32
        %mul3A_1757 = arith.muli %add3A_44, %mul3A_1756 : i32
        %add3A_1758 = arith.addi %mul3A_1757, %add3A_105 : i32
        %swap3A_1759 = arith.index_cast %add3A_1758 : i32 to index
        %swap3A_1760 = tpu.vector_load %arg12[%swap3A_1759] {strides = array<i32>} : memref<10000xf32, #tpu.memory_space<vmem>>, vector<16xf32>,
        tpu.vector_store %arg12[%swap3A_1759], %div3A_1755 {strides = array<i32>} : memref<10000xf32, #tpu.memory_space<vmem>>, vector<16xf32>,
      }
      %scan3A_61 = arith.constant 5 : i32
      %add3A_62 = arith.constant 2 : i32
      %add3A_63 = arith.addi %add3A_44, %add3A_62 : i32
      %mul3A_64 = arith.constant 80 : i32
      %mul3A_65 = arith.muli %add3A_63, %mul3A_64 : i32
      %dma_start3A_66 = tpu.memref_slice %arg6[%mul3A_65] : memref<10000xi32, #tpu.memory_space<vmem>> -> memref<80xi32, #tpu.memory_space<vmem>>
      %dma_start3A_67 = arith.constant 0 : i32
      %dma_start3A_68 = arith.constant 0 : i32
      %dma_start3A_69 = tpu.memref_slice %arg2[%dma_start3A_67, %dma_start3A_68] : memref<10000x128xf32, #tpu.memory_space<hbm>> -> memref<10000x128xf32, #tpu.memory_space<hbm>>
      tpu.enqueue_indirect_dma source(%dma_start3A_69 : memref<10000x128xf32, #tpu.memory_space<hbm>>) target(%arg8 : memref<80x128xf32, #tpu.memory_space<vmem>>) offsets(%dma_start3A_66 : memref<80xi32, #tpu.memory_space<vmem>>) semaphore(%arg15 : memref<!tpu.dma_semaphore, #tpu.memory_space<semaphore_mem>>)
      %mul3A_70 = arith.constant 80 : i32
      %mul3A_71 = arith.muli %add3A_63, %mul3A_70 : i32
      %dma_start3A_72 = tpu.memref_slice %arg7[%mul3A_71] : memref<10000xi32, #tpu.memory_space<vmem>> -> memref<80xi32, #tpu.memory_space<vmem>>
      %dma_start3A_73 = arith.constant 0 : i32
      %dma_start3A_74 = arith.constant 0 : i32
      %dma_start3A_75 = tpu.memref_slice %arg2[%dma_start3A_73, %dma_start3A_74] : memref<10000x128xf32, #tpu.memory_space<hbm>> -> memref<10000x128xf32, #tpu.memory_space<hbm>>
      tpu.enqueue_indirect_dma source(%dma_start3A_75 : memref<10000x128xf32, #tpu.memory_space<hbm>>) target(%arg9 : memref<80x128xf32, #tpu.memory_space<vmem>>) offsets(%dma_start3A_72 : memref<80xi32, #tpu.memory_space<vmem>>) semaphore(%arg15 : memref<!tpu.dma_semaphore, #tpu.memory_space<semaphore_mem>>)
      %add3A_76 = arith.constant 1 : i32
      %add3A_77 = arith.addi %add3A_44, %add3A_76 : i32
      %mul3A_78 = arith.constant 80 : i32
      %mul3A_79 = arith.muli %add3A_77, %mul3A_78 : i32
      %dma_wait3A_80 = tpu.memref_slice %arg6[%mul3A_79] : memref<10000xi32, #tpu.memory_space<vmem>> -> memref<80xi32, #tpu.memory_space<vmem>>
      %dma_wait3A_81 = arith.constant 0 : i32
      %dma_wait3A_82 = arith.constant 0 : i32
      %dma_wait3A_83 = tpu.memref_slice %arg2[%dma_wait3A_81, %dma_wait3A_82] : memref<10000x128xf32, #tpu.memory_space<hbm>> -> memref<10000x128xf32, #tpu.memory_space<hbm>>
      tpu.wait_indirect_dma semaphore(%arg16 : memref<!tpu.dma_semaphore, #tpu.memory_space<semaphore_mem>>) src(%dma_wait3A_83 : memref<10000x128xf32, #tpu.memory_space<hbm>>) dst(%arg10 : memref<80x128xf32, #tpu.memory_space<vmem>>)
      %mul3A_84 = arith.constant 80 : i32
      %mul3A_85 = arith.muli %add3A_77, %mul3A_84 : i32
      %dma_wait3A_86 = tpu.memref_slice %arg7[%mul3A_85] : memref<10000xi32, #tpu.memory_space<vmem>> -> memref<80xi32, #tpu.memory_space<vmem>>
      %dma_wait3A_87 = arith.constant 0 : i32
      %dma_wait3A_88 = arith.constant 0 : i32
      %dma_wait3A_89 = tpu.memref_slice %arg2[%dma_wait3A_87, %dma_wait3A_88] : memref<10000x128xf32, #tpu.memory_space<hbm>> -> memref<10000x128xf32, #tpu.memory_space<hbm>>
      tpu.wait_indirect_dma semaphore(%arg16 : memref<!tpu.dma_semaphore, #tpu.memory_space<semaphore_mem>>) src(%dma_wait3A_89 : memref<10000x128xf32, #tpu.memory_space<hbm>>) dst(%arg11 : memref<80x128xf32, #tpu.memory_space<vmem>>)
      %add3A_90 = arith.constant 1 : i32
      %add3A_91 = arith.addi %add3A_44, %add3A_90 : i32
      %scan3A_92 = arith.constant 0 : i32
      %scan3A_93 = arith.constant 5 : i32
      %scan3A_94 = arith.addi %scan3A_92, %scan3A_93 : i32
      %scan3A_95 = arith.constant 1 : i32
      scf.for %scan3A_101 = %scan3A_92 to %scan3A_94 step %scan3A_95  : i32 {
        %mul3A_102 = arith.constant 16 : i32
        %mul3A_103 = arith.muli %scan3A_101, %mul3A_102 : i32
        %add3A_104 = arith.constant 0 : i32
        %add3A_105 = arith.addi %add3A_104, %mul3A_103 : i32
        %add3A_106 = arith.constant 0 : i32
        %add3A_107 = arith.addi %add3A_105, %add3A_106 : i32
        %get3A = arith.index_cast %add3A_107 : i32 to index
        %get3A_108 = arith.constant 0 : index
        %get3A_109 = tpu.vector_load %arg10[%get3A, %get3A_108] {strides = array<i32>} : memref<80x128xf32, #tpu.memory_space<vmem>>, vector<16xf32>,
        %add3A_110 = arith.constant 0 : i32
        %add3A_111 = arith.addi %add3A_105, %add3A_110 : i32
        %get3A_112 = arith.index_cast %add3A_111 : i32 to index
        %get3A_113 = arith.constant 0 : index
        %get3A_114 = tpu.vector_load %arg11[%get3A_112, %get3A_113] {strides = array<i32>} : memref<80x128xf32, #tpu.memory_space<vmem>>, vector<16xf32>,
        %mul3A_115 = arith.mulf %get3A_109, %get3A_114 : vector<16xf32>
        %add3A_116 = arith.constant 0 : i32
        %add3A_117 = arith.addi %add3A_105, %add3A_116 : i32
        %get3A_118 = arith.index_cast %add3A_117 : i32 to index
        %get3A_119 = arith.constant 16 : index
        %get3A_120 = tpu.vector_load %arg10[%get3A_118, %get3A_119] {strides = array<i32>} : memref<80x128xf32, #tpu.memory_space<vmem>>, vector<16xf32>,
        %add3A_121 = arith.constant 0 : i32
        %add3A_122 = arith.addi %add3A_105, %add3A_121 : i32
        %get3A_123 = arith.index_cast %add3A_122 : i32 to index
        %get3A_124 = arith.constant 16 : index
        %get3A_125 = tpu.vector_load %arg11[%get3A_123, %get3A_124] {strides = array<i32>} : memref<80x128xf32, #tpu.memory_space<vmem>>, vector<16xf32>,
        %mul3A_126 = arith.mulf %get3A_120, %get3A_125 : vector<16xf32>
        %add3A_127 = arith.addf %mul3A_115, %mul3A_126 : vector<16xf32>
        %add3A_128 = arith.constant 0 : i32
        %add3A_129 = arith.addi %add3A_105, %add3A_128 : i32
        %get3A_130 = arith.index_cast %add3A_129 : i32 to index
        %get3A_131 = arith.constant 32 : index
        %get3A_132 = tpu.vector_load %arg10[%get3A_130, %get3A_131] {strides = array<i32>} : memref<80x128xf32, #tpu.memory_space<vmem>>, vector<16xf32>,
        %add3A_133 = arith.constant 0 : i32
        %add3A_134 = arith.addi %add3A_105, %add3A_133 : i32
        %get3A_135 = arith.index_cast %add3A_134 : i32 to index
        %get3A_136 = arith.constant 32 : index
        %get3A_137 = tpu.vector_load %arg11[%get3A_135, %get3A_136] {strides = array<i32>} : memref<80x128xf32, #tpu.memory_space<vmem>>, vector<16xf32>,
        %mul3A_138 = arith.mulf %get3A_132, %get3A_137 : vector<16xf32>
        %add3A_139 = arith.addf %add3A_127, %mul3A_138 : vector<16xf32>
        %add3A_140 = arith.constant 0 : i32
        %add3A_141 = arith.addi %add3A_105, %add3A_140 : i32
        %get3A_142 = arith.index_cast %add3A_141 : i32 to index
        %get3A_143 = arith.constant 48 : index
        %get3A_144 = tpu.vector_load %arg10[%get3A_142, %get3A_143] {strides = array<i32>} : memref<80x128xf32, #tpu.memory_space<vmem>>, vector<16xf32>,
        %add3A_145 = arith.constant 0 : i32
        %add3A_146 = arith.addi %add3A_105, %add3A_145 : i32
        %get3A_147 = arith.index_cast %add3A_146 : i32 to index
        %get3A_148 = arith.constant 48 : index
        %get3A_149 = tpu.vector_load %arg11[%get3A_147, %get3A_148] {strides = array<i32>} : memref<80x128xf32, #tpu.memory_space<vmem>>, vector<16xf32>,
        %mul3A_150 = arith.mulf %get3A_144, %get3A_149 : vector<16xf32>
        %add3A_151 = arith.addf %add3A_139, %mul3A_150 : vector<16xf32>
        %add3A_152 = arith.constant 0 : i32
        %add3A_153 = arith.addi %add3A_105, %add3A_152 : i32
        %get3A_154 = arith.index_cast %add3A_153 : i32 to index
        %get3A_155 = arith.constant 64 : index
        %get3A_156 = tpu.vector_load %arg10[%get3A_154, %get3A_155] {strides = array<i32>} : memref<80x128xf32, #tpu.memory_space<vmem>>, vector<16xf32>,
        %add3A_157 = arith.constant 0 : i32
        %add3A_158 = arith.addi %add3A_105, %add3A_157 : i32
        %get3A_159 = arith.index_cast %add3A_158 : i32 to index
        %get3A_160 = arith.constant 64 : index
        %get3A_161 = tpu.vector_load %arg11[%get3A_159, %get3A_160] {strides = array<i32>} : memref<80x128xf32, #tpu.memory_space<vmem>>, vector<16xf32>,
        %mul3A_162 = arith.mulf %get3A_156, %get3A_161 : vector<16xf32>
        %add3A_163 = arith.addf %add3A_151, %mul3A_162 : vector<16xf32>
        %add3A_164 = arith.constant 0 : i32
        %add3A_165 = arith.addi %add3A_105, %add3A_164 : i32
        %get3A_166 = arith.index_cast %add3A_165 : i32 to index
        %get3A_167 = arith.constant 80 : index
        %get3A_168 = tpu.vector_load %arg10[%get3A_166, %get3A_167] {strides = array<i32>} : memref<80x128xf32, #tpu.memory_space<vmem>>, vector<16xf32>,
        %add3A_169 = arith.constant 0 : i32
        %add3A_170 = arith.addi %add3A_105, %add3A_169 : i32
        %get3A_171 = arith.index_cast %add3A_170 : i32 to index
        %get3A_172 = arith.constant 80 : index
        %get3A_173 = tpu.vector_load %arg11[%get3A_171, %get3A_172] {strides = array<i32>} : memref<80x128xf32, #tpu.memory_space<vmem>>, vector<16xf32>,
        %mul3A_174 = arith.mulf %get3A_168, %get3A_173 : vector<16xf32>
        %add3A_175 = arith.addf %add3A_163, %mul3A_174 : vector<16xf32>
        %add3A_176 = arith.constant 0 : i32
        %add3A_177 = arith.addi %add3A_105, %add3A_176 : i32
        %get3A_178 = arith.index_cast %add3A_177 : i32 to index
        %get3A_179 = arith.constant 96 : index
        %get3A_180 = tpu.vector_load %arg10[%get3A_178, %get3A_179] {strides = array<i32>} : memref<80x128xf32, #tpu.memory_space<vmem>>, vector<16xf32>,
        %add3A_181 = arith.constant 0 : i32
        %add3A_182 = arith.addi %add3A_105, %add3A_181 : i32
        %get3A_183 = arith.index_cast %add3A_182 : i32 to index
        %get3A_184 = arith.constant 96 : index
        %get3A_185 = tpu.vector_load %arg11[%get3A_183, %get3A_184] {strides = array<i32>} : memref<80x128xf32, #tpu.memory_space<vmem>>, vector<16xf32>,
        %mul3A_186 = arith.mulf %get3A_180, %get3A_185 : vector<16xf32>
        %add3A_187 = arith.addf %add3A_175, %mul3A_186 : vector<16xf32>
        %add3A_188 = arith.constant 0 : i32
        %add3A_189 = arith.addi %add3A_105, %add3A_188 : i32
        %get3A_190 = arith.index_cast %add3A_189 : i32 to index
        %get3A_191 = arith.constant 112 : index
        %get3A_192 = tpu.vector_load %arg10[%get3A_190, %get3A_191] {strides = array<i32>} : memref<80x128xf32, #tpu.memory_space<vmem>>, vector<16xf32>,
        %add3A_193 = arith.constant 0 : i32
        %add3A_194 = arith.addi %add3A_105, %add3A_193 : i32
        %get3A_195 = arith.index_cast %add3A_194 : i32 to index
        %get3A_196 = arith.constant 112 : index
        %get3A_197 = tpu.vector_load %arg11[%get3A_195, %get3A_196] {strides = array<i32>} : memref<80x128xf32, #tpu.memory_space<vmem>>, vector<16xf32>,
        %mul3A_198 = arith.mulf %get3A_192, %get3A_197 : vector<16xf32>
        %add3A_199 = arith.addf %add3A_187, %mul3A_198 : vector<16xf32>
        %swap3A = arith.constant 0 : i32
        %swap3A_200 = arith.index_cast %swap3A : i32 to index
        %swap3A_201 = arith.constant 0 : index
        %swap3A_202 = tpu.vector_load %arg13[%swap3A_200, %swap3A_201] {strides = array<i32>} : memref<16x17xf32, #tpu.memory_space<vmem>>, vector<16xf32>,
        tpu.vector_store %arg13[%swap3A_200, %swap3A_201], %add3A_199 {strides = array<i32>} : memref<16x17xf32, #tpu.memory_space<vmem>>, vector<16xf32>,
        %add3A_203 = arith.constant 1 : i32
        %add3A_204 = arith.addi %add3A_105, %add3A_203 : i32
        %get3A_205 = arith.index_cast %add3A_204 : i32 to index
        %get3A_206 = arith.constant 0 : index
        %get3A_207 = tpu.vector_load %arg10[%get3A_205, %get3A_206] {strides = array<i32>} : memref<80x128xf32, #tpu.memory_space<vmem>>, vector<16xf32>,
        %add3A_208 = arith.constant 1 : i32
        %add3A_209 = arith.addi %add3A_105, %add3A_208 : i32
        %get3A_210 = arith.index_cast %add3A_209 : i32 to index
        %get3A_211 = arith.constant 0 : index
        %get3A_212 = tpu.vector_load %arg11[%get3A_210, %get3A_211] {strides = array<i32>} : memref<80x128xf32, #tpu.memory_space<vmem>>, vector<16xf32>,
        %mul3A_213 = arith.mulf %get3A_207, %get3A_212 : vector<16xf32>
        %add3A_214 = arith.constant 1 : i32
        %add3A_215 = arith.addi %add3A_105, %add3A_214 : i32
        %get3A_216 = arith.index_cast %add3A_215 : i32 to index
        %get3A_217 = arith.constant 16 : index
        %get3A_218 = tpu.vector_load %arg10[%get3A_216, %get3A_217] {strides = array<i32>} : memref<80x128xf32, #tpu.memory_space<vmem>>, vector<16xf32>,
        %add3A_219 = arith.constant 1 : i32
        %add3A_220 = arith.addi %add3A_105, %add3A_219 : i32
        %get3A_221 = arith.index_cast %add3A_220 : i32 to index
        %get3A_222 = arith.constant 16 : index
        %get3A_223 = tpu.vector_load %arg11[%get3A_221, %get3A_222] {strides = array<i32>} : memref<80x128xf32, #tpu.memory_space<vmem>>, vector<16xf32>,
        %mul3A_224 = arith.mulf %get3A_218, %get3A_223 : vector<16xf32>
        %add3A_225 = arith.addf %mul3A_213, %mul3A_224 : vector<16xf32>
        %add3A_226 = arith.constant 1 : i32
        %add3A_227 = arith.addi %add3A_105, %add3A_226 : i32
        %get3A_228 = arith.index_cast %add3A_227 : i32 to index
        %get3A_229 = arith.constant 32 : index
        %get3A_230 = tpu.vector_load %arg10[%get3A_228, %get3A_229] {strides = array<i32>} : memref<80x128xf32, #tpu.memory_space<vmem>>, vector<16xf32>,
        %add3A_231 = arith.constant 1 : i32
        %add3A_232 = arith.addi %add3A_105, %add3A_231 : i32
        %get3A_233 = arith.index_cast %add3A_232 : i32 to index
        %get3A_234 = arith.constant 32 : index
        %get3A_235 = tpu.vector_load %arg11[%get3A_233, %get3A_234] {strides = array<i32>} : memref<80x128xf32, #tpu.memory_space<vmem>>, vector<16xf32>,
        %mul3A_236 = arith.mulf %get3A_230, %get3A_235 : vector<16xf32>
        %add3A_237 = arith.addf %add3A_225, %mul3A_236 : vector<16xf32>
        %add3A_238 = arith.constant 1 : i32
        %add3A_239 = arith.addi %add3A_105, %add3A_238 : i32
        %get3A_240 = arith.index_cast %add3A_239 : i32 to index
        %get3A_241 = arith.constant 48 : index
        %get3A_242 = tpu.vector_load %arg10[%get3A_240, %get3A_241] {strides = array<i32>} : memref<80x128xf32, #tpu.memory_space<vmem>>, vector<16xf32>,
        %add3A_243 = arith.constant 1 : i32
        %add3A_244 = arith.addi %add3A_105, %add3A_243 : i32
        %get3A_245 = arith.index_cast %add3A_244 : i32 to index
        %get3A_246 = arith.constant 48 : index
        %get3A_247 = tpu.vector_load %arg11[%get3A_245, %get3A_246] {strides = array<i32>} : memref<80x128xf32, #tpu.memory_space<vmem>>, vector<16xf32>,
        %mul3A_248 = arith.mulf %get3A_242, %get3A_247 : vector<16xf32>
        %add3A_249 = arith.addf %add3A_237, %mul3A_248 : vector<16xf32>
        %add3A_250 = arith.constant 1 : i32
        %add3A_251 = arith.addi %add3A_105, %add3A_250 : i32
        %get3A_252 = arith.index_cast %add3A_251 : i32 to index
        %get3A_253 = arith.constant 64 : index
        %get3A_254 = tpu.vector_load %arg10[%get3A_252, %get3A_253] {strides = array<i32>} : memref<80x128xf32, #tpu.memory_space<vmem>>, vector<16xf32>,
        %add3A_255 = arith.constant 1 : i32
        %add3A_256 = arith.addi %add3A_105, %add3A_255 : i32
        %get3A_257 = arith.index_cast %add3A_256 : i32 to index
        %get3A_258 = arith.constant 64 : index
        %get3A_259 = tpu.vector_load %arg11[%get3A_257, %get3A_258] {strides = array<i32>} : memref<80x128xf32, #tpu.memory_space<vmem>>, vector<16xf32>,
        %mul3A_260 = arith.mulf %get3A_254, %get3A_259 : vector<16xf32>
        %add3A_261 = arith.addf %add3A_249, %mul3A_260 : vector<16xf32>
        %add3A_262 = arith.constant 1 : i32
        %add3A_263 = arith.addi %add3A_105, %add3A_262 : i32
        %get3A_264 = arith.index_cast %add3A_263 : i32 to index
        %get3A_265 = arith.constant 80 : index
        %get3A_266 = tpu.vector_load %arg10[%get3A_264, %get3A_265] {strides = array<i32>} : memref<80x128xf32, #tpu.memory_space<vmem>>, vector<16xf32>,
        %add3A_267 = arith.constant 1 : i32
        %add3A_268 = arith.addi %add3A_105, %add3A_267 : i32
        %get3A_269 = arith.index_cast %add3A_268 : i32 to index
        %get3A_270 = arith.constant 80 : index
        %get3A_271 = tpu.vector_load %arg11[%get3A_269, %get3A_270] {strides = array<i32>} : memref<80x128xf32, #tpu.memory_space<vmem>>, vector<16xf32>,
        %mul3A_272 = arith.mulf %get3A_266, %get3A_271 : vector<16xf32>
        %add3A_273 = arith.addf %add3A_261, %mul3A_272 : vector<16xf32>
        %add3A_274 = arith.constant 1 : i32
        %add3A_275 = arith.addi %add3A_105, %add3A_274 : i32
        %get3A_276 = arith.index_cast %add3A_275 : i32 to index
        %get3A_277 = arith.constant 96 : index
        %get3A_278 = tpu.vector_load %arg10[%get3A_276, %get3A_277] {strides = array<i32>} : memref<80x128xf32, #tpu.memory_space<vmem>>, vector<16xf32>,
        %add3A_279 = arith.constant 1 : i32
        %add3A_280 = arith.addi %add3A_105, %add3A_279 : i32
        %get3A_281 = arith.index_cast %add3A_280 : i32 to index
        %get3A_282 = arith.constant 96 : index
        %get3A_283 = tpu.vector_load %arg11[%get3A_281, %get3A_282] {strides = array<i32>} : memref<80x128xf32, #tpu.memory_space<vmem>>, vector<16xf32>,
        %mul3A_284 = arith.mulf %get3A_278, %get3A_283 : vector<16xf32>
        %add3A_285 = arith.addf %add3A_273, %mul3A_284 : vector<16xf32>
        %add3A_286 = arith.constant 1 : i32
        %add3A_287 = arith.addi %add3A_105, %add3A_286 : i32
        %get3A_288 = arith.index_cast %add3A_287 : i32 to index
        %get3A_289 = arith.constant 112 : index
        %get3A_290 = tpu.vector_load %arg10[%get3A_288, %get3A_289] {strides = array<i32>} : memref<80x128xf32, #tpu.memory_space<vmem>>, vector<16xf32>,
        %add3A_291 = arith.constant 1 : i32
        %add3A_292 = arith.addi %add3A_105, %add3A_291 : i32
        %get3A_293 = arith.index_cast %add3A_292 : i32 to index
        %get3A_294 = arith.constant 112 : index
        %get3A_295 = tpu.vector_load %arg11[%get3A_293, %get3A_294] {strides = array<i32>} : memref<80x128xf32, #tpu.memory_space<vmem>>, vector<16xf32>,
        %mul3A_296 = arith.mulf %get3A_290, %get3A_295 : vector<16xf32>
        %add3A_297 = arith.addf %add3A_285, %mul3A_296 : vector<16xf32>
        %swap3A_298 = arith.constant 1 : i32
        %swap3A_299 = arith.index_cast %swap3A_298 : i32 to index
        %swap3A_300 = arith.constant 0 : index
        %swap3A_301 = tpu.vector_load %arg13[%swap3A_299, %swap3A_300] {strides = array<i32>} : memref<16x17xf32, #tpu.memory_space<vmem>>, vector<16xf32>,
        tpu.vector_store %arg13[%swap3A_299, %swap3A_300], %add3A_297 {strides = array<i32>} : memref<16x17xf32, #tpu.memory_space<vmem>>, vector<16xf32>,
        %add3A_302 = arith.constant 2 : i32
        %add3A_303 = arith.addi %add3A_105, %add3A_302 : i32
        %get3A_304 = arith.index_cast %add3A_303 : i32 to index
        %get3A_305 = arith.constant 0 : index
        %get3A_306 = tpu.vector_load %arg10[%get3A_304, %get3A_305] {strides = array<i32>} : memref<80x128xf32, #tpu.memory_space<vmem>>, vector<16xf32>,
        %add3A_307 = arith.constant 2 : i32
        %add3A_308 = arith.addi %add3A_105, %add3A_307 : i32
        %get3A_309 = arith.index_cast %add3A_308 : i32 to index
        %get3A_310 = arith.constant 0 : index
        %get3A_311 = tpu.vector_load %arg11[%get3A_309, %get3A_310] {strides = array<i32>} : memref<80x128xf32, #tpu.memory_space<vmem>>, vector<16xf32>,
        %mul3A_312 = arith.mulf %get3A_306, %get3A_311 : vector<16xf32>
        %add3A_313 = arith.constant 2 : i32
        %add3A_314 = arith.addi %add3A_105, %add3A_313 : i32
        %get3A_315 = arith.index_cast %add3A_314 : i32 to index
        %get3A_316 = arith.constant 16 : index
        %get3A_317 = tpu.vector_load %arg10[%get3A_315, %get3A_316] {strides = array<i32>} : memref<80x128xf32, #tpu.memory_space<vmem>>, vector<16xf32>,
        %add3A_318 = arith.constant 2 : i32
        %add3A_319 = arith.addi %add3A_105, %add3A_318 : i32
        %get3A_320 = arith.index_cast %add3A_319 : i32 to index
        %get3A_321 = arith.constant 16 : index
        %get3A_322 = tpu.vector_load %arg11[%get3A_320, %get3A_321] {strides = array<i32>} : memref<80x128xf32, #tpu.memory_space<vmem>>, vector<16xf32>,
        %mul3A_323 = arith.mulf %get3A_317, %get3A_322 : vector<16xf32>
        %add3A_324 = arith.addf %mul3A_312, %mul3A_323 : vector<16xf32>
        %add3A_325 = arith.constant 2 : i32
        %add3A_326 = arith.addi %add3A_105, %add3A_325 : i32
        %get3A_327 = arith.index_cast %add3A_326 : i32 to index
        %get3A_328 = arith.constant 32 : index
        %get3A_329 = tpu.vector_load %arg10[%get3A_327, %get3A_328] {strides = array<i32>} : memref<80x128xf32, #tpu.memory_space<vmem>>, vector<16xf32>,
        %add3A_330 = arith.constant 2 : i32
        %add3A_331 = arith.addi %add3A_105, %add3A_330 : i32
        %get3A_332 = arith.index_cast %add3A_331 : i32 to index
        %get3A_333 = arith.constant 32 : index
        %get3A_334 = tpu.vector_load %arg11[%get3A_332, %get3A_333] {strides = array<i32>} : memref<80x128xf32, #tpu.memory_space<vmem>>, vector<16xf32>,
        %mul3A_335 = arith.mulf %get3A_329, %get3A_334 : vector<16xf32>
        %add3A_336 = arith.addf %add3A_324, %mul3A_335 : vector<16xf32>
        %add3A_337 = arith.constant 2 : i32
        %add3A_338 = arith.addi %add3A_105, %add3A_337 : i32
        %get3A_339 = arith.index_cast %add3A_338 : i32 to index
        %get3A_340 = arith.constant 48 : index
        %get3A_341 = tpu.vector_load %arg10[%get3A_339, %get3A_340] {strides = array<i32>} : memref<80x128xf32, #tpu.memory_space<vmem>>, vector<16xf32>,
        %add3A_342 = arith.constant 2 : i32
        %add3A_343 = arith.addi %add3A_105, %add3A_342 : i32
        %get3A_344 = arith.index_cast %add3A_343 : i32 to index
        %get3A_345 = arith.constant 48 : index
        %get3A_346 = tpu.vector_load %arg11[%get3A_344, %get3A_345] {strides = array<i32>} : memref<80x128xf32, #tpu.memory_space<vmem>>, vector<16xf32>,
        %mul3A_347 = arith.mulf %get3A_341, %get3A_346 : vector<16xf32>
        %add3A_348 = arith.addf %add3A_336, %mul3A_347 : vector<16xf32>
        %add3A_349 = arith.constant 2 : i32
        %add3A_350 = arith.addi %add3A_105, %add3A_349 : i32
        %get3A_351 = arith.index_cast %add3A_350 : i32 to index
        %get3A_352 = arith.constant 64 : index
        %get3A_353 = tpu.vector_load %arg10[%get3A_351, %get3A_352] {strides = array<i32>} : memref<80x128xf32, #tpu.memory_space<vmem>>, vector<16xf32>,
        %add3A_354 = arith.constant 2 : i32
        %add3A_355 = arith.addi %add3A_105, %add3A_354 : i32
        %get3A_356 = arith.index_cast %add3A_355 : i32 to index
        %get3A_357 = arith.constant 64 : index
        %get3A_358 = tpu.vector_load %arg11[%get3A_356, %get3A_357] {strides = array<i32>} : memref<80x128xf32, #tpu.memory_space<vmem>>, vector<16xf32>,
        %mul3A_359 = arith.mulf %get3A_353, %get3A_358 : vector<16xf32>
        %add3A_360 = arith.addf %add3A_348, %mul3A_359 : vector<16xf32>
        %add3A_361 = arith.constant 2 : i32
        %add3A_362 = arith.addi %add3A_105, %add3A_361 : i32
        %get3A_363 = arith.index_cast %add3A_362 : i32 to index
        %get3A_364 = arith.constant 80 : index
        %get3A_365 = tpu.vector_load %arg10[%get3A_363, %get3A_364] {strides = array<i32>} : memref<80x128xf32, #tpu.memory_space<vmem>>, vector<16xf32>,
        %add3A_366 = arith.constant 2 : i32
        %add3A_367 = arith.addi %add3A_105, %add3A_366 : i32
        %get3A_368 = arith.index_cast %add3A_367 : i32 to index
        %get3A_369 = arith.constant 80 : index
        %get3A_370 = tpu.vector_load %arg11[%get3A_368, %get3A_369] {strides = array<i32>} : memref<80x128xf32, #tpu.memory_space<vmem>>, vector<16xf32>,
        %mul3A_371 = arith.mulf %get3A_365, %get3A_370 : vector<16xf32>
        %add3A_372 = arith.addf %add3A_360, %mul3A_371 : vector<16xf32>
        %add3A_373 = arith.constant 2 : i32
        %add3A_374 = arith.addi %add3A_105, %add3A_373 : i32
        %get3A_375 = arith.index_cast %add3A_374 : i32 to index
        %get3A_376 = arith.constant 96 : index
        %get3A_377 = tpu.vector_load %arg10[%get3A_375, %get3A_376] {strides = array<i32>} : memref<80x128xf32, #tpu.memory_space<vmem>>, vector<16xf32>,
        %add3A_378 = arith.constant 2 : i32
        %add3A_379 = arith.addi %add3A_105, %add3A_378 : i32
        %get3A_380 = arith.index_cast %add3A_379 : i32 to index
        %get3A_381 = arith.constant 96 : index
        %get3A_382 = tpu.vector_load %arg11[%get3A_380, %get3A_381] {strides = array<i32>} : memref<80x128xf32, #tpu.memory_space<vmem>>, vector<16xf32>,
        %mul3A_383 = arith.mulf %get3A_377, %get3A_382 : vector<16xf32>
        %add3A_384 = arith.addf %add3A_372, %mul3A_383 : vector<16xf32>
        %add3A_385 = arith.constant 2 : i32
        %add3A_386 = arith.addi %add3A_105, %add3A_385 : i32
        %get3A_387 = arith.index_cast %add3A_386 : i32 to index
        %get3A_388 = arith.constant 112 : index
        %get3A_389 = tpu.vector_load %arg10[%get3A_387, %get3A_388] {strides = array<i32>} : memref<80x128xf32, #tpu.memory_space<vmem>>, vector<16xf32>,
        %add3A_390 = arith.constant 2 : i32
        %add3A_391 = arith.addi %add3A_105, %add3A_390 : i32
        %get3A_392 = arith.index_cast %add3A_391 : i32 to index
        %get3A_393 = arith.constant 112 : index
        %get3A_394 = tpu.vector_load %arg11[%get3A_392, %get3A_393] {strides = array<i32>} : memref<80x128xf32, #tpu.memory_space<vmem>>, vector<16xf32>,
        %mul3A_395 = arith.mulf %get3A_389, %get3A_394 : vector<16xf32>
        %add3A_396 = arith.addf %add3A_384, %mul3A_395 : vector<16xf32>
        %swap3A_397 = arith.constant 2 : i32
        %swap3A_398 = arith.index_cast %swap3A_397 : i32 to index
        %swap3A_399 = arith.constant 0 : index
        %swap3A_400 = tpu.vector_load %arg13[%swap3A_398, %swap3A_399] {strides = array<i32>} : memref<16x17xf32, #tpu.memory_space<vmem>>, vector<16xf32>,
        tpu.vector_store %arg13[%swap3A_398, %swap3A_399], %add3A_396 {strides = array<i32>} : memref<16x17xf32, #tpu.memory_space<vmem>>, vector<16xf32>,
        %add3A_401 = arith.constant 3 : i32
        %add3A_402 = arith.addi %add3A_105, %add3A_401 : i32
        %get3A_403 = arith.index_cast %add3A_402 : i32 to index
        %get3A_404 = arith.constant 0 : index
        %get3A_405 = tpu.vector_load %arg10[%get3A_403, %get3A_404] {strides = array<i32>} : memref<80x128xf32, #tpu.memory_space<vmem>>, vector<16xf32>,
        %add3A_406 = arith.constant 3 : i32
        %add3A_407 = arith.addi %add3A_105, %add3A_406 : i32
        %get3A_408 = arith.index_cast %add3A_407 : i32 to index
        %get3A_409 = arith.constant 0 : index
        %get3A_410 = tpu.vector_load %arg11[%get3A_408, %get3A_409] {strides = array<i32>} : memref<80x128xf32, #tpu.memory_space<vmem>>, vector<16xf32>,
        %mul3A_411 = arith.mulf %get3A_405, %get3A_410 : vector<16xf32>
        %add3A_412 = arith.constant 3 : i32
        %add3A_413 = arith.addi %add3A_105, %add3A_412 : i32
        %get3A_414 = arith.index_cast %add3A_413 : i32 to index
        %get3A_415 = arith.constant 16 : index
        %get3A_416 = tpu.vector_load %arg10[%get3A_414, %get3A_415] {strides = array<i32>} : memref<80x128xf32, #tpu.memory_space<vmem>>, vector<16xf32>,
        %add3A_417 = arith.constant 3 : i32
        %add3A_418 = arith.addi %add3A_105, %add3A_417 : i32
        %get3A_419 = arith.index_cast %add3A_418 : i32 to index
        %get3A_420 = arith.constant 16 : index
        %get3A_421 = tpu.vector_load %arg11[%get3A_419, %get3A_420] {strides = array<i32>} : memref<80x128xf32, #tpu.memory_space<vmem>>, vector<16xf32>,
        %mul3A_422 = arith.mulf %get3A_416, %get3A_421 : vector<16xf32>
        %add3A_423 = arith.addf %mul3A_411, %mul3A_422 : vector<16xf32>
        %add3A_424 = arith.constant 3 : i32
        %add3A_425 = arith.addi %add3A_105, %add3A_424 : i32
        %get3A_426 = arith.index_cast %add3A_425 : i32 to index
        %get3A_427 = arith.constant 32 : index
        %get3A_428 = tpu.vector_load %arg10[%get3A_426, %get3A_427] {strides = array<i32>} : memref<80x128xf32, #tpu.memory_space<vmem>>, vector<16xf32>,
        %add3A_429 = arith.constant 3 : i32
        %add3A_430 = arith.addi %add3A_105, %add3A_429 : i32
        %get3A_431 = arith.index_cast %add3A_430 : i32 to index
        %get3A_432 = arith.constant 32 : index
        %get3A_433 = tpu.vector_load %arg11[%get3A_431, %get3A_432] {strides = array<i32>} : memref<80x128xf32, #tpu.memory_space<vmem>>, vector<16xf32>,
        %mul3A_434 = arith.mulf %get3A_428, %get3A_433 : vector<16xf32>
        %add3A_435 = arith.addf %add3A_423, %mul3A_434 : vector<16xf32>
        %add3A_436 = arith.constant 3 : i32
        %add3A_437 = arith.addi %add3A_105, %add3A_436 : i32
        %get3A_438 = arith.index_cast %add3A_437 : i32 to index
        %get3A_439 = arith.constant 48 : index
        %get3A_440 = tpu.vector_load %arg10[%get3A_438, %get3A_439] {strides = array<i32>} : memref<80x128xf32, #tpu.memory_space<vmem>>, vector<16xf32>,
        %add3A_441 = arith.constant 3 : i32
        %add3A_442 = arith.addi %add3A_105, %add3A_441 : i32
        %get3A_443 = arith.index_cast %add3A_442 : i32 to index
        %get3A_444 = arith.constant 48 : index
        %get3A_445 = tpu.vector_load %arg11[%get3A_443, %get3A_444] {strides = array<i32>} : memref<80x128xf32, #tpu.memory_space<vmem>>, vector<16xf32>,
        %mul3A_446 = arith.mulf %get3A_440, %get3A_445 : vector<16xf32>
        %add3A_447 = arith.addf %add3A_435, %mul3A_446 : vector<16xf32>
        %add3A_448 = arith.constant 3 : i32
        %add3A_449 = arith.addi %add3A_105, %add3A_448 : i32
        %get3A_450 = arith.index_cast %add3A_449 : i32 to index
        %get3A_451 = arith.constant 64 : index
        %get3A_452 = tpu.vector_load %arg10[%get3A_450, %get3A_451] {strides = array<i32>} : memref<80x128xf32, #tpu.memory_space<vmem>>, vector<16xf32>,
        %add3A_453 = arith.constant 3 : i32
        %add3A_454 = arith.addi %add3A_105, %add3A_453 : i32
        %get3A_455 = arith.index_cast %add3A_454 : i32 to index
        %get3A_456 = arith.constant 64 : index
        %get3A_457 = tpu.vector_load %arg11[%get3A_455, %get3A_456] {strides = array<i32>} : memref<80x128xf32, #tpu.memory_space<vmem>>, vector<16xf32>,
        %mul3A_458 = arith.mulf %get3A_452, %get3A_457 : vector<16xf32>
        %add3A_459 = arith.addf %add3A_447, %mul3A_458 : vector<16xf32>
        %add3A_460 = arith.constant 3 : i32
        %add3A_461 = arith.addi %add3A_105, %add3A_460 : i32
        %get3A_462 = arith.index_cast %add3A_461 : i32 to index
        %get3A_463 = arith.constant 80 : index
        %get3A_464 = tpu.vector_load %arg10[%get3A_462, %get3A_463] {strides = array<i32>} : memref<80x128xf32, #tpu.memory_space<vmem>>, vector<16xf32>,
        %add3A_465 = arith.constant 3 : i32
        %add3A_466 = arith.addi %add3A_105, %add3A_465 : i32
        %get3A_467 = arith.index_cast %add3A_466 : i32 to index
        %get3A_468 = arith.constant 80 : index
        %get3A_469 = tpu.vector_load %arg11[%get3A_467, %get3A_468] {strides = array<i32>} : memref<80x128xf32, #tpu.memory_space<vmem>>, vector<16xf32>,
        %mul3A_470 = arith.mulf %get3A_464, %get3A_469 : vector<16xf32>
        %add3A_471 = arith.addf %add3A_459, %mul3A_470 : vector<16xf32>
        %add3A_472 = arith.constant 3 : i32
        %add3A_473 = arith.addi %add3A_105, %add3A_472 : i32
        %get3A_474 = arith.index_cast %add3A_473 : i32 to index
        %get3A_475 = arith.constant 96 : index
        %get3A_476 = tpu.vector_load %arg10[%get3A_474, %get3A_475] {strides = array<i32>} : memref<80x128xf32, #tpu.memory_space<vmem>>, vector<16xf32>,
        %add3A_477 = arith.constant 3 : i32
        %add3A_478 = arith.addi %add3A_105, %add3A_477 : i32
        %get3A_479 = arith.index_cast %add3A_478 : i32 to index
        %get3A_480 = arith.constant 96 : index
        %get3A_481 = tpu.vector_load %arg11[%get3A_479, %get3A_480] {strides = array<i32>} : memref<80x128xf32, #tpu.memory_space<vmem>>, vector<16xf32>,
        %mul3A_482 = arith.mulf %get3A_476, %get3A_481 : vector<16xf32>
        %add3A_483 = arith.addf %add3A_471, %mul3A_482 : vector<16xf32>
        %add3A_484 = arith.constant 3 : i32
        %add3A_485 = arith.addi %add3A_105, %add3A_484 : i32
        %get3A_486 = arith.index_cast %add3A_485 : i32 to index
        %get3A_487 = arith.constant 112 : index
        %get3A_488 = tpu.vector_load %arg10[%get3A_486, %get3A_487] {strides = array<i32>} : memref<80x128xf32, #tpu.memory_space<vmem>>, vector<16xf32>,
        %add3A_489 = arith.constant 3 : i32
        %add3A_490 = arith.addi %add3A_105, %add3A_489 : i32
        %get3A_491 = arith.index_cast %add3A_490 : i32 to index
        %get3A_492 = arith.constant 112 : index
        %get3A_493 = tpu.vector_load %arg11[%get3A_491, %get3A_492] {strides = array<i32>} : memref<80x128xf32, #tpu.memory_space<vmem>>, vector<16xf32>,
        %mul3A_494 = arith.mulf %get3A_488, %get3A_493 : vector<16xf32>
        %add3A_495 = arith.addf %add3A_483, %mul3A_494 : vector<16xf32>
        %swap3A_496 = arith.constant 3 : i32
        %swap3A_497 = arith.index_cast %swap3A_496 : i32 to index
        %swap3A_498 = arith.constant 0 : index
        %swap3A_499 = tpu.vector_load %arg13[%swap3A_497, %swap3A_498] {strides = array<i32>} : memref<16x17xf32, #tpu.memory_space<vmem>>, vector<16xf32>,
        tpu.vector_store %arg13[%swap3A_497, %swap3A_498], %add3A_495 {strides = array<i32>} : memref<16x17xf32, #tpu.memory_space<vmem>>, vector<16xf32>,
        %add3A_500 = arith.constant 4 : i32
        %add3A_501 = arith.addi %add3A_105, %add3A_500 : i32
        %get3A_502 = arith.index_cast %add3A_501 : i32 to index
        %get3A_503 = arith.constant 0 : index
        %get3A_504 = tpu.vector_load %arg10[%get3A_502, %get3A_503] {strides = array<i32>} : memref<80x128xf32, #tpu.memory_space<vmem>>, vector<16xf32>,
        %add3A_505 = arith.constant 4 : i32
        %add3A_506 = arith.addi %add3A_105, %add3A_505 : i32
        %get3A_507 = arith.index_cast %add3A_506 : i32 to index
        %get3A_508 = arith.constant 0 : index
        %get3A_509 = tpu.vector_load %arg11[%get3A_507, %get3A_508] {strides = array<i32>} : memref<80x128xf32, #tpu.memory_space<vmem>>, vector<16xf32>,
        %mul3A_510 = arith.mulf %get3A_504, %get3A_509 : vector<16xf32>
        %add3A_511 = arith.constant 4 : i32
        %add3A_512 = arith.addi %add3A_105, %add3A_511 : i32
        %get3A_513 = arith.index_cast %add3A_512 : i32 to index
        %get3A_514 = arith.constant 16 : index
        %get3A_515 = tpu.vector_load %arg10[%get3A_513, %get3A_514] {strides = array<i32>} : memref<80x128xf32, #tpu.memory_space<vmem>>, vector<16xf32>,
        %add3A_516 = arith.constant 4 : i32
        %add3A_517 = arith.addi %add3A_105, %add3A_516 : i32
        %get3A_518 = arith.index_cast %add3A_517 : i32 to index
        %get3A_519 = arith.constant 16 : index
        %get3A_520 = tpu.vector_load %arg11[%get3A_518, %get3A_519] {strides = array<i32>} : memref<80x128xf32, #tpu.memory_space<vmem>>, vector<16xf32>,
        %mul3A_521 = arith.mulf %get3A_515, %get3A_520 : vector<16xf32>
        %add3A_522 = arith.addf %mul3A_510, %mul3A_521 : vector<16xf32>
        %add3A_523 = arith.constant 4 : i32
        %add3A_524 = arith.addi %add3A_105, %add3A_523 : i32
        %get3A_525 = arith.index_cast %add3A_524 : i32 to index
        %get3A_526 = arith.constant 32 : index
        %get3A_527 = tpu.vector_load %arg10[%get3A_525, %get3A_526] {strides = array<i32>} : memref<80x128xf32, #tpu.memory_space<vmem>>, vector<16xf32>,
        %add3A_528 = arith.constant 4 : i32
        %add3A_529 = arith.addi %add3A_105, %add3A_528 : i32
        %get3A_530 = arith.index_cast %add3A_529 : i32 to index
        %get3A_531 = arith.constant 32 : index
        %get3A_532 = tpu.vector_load %arg11[%get3A_530, %get3A_531] {strides = array<i32>} : memref<80x128xf32, #tpu.memory_space<vmem>>, vector<16xf32>,
        %mul3A_533 = arith.mulf %get3A_527, %get3A_532 : vector<16xf32>
        %add3A_534 = arith.addf %add3A_522, %mul3A_533 : vector<16xf32>
        %add3A_535 = arith.constant 4 : i32
        %add3A_536 = arith.addi %add3A_105, %add3A_535 : i32
        %get3A_537 = arith.index_cast %add3A_536 : i32 to index
        %get3A_538 = arith.constant 48 : index
        %get3A_539 = tpu.vector_load %arg10[%get3A_537, %get3A_538] {strides = array<i32>} : memref<80x128xf32, #tpu.memory_space<vmem>>, vector<16xf32>,
        %add3A_540 = arith.constant 4 : i32
        %add3A_541 = arith.addi %add3A_105, %add3A_540 : i32
        %get3A_542 = arith.index_cast %add3A_541 : i32 to index
        %get3A_543 = arith.constant 48 : index
        %get3A_544 = tpu.vector_load %arg11[%get3A_542, %get3A_543] {strides = array<i32>} : memref<80x128xf32, #tpu.memory_space<vmem>>, vector<16xf32>,
        %mul3A_545 = arith.mulf %get3A_539, %get3A_544 : vector<16xf32>
        %add3A_546 = arith.addf %add3A_534, %mul3A_545 : vector<16xf32>
        %add3A_547 = arith.constant 4 : i32
        %add3A_548 = arith.addi %add3A_105, %add3A_547 : i32
        %get3A_549 = arith.index_cast %add3A_548 : i32 to index
        %get3A_550 = arith.constant 64 : index
        %get3A_551 = tpu.vector_load %arg10[%get3A_549, %get3A_550] {strides = array<i32>} : memref<80x128xf32, #tpu.memory_space<vmem>>, vector<16xf32>,
        %add3A_552 = arith.constant 4 : i32
        %add3A_553 = arith.addi %add3A_105, %add3A_552 : i32
        %get3A_554 = arith.index_cast %add3A_553 : i32 to index
        %get3A_555 = arith.constant 64 : index
        %get3A_556 = tpu.vector_load %arg11[%get3A_554, %get3A_555] {strides = array<i32>} : memref<80x128xf32, #tpu.memory_space<vmem>>, vector<16xf32>,
        %mul3A_557 = arith.mulf %get3A_551, %get3A_556 : vector<16xf32>
        %add3A_558 = arith.addf %add3A_546, %mul3A_557 : vector<16xf32>
        %add3A_559 = arith.constant 4 : i32
        %add3A_560 = arith.addi %add3A_105, %add3A_559 : i32
        %get3A_561 = arith.index_cast %add3A_560 : i32 to index
        %get3A_562 = arith.constant 80 : index
        %get3A_563 = tpu.vector_load %arg10[%get3A_561, %get3A_562] {strides = array<i32>} : memref<80x128xf32, #tpu.memory_space<vmem>>, vector<16xf32>,
        %add3A_564 = arith.constant 4 : i32
        %add3A_565 = arith.addi %add3A_105, %add3A_564 : i32
        %get3A_566 = arith.index_cast %add3A_565 : i32 to index
        %get3A_567 = arith.constant 80 : index
        %get3A_568 = tpu.vector_load %arg11[%get3A_566, %get3A_567] {strides = array<i32>} : memref<80x128xf32, #tpu.memory_space<vmem>>, vector<16xf32>,
        %mul3A_569 = arith.mulf %get3A_563, %get3A_568 : vector<16xf32>
        %add3A_570 = arith.addf %add3A_558, %mul3A_569 : vector<16xf32>
        %add3A_571 = arith.constant 4 : i32
        %add3A_572 = arith.addi %add3A_105, %add3A_571 : i32
        %get3A_573 = arith.index_cast %add3A_572 : i32 to index
        %get3A_574 = arith.constant 96 : index
        %get3A_575 = tpu.vector_load %arg10[%get3A_573, %get3A_574] {strides = array<i32>} : memref<80x128xf32, #tpu.memory_space<vmem>>, vector<16xf32>,
        %add3A_576 = arith.constant 4 : i32
        %add3A_577 = arith.addi %add3A_105, %add3A_576 : i32
        %get3A_578 = arith.index_cast %add3A_577 : i32 to index
        %get3A_579 = arith.constant 96 : index
        %get3A_580 = tpu.vector_load %arg11[%get3A_578, %get3A_579] {strides = array<i32>} : memref<80x128xf32, #tpu.memory_space<vmem>>, vector<16xf32>,
        %mul3A_581 = arith.mulf %get3A_575, %get3A_580 : vector<16xf32>
        %add3A_582 = arith.addf %add3A_570, %mul3A_581 : vector<16xf32>
        %add3A_583 = arith.constant 4 : i32
        %add3A_584 = arith.addi %add3A_105, %add3A_583 : i32
        %get3A_585 = arith.index_cast %add3A_584 : i32 to index
        %get3A_586 = arith.constant 112 : index
        %get3A_587 = tpu.vector_load %arg10[%get3A_585, %get3A_586] {strides = array<i32>} : memref<80x128xf32, #tpu.memory_space<vmem>>, vector<16xf32>,
        %add3A_588 = arith.constant 4 : i32
        %add3A_589 = arith.addi %add3A_105, %add3A_588 : i32
        %get3A_590 = arith.index_cast %add3A_589 : i32 to index
        %get3A_591 = arith.constant 112 : index
        %get3A_592 = tpu.vector_load %arg11[%get3A_590, %get3A_591] {strides = array<i32>} : memref<80x128xf32, #tpu.memory_space<vmem>>, vector<16xf32>,
        %mul3A_593 = arith.mulf %get3A_587, %get3A_592 : vector<16xf32>
        %add3A_594 = arith.addf %add3A_582, %mul3A_593 : vector<16xf32>
        %swap3A_595 = arith.constant 4 : i32
        %swap3A_596 = arith.index_cast %swap3A_595 : i32 to index
        %swap3A_597 = arith.constant 0 : index
        %swap3A_598 = tpu.vector_load %arg13[%swap3A_596, %swap3A_597] {strides = array<i32>} : memref<16x17xf32, #tpu.memory_space<vmem>>, vector<16xf32>,
        tpu.vector_store %arg13[%swap3A_596, %swap3A_597], %add3A_594 {strides = array<i32>} : memref<16x17xf32, #tpu.memory_space<vmem>>, vector<16xf32>,
        %add3A_599 = arith.constant 5 : i32
        %add3A_600 = arith.addi %add3A_105, %add3A_599 : i32
        %get3A_601 = arith.index_cast %add3A_600 : i32 to index
        %get3A_602 = arith.constant 0 : index
        %get3A_603 = tpu.vector_load %arg10[%get3A_601, %get3A_602] {strides = array<i32>} : memref<80x128xf32, #tpu.memory_space<vmem>>, vector<16xf32>,
        %add3A_604 = arith.constant 5 : i32
        %add3A_605 = arith.addi %add3A_105, %add3A_604 : i32
        %get3A_606 = arith.index_cast %add3A_605 : i32 to index
        %get3A_607 = arith.constant 0 : index
        %get3A_608 = tpu.vector_load %arg11[%get3A_606, %get3A_607] {strides = array<i32>} : memref<80x128xf32, #tpu.memory_space<vmem>>, vector<16xf32>,
        %mul3A_609 = arith.mulf %get3A_603, %get3A_608 : vector<16xf32>
        %add3A_610 = arith.constant 5 : i32
        %add3A_611 = arith.addi %add3A_105, %add3A_610 : i32
        %get3A_612 = arith.index_cast %add3A_611 : i32 to index
        %get3A_613 = arith.constant 16 : index
        %get3A_614 = tpu.vector_load %arg10[%get3A_612, %get3A_613] {strides = array<i32>} : memref<80x128xf32, #tpu.memory_space<vmem>>, vector<16xf32>,
        %add3A_615 = arith.constant 5 : i32
        %add3A_616 = arith.addi %add3A_105, %add3A_615 : i32
        %get3A_617 = arith.index_cast %add3A_616 : i32 to index
        %get3A_618 = arith.constant 16 : index
        %get3A_619 = tpu.vector_load %arg11[%get3A_617, %get3A_618] {strides = array<i32>} : memref<80x128xf32, #tpu.memory_space<vmem>>, vector<16xf32>,
        %mul3A_620 = arith.mulf %get3A_614, %get3A_619 : vector<16xf32>
        %add3A_621 = arith.addf %mul3A_609, %mul3A_620 : vector<16xf32>
        %add3A_622 = arith.constant 5 : i32
        %add3A_623 = arith.addi %add3A_105, %add3A_622 : i32
        %get3A_624 = arith.index_cast %add3A_623 : i32 to index
        %get3A_625 = arith.constant 32 : index
        %get3A_626 = tpu.vector_load %arg10[%get3A_624, %get3A_625] {strides = array<i32>} : memref<80x128xf32, #tpu.memory_space<vmem>>, vector<16xf32>,
        %add3A_627 = arith.constant 5 : i32
        %add3A_628 = arith.addi %add3A_105, %add3A_627 : i32
        %get3A_629 = arith.index_cast %add3A_628 : i32 to index
        %get3A_630 = arith.constant 32 : index
        %get3A_631 = tpu.vector_load %arg11[%get3A_629, %get3A_630] {strides = array<i32>} : memref<80x128xf32, #tpu.memory_space<vmem>>, vector<16xf32>,
        %mul3A_632 = arith.mulf %get3A_626, %get3A_631 : vector<16xf32>
        %add3A_633 = arith.addf %add3A_621, %mul3A_632 : vector<16xf32>
        %add3A_634 = arith.constant 5 : i32
        %add3A_635 = arith.addi %add3A_105, %add3A_634 : i32
        %get3A_636 = arith.index_cast %add3A_635 : i32 to index
        %get3A_637 = arith.constant 48 : index
        %get3A_638 = tpu.vector_load %arg10[%get3A_636, %get3A_637] {strides = array<i32>} : memref<80x128xf32, #tpu.memory_space<vmem>>, vector<16xf32>,
        %add3A_639 = arith.constant 5 : i32
        %add3A_640 = arith.addi %add3A_105, %add3A_639 : i32
        %get3A_641 = arith.index_cast %add3A_640 : i32 to index
        %get3A_642 = arith.constant 48 : index
        %get3A_643 = tpu.vector_load %arg11[%get3A_641, %get3A_642] {strides = array<i32>} : memref<80x128xf32, #tpu.memory_space<vmem>>, vector<16xf32>,
        %mul3A_644 = arith.mulf %get3A_638, %get3A_643 : vector<16xf32>
        %add3A_645 = arith.addf %add3A_633, %mul3A_644 : vector<16xf32>
        %add3A_646 = arith.constant 5 : i32
        %add3A_647 = arith.addi %add3A_105, %add3A_646 : i32
        %get3A_648 = arith.index_cast %add3A_647 : i32 to index
        %get3A_649 = arith.constant 64 : index
        %get3A_650 = tpu.vector_load %arg10[%get3A_648, %get3A_649] {strides = array<i32>} : memref<80x128xf32, #tpu.memory_space<vmem>>, vector<16xf32>,
        %add3A_651 = arith.constant 5 : i32
        %add3A_652 = arith.addi %add3A_105, %add3A_651 : i32
        %get3A_653 = arith.index_cast %add3A_652 : i32 to index
        %get3A_654 = arith.constant 64 : index
        %get3A_655 = tpu.vector_load %arg11[%get3A_653, %get3A_654] {strides = array<i32>} : memref<80x128xf32, #tpu.memory_space<vmem>>, vector<16xf32>,
        %mul3A_656 = arith.mulf %get3A_650, %get3A_655 : vector<16xf32>
        %add3A_657 = arith.addf %add3A_645, %mul3A_656 : vector<16xf32>
        %add3A_658 = arith.constant 5 : i32
        %add3A_659 = arith.addi %add3A_105, %add3A_658 : i32
        %get3A_660 = arith.index_cast %add3A_659 : i32 to index
        %get3A_661 = arith.constant 80 : index
        %get3A_662 = tpu.vector_load %arg10[%get3A_660, %get3A_661] {strides = array<i32>} : memref<80x128xf32, #tpu.memory_space<vmem>>, vector<16xf32>,
        %add3A_663 = arith.constant 5 : i32
        %add3A_664 = arith.addi %add3A_105, %add3A_663 : i32
        %get3A_665 = arith.index_cast %add3A_664 : i32 to index
        %get3A_666 = arith.constant 80 : index
        %get3A_667 = tpu.vector_load %arg11[%get3A_665, %get3A_666] {strides = array<i32>} : memref<80x128xf32, #tpu.memory_space<vmem>>, vector<16xf32>,
        %mul3A_668 = arith.mulf %get3A_662, %get3A_667 : vector<16xf32>
        %add3A_669 = arith.addf %add3A_657, %mul3A_668 : vector<16xf32>
        %add3A_670 = arith.constant 5 : i32
        %add3A_671 = arith.addi %add3A_105, %add3A_670 : i32
        %get3A_672 = arith.index_cast %add3A_671 : i32 to index
        %get3A_673 = arith.constant 96 : index
        %get3A_674 = tpu.vector_load %arg10[%get3A_672, %get3A_673] {strides = array<i32>} : memref<80x128xf32, #tpu.memory_space<vmem>>, vector<16xf32>,
        %add3A_675 = arith.constant 5 : i32
        %add3A_676 = arith.addi %add3A_105, %add3A_675 : i32
        %get3A_677 = arith.index_cast %add3A_676 : i32 to index
        %get3A_678 = arith.constant 96 : index
        %get3A_679 = tpu.vector_load %arg11[%get3A_677, %get3A_678] {strides = array<i32>} : memref<80x128xf32, #tpu.memory_space<vmem>>, vector<16xf32>,
        %mul3A_680 = arith.mulf %get3A_674, %get3A_679 : vector<16xf32>
        %add3A_681 = arith.addf %add3A_669, %mul3A_680 : vector<16xf32>
        %add3A_682 = arith.constant 5 : i32
        %add3A_683 = arith.addi %add3A_105, %add3A_682 : i32
        %get3A_684 = arith.index_cast %add3A_683 : i32 to index
        %get3A_685 = arith.constant 112 : index
        %get3A_686 = tpu.vector_load %arg10[%get3A_684, %get3A_685] {strides = array<i32>} : memref<80x128xf32, #tpu.memory_space<vmem>>, vector<16xf32>,
        %add3A_687 = arith.constant 5 : i32
        %add3A_688 = arith.addi %add3A_105, %add3A_687 : i32
        %get3A_689 = arith.index_cast %add3A_688 : i32 to index
        %get3A_690 = arith.constant 112 : index
        %get3A_691 = tpu.vector_load %arg11[%get3A_689, %get3A_690] {strides = array<i32>} : memref<80x128xf32, #tpu.memory_space<vmem>>, vector<16xf32>,
        %mul3A_692 = arith.mulf %get3A_686, %get3A_691 : vector<16xf32>
        %add3A_693 = arith.addf %add3A_681, %mul3A_692 : vector<16xf32>
        %swap3A_694 = arith.constant 5 : i32
        %swap3A_695 = arith.index_cast %swap3A_694 : i32 to index
        %swap3A_696 = arith.constant 0 : index
        %swap3A_697 = tpu.vector_load %arg13[%swap3A_695, %swap3A_696] {strides = array<i32>} : memref<16x17xf32, #tpu.memory_space<vmem>>, vector<16xf32>,
        tpu.vector_store %arg13[%swap3A_695, %swap3A_696], %add3A_693 {strides = array<i32>} : memref<16x17xf32, #tpu.memory_space<vmem>>, vector<16xf32>,
        %add3A_698 = arith.constant 6 : i32
        %add3A_699 = arith.addi %add3A_105, %add3A_698 : i32
        %get3A_700 = arith.index_cast %add3A_699 : i32 to index
        %get3A_701 = arith.constant 0 : index
        %get3A_702 = tpu.vector_load %arg10[%get3A_700, %get3A_701] {strides = array<i32>} : memref<80x128xf32, #tpu.memory_space<vmem>>, vector<16xf32>,
        %add3A_703 = arith.constant 6 : i32
        %add3A_704 = arith.addi %add3A_105, %add3A_703 : i32
        %get3A_705 = arith.index_cast %add3A_704 : i32 to index
        %get3A_706 = arith.constant 0 : index
        %get3A_707 = tpu.vector_load %arg11[%get3A_705, %get3A_706] {strides = array<i32>} : memref<80x128xf32, #tpu.memory_space<vmem>>, vector<16xf32>,
        %mul3A_708 = arith.mulf %get3A_702, %get3A_707 : vector<16xf32>
        %add3A_709 = arith.constant 6 : i32
        %add3A_710 = arith.addi %add3A_105, %add3A_709 : i32
        %get3A_711 = arith.index_cast %add3A_710 : i32 to index
        %get3A_712 = arith.constant 16 : index
        %get3A_713 = tpu.vector_load %arg10[%get3A_711, %get3A_712] {strides = array<i32>} : memref<80x128xf32, #tpu.memory_space<vmem>>, vector<16xf32>,
        %add3A_714 = arith.constant 6 : i32
        %add3A_715 = arith.addi %add3A_105, %add3A_714 : i32
        %get3A_716 = arith.index_cast %add3A_715 : i32 to index
        %get3A_717 = arith.constant 16 : index
        %get3A_718 = tpu.vector_load %arg11[%get3A_716, %get3A_717] {strides = array<i32>} : memref<80x128xf32, #tpu.memory_space<vmem>>, vector<16xf32>,
        %mul3A_719 = arith.mulf %get3A_713, %get3A_718 : vector<16xf32>
        %add3A_720 = arith.addf %mul3A_708, %mul3A_719 : vector<16xf32>
        %add3A_721 = arith.constant 6 : i32
        %add3A_722 = arith.addi %add3A_105, %add3A_721 : i32
        %get3A_723 = arith.index_cast %add3A_722 : i32 to index
        %get3A_724 = arith.constant 32 : index
        %get3A_725 = tpu.vector_load %arg10[%get3A_723, %get3A_724] {strides = array<i32>} : memref<80x128xf32, #tpu.memory_space<vmem>>, vector<16xf32>,
        %add3A_726 = arith.constant 6 : i32
        %add3A_727 = arith.addi %add3A_105, %add3A_726 : i32
        %get3A_728 = arith.index_cast %add3A_727 : i32 to index
        %get3A_729 = arith.constant 32 : index
        %get3A_730 = tpu.vector_load %arg11[%get3A_728, %get3A_729] {strides = array<i32>} : memref<80x128xf32, #tpu.memory_space<vmem>>, vector<16xf32>,
        %mul3A_731 = arith.mulf %get3A_725, %get3A_730 : vector<16xf32>
        %add3A_732 = arith.addf %add3A_720, %mul3A_731 : vector<16xf32>
        %add3A_733 = arith.constant 6 : i32
        %add3A_734 = arith.addi %add3A_105, %add3A_733 : i32
        %get3A_735 = arith.index_cast %add3A_734 : i32 to index
        %get3A_736 = arith.constant 48 : index
        %get3A_737 = tpu.vector_load %arg10[%get3A_735, %get3A_736] {strides = array<i32>} : memref<80x128xf32, #tpu.memory_space<vmem>>, vector<16xf32>,
        %add3A_738 = arith.constant 6 : i32
        %add3A_739 = arith.addi %add3A_105, %add3A_738 : i32
        %get3A_740 = arith.index_cast %add3A_739 : i32 to index
        %get3A_741 = arith.constant 48 : index
        %get3A_742 = tpu.vector_load %arg11[%get3A_740, %get3A_741] {strides = array<i32>} : memref<80x128xf32, #tpu.memory_space<vmem>>, vector<16xf32>,
        %mul3A_743 = arith.mulf %get3A_737, %get3A_742 : vector<16xf32>
        %add3A_744 = arith.addf %add3A_732, %mul3A_743 : vector<16xf32>
        %add3A_745 = arith.constant 6 : i32
        %add3A_746 = arith.addi %add3A_105, %add3A_745 : i32
        %get3A_747 = arith.index_cast %add3A_746 : i32 to index
        %get3A_748 = arith.constant 64 : index
        %get3A_749 = tpu.vector_load %arg10[%get3A_747, %get3A_748] {strides = array<i32>} : memref<80x128xf32, #tpu.memory_space<vmem>>, vector<16xf32>,
        %add3A_750 = arith.constant 6 : i32
        %add3A_751 = arith.addi %add3A_105, %add3A_750 : i32
        %get3A_752 = arith.index_cast %add3A_751 : i32 to index
        %get3A_753 = arith.constant 64 : index
        %get3A_754 = tpu.vector_load %arg11[%get3A_752, %get3A_753] {strides = array<i32>} : memref<80x128xf32, #tpu.memory_space<vmem>>, vector<16xf32>,
        %mul3A_755 = arith.mulf %get3A_749, %get3A_754 : vector<16xf32>
        %add3A_756 = arith.addf %add3A_744, %mul3A_755 : vector<16xf32>
        %add3A_757 = arith.constant 6 : i32
        %add3A_758 = arith.addi %add3A_105, %add3A_757 : i32
        %get3A_759 = arith.index_cast %add3A_758 : i32 to index
        %get3A_760 = arith.constant 80 : index
        %get3A_761 = tpu.vector_load %arg10[%get3A_759, %get3A_760] {strides = array<i32>} : memref<80x128xf32, #tpu.memory_space<vmem>>, vector<16xf32>,
        %add3A_762 = arith.constant 6 : i32
        %add3A_763 = arith.addi %add3A_105, %add3A_762 : i32
        %get3A_764 = arith.index_cast %add3A_763 : i32 to index
        %get3A_765 = arith.constant 80 : index
        %get3A_766 = tpu.vector_load %arg11[%get3A_764, %get3A_765] {strides = array<i32>} : memref<80x128xf32, #tpu.memory_space<vmem>>, vector<16xf32>,
        %mul3A_767 = arith.mulf %get3A_761, %get3A_766 : vector<16xf32>
        %add3A_768 = arith.addf %add3A_756, %mul3A_767 : vector<16xf32>
        %add3A_769 = arith.constant 6 : i32
        %add3A_770 = arith.addi %add3A_105, %add3A_769 : i32
        %get3A_771 = arith.index_cast %add3A_770 : i32 to index
        %get3A_772 = arith.constant 96 : index
        %get3A_773 = tpu.vector_load %arg10[%get3A_771, %get3A_772] {strides = array<i32>} : memref<80x128xf32, #tpu.memory_space<vmem>>, vector<16xf32>,
        %add3A_774 = arith.constant 6 : i32
        %add3A_775 = arith.addi %add3A_105, %add3A_774 : i32
        %get3A_776 = arith.index_cast %add3A_775 : i32 to index
        %get3A_777 = arith.constant 96 : index
        %get3A_778 = tpu.vector_load %arg11[%get3A_776, %get3A_777] {strides = array<i32>} : memref<80x128xf32, #tpu.memory_space<vmem>>, vector<16xf32>,
        %mul3A_779 = arith.mulf %get3A_773, %get3A_778 : vector<16xf32>
        %add3A_780 = arith.addf %add3A_768, %mul3A_779 : vector<16xf32>
        %add3A_781 = arith.constant 6 : i32
        %add3A_782 = arith.addi %add3A_105, %add3A_781 : i32
        %get3A_783 = arith.index_cast %add3A_782 : i32 to index
        %get3A_784 = arith.constant 112 : index
        %get3A_785 = tpu.vector_load %arg10[%get3A_783, %get3A_784] {strides = array<i32>} : memref<80x128xf32, #tpu.memory_space<vmem>>, vector<16xf32>,
        %add3A_786 = arith.constant 6 : i32
        %add3A_787 = arith.addi %add3A_105, %add3A_786 : i32
        %get3A_788 = arith.index_cast %add3A_787 : i32 to index
        %get3A_789 = arith.constant 112 : index
        %get3A_790 = tpu.vector_load %arg11[%get3A_788, %get3A_789] {strides = array<i32>} : memref<80x128xf32, #tpu.memory_space<vmem>>, vector<16xf32>,
        %mul3A_791 = arith.mulf %get3A_785, %get3A_790 : vector<16xf32>
        %add3A_792 = arith.addf %add3A_780, %mul3A_791 : vector<16xf32>
        %swap3A_793 = arith.constant 6 : i32
        %swap3A_794 = arith.index_cast %swap3A_793 : i32 to index
        %swap3A_795 = arith.constant 0 : index
        %swap3A_796 = tpu.vector_load %arg13[%swap3A_794, %swap3A_795] {strides = array<i32>} : memref<16x17xf32, #tpu.memory_space<vmem>>, vector<16xf32>,
        tpu.vector_store %arg13[%swap3A_794, %swap3A_795], %add3A_792 {strides = array<i32>} : memref<16x17xf32, #tpu.memory_space<vmem>>, vector<16xf32>,
        %add3A_797 = arith.constant 7 : i32
        %add3A_798 = arith.addi %add3A_105, %add3A_797 : i32
        %get3A_799 = arith.index_cast %add3A_798 : i32 to index
        %get3A_800 = arith.constant 0 : index
        %get3A_801 = tpu.vector_load %arg10[%get3A_799, %get3A_800] {strides = array<i32>} : memref<80x128xf32, #tpu.memory_space<vmem>>, vector<16xf32>,
        %add3A_802 = arith.constant 7 : i32
        %add3A_803 = arith.addi %add3A_105, %add3A_802 : i32
        %get3A_804 = arith.index_cast %add3A_803 : i32 to index
        %get3A_805 = arith.constant 0 : index
        %get3A_806 = tpu.vector_load %arg11[%get3A_804, %get3A_805] {strides = array<i32>} : memref<80x128xf32, #tpu.memory_space<vmem>>, vector<16xf32>,
        %mul3A_807 = arith.mulf %get3A_801, %get3A_806 : vector<16xf32>
        %add3A_808 = arith.constant 7 : i32
        %add3A_809 = arith.addi %add3A_105, %add3A_808 : i32
        %get3A_810 = arith.index_cast %add3A_809 : i32 to index
        %get3A_811 = arith.constant 16 : index
        %get3A_812 = tpu.vector_load %arg10[%get3A_810, %get3A_811] {strides = array<i32>} : memref<80x128xf32, #tpu.memory_space<vmem>>, vector<16xf32>,
        %add3A_813 = arith.constant 7 : i32
        %add3A_814 = arith.addi %add3A_105, %add3A_813 : i32
        %get3A_815 = arith.index_cast %add3A_814 : i32 to index
        %get3A_816 = arith.constant 16 : index
        %get3A_817 = tpu.vector_load %arg11[%get3A_815, %get3A_816] {strides = array<i32>} : memref<80x128xf32, #tpu.memory_space<vmem>>, vector<16xf32>,
        %mul3A_818 = arith.mulf %get3A_812, %get3A_817 : vector<16xf32>
        %add3A_819 = arith.addf %mul3A_807, %mul3A_818 : vector<16xf32>
        %add3A_820 = arith.constant 7 : i32
        %add3A_821 = arith.addi %add3A_105, %add3A_820 : i32
        %get3A_822 = arith.index_cast %add3A_821 : i32 to index
        %get3A_823 = arith.constant 32 : index
        %get3A_824 = tpu.vector_load %arg10[%get3A_822, %get3A_823] {strides = array<i32>} : memref<80x128xf32, #tpu.memory_space<vmem>>, vector<16xf32>,
        %add3A_825 = arith.constant 7 : i32
        %add3A_826 = arith.addi %add3A_105, %add3A_825 : i32
        %get3A_827 = arith.index_cast %add3A_826 : i32 to index
        %get3A_828 = arith.constant 32 : index
        %get3A_829 = tpu.vector_load %arg11[%get3A_827, %get3A_828] {strides = array<i32>} : memref<80x128xf32, #tpu.memory_space<vmem>>, vector<16xf32>,
        %mul3A_830 = arith.mulf %get3A_824, %get3A_829 : vector<16xf32>
        %add3A_831 = arith.addf %add3A_819, %mul3A_830 : vector<16xf32>
        %add3A_832 = arith.constant 7 : i32
        %add3A_833 = arith.addi %add3A_105, %add3A_832 : i32
        %get3A_834 = arith.index_cast %add3A_833 : i32 to index
        %get3A_835 = arith.constant 48 : index
        %get3A_836 = tpu.vector_load %arg10[%get3A_834, %get3A_835] {strides = array<i32>} : memref<80x128xf32, #tpu.memory_space<vmem>>, vector<16xf32>,
        %add3A_837 = arith.constant 7 : i32
        %add3A_838 = arith.addi %add3A_105, %add3A_837 : i32
        %get3A_839 = arith.index_cast %add3A_838 : i32 to index
        %get3A_840 = arith.constant 48 : index
        %get3A_841 = tpu.vector_load %arg11[%get3A_839, %get3A_840] {strides = array<i32>} : memref<80x128xf32, #tpu.memory_space<vmem>>, vector<16xf32>,
        %mul3A_842 = arith.mulf %get3A_836, %get3A_841 : vector<16xf32>
        %add3A_843 = arith.addf %add3A_831, %mul3A_842 : vector<16xf32>
        %add3A_844 = arith.constant 7 : i32
        %add3A_845 = arith.addi %add3A_105, %add3A_844 : i32
        %get3A_846 = arith.index_cast %add3A_845 : i32 to index
        %get3A_847 = arith.constant 64 : index
        %get3A_848 = tpu.vector_load %arg10[%get3A_846, %get3A_847] {strides = array<i32>} : memref<80x128xf32, #tpu.memory_space<vmem>>, vector<16xf32>,
        %add3A_849 = arith.constant 7 : i32
        %add3A_850 = arith.addi %add3A_105, %add3A_849 : i32
        %get3A_851 = arith.index_cast %add3A_850 : i32 to index
        %get3A_852 = arith.constant 64 : index
        %get3A_853 = tpu.vector_load %arg11[%get3A_851, %get3A_852] {strides = array<i32>} : memref<80x128xf32, #tpu.memory_space<vmem>>, vector<16xf32>,
        %mul3A_854 = arith.mulf %get3A_848, %get3A_853 : vector<16xf32>
        %add3A_855 = arith.addf %add3A_843, %mul3A_854 : vector<16xf32>
        %add3A_856 = arith.constant 7 : i32
        %add3A_857 = arith.addi %add3A_105, %add3A_856 : i32
        %get3A_858 = arith.index_cast %add3A_857 : i32 to index
        %get3A_859 = arith.constant 80 : index
        %get3A_860 = tpu.vector_load %arg10[%get3A_858, %get3A_859] {strides = array<i32>} : memref<80x128xf32, #tpu.memory_space<vmem>>, vector<16xf32>,
        %add3A_861 = arith.constant 7 : i32
        %add3A_862 = arith.addi %add3A_105, %add3A_861 : i32
        %get3A_863 = arith.index_cast %add3A_862 : i32 to index
        %get3A_864 = arith.constant 80 : index
        %get3A_865 = tpu.vector_load %arg11[%get3A_863, %get3A_864] {strides = array<i32>} : memref<80x128xf32, #tpu.memory_space<vmem>>, vector<16xf32>,
        %mul3A_866 = arith.mulf %get3A_860, %get3A_865 : vector<16xf32>
        %add3A_867 = arith.addf %add3A_855, %mul3A_866 : vector<16xf32>
        %add3A_868 = arith.constant 7 : i32
        %add3A_869 = arith.addi %add3A_105, %add3A_868 : i32
        %get3A_870 = arith.index_cast %add3A_869 : i32 to index
        %get3A_871 = arith.constant 96 : index
        %get3A_872 = tpu.vector_load %arg10[%get3A_870, %get3A_871] {strides = array<i32>} : memref<80x128xf32, #tpu.memory_space<vmem>>, vector<16xf32>,
        %add3A_873 = arith.constant 7 : i32
        %add3A_874 = arith.addi %add3A_105, %add3A_873 : i32
        %get3A_875 = arith.index_cast %add3A_874 : i32 to index
        %get3A_876 = arith.constant 96 : index
        %get3A_877 = tpu.vector_load %arg11[%get3A_875, %get3A_876] {strides = array<i32>} : memref<80x128xf32, #tpu.memory_space<vmem>>, vector<16xf32>,
        %mul3A_878 = arith.mulf %get3A_872, %get3A_877 : vector<16xf32>
        %add3A_879 = arith.addf %add3A_867, %mul3A_878 : vector<16xf32>
        %add3A_880 = arith.constant 7 : i32
        %add3A_881 = arith.addi %add3A_105, %add3A_880 : i32
        %get3A_882 = arith.index_cast %add3A_881 : i32 to index
        %get3A_883 = arith.constant 112 : index
        %get3A_884 = tpu.vector_load %arg10[%get3A_882, %get3A_883] {strides = array<i32>} : memref<80x128xf32, #tpu.memory_space<vmem>>, vector<16xf32>,
        %add3A_885 = arith.constant 7 : i32
        %add3A_886 = arith.addi %add3A_105, %add3A_885 : i32
        %get3A_887 = arith.index_cast %add3A_886 : i32 to index
        %get3A_888 = arith.constant 112 : index
        %get3A_889 = tpu.vector_load %arg11[%get3A_887, %get3A_888] {strides = array<i32>} : memref<80x128xf32, #tpu.memory_space<vmem>>, vector<16xf32>,
        %mul3A_890 = arith.mulf %get3A_884, %get3A_889 : vector<16xf32>
        %add3A_891 = arith.addf %add3A_879, %mul3A_890 : vector<16xf32>
        %swap3A_892 = arith.constant 7 : i32
        %swap3A_893 = arith.index_cast %swap3A_892 : i32 to index
        %swap3A_894 = arith.constant 0 : index
        %swap3A_895 = tpu.vector_load %arg13[%swap3A_893, %swap3A_894] {strides = array<i32>} : memref<16x17xf32, #tpu.memory_space<vmem>>, vector<16xf32>,
        tpu.vector_store %arg13[%swap3A_893, %swap3A_894], %add3A_891 {strides = array<i32>} : memref<16x17xf32, #tpu.memory_space<vmem>>, vector<16xf32>,
        %add3A_896 = arith.constant 8 : i32
        %add3A_897 = arith.addi %add3A_105, %add3A_896 : i32
        %get3A_898 = arith.index_cast %add3A_897 : i32 to index
        %get3A_899 = arith.constant 0 : index
        %get3A_900 = tpu.vector_load %arg10[%get3A_898, %get3A_899] {strides = array<i32>} : memref<80x128xf32, #tpu.memory_space<vmem>>, vector<16xf32>,
        %add3A_901 = arith.constant 8 : i32
        %add3A_902 = arith.addi %add3A_105, %add3A_901 : i32
        %get3A_903 = arith.index_cast %add3A_902 : i32 to index
        %get3A_904 = arith.constant 0 : index
        %get3A_905 = tpu.vector_load %arg11[%get3A_903, %get3A_904] {strides = array<i32>} : memref<80x128xf32, #tpu.memory_space<vmem>>, vector<16xf32>,
        %mul3A_906 = arith.mulf %get3A_900, %get3A_905 : vector<16xf32>
        %add3A_907 = arith.constant 8 : i32
        %add3A_908 = arith.addi %add3A_105, %add3A_907 : i32
        %get3A_909 = arith.index_cast %add3A_908 : i32 to index
        %get3A_910 = arith.constant 16 : index
        %get3A_911 = tpu.vector_load %arg10[%get3A_909, %get3A_910] {strides = array<i32>} : memref<80x128xf32, #tpu.memory_space<vmem>>, vector<16xf32>,
        %add3A_912 = arith.constant 8 : i32
        %add3A_913 = arith.addi %add3A_105, %add3A_912 : i32
        %get3A_914 = arith.index_cast %add3A_913 : i32 to index
        %get3A_915 = arith.constant 16 : index
        %get3A_916 = tpu.vector_load %arg11[%get3A_914, %get3A_915] {strides = array<i32>} : memref<80x128xf32, #tpu.memory_space<vmem>>, vector<16xf32>,
        %mul3A_917 = arith.mulf %get3A_911, %get3A_916 : vector<16xf32>
        %add3A_918 = arith.addf %mul3A_906, %mul3A_917 : vector<16xf32>
        %add3A_919 = arith.constant 8 : i32
        %add3A_920 = arith.addi %add3A_105, %add3A_919 : i32
        %get3A_921 = arith.index_cast %add3A_920 : i32 to index
        %get3A_922 = arith.constant 32 : index
        %get3A_923 = tpu.vector_load %arg10[%get3A_921, %get3A_922] {strides = array<i32>} : memref<80x128xf32, #tpu.memory_space<vmem>>, vector<16xf32>,
        %add3A_924 = arith.constant 8 : i32
        %add3A_925 = arith.addi %add3A_105, %add3A_924 : i32
        %get3A_926 = arith.index_cast %add3A_925 : i32 to index
        %get3A_927 = arith.constant 32 : index
        %get3A_928 = tpu.vector_load %arg11[%get3A_926, %get3A_927] {strides = array<i32>} : memref<80x128xf32, #tpu.memory_space<vmem>>, vector<16xf32>,
        %mul3A_929 = arith.mulf %get3A_923, %get3A_928 : vector<16xf32>
        %add3A_930 = arith.addf %add3A_918, %mul3A_929 : vector<16xf32>
        %add3A_931 = arith.constant 8 : i32
        %add3A_932 = arith.addi %add3A_105, %add3A_931 : i32
        %get3A_933 = arith.index_cast %add3A_932 : i32 to index
        %get3A_934 = arith.constant 48 : index
        %get3A_935 = tpu.vector_load %arg10[%get3A_933, %get3A_934] {strides = array<i32>} : memref<80x128xf32, #tpu.memory_space<vmem>>, vector<16xf32>,
        %add3A_936 = arith.constant 8 : i32
        %add3A_937 = arith.addi %add3A_105, %add3A_936 : i32
        %get3A_938 = arith.index_cast %add3A_937 : i32 to index
        %get3A_939 = arith.constant 48 : index
        %get3A_940 = tpu.vector_load %arg11[%get3A_938, %get3A_939] {strides = array<i32>} : memref<80x128xf32, #tpu.memory_space<vmem>>, vector<16xf32>,
        %mul3A_941 = arith.mulf %get3A_935, %get3A_940 : vector<16xf32>
        %add3A_942 = arith.addf %add3A_930, %mul3A_941 : vector<16xf32>
        %add3A_943 = arith.constant 8 : i32
        %add3A_944 = arith.addi %add3A_105, %add3A_943 : i32
        %get3A_945 = arith.index_cast %add3A_944 : i32 to index
        %get3A_946 = arith.constant 64 : index
        %get3A_947 = tpu.vector_load %arg10[%get3A_945, %get3A_946] {strides = array<i32>} : memref<80x128xf32, #tpu.memory_space<vmem>>, vector<16xf32>,
        %add3A_948 = arith.constant 8 : i32
        %add3A_949 = arith.addi %add3A_105, %add3A_948 : i32
        %get3A_950 = arith.index_cast %add3A_949 : i32 to index
        %get3A_951 = arith.constant 64 : index
        %get3A_952 = tpu.vector_load %arg11[%get3A_950, %get3A_951] {strides = array<i32>} : memref<80x128xf32, #tpu.memory_space<vmem>>, vector<16xf32>,
        %mul3A_953 = arith.mulf %get3A_947, %get3A_952 : vector<16xf32>
        %add3A_954 = arith.addf %add3A_942, %mul3A_953 : vector<16xf32>
        %add3A_955 = arith.constant 8 : i32
        %add3A_956 = arith.addi %add3A_105, %add3A_955 : i32
        %get3A_957 = arith.index_cast %add3A_956 : i32 to index
        %get3A_958 = arith.constant 80 : index
        %get3A_959 = tpu.vector_load %arg10[%get3A_957, %get3A_958] {strides = array<i32>} : memref<80x128xf32, #tpu.memory_space<vmem>>, vector<16xf32>,
        %add3A_960 = arith.constant 8 : i32
        %add3A_961 = arith.addi %add3A_105, %add3A_960 : i32
        %get3A_962 = arith.index_cast %add3A_961 : i32 to index
        %get3A_963 = arith.constant 80 : index
        %get3A_964 = tpu.vector_load %arg11[%get3A_962, %get3A_963] {strides = array<i32>} : memref<80x128xf32, #tpu.memory_space<vmem>>, vector<16xf32>,
        %mul3A_965 = arith.mulf %get3A_959, %get3A_964 : vector<16xf32>
        %add3A_966 = arith.addf %add3A_954, %mul3A_965 : vector<16xf32>
        %add3A_967 = arith.constant 8 : i32
        %add3A_968 = arith.addi %add3A_105, %add3A_967 : i32
        %get3A_969 = arith.index_cast %add3A_968 : i32 to index
        %get3A_970 = arith.constant 96 : index
        %get3A_971 = tpu.vector_load %arg10[%get3A_969, %get3A_970] {strides = array<i32>} : memref<80x128xf32, #tpu.memory_space<vmem>>, vector<16xf32>,
        %add3A_972 = arith.constant 8 : i32
        %add3A_973 = arith.addi %add3A_105, %add3A_972 : i32
        %get3A_974 = arith.index_cast %add3A_973 : i32 to index
        %get3A_975 = arith.constant 96 : index
        %get3A_976 = tpu.vector_load %arg11[%get3A_974, %get3A_975] {strides = array<i32>} : memref<80x128xf32, #tpu.memory_space<vmem>>, vector<16xf32>,
        %mul3A_977 = arith.mulf %get3A_971, %get3A_976 : vector<16xf32>
        %add3A_978 = arith.addf %add3A_966, %mul3A_977 : vector<16xf32>
        %add3A_979 = arith.constant 8 : i32
        %add3A_980 = arith.addi %add3A_105, %add3A_979 : i32
        %get3A_981 = arith.index_cast %add3A_980 : i32 to index
        %get3A_982 = arith.constant 112 : index
        %get3A_983 = tpu.vector_load %arg10[%get3A_981, %get3A_982] {strides = array<i32>} : memref<80x128xf32, #tpu.memory_space<vmem>>, vector<16xf32>,
        %add3A_984 = arith.constant 8 : i32
        %add3A_985 = arith.addi %add3A_105, %add3A_984 : i32
        %get3A_986 = arith.index_cast %add3A_985 : i32 to index
        %get3A_987 = arith.constant 112 : index
        %get3A_988 = tpu.vector_load %arg11[%get3A_986, %get3A_987] {strides = array<i32>} : memref<80x128xf32, #tpu.memory_space<vmem>>, vector<16xf32>,
        %mul3A_989 = arith.mulf %get3A_983, %get3A_988 : vector<16xf32>
        %add3A_990 = arith.addf %add3A_978, %mul3A_989 : vector<16xf32>
        %swap3A_991 = arith.constant 8 : i32
        %swap3A_992 = arith.index_cast %swap3A_991 : i32 to index
        %swap3A_993 = arith.constant 0 : index
        %swap3A_994 = tpu.vector_load %arg13[%swap3A_992, %swap3A_993] {strides = array<i32>} : memref<16x17xf32, #tpu.memory_space<vmem>>, vector<16xf32>,
        tpu.vector_store %arg13[%swap3A_992, %swap3A_993], %add3A_990 {strides = array<i32>} : memref<16x17xf32, #tpu.memory_space<vmem>>, vector<16xf32>,
        %add3A_995 = arith.constant 9 : i32
        %add3A_996 = arith.addi %add3A_105, %add3A_995 : i32
        %get3A_997 = arith.index_cast %add3A_996 : i32 to index
        %get3A_998 = arith.constant 0 : index
        %get3A_999 = tpu.vector_load %arg10[%get3A_997, %get3A_998] {strides = array<i32>} : memref<80x128xf32, #tpu.memory_space<vmem>>, vector<16xf32>,
        %add3A_1000 = arith.constant 9 : i32
        %add3A_1001 = arith.addi %add3A_105, %add3A_1000 : i32
        %get3A_1002 = arith.index_cast %add3A_1001 : i32 to index
        %get3A_1003 = arith.constant 0 : index
        %get3A_1004 = tpu.vector_load %arg11[%get3A_1002, %get3A_1003] {strides = array<i32>} : memref<80x128xf32, #tpu.memory_space<vmem>>, vector<16xf32>,
        %mul3A_1005 = arith.mulf %get3A_999, %get3A_1004 : vector<16xf32>
        %add3A_1006 = arith.constant 9 : i32
        %add3A_1007 = arith.addi %add3A_105, %add3A_1006 : i32
        %get3A_1008 = arith.index_cast %add3A_1007 : i32 to index
        %get3A_1009 = arith.constant 16 : index
        %get3A_1010 = tpu.vector_load %arg10[%get3A_1008, %get3A_1009] {strides = array<i32>} : memref<80x128xf32, #tpu.memory_space<vmem>>, vector<16xf32>,
        %add3A_1011 = arith.constant 9 : i32
        %add3A_1012 = arith.addi %add3A_105, %add3A_1011 : i32
        %get3A_1013 = arith.index_cast %add3A_1012 : i32 to index
        %get3A_1014 = arith.constant 16 : index
        %get3A_1015 = tpu.vector_load %arg11[%get3A_1013, %get3A_1014] {strides = array<i32>} : memref<80x128xf32, #tpu.memory_space<vmem>>, vector<16xf32>,
        %mul3A_1016 = arith.mulf %get3A_1010, %get3A_1015 : vector<16xf32>
        %add3A_1017 = arith.addf %mul3A_1005, %mul3A_1016 : vector<16xf32>
        %add3A_1018 = arith.constant 9 : i32
        %add3A_1019 = arith.addi %add3A_105, %add3A_1018 : i32
        %get3A_1020 = arith.index_cast %add3A_1019 : i32 to index
        %get3A_1021 = arith.constant 32 : index
        %get3A_1022 = tpu.vector_load %arg10[%get3A_1020, %get3A_1021] {strides = array<i32>} : memref<80x128xf32, #tpu.memory_space<vmem>>, vector<16xf32>,
        %add3A_1023 = arith.constant 9 : i32
        %add3A_1024 = arith.addi %add3A_105, %add3A_1023 : i32
        %get3A_1025 = arith.index_cast %add3A_1024 : i32 to index
        %get3A_1026 = arith.constant 32 : index
        %get3A_1027 = tpu.vector_load %arg11[%get3A_1025, %get3A_1026] {strides = array<i32>} : memref<80x128xf32, #tpu.memory_space<vmem>>, vector<16xf32>,
        %mul3A_1028 = arith.mulf %get3A_1022, %get3A_1027 : vector<16xf32>
        %add3A_1029 = arith.addf %add3A_1017, %mul3A_1028 : vector<16xf32>
        %add3A_1030 = arith.constant 9 : i32
        %add3A_1031 = arith.addi %add3A_105, %add3A_1030 : i32
        %get3A_1032 = arith.index_cast %add3A_1031 : i32 to index
        %get3A_1033 = arith.constant 48 : index
        %get3A_1034 = tpu.vector_load %arg10[%get3A_1032, %get3A_1033] {strides = array<i32>} : memref<80x128xf32, #tpu.memory_space<vmem>>, vector<16xf32>,
        %add3A_1035 = arith.constant 9 : i32
        %add3A_1036 = arith.addi %add3A_105, %add3A_1035 : i32
        %get3A_1037 = arith.index_cast %add3A_1036 : i32 to index
        %get3A_1038 = arith.constant 48 : index
        %get3A_1039 = tpu.vector_load %arg11[%get3A_1037, %get3A_1038] {strides = array<i32>} : memref<80x128xf32, #tpu.memory_space<vmem>>, vector<16xf32>,
        %mul3A_1040 = arith.mulf %get3A_1034, %get3A_1039 : vector<16xf32>
        %add3A_1041 = arith.addf %add3A_1029, %mul3A_1040 : vector<16xf32>
        %add3A_1042 = arith.constant 9 : i32
        %add3A_1043 = arith.addi %add3A_105, %add3A_1042 : i32
        %get3A_1044 = arith.index_cast %add3A_1043 : i32 to index
        %get3A_1045 = arith.constant 64 : index
        %get3A_1046 = tpu.vector_load %arg10[%get3A_1044, %get3A_1045] {strides = array<i32>} : memref<80x128xf32, #tpu.memory_space<vmem>>, vector<16xf32>,
        %add3A_1047 = arith.constant 9 : i32
        %add3A_1048 = arith.addi %add3A_105, %add3A_1047 : i32
        %get3A_1049 = arith.index_cast %add3A_1048 : i32 to index
        %get3A_1050 = arith.constant 64 : index
        %get3A_1051 = tpu.vector_load %arg11[%get3A_1049, %get3A_1050] {strides = array<i32>} : memref<80x128xf32, #tpu.memory_space<vmem>>, vector<16xf32>,
        %mul3A_1052 = arith.mulf %get3A_1046, %get3A_1051 : vector<16xf32>
        %add3A_1053 = arith.addf %add3A_1041, %mul3A_1052 : vector<16xf32>
        %add3A_1054 = arith.constant 9 : i32
        %add3A_1055 = arith.addi %add3A_105, %add3A_1054 : i32
        %get3A_1056 = arith.index_cast %add3A_1055 : i32 to index
        %get3A_1057 = arith.constant 80 : index
        %get3A_1058 = tpu.vector_load %arg10[%get3A_1056, %get3A_1057] {strides = array<i32>} : memref<80x128xf32, #tpu.memory_space<vmem>>, vector<16xf32>,
        %add3A_1059 = arith.constant 9 : i32
        %add3A_1060 = arith.addi %add3A_105, %add3A_1059 : i32
        %get3A_1061 = arith.index_cast %add3A_1060 : i32 to index
        %get3A_1062 = arith.constant 80 : index
        %get3A_1063 = tpu.vector_load %arg11[%get3A_1061, %get3A_1062] {strides = array<i32>} : memref<80x128xf32, #tpu.memory_space<vmem>>, vector<16xf32>,
        %mul3A_1064 = arith.mulf %get3A_1058, %get3A_1063 : vector<16xf32>
        %add3A_1065 = arith.addf %add3A_1053, %mul3A_1064 : vector<16xf32>
        %add3A_1066 = arith.constant 9 : i32
        %add3A_1067 = arith.addi %add3A_105, %add3A_1066 : i32
        %get3A_1068 = arith.index_cast %add3A_1067 : i32 to index
        %get3A_1069 = arith.constant 96 : index
        %get3A_1070 = tpu.vector_load %arg10[%get3A_1068, %get3A_1069] {strides = array<i32>} : memref<80x128xf32, #tpu.memory_space<vmem>>, vector<16xf32>,
        %add3A_1071 = arith.constant 9 : i32
        %add3A_1072 = arith.addi %add3A_105, %add3A_1071 : i32
        %get3A_1073 = arith.index_cast %add3A_1072 : i32 to index
        %get3A_1074 = arith.constant 96 : index
        %get3A_1075 = tpu.vector_load %arg11[%get3A_1073, %get3A_1074] {strides = array<i32>} : memref<80x128xf32, #tpu.memory_space<vmem>>, vector<16xf32>,
        %mul3A_1076 = arith.mulf %get3A_1070, %get3A_1075 : vector<16xf32>
        %add3A_1077 = arith.addf %add3A_1065, %mul3A_1076 : vector<16xf32>
        %add3A_1078 = arith.constant 9 : i32
        %add3A_1079 = arith.addi %add3A_105, %add3A_1078 : i32
        %get3A_1080 = arith.index_cast %add3A_1079 : i32 to index
        %get3A_1081 = arith.constant 112 : index
        %get3A_1082 = tpu.vector_load %arg10[%get3A_1080, %get3A_1081] {strides = array<i32>} : memref<80x128xf32, #tpu.memory_space<vmem>>, vector<16xf32>,
        %add3A_1083 = arith.constant 9 : i32
        %add3A_1084 = arith.addi %add3A_105, %add3A_1083 : i32
        %get3A_1085 = arith.index_cast %add3A_1084 : i32 to index
        %get3A_1086 = arith.constant 112 : index
        %get3A_1087 = tpu.vector_load %arg11[%get3A_1085, %get3A_1086] {strides = array<i32>} : memref<80x128xf32, #tpu.memory_space<vmem>>, vector<16xf32>,
        %mul3A_1088 = arith.mulf %get3A_1082, %get3A_1087 : vector<16xf32>
        %add3A_1089 = arith.addf %add3A_1077, %mul3A_1088 : vector<16xf32>
        %swap3A_1090 = arith.constant 9 : i32
        %swap3A_1091 = arith.index_cast %swap3A_1090 : i32 to index
        %swap3A_1092 = arith.constant 0 : index
        %swap3A_1093 = tpu.vector_load %arg13[%swap3A_1091, %swap3A_1092] {strides = array<i32>} : memref<16x17xf32, #tpu.memory_space<vmem>>, vector<16xf32>,
        tpu.vector_store %arg13[%swap3A_1091, %swap3A_1092], %add3A_1089 {strides = array<i32>} : memref<16x17xf32, #tpu.memory_space<vmem>>, vector<16xf32>,
        %add3A_1094 = arith.constant 10 : i32
        %add3A_1095 = arith.addi %add3A_105, %add3A_1094 : i32
        %get3A_1096 = arith.index_cast %add3A_1095 : i32 to index
        %get3A_1097 = arith.constant 0 : index
        %get3A_1098 = tpu.vector_load %arg10[%get3A_1096, %get3A_1097] {strides = array<i32>} : memref<80x128xf32, #tpu.memory_space<vmem>>, vector<16xf32>,
        %add3A_1099 = arith.constant 10 : i32
        %add3A_1100 = arith.addi %add3A_105, %add3A_1099 : i32
        %get3A_1101 = arith.index_cast %add3A_1100 : i32 to index
        %get3A_1102 = arith.constant 0 : index
        %get3A_1103 = tpu.vector_load %arg11[%get3A_1101, %get3A_1102] {strides = array<i32>} : memref<80x128xf32, #tpu.memory_space<vmem>>, vector<16xf32>,
        %mul3A_1104 = arith.mulf %get3A_1098, %get3A_1103 : vector<16xf32>
        %add3A_1105 = arith.constant 10 : i32
        %add3A_1106 = arith.addi %add3A_105, %add3A_1105 : i32
        %get3A_1107 = arith.index_cast %add3A_1106 : i32 to index
        %get3A_1108 = arith.constant 16 : index
        %get3A_1109 = tpu.vector_load %arg10[%get3A_1107, %get3A_1108] {strides = array<i32>} : memref<80x128xf32, #tpu.memory_space<vmem>>, vector<16xf32>,
        %add3A_1110 = arith.constant 10 : i32
        %add3A_1111 = arith.addi %add3A_105, %add3A_1110 : i32
        %get3A_1112 = arith.index_cast %add3A_1111 : i32 to index
        %get3A_1113 = arith.constant 16 : index
        %get3A_1114 = tpu.vector_load %arg11[%get3A_1112, %get3A_1113] {strides = array<i32>} : memref<80x128xf32, #tpu.memory_space<vmem>>, vector<16xf32>,
        %mul3A_1115 = arith.mulf %get3A_1109, %get3A_1114 : vector<16xf32>
        %add3A_1116 = arith.addf %mul3A_1104, %mul3A_1115 : vector<16xf32>
        %add3A_1117 = arith.constant 10 : i32
        %add3A_1118 = arith.addi %add3A_105, %add3A_1117 : i32
        %get3A_1119 = arith.index_cast %add3A_1118 : i32 to index
        %get3A_1120 = arith.constant 32 : index
        %get3A_1121 = tpu.vector_load %arg10[%get3A_1119, %get3A_1120] {strides = array<i32>} : memref<80x128xf32, #tpu.memory_space<vmem>>, vector<16xf32>,
        %add3A_1122 = arith.constant 10 : i32
        %add3A_1123 = arith.addi %add3A_105, %add3A_1122 : i32
        %get3A_1124 = arith.index_cast %add3A_1123 : i32 to index
        %get3A_1125 = arith.constant 32 : index
        %get3A_1126 = tpu.vector_load %arg11[%get3A_1124, %get3A_1125] {strides = array<i32>} : memref<80x128xf32, #tpu.memory_space<vmem>>, vector<16xf32>,
        %mul3A_1127 = arith.mulf %get3A_1121, %get3A_1126 : vector<16xf32>
        %add3A_1128 = arith.addf %add3A_1116, %mul3A_1127 : vector<16xf32>
        %add3A_1129 = arith.constant 10 : i32
        %add3A_1130 = arith.addi %add3A_105, %add3A_1129 : i32
        %get3A_1131 = arith.index_cast %add3A_1130 : i32 to index
        %get3A_1132 = arith.constant 48 : index
        %get3A_1133 = tpu.vector_load %arg10[%get3A_1131, %get3A_1132] {strides = array<i32>} : memref<80x128xf32, #tpu.memory_space<vmem>>, vector<16xf32>,
        %add3A_1134 = arith.constant 10 : i32
        %add3A_1135 = arith.addi %add3A_105, %add3A_1134 : i32
        %get3A_1136 = arith.index_cast %add3A_1135 : i32 to index
        %get3A_1137 = arith.constant 48 : index
        %get3A_1138 = tpu.vector_load %arg11[%get3A_1136, %get3A_1137] {strides = array<i32>} : memref<80x128xf32, #tpu.memory_space<vmem>>, vector<16xf32>,
        %mul3A_1139 = arith.mulf %get3A_1133, %get3A_1138 : vector<16xf32>
        %add3A_1140 = arith.addf %add3A_1128, %mul3A_1139 : vector<16xf32>
        %add3A_1141 = arith.constant 10 : i32
        %add3A_1142 = arith.addi %add3A_105, %add3A_1141 : i32
        %get3A_1143 = arith.index_cast %add3A_1142 : i32 to index
        %get3A_1144 = arith.constant 64 : index
        %get3A_1145 = tpu.vector_load %arg10[%get3A_1143, %get3A_1144] {strides = array<i32>} : memref<80x128xf32, #tpu.memory_space<vmem>>, vector<16xf32>,
        %add3A_1146 = arith.constant 10 : i32
        %add3A_1147 = arith.addi %add3A_105, %add3A_1146 : i32
        %get3A_1148 = arith.index_cast %add3A_1147 : i32 to index
        %get3A_1149 = arith.constant 64 : index
        %get3A_1150 = tpu.vector_load %arg11[%get3A_1148, %get3A_1149] {strides = array<i32>} : memref<80x128xf32, #tpu.memory_space<vmem>>, vector<16xf32>,
        %mul3A_1151 = arith.mulf %get3A_1145, %get3A_1150 : vector<16xf32>
        %add3A_1152 = arith.addf %add3A_1140, %mul3A_1151 : vector<16xf32>
        %add3A_1153 = arith.constant 10 : i32
        %add3A_1154 = arith.addi %add3A_105, %add3A_1153 : i32
        %get3A_1155 = arith.index_cast %add3A_1154 : i32 to index
        %get3A_1156 = arith.constant 80 : index
        %get3A_1157 = tpu.vector_load %arg10[%get3A_1155, %get3A_1156] {strides = array<i32>} : memref<80x128xf32, #tpu.memory_space<vmem>>, vector<16xf32>,
        %add3A_1158 = arith.constant 10 : i32
        %add3A_1159 = arith.addi %add3A_105, %add3A_1158 : i32
        %get3A_1160 = arith.index_cast %add3A_1159 : i32 to index
        %get3A_1161 = arith.constant 80 : index
        %get3A_1162 = tpu.vector_load %arg11[%get3A_1160, %get3A_1161] {strides = array<i32>} : memref<80x128xf32, #tpu.memory_space<vmem>>, vector<16xf32>,
        %mul3A_1163 = arith.mulf %get3A_1157, %get3A_1162 : vector<16xf32>
        %add3A_1164 = arith.addf %add3A_1152, %mul3A_1163 : vector<16xf32>
        %add3A_1165 = arith.constant 10 : i32
        %add3A_1166 = arith.addi %add3A_105, %add3A_1165 : i32
        %get3A_1167 = arith.index_cast %add3A_1166 : i32 to index
        %get3A_1168 = arith.constant 96 : index
        %get3A_1169 = tpu.vector_load %arg10[%get3A_1167, %get3A_1168] {strides = array<i32>} : memref<80x128xf32, #tpu.memory_space<vmem>>, vector<16xf32>,
        %add3A_1170 = arith.constant 10 : i32
        %add3A_1171 = arith.addi %add3A_105, %add3A_1170 : i32
        %get3A_1172 = arith.index_cast %add3A_1171 : i32 to index
        %get3A_1173 = arith.constant 96 : index
        %get3A_1174 = tpu.vector_load %arg11[%get3A_1172, %get3A_1173] {strides = array<i32>} : memref<80x128xf32, #tpu.memory_space<vmem>>, vector<16xf32>,
        %mul3A_1175 = arith.mulf %get3A_1169, %get3A_1174 : vector<16xf32>
        %add3A_1176 = arith.addf %add3A_1164, %mul3A_1175 : vector<16xf32>
        %add3A_1177 = arith.constant 10 : i32
        %add3A_1178 = arith.addi %add3A_105, %add3A_1177 : i32
        %get3A_1179 = arith.index_cast %add3A_1178 : i32 to index
        %get3A_1180 = arith.constant 112 : index
        %get3A_1181 = tpu.vector_load %arg10[%get3A_1179, %get3A_1180] {strides = array<i32>} : memref<80x128xf32, #tpu.memory_space<vmem>>, vector<16xf32>,
        %add3A_1182 = arith.constant 10 : i32
        %add3A_1183 = arith.addi %add3A_105, %add3A_1182 : i32
        %get3A_1184 = arith.index_cast %add3A_1183 : i32 to index
        %get3A_1185 = arith.constant 112 : index
        %get3A_1186 = tpu.vector_load %arg11[%get3A_1184, %get3A_1185] {strides = array<i32>} : memref<80x128xf32, #tpu.memory_space<vmem>>, vector<16xf32>,
        %mul3A_1187 = arith.mulf %get3A_1181, %get3A_1186 : vector<16xf32>
        %add3A_1188 = arith.addf %add3A_1176, %mul3A_1187 : vector<16xf32>
        %swap3A_1189 = arith.constant 10 : i32
        %swap3A_1190 = arith.index_cast %swap3A_1189 : i32 to index
        %swap3A_1191 = arith.constant 0 : index
        %swap3A_1192 = tpu.vector_load %arg13[%swap3A_1190, %swap3A_1191] {strides = array<i32>} : memref<16x17xf32, #tpu.memory_space<vmem>>, vector<16xf32>,
        tpu.vector_store %arg13[%swap3A_1190, %swap3A_1191], %add3A_1188 {strides = array<i32>} : memref<16x17xf32, #tpu.memory_space<vmem>>, vector<16xf32>,
        %add3A_1193 = arith.constant 11 : i32
        %add3A_1194 = arith.addi %add3A_105, %add3A_1193 : i32
        %get3A_1195 = arith.index_cast %add3A_1194 : i32 to index
        %get3A_1196 = arith.constant 0 : index
        %get3A_1197 = tpu.vector_load %arg10[%get3A_1195, %get3A_1196] {strides = array<i32>} : memref<80x128xf32, #tpu.memory_space<vmem>>, vector<16xf32>,
        %add3A_1198 = arith.constant 11 : i32
        %add3A_1199 = arith.addi %add3A_105, %add3A_1198 : i32
        %get3A_1200 = arith.index_cast %add3A_1199 : i32 to index
        %get3A_1201 = arith.constant 0 : index
        %get3A_1202 = tpu.vector_load %arg11[%get3A_1200, %get3A_1201] {strides = array<i32>} : memref<80x128xf32, #tpu.memory_space<vmem>>, vector<16xf32>,
        %mul3A_1203 = arith.mulf %get3A_1197, %get3A_1202 : vector<16xf32>
        %add3A_1204 = arith.constant 11 : i32
        %add3A_1205 = arith.addi %add3A_105, %add3A_1204 : i32
        %get3A_1206 = arith.index_cast %add3A_1205 : i32 to index
        %get3A_1207 = arith.constant 16 : index
        %get3A_1208 = tpu.vector_load %arg10[%get3A_1206, %get3A_1207] {strides = array<i32>} : memref<80x128xf32, #tpu.memory_space<vmem>>, vector<16xf32>,
        %add3A_1209 = arith.constant 11 : i32
        %add3A_1210 = arith.addi %add3A_105, %add3A_1209 : i32
        %get3A_1211 = arith.index_cast %add3A_1210 : i32 to index
        %get3A_1212 = arith.constant 16 : index
        %get3A_1213 = tpu.vector_load %arg11[%get3A_1211, %get3A_1212] {strides = array<i32>} : memref<80x128xf32, #tpu.memory_space<vmem>>, vector<16xf32>,
        %mul3A_1214 = arith.mulf %get3A_1208, %get3A_1213 : vector<16xf32>
        %add3A_1215 = arith.addf %mul3A_1203, %mul3A_1214 : vector<16xf32>
        %add3A_1216 = arith.constant 11 : i32
        %add3A_1217 = arith.addi %add3A_105, %add3A_1216 : i32
        %get3A_1218 = arith.index_cast %add3A_1217 : i32 to index
        %get3A_1219 = arith.constant 32 : index
        %get3A_1220 = tpu.vector_load %arg10[%get3A_1218, %get3A_1219] {strides = array<i32>} : memref<80x128xf32, #tpu.memory_space<vmem>>, vector<16xf32>,
        %add3A_1221 = arith.constant 11 : i32
        %add3A_1222 = arith.addi %add3A_105, %add3A_1221 : i32
        %get3A_1223 = arith.index_cast %add3A_1222 : i32 to index
        %get3A_1224 = arith.constant 32 : index
        %get3A_1225 = tpu.vector_load %arg11[%get3A_1223, %get3A_1224] {strides = array<i32>} : memref<80x128xf32, #tpu.memory_space<vmem>>, vector<16xf32>,
        %mul3A_1226 = arith.mulf %get3A_1220, %get3A_1225 : vector<16xf32>
        %add3A_1227 = arith.addf %add3A_1215, %mul3A_1226 : vector<16xf32>
        %add3A_1228 = arith.constant 11 : i32
        %add3A_1229 = arith.addi %add3A_105, %add3A_1228 : i32
        %get3A_1230 = arith.index_cast %add3A_1229 : i32 to index
        %get3A_1231 = arith.constant 48 : index
        %get3A_1232 = tpu.vector_load %arg10[%get3A_1230, %get3A_1231] {strides = array<i32>} : memref<80x128xf32, #tpu.memory_space<vmem>>, vector<16xf32>,
        %add3A_1233 = arith.constant 11 : i32
        %add3A_1234 = arith.addi %add3A_105, %add3A_1233 : i32
        %get3A_1235 = arith.index_cast %add3A_1234 : i32 to index
        %get3A_1236 = arith.constant 48 : index
        %get3A_1237 = tpu.vector_load %arg11[%get3A_1235, %get3A_1236] {strides = array<i32>} : memref<80x128xf32, #tpu.memory_space<vmem>>, vector<16xf32>,
        %mul3A_1238 = arith.mulf %get3A_1232, %get3A_1237 : vector<16xf32>
        %add3A_1239 = arith.addf %add3A_1227, %mul3A_1238 : vector<16xf32>
        %add3A_1240 = arith.constant 11 : i32
        %add3A_1241 = arith.addi %add3A_105, %add3A_1240 : i32
        %get3A_1242 = arith.index_cast %add3A_1241 : i32 to index
        %get3A_1243 = arith.constant 64 : index
        %get3A_1244 = tpu.vector_load %arg10[%get3A_1242, %get3A_1243] {strides = array<i32>} : memref<80x128xf32, #tpu.memory_space<vmem>>, vector<16xf32>,
        %add3A_1245 = arith.constant 11 : i32
        %add3A_1246 = arith.addi %add3A_105, %add3A_1245 : i32
        %get3A_1247 = arith.index_cast %add3A_1246 : i32 to index
        %get3A_1248 = arith.constant 64 : index
        %get3A_1249 = tpu.vector_load %arg11[%get3A_1247, %get3A_1248] {strides = array<i32>} : memref<80x128xf32, #tpu.memory_space<vmem>>, vector<16xf32>,
        %mul3A_1250 = arith.mulf %get3A_1244, %get3A_1249 : vector<16xf32>
        %add3A_1251 = arith.addf %add3A_1239, %mul3A_1250 : vector<16xf32>
        %add3A_1252 = arith.constant 11 : i32
        %add3A_1253 = arith.addi %add3A_105, %add3A_1252 : i32
        %get3A_1254 = arith.index_cast %add3A_1253 : i32 to index
        %get3A_1255 = arith.constant 80 : index
        %get3A_1256 = tpu.vector_load %arg10[%get3A_1254, %get3A_1255] {strides = array<i32>} : memref<80x128xf32, #tpu.memory_space<vmem>>, vector<16xf32>,
        %add3A_1257 = arith.constant 11 : i32
        %add3A_1258 = arith.addi %add3A_105, %add3A_1257 : i32
        %get3A_1259 = arith.index_cast %add3A_1258 : i32 to index
        %get3A_1260 = arith.constant 80 : index
        %get3A_1261 = tpu.vector_load %arg11[%get3A_1259, %get3A_1260] {strides = array<i32>} : memref<80x128xf32, #tpu.memory_space<vmem>>, vector<16xf32>,
        %mul3A_1262 = arith.mulf %get3A_1256, %get3A_1261 : vector<16xf32>
        %add3A_1263 = arith.addf %add3A_1251, %mul3A_1262 : vector<16xf32>
        %add3A_1264 = arith.constant 11 : i32
        %add3A_1265 = arith.addi %add3A_105, %add3A_1264 : i32
        %get3A_1266 = arith.index_cast %add3A_1265 : i32 to index
        %get3A_1267 = arith.constant 96 : index
        %get3A_1268 = tpu.vector_load %arg10[%get3A_1266, %get3A_1267] {strides = array<i32>} : memref<80x128xf32, #tpu.memory_space<vmem>>, vector<16xf32>,
        %add3A_1269 = arith.constant 11 : i32
        %add3A_1270 = arith.addi %add3A_105, %add3A_1269 : i32
        %get3A_1271 = arith.index_cast %add3A_1270 : i32 to index
        %get3A_1272 = arith.constant 96 : index
        %get3A_1273 = tpu.vector_load %arg11[%get3A_1271, %get3A_1272] {strides = array<i32>} : memref<80x128xf32, #tpu.memory_space<vmem>>, vector<16xf32>,
        %mul3A_1274 = arith.mulf %get3A_1268, %get3A_1273 : vector<16xf32>
        %add3A_1275 = arith.addf %add3A_1263, %mul3A_1274 : vector<16xf32>
        %add3A_1276 = arith.constant 11 : i32
        %add3A_1277 = arith.addi %add3A_105, %add3A_1276 : i32
        %get3A_1278 = arith.index_cast %add3A_1277 : i32 to index
        %get3A_1279 = arith.constant 112 : index
        %get3A_1280 = tpu.vector_load %arg10[%get3A_1278, %get3A_1279] {strides = array<i32>} : memref<80x128xf32, #tpu.memory_space<vmem>>, vector<16xf32>,
        %add3A_1281 = arith.constant 11 : i32
        %add3A_1282 = arith.addi %add3A_105, %add3A_1281 : i32
        %get3A_1283 = arith.index_cast %add3A_1282 : i32 to index
        %get3A_1284 = arith.constant 112 : index
        %get3A_1285 = tpu.vector_load %arg11[%get3A_1283, %get3A_1284] {strides = array<i32>} : memref<80x128xf32, #tpu.memory_space<vmem>>, vector<16xf32>,
        %mul3A_1286 = arith.mulf %get3A_1280, %get3A_1285 : vector<16xf32>
        %add3A_1287 = arith.addf %add3A_1275, %mul3A_1286 : vector<16xf32>
        %swap3A_1288 = arith.constant 11 : i32
        %swap3A_1289 = arith.index_cast %swap3A_1288 : i32 to index
        %swap3A_1290 = arith.constant 0 : index
        %swap3A_1291 = tpu.vector_load %arg13[%swap3A_1289, %swap3A_1290] {strides = array<i32>} : memref<16x17xf32, #tpu.memory_space<vmem>>, vector<16xf32>,
        tpu.vector_store %arg13[%swap3A_1289, %swap3A_1290], %add3A_1287 {strides = array<i32>} : memref<16x17xf32, #tpu.memory_space<vmem>>, vector<16xf32>,
        %add3A_1292 = arith.constant 12 : i32
        %add3A_1293 = arith.addi %add3A_105, %add3A_1292 : i32
        %get3A_1294 = arith.index_cast %add3A_1293 : i32 to index
        %get3A_1295 = arith.constant 0 : index
        %get3A_1296 = tpu.vector_load %arg10[%get3A_1294, %get3A_1295] {strides = array<i32>} : memref<80x128xf32, #tpu.memory_space<vmem>>, vector<16xf32>,
        %add3A_1297 = arith.constant 12 : i32
        %add3A_1298 = arith.addi %add3A_105, %add3A_1297 : i32
        %get3A_1299 = arith.index_cast %add3A_1298 : i32 to index
        %get3A_1300 = arith.constant 0 : index
        %get3A_1301 = tpu.vector_load %arg11[%get3A_1299, %get3A_1300] {strides = array<i32>} : memref<80x128xf32, #tpu.memory_space<vmem>>, vector<16xf32>,
        %mul3A_1302 = arith.mulf %get3A_1296, %get3A_1301 : vector<16xf32>
        %add3A_1303 = arith.constant 12 : i32
        %add3A_1304 = arith.addi %add3A_105, %add3A_1303 : i32
        %get3A_1305 = arith.index_cast %add3A_1304 : i32 to index
        %get3A_1306 = arith.constant 16 : index
        %get3A_1307 = tpu.vector_load %arg10[%get3A_1305, %get3A_1306] {strides = array<i32>} : memref<80x128xf32, #tpu.memory_space<vmem>>, vector<16xf32>,
        %add3A_1308 = arith.constant 12 : i32
        %add3A_1309 = arith.addi %add3A_105, %add3A_1308 : i32
        %get3A_1310 = arith.index_cast %add3A_1309 : i32 to index
        %get3A_1311 = arith.constant 16 : index
        %get3A_1312 = tpu.vector_load %arg11[%get3A_1310, %get3A_1311] {strides = array<i32>} : memref<80x128xf32, #tpu.memory_space<vmem>>, vector<16xf32>,
        %mul3A_1313 = arith.mulf %get3A_1307, %get3A_1312 : vector<16xf32>
        %add3A_1314 = arith.addf %mul3A_1302, %mul3A_1313 : vector<16xf32>
        %add3A_1315 = arith.constant 12 : i32
        %add3A_1316 = arith.addi %add3A_105, %add3A_1315 : i32
        %get3A_1317 = arith.index_cast %add3A_1316 : i32 to index
        %get3A_1318 = arith.constant 32 : index
        %get3A_1319 = tpu.vector_load %arg10[%get3A_1317, %get3A_1318] {strides = array<i32>} : memref<80x128xf32, #tpu.memory_space<vmem>>, vector<16xf32>,
        %add3A_1320 = arith.constant 12 : i32
        %add3A_1321 = arith.addi %add3A_105, %add3A_1320 : i32
        %get3A_1322 = arith.index_cast %add3A_1321 : i32 to index
        %get3A_1323 = arith.constant 32 : index
        %get3A_1324 = tpu.vector_load %arg11[%get3A_1322, %get3A_1323] {strides = array<i32>} : memref<80x128xf32, #tpu.memory_space<vmem>>, vector<16xf32>,
        %mul3A_1325 = arith.mulf %get3A_1319, %get3A_1324 : vector<16xf32>
        %add3A_1326 = arith.addf %add3A_1314, %mul3A_1325 : vector<16xf32>
        %add3A_1327 = arith.constant 12 : i32
        %add3A_1328 = arith.addi %add3A_105, %add3A_1327 : i32
        %get3A_1329 = arith.index_cast %add3A_1328 : i32 to index
        %get3A_1330 = arith.constant 48 : index
        %get3A_1331 = tpu.vector_load %arg10[%get3A_1329, %get3A_1330] {strides = array<i32>} : memref<80x128xf32, #tpu.memory_space<vmem>>, vector<16xf32>,
        %add3A_1332 = arith.constant 12 : i32
        %add3A_1333 = arith.addi %add3A_105, %add3A_1332 : i32
        %get3A_1334 = arith.index_cast %add3A_1333 : i32 to index
        %get3A_1335 = arith.constant 48 : index
        %get3A_1336 = tpu.vector_load %arg11[%get3A_1334, %get3A_1335] {strides = array<i32>} : memref<80x128xf32, #tpu.memory_space<vmem>>, vector<16xf32>,
        %mul3A_1337 = arith.mulf %get3A_1331, %get3A_1336 : vector<16xf32>
        %add3A_1338 = arith.addf %add3A_1326, %mul3A_1337 : vector<16xf32>
        %add3A_1339 = arith.constant 12 : i32
        %add3A_1340 = arith.addi %add3A_105, %add3A_1339 : i32
        %get3A_1341 = arith.index_cast %add3A_1340 : i32 to index
        %get3A_1342 = arith.constant 64 : index
        %get3A_1343 = tpu.vector_load %arg10[%get3A_1341, %get3A_1342] {strides = array<i32>} : memref<80x128xf32, #tpu.memory_space<vmem>>, vector<16xf32>,
        %add3A_1344 = arith.constant 12 : i32
        %add3A_1345 = arith.addi %add3A_105, %add3A_1344 : i32
        %get3A_1346 = arith.index_cast %add3A_1345 : i32 to index
        %get3A_1347 = arith.constant 64 : index
        %get3A_1348 = tpu.vector_load %arg11[%get3A_1346, %get3A_1347] {strides = array<i32>} : memref<80x128xf32, #tpu.memory_space<vmem>>, vector<16xf32>,
        %mul3A_1349 = arith.mulf %get3A_1343, %get3A_1348 : vector<16xf32>
        %add3A_1350 = arith.addf %add3A_1338, %mul3A_1349 : vector<16xf32>
        %add3A_1351 = arith.constant 12 : i32
        %add3A_1352 = arith.addi %add3A_105, %add3A_1351 : i32
        %get3A_1353 = arith.index_cast %add3A_1352 : i32 to index
        %get3A_1354 = arith.constant 80 : index
        %get3A_1355 = tpu.vector_load %arg10[%get3A_1353, %get3A_1354] {strides = array<i32>} : memref<80x128xf32, #tpu.memory_space<vmem>>, vector<16xf32>,
        %add3A_1356 = arith.constant 12 : i32
        %add3A_1357 = arith.addi %add3A_105, %add3A_1356 : i32
        %get3A_1358 = arith.index_cast %add3A_1357 : i32 to index
        %get3A_1359 = arith.constant 80 : index
        %get3A_1360 = tpu.vector_load %arg11[%get3A_1358, %get3A_1359] {strides = array<i32>} : memref<80x128xf32, #tpu.memory_space<vmem>>, vector<16xf32>,
        %mul3A_1361 = arith.mulf %get3A_1355, %get3A_1360 : vector<16xf32>
        %add3A_1362 = arith.addf %add3A_1350, %mul3A_1361 : vector<16xf32>
        %add3A_1363 = arith.constant 12 : i32
        %add3A_1364 = arith.addi %add3A_105, %add3A_1363 : i32
        %get3A_1365 = arith.index_cast %add3A_1364 : i32 to index
        %get3A_1366 = arith.constant 96 : index
        %get3A_1367 = tpu.vector_load %arg10[%get3A_1365, %get3A_1366] {strides = array<i32>} : memref<80x128xf32, #tpu.memory_space<vmem>>, vector<16xf32>,
        %add3A_1368 = arith.constant 12 : i32
        %add3A_1369 = arith.addi %add3A_105, %add3A_1368 : i32
        %get3A_1370 = arith.index_cast %add3A_1369 : i32 to index
        %get3A_1371 = arith.constant 96 : index
        %get3A_1372 = tpu.vector_load %arg11[%get3A_1370, %get3A_1371] {strides = array<i32>} : memref<80x128xf32, #tpu.memory_space<vmem>>, vector<16xf32>,
        %mul3A_1373 = arith.mulf %get3A_1367, %get3A_1372 : vector<16xf32>
        %add3A_1374 = arith.addf %add3A_1362, %mul3A_1373 : vector<16xf32>
        %add3A_1375 = arith.constant 12 : i32
        %add3A_1376 = arith.addi %add3A_105, %add3A_1375 : i32
        %get3A_1377 = arith.index_cast %add3A_1376 : i32 to index
        %get3A_1378 = arith.constant 112 : index
        %get3A_1379 = tpu.vector_load %arg10[%get3A_1377, %get3A_1378] {strides = array<i32>} : memref<80x128xf32, #tpu.memory_space<vmem>>, vector<16xf32>,
        %add3A_1380 = arith.constant 12 : i32
        %add3A_1381 = arith.addi %add3A_105, %add3A_1380 : i32
        %get3A_1382 = arith.index_cast %add3A_1381 : i32 to index
        %get3A_1383 = arith.constant 112 : index
        %get3A_1384 = tpu.vector_load %arg11[%get3A_1382, %get3A_1383] {strides = array<i32>} : memref<80x128xf32, #tpu.memory_space<vmem>>, vector<16xf32>,
        %mul3A_1385 = arith.mulf %get3A_1379, %get3A_1384 : vector<16xf32>
        %add3A_1386 = arith.addf %add3A_1374, %mul3A_1385 : vector<16xf32>
        %swap3A_1387 = arith.constant 12 : i32
        %swap3A_1388 = arith.index_cast %swap3A_1387 : i32 to index
        %swap3A_1389 = arith.constant 0 : index
        %swap3A_1390 = tpu.vector_load %arg13[%swap3A_1388, %swap3A_1389] {strides = array<i32>} : memref<16x17xf32, #tpu.memory_space<vmem>>, vector<16xf32>,
        tpu.vector_store %arg13[%swap3A_1388, %swap3A_1389], %add3A_1386 {strides = array<i32>} : memref<16x17xf32, #tpu.memory_space<vmem>>, vector<16xf32>,
        %add3A_1391 = arith.constant 13 : i32
        %add3A_1392 = arith.addi %add3A_105, %add3A_1391 : i32
        %get3A_1393 = arith.index_cast %add3A_1392 : i32 to index
        %get3A_1394 = arith.constant 0 : index
        %get3A_1395 = tpu.vector_load %arg10[%get3A_1393, %get3A_1394] {strides = array<i32>} : memref<80x128xf32, #tpu.memory_space<vmem>>, vector<16xf32>,
        %add3A_1396 = arith.constant 13 : i32
        %add3A_1397 = arith.addi %add3A_105, %add3A_1396 : i32
        %get3A_1398 = arith.index_cast %add3A_1397 : i32 to index
        %get3A_1399 = arith.constant 0 : index
        %get3A_1400 = tpu.vector_load %arg11[%get3A_1398, %get3A_1399] {strides = array<i32>} : memref<80x128xf32, #tpu.memory_space<vmem>>, vector<16xf32>,
        %mul3A_1401 = arith.mulf %get3A_1395, %get3A_1400 : vector<16xf32>
        %add3A_1402 = arith.constant 13 : i32
        %add3A_1403 = arith.addi %add3A_105, %add3A_1402 : i32
        %get3A_1404 = arith.index_cast %add3A_1403 : i32 to index
        %get3A_1405 = arith.constant 16 : index
        %get3A_1406 = tpu.vector_load %arg10[%get3A_1404, %get3A_1405] {strides = array<i32>} : memref<80x128xf32, #tpu.memory_space<vmem>>, vector<16xf32>,
        %add3A_1407 = arith.constant 13 : i32
        %add3A_1408 = arith.addi %add3A_105, %add3A_1407 : i32
        %get3A_1409 = arith.index_cast %add3A_1408 : i32 to index
        %get3A_1410 = arith.constant 16 : index
        %get3A_1411 = tpu.vector_load %arg11[%get3A_1409, %get3A_1410] {strides = array<i32>} : memref<80x128xf32, #tpu.memory_space<vmem>>, vector<16xf32>,
        %mul3A_1412 = arith.mulf %get3A_1406, %get3A_1411 : vector<16xf32>
        %add3A_1413 = arith.addf %mul3A_1401, %mul3A_1412 : vector<16xf32>
        %add3A_1414 = arith.constant 13 : i32
        %add3A_1415 = arith.addi %add3A_105, %add3A_1414 : i32
        %get3A_1416 = arith.index_cast %add3A_1415 : i32 to index
        %get3A_1417 = arith.constant 32 : index
        %get3A_1418 = tpu.vector_load %arg10[%get3A_1416, %get3A_1417] {strides = array<i32>} : memref<80x128xf32, #tpu.memory_space<vmem>>, vector<16xf32>,
        %add3A_1419 = arith.constant 13 : i32
        %add3A_1420 = arith.addi %add3A_105, %add3A_1419 : i32
        %get3A_1421 = arith.index_cast %add3A_1420 : i32 to index
        %get3A_1422 = arith.constant 32 : index
        %get3A_1423 = tpu.vector_load %arg11[%get3A_1421, %get3A_1422] {strides = array<i32>} : memref<80x128xf32, #tpu.memory_space<vmem>>, vector<16xf32>,
        %mul3A_1424 = arith.mulf %get3A_1418, %get3A_1423 : vector<16xf32>
        %add3A_1425 = arith.addf %add3A_1413, %mul3A_1424 : vector<16xf32>
        %add3A_1426 = arith.constant 13 : i32
        %add3A_1427 = arith.addi %add3A_105, %add3A_1426 : i32
        %get3A_1428 = arith.index_cast %add3A_1427 : i32 to index
        %get3A_1429 = arith.constant 48 : index
        %get3A_1430 = tpu.vector_load %arg10[%get3A_1428, %get3A_1429] {strides = array<i32>} : memref<80x128xf32, #tpu.memory_space<vmem>>, vector<16xf32>,
        %add3A_1431 = arith.constant 13 : i32
        %add3A_1432 = arith.addi %add3A_105, %add3A_1431 : i32
        %get3A_1433 = arith.index_cast %add3A_1432 : i32 to index
        %get3A_1434 = arith.constant 48 : index
        %get3A_1435 = tpu.vector_load %arg11[%get3A_1433, %get3A_1434] {strides = array<i32>} : memref<80x128xf32, #tpu.memory_space<vmem>>, vector<16xf32>,
        %mul3A_1436 = arith.mulf %get3A_1430, %get3A_1435 : vector<16xf32>
        %add3A_1437 = arith.addf %add3A_1425, %mul3A_1436 : vector<16xf32>
        %add3A_1438 = arith.constant 13 : i32
        %add3A_1439 = arith.addi %add3A_105, %add3A_1438 : i32
        %get3A_1440 = arith.index_cast %add3A_1439 : i32 to index
        %get3A_1441 = arith.constant 64 : index
        %get3A_1442 = tpu.vector_load %arg10[%get3A_1440, %get3A_1441] {strides = array<i32>} : memref<80x128xf32, #tpu.memory_space<vmem>>, vector<16xf32>,
        %add3A_1443 = arith.constant 13 : i32
        %add3A_1444 = arith.addi %add3A_105, %add3A_1443 : i32
        %get3A_1445 = arith.index_cast %add3A_1444 : i32 to index
        %get3A_1446 = arith.constant 64 : index
        %get3A_1447 = tpu.vector_load %arg11[%get3A_1445, %get3A_1446] {strides = array<i32>} : memref<80x128xf32, #tpu.memory_space<vmem>>, vector<16xf32>,
        %mul3A_1448 = arith.mulf %get3A_1442, %get3A_1447 : vector<16xf32>
        %add3A_1449 = arith.addf %add3A_1437, %mul3A_1448 : vector<16xf32>
        %add3A_1450 = arith.constant 13 : i32
        %add3A_1451 = arith.addi %add3A_105, %add3A_1450 : i32
        %get3A_1452 = arith.index_cast %add3A_1451 : i32 to index
        %get3A_1453 = arith.constant 80 : index
        %get3A_1454 = tpu.vector_load %arg10[%get3A_1452, %get3A_1453] {strides = array<i32>} : memref<80x128xf32, #tpu.memory_space<vmem>>, vector<16xf32>,
        %add3A_1455 = arith.constant 13 : i32
        %add3A_1456 = arith.addi %add3A_105, %add3A_1455 : i32
        %get3A_1457 = arith.index_cast %add3A_1456 : i32 to index
        %get3A_1458 = arith.constant 80 : index
        %get3A_1459 = tpu.vector_load %arg11[%get3A_1457, %get3A_1458] {strides = array<i32>} : memref<80x128xf32, #tpu.memory_space<vmem>>, vector<16xf32>,
        %mul3A_1460 = arith.mulf %get3A_1454, %get3A_1459 : vector<16xf32>
        %add3A_1461 = arith.addf %add3A_1449, %mul3A_1460 : vector<16xf32>
        %add3A_1462 = arith.constant 13 : i32
        %add3A_1463 = arith.addi %add3A_105, %add3A_1462 : i32
        %get3A_1464 = arith.index_cast %add3A_1463 : i32 to index
        %get3A_1465 = arith.constant 96 : index
        %get3A_1466 = tpu.vector_load %arg10[%get3A_1464, %get3A_1465] {strides = array<i32>} : memref<80x128xf32, #tpu.memory_space<vmem>>, vector<16xf32>,
        %add3A_1467 = arith.constant 13 : i32
        %add3A_1468 = arith.addi %add3A_105, %add3A_1467 : i32
        %get3A_1469 = arith.index_cast %add3A_1468 : i32 to index
        %get3A_1470 = arith.constant 96 : index
        %get3A_1471 = tpu.vector_load %arg11[%get3A_1469, %get3A_1470] {strides = array<i32>} : memref<80x128xf32, #tpu.memory_space<vmem>>, vector<16xf32>,
        %mul3A_1472 = arith.mulf %get3A_1466, %get3A_1471 : vector<16xf32>
        %add3A_1473 = arith.addf %add3A_1461, %mul3A_1472 : vector<16xf32>
        %add3A_1474 = arith.constant 13 : i32
        %add3A_1475 = arith.addi %add3A_105, %add3A_1474 : i32
        %get3A_1476 = arith.index_cast %add3A_1475 : i32 to index
        %get3A_1477 = arith.constant 112 : index
        %get3A_1478 = tpu.vector_load %arg10[%get3A_1476, %get3A_1477] {strides = array<i32>} : memref<80x128xf32, #tpu.memory_space<vmem>>, vector<16xf32>,
        %add3A_1479 = arith.constant 13 : i32
        %add3A_1480 = arith.addi %add3A_105, %add3A_1479 : i32
        %get3A_1481 = arith.index_cast %add3A_1480 : i32 to index
        %get3A_1482 = arith.constant 112 : index
        %get3A_1483 = tpu.vector_load %arg11[%get3A_1481, %get3A_1482] {strides = array<i32>} : memref<80x128xf32, #tpu.memory_space<vmem>>, vector<16xf32>,
        %mul3A_1484 = arith.mulf %get3A_1478, %get3A_1483 : vector<16xf32>
        %add3A_1485 = arith.addf %add3A_1473, %mul3A_1484 : vector<16xf32>
        %swap3A_1486 = arith.constant 13 : i32
        %swap3A_1487 = arith.index_cast %swap3A_1486 : i32 to index
        %swap3A_1488 = arith.constant 0 : index
        %swap3A_1489 = tpu.vector_load %arg13[%swap3A_1487, %swap3A_1488] {strides = array<i32>} : memref<16x17xf32, #tpu.memory_space<vmem>>, vector<16xf32>,
        tpu.vector_store %arg13[%swap3A_1487, %swap3A_1488], %add3A_1485 {strides = array<i32>} : memref<16x17xf32, #tpu.memory_space<vmem>>, vector<16xf32>,
        %add3A_1490 = arith.constant 14 : i32
        %add3A_1491 = arith.addi %add3A_105, %add3A_1490 : i32
        %get3A_1492 = arith.index_cast %add3A_1491 : i32 to index
        %get3A_1493 = arith.constant 0 : index
        %get3A_1494 = tpu.vector_load %arg10[%get3A_1492, %get3A_1493] {strides = array<i32>} : memref<80x128xf32, #tpu.memory_space<vmem>>, vector<16xf32>,
        %add3A_1495 = arith.constant 14 : i32
        %add3A_1496 = arith.addi %add3A_105, %add3A_1495 : i32
        %get3A_1497 = arith.index_cast %add3A_1496 : i32 to index
        %get3A_1498 = arith.constant 0 : index
        %get3A_1499 = tpu.vector_load %arg11[%get3A_1497, %get3A_1498] {strides = array<i32>} : memref<80x128xf32, #tpu.memory_space<vmem>>, vector<16xf32>,
        %mul3A_1500 = arith.mulf %get3A_1494, %get3A_1499 : vector<16xf32>
        %add3A_1501 = arith.constant 14 : i32
        %add3A_1502 = arith.addi %add3A_105, %add3A_1501 : i32
        %get3A_1503 = arith.index_cast %add3A_1502 : i32 to index
        %get3A_1504 = arith.constant 16 : index
        %get3A_1505 = tpu.vector_load %arg10[%get3A_1503, %get3A_1504] {strides = array<i32>} : memref<80x128xf32, #tpu.memory_space<vmem>>, vector<16xf32>,
        %add3A_1506 = arith.constant 14 : i32
        %add3A_1507 = arith.addi %add3A_105, %add3A_1506 : i32
        %get3A_1508 = arith.index_cast %add3A_1507 : i32 to index
        %get3A_1509 = arith.constant 16 : index
        %get3A_1510 = tpu.vector_load %arg11[%get3A_1508, %get3A_1509] {strides = array<i32>} : memref<80x128xf32, #tpu.memory_space<vmem>>, vector<16xf32>,
        %mul3A_1511 = arith.mulf %get3A_1505, %get3A_1510 : vector<16xf32>
        %add3A_1512 = arith.addf %mul3A_1500, %mul3A_1511 : vector<16xf32>
        %add3A_1513 = arith.constant 14 : i32
        %add3A_1514 = arith.addi %add3A_105, %add3A_1513 : i32
        %get3A_1515 = arith.index_cast %add3A_1514 : i32 to index
        %get3A_1516 = arith.constant 32 : index
        %get3A_1517 = tpu.vector_load %arg10[%get3A_1515, %get3A_1516] {strides = array<i32>} : memref<80x128xf32, #tpu.memory_space<vmem>>, vector<16xf32>,
        %add3A_1518 = arith.constant 14 : i32
        %add3A_1519 = arith.addi %add3A_105, %add3A_1518 : i32
        %get3A_1520 = arith.index_cast %add3A_1519 : i32 to index
        %get3A_1521 = arith.constant 32 : index
        %get3A_1522 = tpu.vector_load %arg11[%get3A_1520, %get3A_1521] {strides = array<i32>} : memref<80x128xf32, #tpu.memory_space<vmem>>, vector<16xf32>,
        %mul3A_1523 = arith.mulf %get3A_1517, %get3A_1522 : vector<16xf32>
        %add3A_1524 = arith.addf %add3A_1512, %mul3A_1523 : vector<16xf32>
        %add3A_1525 = arith.constant 14 : i32
        %add3A_1526 = arith.addi %add3A_105, %add3A_1525 : i32
        %get3A_1527 = arith.index_cast %add3A_1526 : i32 to index
        %get3A_1528 = arith.constant 48 : index
        %get3A_1529 = tpu.vector_load %arg10[%get3A_1527, %get3A_1528] {strides = array<i32>} : memref<80x128xf32, #tpu.memory_space<vmem>>, vector<16xf32>,
        %add3A_1530 = arith.constant 14 : i32
        %add3A_1531 = arith.addi %add3A_105, %add3A_1530 : i32
        %get3A_1532 = arith.index_cast %add3A_1531 : i32 to index
        %get3A_1533 = arith.constant 48 : index
        %get3A_1534 = tpu.vector_load %arg11[%get3A_1532, %get3A_1533] {strides = array<i32>} : memref<80x128xf32, #tpu.memory_space<vmem>>, vector<16xf32>,
        %mul3A_1535 = arith.mulf %get3A_1529, %get3A_1534 : vector<16xf32>
        %add3A_1536 = arith.addf %add3A_1524, %mul3A_1535 : vector<16xf32>
        %add3A_1537 = arith.constant 14 : i32
        %add3A_1538 = arith.addi %add3A_105, %add3A_1537 : i32
        %get3A_1539 = arith.index_cast %add3A_1538 : i32 to index
        %get3A_1540 = arith.constant 64 : index
        %get3A_1541 = tpu.vector_load %arg10[%get3A_1539, %get3A_1540] {strides = array<i32>} : memref<80x128xf32, #tpu.memory_space<vmem>>, vector<16xf32>,
        %add3A_1542 = arith.constant 14 : i32
        %add3A_1543 = arith.addi %add3A_105, %add3A_1542 : i32
        %get3A_1544 = arith.index_cast %add3A_1543 : i32 to index
        %get3A_1545 = arith.constant 64 : index
        %get3A_1546 = tpu.vector_load %arg11[%get3A_1544, %get3A_1545] {strides = array<i32>} : memref<80x128xf32, #tpu.memory_space<vmem>>, vector<16xf32>,
        %mul3A_1547 = arith.mulf %get3A_1541, %get3A_1546 : vector<16xf32>
        %add3A_1548 = arith.addf %add3A_1536, %mul3A_1547 : vector<16xf32>
        %add3A_1549 = arith.constant 14 : i32
        %add3A_1550 = arith.addi %add3A_105, %add3A_1549 : i32
        %get3A_1551 = arith.index_cast %add3A_1550 : i32 to index
        %get3A_1552 = arith.constant 80 : index
        %get3A_1553 = tpu.vector_load %arg10[%get3A_1551, %get3A_1552] {strides = array<i32>} : memref<80x128xf32, #tpu.memory_space<vmem>>, vector<16xf32>,
        %add3A_1554 = arith.constant 14 : i32
        %add3A_1555 = arith.addi %add3A_105, %add3A_1554 : i32
        %get3A_1556 = arith.index_cast %add3A_1555 : i32 to index
        %get3A_1557 = arith.constant 80 : index
        %get3A_1558 = tpu.vector_load %arg11[%get3A_1556, %get3A_1557] {strides = array<i32>} : memref<80x128xf32, #tpu.memory_space<vmem>>, vector<16xf32>,
        %mul3A_1559 = arith.mulf %get3A_1553, %get3A_1558 : vector<16xf32>
        %add3A_1560 = arith.addf %add3A_1548, %mul3A_1559 : vector<16xf32>
        %add3A_1561 = arith.constant 14 : i32
        %add3A_1562 = arith.addi %add3A_105, %add3A_1561 : i32
        %get3A_1563 = arith.index_cast %add3A_1562 : i32 to index
        %get3A_1564 = arith.constant 96 : index
        %get3A_1565 = tpu.vector_load %arg10[%get3A_1563, %get3A_1564] {strides = array<i32>} : memref<80x128xf32, #tpu.memory_space<vmem>>, vector<16xf32>,
        %add3A_1566 = arith.constant 14 : i32
        %add3A_1567 = arith.addi %add3A_105, %add3A_1566 : i32
        %get3A_1568 = arith.index_cast %add3A_1567 : i32 to index
        %get3A_1569 = arith.constant 96 : index
        %get3A_1570 = tpu.vector_load %arg11[%get3A_1568, %get3A_1569] {strides = array<i32>} : memref<80x128xf32, #tpu.memory_space<vmem>>, vector<16xf32>,
        %mul3A_1571 = arith.mulf %get3A_1565, %get3A_1570 : vector<16xf32>
        %add3A_1572 = arith.addf %add3A_1560, %mul3A_1571 : vector<16xf32>
        %add3A_1573 = arith.constant 14 : i32
        %add3A_1574 = arith.addi %add3A_105, %add3A_1573 : i32
        %get3A_1575 = arith.index_cast %add3A_1574 : i32 to index
        %get3A_1576 = arith.constant 112 : index
        %get3A_1577 = tpu.vector_load %arg10[%get3A_1575, %get3A_1576] {strides = array<i32>} : memref<80x128xf32, #tpu.memory_space<vmem>>, vector<16xf32>,
        %add3A_1578 = arith.constant 14 : i32
        %add3A_1579 = arith.addi %add3A_105, %add3A_1578 : i32
        %get3A_1580 = arith.index_cast %add3A_1579 : i32 to index
        %get3A_1581 = arith.constant 112 : index
        %get3A_1582 = tpu.vector_load %arg11[%get3A_1580, %get3A_1581] {strides = array<i32>} : memref<80x128xf32, #tpu.memory_space<vmem>>, vector<16xf32>,
        %mul3A_1583 = arith.mulf %get3A_1577, %get3A_1582 : vector<16xf32>
        %add3A_1584 = arith.addf %add3A_1572, %mul3A_1583 : vector<16xf32>
        %swap3A_1585 = arith.constant 14 : i32
        %swap3A_1586 = arith.index_cast %swap3A_1585 : i32 to index
        %swap3A_1587 = arith.constant 0 : index
        %swap3A_1588 = tpu.vector_load %arg13[%swap3A_1586, %swap3A_1587] {strides = array<i32>} : memref<16x17xf32, #tpu.memory_space<vmem>>, vector<16xf32>,
        tpu.vector_store %arg13[%swap3A_1586, %swap3A_1587], %add3A_1584 {strides = array<i32>} : memref<16x17xf32, #tpu.memory_space<vmem>>, vector<16xf32>,
        %add3A_1589 = arith.constant 15 : i32
        %add3A_1590 = arith.addi %add3A_105, %add3A_1589 : i32
        %get3A_1591 = arith.index_cast %add3A_1590 : i32 to index
        %get3A_1592 = arith.constant 0 : index
        %get3A_1593 = tpu.vector_load %arg10[%get3A_1591, %get3A_1592] {strides = array<i32>} : memref<80x128xf32, #tpu.memory_space<vmem>>, vector<16xf32>,
        %add3A_1594 = arith.constant 15 : i32
        %add3A_1595 = arith.addi %add3A_105, %add3A_1594 : i32
        %get3A_1596 = arith.index_cast %add3A_1595 : i32 to index
        %get3A_1597 = arith.constant 0 : index
        %get3A_1598 = tpu.vector_load %arg11[%get3A_1596, %get3A_1597] {strides = array<i32>} : memref<80x128xf32, #tpu.memory_space<vmem>>, vector<16xf32>,
        %mul3A_1599 = arith.mulf %get3A_1593, %get3A_1598 : vector<16xf32>
        %add3A_1600 = arith.constant 15 : i32
        %add3A_1601 = arith.addi %add3A_105, %add3A_1600 : i32
        %get3A_1602 = arith.index_cast %add3A_1601 : i32 to index
        %get3A_1603 = arith.constant 16 : index
        %get3A_1604 = tpu.vector_load %arg10[%get3A_1602, %get3A_1603] {strides = array<i32>} : memref<80x128xf32, #tpu.memory_space<vmem>>, vector<16xf32>,
        %add3A_1605 = arith.constant 15 : i32
        %add3A_1606 = arith.addi %add3A_105, %add3A_1605 : i32
        %get3A_1607 = arith.index_cast %add3A_1606 : i32 to index
        %get3A_1608 = arith.constant 16 : index
        %get3A_1609 = tpu.vector_load %arg11[%get3A_1607, %get3A_1608] {strides = array<i32>} : memref<80x128xf32, #tpu.memory_space<vmem>>, vector<16xf32>,
        %mul3A_1610 = arith.mulf %get3A_1604, %get3A_1609 : vector<16xf32>
        %add3A_1611 = arith.addf %mul3A_1599, %mul3A_1610 : vector<16xf32>
        %add3A_1612 = arith.constant 15 : i32
        %add3A_1613 = arith.addi %add3A_105, %add3A_1612 : i32
        %get3A_1614 = arith.index_cast %add3A_1613 : i32 to index
        %get3A_1615 = arith.constant 32 : index
        %get3A_1616 = tpu.vector_load %arg10[%get3A_1614, %get3A_1615] {strides = array<i32>} : memref<80x128xf32, #tpu.memory_space<vmem>>, vector<16xf32>,
        %add3A_1617 = arith.constant 15 : i32
        %add3A_1618 = arith.addi %add3A_105, %add3A_1617 : i32
        %get3A_1619 = arith.index_cast %add3A_1618 : i32 to index
        %get3A_1620 = arith.constant 32 : index
        %get3A_1621 = tpu.vector_load %arg11[%get3A_1619, %get3A_1620] {strides = array<i32>} : memref<80x128xf32, #tpu.memory_space<vmem>>, vector<16xf32>,
        %mul3A_1622 = arith.mulf %get3A_1616, %get3A_1621 : vector<16xf32>
        %add3A_1623 = arith.addf %add3A_1611, %mul3A_1622 : vector<16xf32>
        %add3A_1624 = arith.constant 15 : i32
        %add3A_1625 = arith.addi %add3A_105, %add3A_1624 : i32
        %get3A_1626 = arith.index_cast %add3A_1625 : i32 to index
        %get3A_1627 = arith.constant 48 : index
        %get3A_1628 = tpu.vector_load %arg10[%get3A_1626, %get3A_1627] {strides = array<i32>} : memref<80x128xf32, #tpu.memory_space<vmem>>, vector<16xf32>,
        %add3A_1629 = arith.constant 15 : i32
        %add3A_1630 = arith.addi %add3A_105, %add3A_1629 : i32
        %get3A_1631 = arith.index_cast %add3A_1630 : i32 to index
        %get3A_1632 = arith.constant 48 : index
        %get3A_1633 = tpu.vector_load %arg11[%get3A_1631, %get3A_1632] {strides = array<i32>} : memref<80x128xf32, #tpu.memory_space<vmem>>, vector<16xf32>,
        %mul3A_1634 = arith.mulf %get3A_1628, %get3A_1633 : vector<16xf32>
        %add3A_1635 = arith.addf %add3A_1623, %mul3A_1634 : vector<16xf32>
        %add3A_1636 = arith.constant 15 : i32
        %add3A_1637 = arith.addi %add3A_105, %add3A_1636 : i32
        %get3A_1638 = arith.index_cast %add3A_1637 : i32 to index
        %get3A_1639 = arith.constant 64 : index
        %get3A_1640 = tpu.vector_load %arg10[%get3A_1638, %get3A_1639] {strides = array<i32>} : memref<80x128xf32, #tpu.memory_space<vmem>>, vector<16xf32>,
        %add3A_1641 = arith.constant 15 : i32
        %add3A_1642 = arith.addi %add3A_105, %add3A_1641 : i32
        %get3A_1643 = arith.index_cast %add3A_1642 : i32 to index
        %get3A_1644 = arith.constant 64 : index
        %get3A_1645 = tpu.vector_load %arg11[%get3A_1643, %get3A_1644] {strides = array<i32>} : memref<80x128xf32, #tpu.memory_space<vmem>>, vector<16xf32>,
        %mul3A_1646 = arith.mulf %get3A_1640, %get3A_1645 : vector<16xf32>
        %add3A_1647 = arith.addf %add3A_1635, %mul3A_1646 : vector<16xf32>
        %add3A_1648 = arith.constant 15 : i32
        %add3A_1649 = arith.addi %add3A_105, %add3A_1648 : i32
        %get3A_1650 = arith.index_cast %add3A_1649 : i32 to index
        %get3A_1651 = arith.constant 80 : index
        %get3A_1652 = tpu.vector_load %arg10[%get3A_1650, %get3A_1651] {strides = array<i32>} : memref<80x128xf32, #tpu.memory_space<vmem>>, vector<16xf32>,
        %add3A_1653 = arith.constant 15 : i32
        %add3A_1654 = arith.addi %add3A_105, %add3A_1653 : i32
        %get3A_1655 = arith.index_cast %add3A_1654 : i32 to index
        %get3A_1656 = arith.constant 80 : index
        %get3A_1657 = tpu.vector_load %arg11[%get3A_1655, %get3A_1656] {strides = array<i32>} : memref<80x128xf32, #tpu.memory_space<vmem>>, vector<16xf32>,
        %mul3A_1658 = arith.mulf %get3A_1652, %get3A_1657 : vector<16xf32>
        %add3A_1659 = arith.addf %add3A_1647, %mul3A_1658 : vector<16xf32>
        %add3A_1660 = arith.constant 15 : i32
        %add3A_1661 = arith.addi %add3A_105, %add3A_1660 : i32
        %get3A_1662 = arith.index_cast %add3A_1661 : i32 to index
        %get3A_1663 = arith.constant 96 : index
        %get3A_1664 = tpu.vector_load %arg10[%get3A_1662, %get3A_1663] {strides = array<i32>} : memref<80x128xf32, #tpu.memory_space<vmem>>, vector<16xf32>,
        %add3A_1665 = arith.constant 15 : i32
        %add3A_1666 = arith.addi %add3A_105, %add3A_1665 : i32
        %get3A_1667 = arith.index_cast %add3A_1666 : i32 to index
        %get3A_1668 = arith.constant 96 : index
        %get3A_1669 = tpu.vector_load %arg11[%get3A_1667, %get3A_1668] {strides = array<i32>} : memref<80x128xf32, #tpu.memory_space<vmem>>, vector<16xf32>,
        %mul3A_1670 = arith.mulf %get3A_1664, %get3A_1669 : vector<16xf32>
        %add3A_1671 = arith.addf %add3A_1659, %mul3A_1670 : vector<16xf32>
        %add3A_1672 = arith.constant 15 : i32
        %add3A_1673 = arith.addi %add3A_105, %add3A_1672 : i32
        %get3A_1674 = arith.index_cast %add3A_1673 : i32 to index
        %get3A_1675 = arith.constant 112 : index
        %get3A_1676 = tpu.vector_load %arg10[%get3A_1674, %get3A_1675] {strides = array<i32>} : memref<80x128xf32, #tpu.memory_space<vmem>>, vector<16xf32>,
        %add3A_1677 = arith.constant 15 : i32
        %add3A_1678 = arith.addi %add3A_105, %add3A_1677 : i32
        %get3A_1679 = arith.index_cast %add3A_1678 : i32 to index
        %get3A_1680 = arith.constant 112 : index
        %get3A_1681 = tpu.vector_load %arg11[%get3A_1679, %get3A_1680] {strides = array<i32>} : memref<80x128xf32, #tpu.memory_space<vmem>>, vector<16xf32>,
        %mul3A_1682 = arith.mulf %get3A_1676, %get3A_1681 : vector<16xf32>
        %add3A_1683 = arith.addf %add3A_1671, %mul3A_1682 : vector<16xf32>
        %swap3A_1684 = arith.constant 15 : i32
        %swap3A_1685 = arith.index_cast %swap3A_1684 : i32 to index
        %swap3A_1686 = arith.constant 0 : index
        %swap3A_1687 = tpu.vector_load %arg13[%swap3A_1685, %swap3A_1686] {strides = array<i32>} : memref<16x17xf32, #tpu.memory_space<vmem>>, vector<16xf32>,
        tpu.vector_store %arg13[%swap3A_1685, %swap3A_1686], %add3A_1683 {strides = array<i32>} : memref<16x17xf32, #tpu.memory_space<vmem>>, vector<16xf32>,
        %iota3A = tpu.iota {dimensions = array<i32: 0>} : vector<16xi32>
        %broadcast_in_dim3A = arith.constant 0 : i32
        %broadcast_in_dim3A_1688 = vector.broadcast %broadcast_in_dim3A : i32 to vector<16xi32>
        %gather3A = tpu.vector_load_idx %arg13[%iota3A, %broadcast_in_dim3A_1688] : memref<16x17xf32, #tpu.memory_space<vmem>>[vector<16xi32>, vector<16xi32>], vector<16xf32>,
        %broadcast_in_dim3A_1689 = arith.constant 1 : i32
        %broadcast_in_dim3A_1690 = vector.broadcast %broadcast_in_dim3A_1689 : i32 to vector<16xi32>
        %gather3A_1691 = tpu.vector_load_idx %arg13[%iota3A, %broadcast_in_dim3A_1690] : memref<16x17xf32, #tpu.memory_space<vmem>>[vector<16xi32>, vector<16xi32>], vector<16xf32>,
        %add3A_1692 = arith.addf %gather3A, %gather3A_1691 : vector<16xf32>
        %broadcast_in_dim3A_1693 = arith.constant 2 : i32
        %broadcast_in_dim3A_1694 = vector.broadcast %broadcast_in_dim3A_1693 : i32 to vector<16xi32>
        %gather3A_1695 = tpu.vector_load_idx %arg13[%iota3A, %broadcast_in_dim3A_1694] : memref<16x17xf32, #tpu.memory_space<vmem>>[vector<16xi32>, vector<16xi32>], vector<16xf32>,
        %add3A_1696 = arith.addf %add3A_1692, %gather3A_1695 : vector<16xf32>
        %broadcast_in_dim3A_1697 = arith.constant 3 : i32
        %broadcast_in_dim3A_1698 = vector.broadcast %broadcast_in_dim3A_1697 : i32 to vector<16xi32>
        %gather3A_1699 = tpu.vector_load_idx %arg13[%iota3A, %broadcast_in_dim3A_1698] : memref<16x17xf32, #tpu.memory_space<vmem>>[vector<16xi32>, vector<16xi32>], vector<16xf32>,
        %add3A_1700 = arith.addf %add3A_1696, %gather3A_1699 : vector<16xf32>
        %broadcast_in_dim3A_1701 = arith.constant 4 : i32
        %broadcast_in_dim3A_1702 = vector.broadcast %broadcast_in_dim3A_1701 : i32 to vector<16xi32>
        %gather3A_1703 = tpu.vector_load_idx %arg13[%iota3A, %broadcast_in_dim3A_1702] : memref<16x17xf32, #tpu.memory_space<vmem>>[vector<16xi32>, vector<16xi32>], vector<16xf32>,
        %add3A_1704 = arith.addf %add3A_1700, %gather3A_1703 : vector<16xf32>
        %broadcast_in_dim3A_1705 = arith.constant 5 : i32
        %broadcast_in_dim3A_1706 = vector.broadcast %broadcast_in_dim3A_1705 : i32 to vector<16xi32>
        %gather3A_1707 = tpu.vector_load_idx %arg13[%iota3A, %broadcast_in_dim3A_1706] : memref<16x17xf32, #tpu.memory_space<vmem>>[vector<16xi32>, vector<16xi32>], vector<16xf32>,
        %add3A_1708 = arith.addf %add3A_1704, %gather3A_1707 : vector<16xf32>
        %broadcast_in_dim3A_1709 = arith.constant 6 : i32
        %broadcast_in_dim3A_1710 = vector.broadcast %broadcast_in_dim3A_1709 : i32 to vector<16xi32>
        %gather3A_1711 = tpu.vector_load_idx %arg13[%iota3A, %broadcast_in_dim3A_1710] : memref<16x17xf32, #tpu.memory_space<vmem>>[vector<16xi32>, vector<16xi32>], vector<16xf32>,
        %add3A_1712 = arith.addf %add3A_1708, %gather3A_1711 : vector<16xf32>
        %broadcast_in_dim3A_1713 = arith.constant 7 : i32
        %broadcast_in_dim3A_1714 = vector.broadcast %broadcast_in_dim3A_1713 : i32 to vector<16xi32>
        %gather3A_1715 = tpu.vector_load_idx %arg13[%iota3A, %broadcast_in_dim3A_1714] : memref<16x17xf32, #tpu.memory_space<vmem>>[vector<16xi32>, vector<16xi32>], vector<16xf32>,
        %add3A_1716 = arith.addf %add3A_1712, %gather3A_1715 : vector<16xf32>
        %broadcast_in_dim3A_1717 = arith.constant 8 : i32
        %broadcast_in_dim3A_1718 = vector.broadcast %broadcast_in_dim3A_1717 : i32 to vector<16xi32>
        %gather3A_1719 = tpu.vector_load_idx %arg13[%iota3A, %broadcast_in_dim3A_1718] : memref<16x17xf32, #tpu.memory_space<vmem>>[vector<16xi32>, vector<16xi32>], vector<16xf32>,
        %add3A_1720 = arith.addf %add3A_1716, %gather3A_1719 : vector<16xf32>
        %broadcast_in_dim3A_1721 = arith.constant 9 : i32
        %broadcast_in_dim3A_1722 = vector.broadcast %broadcast_in_dim3A_1721 : i32 to vector<16xi32>
        %gather3A_1723 = tpu.vector_load_idx %arg13[%iota3A, %broadcast_in_dim3A_1722] : memref<16x17xf32, #tpu.memory_space<vmem>>[vector<16xi32>, vector<16xi32>], vector<16xf32>,
        %add3A_1724 = arith.addf %add3A_1720, %gather3A_1723 : vector<16xf32>
        %broadcast_in_dim3A_1725 = arith.constant 10 : i32
        %broadcast_in_dim3A_1726 = vector.broadcast %broadcast_in_dim3A_1725 : i32 to vector<16xi32>
        %gather3A_1727 = tpu.vector_load_idx %arg13[%iota3A, %broadcast_in_dim3A_1726] : memref<16x17xf32, #tpu.memory_space<vmem>>[vector<16xi32>, vector<16xi32>], vector<16xf32>,
        %add3A_1728 = arith.addf %add3A_1724, %gather3A_1727 : vector<16xf32>
        %broadcast_in_dim3A_1729 = arith.constant 11 : i32
        %broadcast_in_dim3A_1730 = vector.broadcast %broadcast_in_dim3A_1729 : i32 to vector<16xi32>
        %gather3A_1731 = tpu.vector_load_idx %arg13[%iota3A, %broadcast_in_dim3A_1730] : memref<16x17xf32, #tpu.memory_space<vmem>>[vector<16xi32>, vector<16xi32>], vector<16xf32>,
        %add3A_1732 = arith.addf %add3A_1728, %gather3A_1731 : vector<16xf32>
        %broadcast_in_dim3A_1733 = arith.constant 12 : i32
        %broadcast_in_dim3A_1734 = vector.broadcast %broadcast_in_dim3A_1733 : i32 to vector<16xi32>
        %gather3A_1735 = tpu.vector_load_idx %arg13[%iota3A, %broadcast_in_dim3A_1734] : memref<16x17xf32, #tpu.memory_space<vmem>>[vector<16xi32>, vector<16xi32>], vector<16xf32>,
        %add3A_1736 = arith.addf %add3A_1732, %gather3A_1735 : vector<16xf32>
        %broadcast_in_dim3A_1737 = arith.constant 13 : i32
        %broadcast_in_dim3A_1738 = vector.broadcast %broadcast_in_dim3A_1737 : i32 to vector<16xi32>
        %gather3A_1739 = tpu.vector_load_idx %arg13[%iota3A, %broadcast_in_dim3A_1738] : memref<16x17xf32, #tpu.memory_space<vmem>>[vector<16xi32>, vector<16xi32>], vector<16xf32>,
        %add3A_1740 = arith.addf %add3A_1736, %gather3A_1739 : vector<16xf32>
        %broadcast_in_dim3A_1741 = arith.constant 14 : i32
        %broadcast_in_dim3A_1742 = vector.broadcast %broadcast_in_dim3A_1741 : i32 to vector<16xi32>
        %gather3A_1743 = tpu.vector_load_idx %arg13[%iota3A, %broadcast_in_dim3A_1742] : memref<16x17xf32, #tpu.memory_space<vmem>>[vector<16xi32>, vector<16xi32>], vector<16xf32>,
        %add3A_1744 = arith.addf %add3A_1740, %gather3A_1743 : vector<16xf32>
        %broadcast_in_dim3A_1745 = arith.constant 15 : i32
        %broadcast_in_dim3A_1746 = vector.broadcast %broadcast_in_dim3A_1745 : i32 to vector<16xi32>
        %gather3A_1747 = tpu.vector_load_idx %arg13[%iota3A, %broadcast_in_dim3A_1746] : memref<16x17xf32, #tpu.memory_space<vmem>>[vector<16xi32>, vector<16xi32>], vector<16xf32>,
        %add3A_1748 = arith.addf %add3A_1744, %gather3A_1747 : vector<16xf32>
        %neg3A = arith.constant 0.000000e+00 : f32
        %neg3A_1749 = vector.broadcast %neg3A : f32 to vector<16xf32>
        %neg3A_1750 = arith.subf %neg3A_1749, %add3A_1748 : vector<16xf32>
        %exp3A = math.exp %neg3A_1750 : vector<16xf32>
        %add3A_1751 = arith.constant 1.000000e+00 : f32
        %add3A_1752 = vector.broadcast %add3A_1751 : f32 to vector<16xf32>
        %add3A_1753 = arith.addf %add3A_1752, %exp3A : vector<16xf32>
        %div3A = arith.constant 1.000000e+00 : f32
        %div3A_1754 = vector.broadcast %div3A : f32 to vector<16xf32>
        %div3A_1755 = arith.divf %div3A_1754, %add3A_1753 : vector<16xf32>
        %mul3A_1756 = arith.constant 80 : i32
        %mul3A_1757 = arith.muli %add3A_91, %mul3A_1756 : i32
        %add3A_1758 = arith.addi %mul3A_1757, %add3A_105 : i32
        %swap3A_1759 = arith.index_cast %add3A_1758 : i32 to index
        %swap3A_1760 = tpu.vector_load %arg12[%swap3A_1759] {strides = array<i32>} : memref<10000xf32, #tpu.memory_space<vmem>>, vector<16xf32>,
        tpu.vector_store %arg12[%swap3A_1759], %div3A_1755 {strides = array<i32>} : memref<10000xf32, #tpu.memory_space<vmem>>, vector<16xf32>,
      }
      %scan3A_96 = arith.constant 5 : i32
      %add3A_97 = arith.constant 3 : i32
      %add3A_98 = arith.addi %add3A_44, %add3A_97 : i32
      %lt3A = arith.constant 125 : i32
      %lt3A_99 = arith.cmpi slt, %add3A_98, %lt3A : i32
      %convert_element_type3A = arith.extui %lt3A_99 : i1 to i32
      %cond3A = arith.constant 0 : i32
      %cond3A_100 = arith.cmpi ne, %convert_element_type3A, %cond3A : i32
      scf.if %cond3A_100 {
        %add3A_101 = arith.constant 3 : i32
        %add3A_102 = arith.addi %add3A_44, %add3A_101 : i32
        %mul3A_103 = arith.constant 80 : i32
        %mul3A_104 = arith.muli %add3A_102, %mul3A_103 : i32
        %dma_start3A_105 = tpu.memref_slice %arg6[%mul3A_104] : memref<10000xi32, #tpu.memory_space<vmem>> -> memref<80xi32, #tpu.memory_space<vmem>>
        %dma_start3A_106 = arith.constant 0 : i32
        %dma_start3A_107 = arith.constant 0 : i32
        %dma_start3A_108 = tpu.memref_slice %arg2[%dma_start3A_106, %dma_start3A_107] : memref<10000x128xf32, #tpu.memory_space<hbm>> -> memref<10000x128xf32, #tpu.memory_space<hbm>>
        tpu.enqueue_indirect_dma source(%dma_start3A_108 : memref<10000x128xf32, #tpu.memory_space<hbm>>) target(%arg10 : memref<80x128xf32, #tpu.memory_space<vmem>>) offsets(%dma_start3A_105 : memref<80xi32, #tpu.memory_space<vmem>>) semaphore(%arg16 : memref<!tpu.dma_semaphore, #tpu.memory_space<semaphore_mem>>)
        %mul3A_109 = arith.constant 80 : i32
        %mul3A_110 = arith.muli %add3A_102, %mul3A_109 : i32
        %dma_start3A_111 = tpu.memref_slice %arg7[%mul3A_110] : memref<10000xi32, #tpu.memory_space<vmem>> -> memref<80xi32, #tpu.memory_space<vmem>>
        %dma_start3A_112 = arith.constant 0 : i32
        %dma_start3A_113 = arith.constant 0 : i32
        %dma_start3A_114 = tpu.memref_slice %arg2[%dma_start3A_112, %dma_start3A_113] : memref<10000x128xf32, #tpu.memory_space<hbm>> -> memref<10000x128xf32, #tpu.memory_space<hbm>>
        tpu.enqueue_indirect_dma source(%dma_start3A_114 : memref<10000x128xf32, #tpu.memory_space<hbm>>) target(%arg11 : memref<80x128xf32, #tpu.memory_space<vmem>>) offsets(%dma_start3A_111 : memref<80xi32, #tpu.memory_space<vmem>>) semaphore(%arg16 : memref<!tpu.dma_semaphore, #tpu.memory_space<semaphore_mem>>)
      } else {
      }
    }
    %scan3A_25 = arith.constant 62 : i32
    %dma_wait3A = arith.constant 9920 : i32
    %dma_wait3A_26 = tpu.memref_slice %arg6[%dma_wait3A] : memref<10000xi32, #tpu.memory_space<vmem>> -> memref<80xi32, #tpu.memory_space<vmem>>
    %dma_wait3A_27 = arith.constant 0 : i32
    %dma_wait3A_28 = arith.constant 0 : i32
    %dma_wait3A_29 = tpu.memref_slice %arg2[%dma_wait3A_27, %dma_wait3A_28] : memref<10000x128xf32, #tpu.memory_space<hbm>> -> memref<10000x128xf32, #tpu.memory_space<hbm>>
    tpu.wait_indirect_dma semaphore(%arg15 : memref<!tpu.dma_semaphore, #tpu.memory_space<semaphore_mem>>) src(%dma_wait3A_29 : memref<10000x128xf32, #tpu.memory_space<hbm>>) dst(%arg8 : memref<80x128xf32, #tpu.memory_space<vmem>>)
    %dma_wait3A_30 = arith.constant 9920 : i32
    %dma_wait3A_31 = tpu.memref_slice %arg7[%dma_wait3A_30] : memref<10000xi32, #tpu.memory_space<vmem>> -> memref<80xi32, #tpu.memory_space<vmem>>
    %dma_wait3A_32 = arith.constant 0 : i32
    %dma_wait3A_33 = arith.constant 0 : i32
    %dma_wait3A_34 = tpu.memref_slice %arg2[%dma_wait3A_32, %dma_wait3A_33] : memref<10000x128xf32, #tpu.memory_space<hbm>> -> memref<10000x128xf32, #tpu.memory_space<hbm>>
    tpu.wait_indirect_dma semaphore(%arg15 : memref<!tpu.dma_semaphore, #tpu.memory_space<semaphore_mem>>) src(%dma_wait3A_34 : memref<10000x128xf32, #tpu.memory_space<hbm>>) dst(%arg9 : memref<80x128xf32, #tpu.memory_space<vmem>>)
    %scan3A_35 = arith.constant 0 : i32
    %scan3A_36 = arith.constant 5 : i32
    %scan3A_37 = arith.addi %scan3A_35, %scan3A_36 : i32
    %scan3A_38 = arith.constant 1 : i32
    scf.for %scan3A_40 = %scan3A_35 to %scan3A_37 step %scan3A_38  : i32 {
      %mul3A_41 = arith.constant 16 : i32
      %mul3A_42 = arith.muli %scan3A_40, %mul3A_41 : i32
      %add3A_43 = arith.constant 0 : i32
      %add3A_44 = arith.addi %add3A_43, %mul3A_42 : i32
      %add3A_45 = arith.constant 0 : i32
      %add3A_46 = arith.addi %add3A_44, %add3A_45 : i32
      %get3A = arith.index_cast %add3A_46 : i32 to index
      %get3A_47 = arith.constant 0 : index
      %get3A_48 = tpu.vector_load %arg8[%get3A, %get3A_47] {strides = array<i32>} : memref<80x128xf32, #tpu.memory_space<vmem>>, vector<16xf32>,
      %add3A_49 = arith.constant 0 : i32
      %add3A_50 = arith.addi %add3A_44, %add3A_49 : i32
      %get3A_51 = arith.index_cast %add3A_50 : i32 to index
      %get3A_52 = arith.constant 0 : index
      %get3A_53 = tpu.vector_load %arg9[%get3A_51, %get3A_52] {strides = array<i32>} : memref<80x128xf32, #tpu.memory_space<vmem>>, vector<16xf32>,
      %mul3A_54 = arith.mulf %get3A_48, %get3A_53 : vector<16xf32>
      %add3A_55 = arith.constant 0 : i32
      %add3A_56 = arith.addi %add3A_44, %add3A_55 : i32
      %get3A_57 = arith.index_cast %add3A_56 : i32 to index
      %get3A_58 = arith.constant 16 : index
      %get3A_59 = tpu.vector_load %arg8[%get3A_57, %get3A_58] {strides = array<i32>} : memref<80x128xf32, #tpu.memory_space<vmem>>, vector<16xf32>,
      %add3A_60 = arith.constant 0 : i32
      %add3A_61 = arith.addi %add3A_44, %add3A_60 : i32
      %get3A_62 = arith.index_cast %add3A_61 : i32 to index
      %get3A_63 = arith.constant 16 : index
      %get3A_64 = tpu.vector_load %arg9[%get3A_62, %get3A_63] {strides = array<i32>} : memref<80x128xf32, #tpu.memory_space<vmem>>, vector<16xf32>,
      %mul3A_65 = arith.mulf %get3A_59, %get3A_64 : vector<16xf32>
      %add3A_66 = arith.addf %mul3A_54, %mul3A_65 : vector<16xf32>
      %add3A_67 = arith.constant 0 : i32
      %add3A_68 = arith.addi %add3A_44, %add3A_67 : i32
      %get3A_69 = arith.index_cast %add3A_68 : i32 to index
      %get3A_70 = arith.constant 32 : index
      %get3A_71 = tpu.vector_load %arg8[%get3A_69, %get3A_70] {strides = array<i32>} : memref<80x128xf32, #tpu.memory_space<vmem>>, vector<16xf32>,
      %add3A_72 = arith.constant 0 : i32
      %add3A_73 = arith.addi %add3A_44, %add3A_72 : i32
      %get3A_74 = arith.index_cast %add3A_73 : i32 to index
      %get3A_75 = arith.constant 32 : index
      %get3A_76 = tpu.vector_load %arg9[%get3A_74, %get3A_75] {strides = array<i32>} : memref<80x128xf32, #tpu.memory_space<vmem>>, vector<16xf32>,
      %mul3A_77 = arith.mulf %get3A_71, %get3A_76 : vector<16xf32>
      %add3A_78 = arith.addf %add3A_66, %mul3A_77 : vector<16xf32>
      %add3A_79 = arith.constant 0 : i32
      %add3A_80 = arith.addi %add3A_44, %add3A_79 : i32
      %get3A_81 = arith.index_cast %add3A_80 : i32 to index
      %get3A_82 = arith.constant 48 : index
      %get3A_83 = tpu.vector_load %arg8[%get3A_81, %get3A_82] {strides = array<i32>} : memref<80x128xf32, #tpu.memory_space<vmem>>, vector<16xf32>,
      %add3A_84 = arith.constant 0 : i32
      %add3A_85 = arith.addi %add3A_44, %add3A_84 : i32
      %get3A_86 = arith.index_cast %add3A_85 : i32 to index
      %get3A_87 = arith.constant 48 : index
      %get3A_88 = tpu.vector_load %arg9[%get3A_86, %get3A_87] {strides = array<i32>} : memref<80x128xf32, #tpu.memory_space<vmem>>, vector<16xf32>,
      %mul3A_89 = arith.mulf %get3A_83, %get3A_88 : vector<16xf32>
      %add3A_90 = arith.addf %add3A_78, %mul3A_89 : vector<16xf32>
      %add3A_91 = arith.constant 0 : i32
      %add3A_92 = arith.addi %add3A_44, %add3A_91 : i32
      %get3A_93 = arith.index_cast %add3A_92 : i32 to index
      %get3A_94 = arith.constant 64 : index
      %get3A_95 = tpu.vector_load %arg8[%get3A_93, %get3A_94] {strides = array<i32>} : memref<80x128xf32, #tpu.memory_space<vmem>>, vector<16xf32>,
      %add3A_96 = arith.constant 0 : i32
      %add3A_97 = arith.addi %add3A_44, %add3A_96 : i32
      %get3A_98 = arith.index_cast %add3A_97 : i32 to index
      %get3A_99 = arith.constant 64 : index
      %get3A_100 = tpu.vector_load %arg9[%get3A_98, %get3A_99] {strides = array<i32>} : memref<80x128xf32, #tpu.memory_space<vmem>>, vector<16xf32>,
      %mul3A_101 = arith.mulf %get3A_95, %get3A_100 : vector<16xf32>
      %add3A_102 = arith.addf %add3A_90, %mul3A_101 : vector<16xf32>
      %add3A_103 = arith.constant 0 : i32
      %add3A_104 = arith.addi %add3A_44, %add3A_103 : i32
      %get3A_105 = arith.index_cast %add3A_104 : i32 to index
      %get3A_106 = arith.constant 80 : index
      %get3A_107 = tpu.vector_load %arg8[%get3A_105, %get3A_106] {strides = array<i32>} : memref<80x128xf32, #tpu.memory_space<vmem>>, vector<16xf32>,
      %add3A_108 = arith.constant 0 : i32
      %add3A_109 = arith.addi %add3A_44, %add3A_108 : i32
      %get3A_110 = arith.index_cast %add3A_109 : i32 to index
      %get3A_111 = arith.constant 80 : index
      %get3A_112 = tpu.vector_load %arg9[%get3A_110, %get3A_111] {strides = array<i32>} : memref<80x128xf32, #tpu.memory_space<vmem>>, vector<16xf32>,
      %mul3A_113 = arith.mulf %get3A_107, %get3A_112 : vector<16xf32>
      %add3A_114 = arith.addf %add3A_102, %mul3A_113 : vector<16xf32>
      %add3A_115 = arith.constant 0 : i32
      %add3A_116 = arith.addi %add3A_44, %add3A_115 : i32
      %get3A_117 = arith.index_cast %add3A_116 : i32 to index
      %get3A_118 = arith.constant 96 : index
      %get3A_119 = tpu.vector_load %arg8[%get3A_117, %get3A_118] {strides = array<i32>} : memref<80x128xf32, #tpu.memory_space<vmem>>, vector<16xf32>,
      %add3A_120 = arith.constant 0 : i32
      %add3A_121 = arith.addi %add3A_44, %add3A_120 : i32
      %get3A_122 = arith.index_cast %add3A_121 : i32 to index
      %get3A_123 = arith.constant 96 : index
      %get3A_124 = tpu.vector_load %arg9[%get3A_122, %get3A_123] {strides = array<i32>} : memref<80x128xf32, #tpu.memory_space<vmem>>, vector<16xf32>,
      %mul3A_125 = arith.mulf %get3A_119, %get3A_124 : vector<16xf32>
      %add3A_126 = arith.addf %add3A_114, %mul3A_125 : vector<16xf32>
      %add3A_127 = arith.constant 0 : i32
      %add3A_128 = arith.addi %add3A_44, %add3A_127 : i32
      %get3A_129 = arith.index_cast %add3A_128 : i32 to index
      %get3A_130 = arith.constant 112 : index
      %get3A_131 = tpu.vector_load %arg8[%get3A_129, %get3A_130] {strides = array<i32>} : memref<80x128xf32, #tpu.memory_space<vmem>>, vector<16xf32>,
      %add3A_132 = arith.constant 0 : i32
      %add3A_133 = arith.addi %add3A_44, %add3A_132 : i32
      %get3A_134 = arith.index_cast %add3A_133 : i32 to index
      %get3A_135 = arith.constant 112 : index
      %get3A_136 = tpu.vector_load %arg9[%get3A_134, %get3A_135] {strides = array<i32>} : memref<80x128xf32, #tpu.memory_space<vmem>>, vector<16xf32>,
      %mul3A_137 = arith.mulf %get3A_131, %get3A_136 : vector<16xf32>
      %add3A_138 = arith.addf %add3A_126, %mul3A_137 : vector<16xf32>
      %swap3A = arith.constant 0 : i32
      %swap3A_139 = arith.index_cast %swap3A : i32 to index
      %swap3A_140 = arith.constant 0 : index
      %swap3A_141 = tpu.vector_load %arg13[%swap3A_139, %swap3A_140] {strides = array<i32>} : memref<16x17xf32, #tpu.memory_space<vmem>>, vector<16xf32>,
      tpu.vector_store %arg13[%swap3A_139, %swap3A_140], %add3A_138 {strides = array<i32>} : memref<16x17xf32, #tpu.memory_space<vmem>>, vector<16xf32>,
      %add3A_142 = arith.constant 1 : i32
      %add3A_143 = arith.addi %add3A_44, %add3A_142 : i32
      %get3A_144 = arith.index_cast %add3A_143 : i32 to index
      %get3A_145 = arith.constant 0 : index
      %get3A_146 = tpu.vector_load %arg8[%get3A_144, %get3A_145] {strides = array<i32>} : memref<80x128xf32, #tpu.memory_space<vmem>>, vector<16xf32>,
      %add3A_147 = arith.constant 1 : i32
      %add3A_148 = arith.addi %add3A_44, %add3A_147 : i32
      %get3A_149 = arith.index_cast %add3A_148 : i32 to index
      %get3A_150 = arith.constant 0 : index
      %get3A_151 = tpu.vector_load %arg9[%get3A_149, %get3A_150] {strides = array<i32>} : memref<80x128xf32, #tpu.memory_space<vmem>>, vector<16xf32>,
      %mul3A_152 = arith.mulf %get3A_146, %get3A_151 : vector<16xf32>
      %add3A_153 = arith.constant 1 : i32
      %add3A_154 = arith.addi %add3A_44, %add3A_153 : i32
      %get3A_155 = arith.index_cast %add3A_154 : i32 to index
      %get3A_156 = arith.constant 16 : index
      %get3A_157 = tpu.vector_load %arg8[%get3A_155, %get3A_156] {strides = array<i32>} : memref<80x128xf32, #tpu.memory_space<vmem>>, vector<16xf32>,
      %add3A_158 = arith.constant 1 : i32
      %add3A_159 = arith.addi %add3A_44, %add3A_158 : i32
      %get3A_160 = arith.index_cast %add3A_159 : i32 to index
      %get3A_161 = arith.constant 16 : index
      %get3A_162 = tpu.vector_load %arg9[%get3A_160, %get3A_161] {strides = array<i32>} : memref<80x128xf32, #tpu.memory_space<vmem>>, vector<16xf32>,
      %mul3A_163 = arith.mulf %get3A_157, %get3A_162 : vector<16xf32>
      %add3A_164 = arith.addf %mul3A_152, %mul3A_163 : vector<16xf32>
      %add3A_165 = arith.constant 1 : i32
      %add3A_166 = arith.addi %add3A_44, %add3A_165 : i32
      %get3A_167 = arith.index_cast %add3A_166 : i32 to index
      %get3A_168 = arith.constant 32 : index
      %get3A_169 = tpu.vector_load %arg8[%get3A_167, %get3A_168] {strides = array<i32>} : memref<80x128xf32, #tpu.memory_space<vmem>>, vector<16xf32>,
      %add3A_170 = arith.constant 1 : i32
      %add3A_171 = arith.addi %add3A_44, %add3A_170 : i32
      %get3A_172 = arith.index_cast %add3A_171 : i32 to index
      %get3A_173 = arith.constant 32 : index
      %get3A_174 = tpu.vector_load %arg9[%get3A_172, %get3A_173] {strides = array<i32>} : memref<80x128xf32, #tpu.memory_space<vmem>>, vector<16xf32>,
      %mul3A_175 = arith.mulf %get3A_169, %get3A_174 : vector<16xf32>
      %add3A_176 = arith.addf %add3A_164, %mul3A_175 : vector<16xf32>
      %add3A_177 = arith.constant 1 : i32
      %add3A_178 = arith.addi %add3A_44, %add3A_177 : i32
      %get3A_179 = arith.index_cast %add3A_178 : i32 to index
      %get3A_180 = arith.constant 48 : index
      %get3A_181 = tpu.vector_load %arg8[%get3A_179, %get3A_180] {strides = array<i32>} : memref<80x128xf32, #tpu.memory_space<vmem>>, vector<16xf32>,
      %add3A_182 = arith.constant 1 : i32
      %add3A_183 = arith.addi %add3A_44, %add3A_182 : i32
      %get3A_184 = arith.index_cast %add3A_183 : i32 to index
      %get3A_185 = arith.constant 48 : index
      %get3A_186 = tpu.vector_load %arg9[%get3A_184, %get3A_185] {strides = array<i32>} : memref<80x128xf32, #tpu.memory_space<vmem>>, vector<16xf32>,
      %mul3A_187 = arith.mulf %get3A_181, %get3A_186 : vector<16xf32>
      %add3A_188 = arith.addf %add3A_176, %mul3A_187 : vector<16xf32>
      %add3A_189 = arith.constant 1 : i32
      %add3A_190 = arith.addi %add3A_44, %add3A_189 : i32
      %get3A_191 = arith.index_cast %add3A_190 : i32 to index
      %get3A_192 = arith.constant 64 : index
      %get3A_193 = tpu.vector_load %arg8[%get3A_191, %get3A_192] {strides = array<i32>} : memref<80x128xf32, #tpu.memory_space<vmem>>, vector<16xf32>,
      %add3A_194 = arith.constant 1 : i32
      %add3A_195 = arith.addi %add3A_44, %add3A_194 : i32
      %get3A_196 = arith.index_cast %add3A_195 : i32 to index
      %get3A_197 = arith.constant 64 : index
      %get3A_198 = tpu.vector_load %arg9[%get3A_196, %get3A_197] {strides = array<i32>} : memref<80x128xf32, #tpu.memory_space<vmem>>, vector<16xf32>,
      %mul3A_199 = arith.mulf %get3A_193, %get3A_198 : vector<16xf32>
      %add3A_200 = arith.addf %add3A_188, %mul3A_199 : vector<16xf32>
      %add3A_201 = arith.constant 1 : i32
      %add3A_202 = arith.addi %add3A_44, %add3A_201 : i32
      %get3A_203 = arith.index_cast %add3A_202 : i32 to index
      %get3A_204 = arith.constant 80 : index
      %get3A_205 = tpu.vector_load %arg8[%get3A_203, %get3A_204] {strides = array<i32>} : memref<80x128xf32, #tpu.memory_space<vmem>>, vector<16xf32>,
      %add3A_206 = arith.constant 1 : i32
      %add3A_207 = arith.addi %add3A_44, %add3A_206 : i32
      %get3A_208 = arith.index_cast %add3A_207 : i32 to index
      %get3A_209 = arith.constant 80 : index
      %get3A_210 = tpu.vector_load %arg9[%get3A_208, %get3A_209] {strides = array<i32>} : memref<80x128xf32, #tpu.memory_space<vmem>>, vector<16xf32>,
      %mul3A_211 = arith.mulf %get3A_205, %get3A_210 : vector<16xf32>
      %add3A_212 = arith.addf %add3A_200, %mul3A_211 : vector<16xf32>
      %add3A_213 = arith.constant 1 : i32
      %add3A_214 = arith.addi %add3A_44, %add3A_213 : i32
      %get3A_215 = arith.index_cast %add3A_214 : i32 to index
      %get3A_216 = arith.constant 96 : index
      %get3A_217 = tpu.vector_load %arg8[%get3A_215, %get3A_216] {strides = array<i32>} : memref<80x128xf32, #tpu.memory_space<vmem>>, vector<16xf32>,
      %add3A_218 = arith.constant 1 : i32
      %add3A_219 = arith.addi %add3A_44, %add3A_218 : i32
      %get3A_220 = arith.index_cast %add3A_219 : i32 to index
      %get3A_221 = arith.constant 96 : index
      %get3A_222 = tpu.vector_load %arg9[%get3A_220, %get3A_221] {strides = array<i32>} : memref<80x128xf32, #tpu.memory_space<vmem>>, vector<16xf32>,
      %mul3A_223 = arith.mulf %get3A_217, %get3A_222 : vector<16xf32>
      %add3A_224 = arith.addf %add3A_212, %mul3A_223 : vector<16xf32>
      %add3A_225 = arith.constant 1 : i32
      %add3A_226 = arith.addi %add3A_44, %add3A_225 : i32
      %get3A_227 = arith.index_cast %add3A_226 : i32 to index
      %get3A_228 = arith.constant 112 : index
      %get3A_229 = tpu.vector_load %arg8[%get3A_227, %get3A_228] {strides = array<i32>} : memref<80x128xf32, #tpu.memory_space<vmem>>, vector<16xf32>,
      %add3A_230 = arith.constant 1 : i32
      %add3A_231 = arith.addi %add3A_44, %add3A_230 : i32
      %get3A_232 = arith.index_cast %add3A_231 : i32 to index
      %get3A_233 = arith.constant 112 : index
      %get3A_234 = tpu.vector_load %arg9[%get3A_232, %get3A_233] {strides = array<i32>} : memref<80x128xf32, #tpu.memory_space<vmem>>, vector<16xf32>,
      %mul3A_235 = arith.mulf %get3A_229, %get3A_234 : vector<16xf32>
      %add3A_236 = arith.addf %add3A_224, %mul3A_235 : vector<16xf32>
      %swap3A_237 = arith.constant 1 : i32
      %swap3A_238 = arith.index_cast %swap3A_237 : i32 to index
      %swap3A_239 = arith.constant 0 : index
      %swap3A_240 = tpu.vector_load %arg13[%swap3A_238, %swap3A_239] {strides = array<i32>} : memref<16x17xf32, #tpu.memory_space<vmem>>, vector<16xf32>,
      tpu.vector_store %arg13[%swap3A_238, %swap3A_239], %add3A_236 {strides = array<i32>} : memref<16x17xf32, #tpu.memory_space<vmem>>, vector<16xf32>,
      %add3A_241 = arith.constant 2 : i32
      %add3A_242 = arith.addi %add3A_44, %add3A_241 : i32
      %get3A_243 = arith.index_cast %add3A_242 : i32 to index
      %get3A_244 = arith.constant 0 : index
      %get3A_245 = tpu.vector_load %arg8[%get3A_243, %get3A_244] {strides = array<i32>} : memref<80x128xf32, #tpu.memory_space<vmem>>, vector<16xf32>,
      %add3A_246 = arith.constant 2 : i32
      %add3A_247 = arith.addi %add3A_44, %add3A_246 : i32
      %get3A_248 = arith.index_cast %add3A_247 : i32 to index
      %get3A_249 = arith.constant 0 : index
      %get3A_250 = tpu.vector_load %arg9[%get3A_248, %get3A_249] {strides = array<i32>} : memref<80x128xf32, #tpu.memory_space<vmem>>, vector<16xf32>,
      %mul3A_251 = arith.mulf %get3A_245, %get3A_250 : vector<16xf32>
      %add3A_252 = arith.constant 2 : i32
      %add3A_253 = arith.addi %add3A_44, %add3A_252 : i32
      %get3A_254 = arith.index_cast %add3A_253 : i32 to index
      %get3A_255 = arith.constant 16 : index
      %get3A_256 = tpu.vector_load %arg8[%get3A_254, %get3A_255] {strides = array<i32>} : memref<80x128xf32, #tpu.memory_space<vmem>>, vector<16xf32>,
      %add3A_257 = arith.constant 2 : i32
      %add3A_258 = arith.addi %add3A_44, %add3A_257 : i32
      %get3A_259 = arith.index_cast %add3A_258 : i32 to index
      %get3A_260 = arith.constant 16 : index
      %get3A_261 = tpu.vector_load %arg9[%get3A_259, %get3A_260] {strides = array<i32>} : memref<80x128xf32, #tpu.memory_space<vmem>>, vector<16xf32>,
      %mul3A_262 = arith.mulf %get3A_256, %get3A_261 : vector<16xf32>
      %add3A_263 = arith.addf %mul3A_251, %mul3A_262 : vector<16xf32>
      %add3A_264 = arith.constant 2 : i32
      %add3A_265 = arith.addi %add3A_44, %add3A_264 : i32
      %get3A_266 = arith.index_cast %add3A_265 : i32 to index
      %get3A_267 = arith.constant 32 : index
      %get3A_268 = tpu.vector_load %arg8[%get3A_266, %get3A_267] {strides = array<i32>} : memref<80x128xf32, #tpu.memory_space<vmem>>, vector<16xf32>,
      %add3A_269 = arith.constant 2 : i32
      %add3A_270 = arith.addi %add3A_44, %add3A_269 : i32
      %get3A_271 = arith.index_cast %add3A_270 : i32 to index
      %get3A_272 = arith.constant 32 : index
      %get3A_273 = tpu.vector_load %arg9[%get3A_271, %get3A_272] {strides = array<i32>} : memref<80x128xf32, #tpu.memory_space<vmem>>, vector<16xf32>,
      %mul3A_274 = arith.mulf %get3A_268, %get3A_273 : vector<16xf32>
      %add3A_275 = arith.addf %add3A_263, %mul3A_274 : vector<16xf32>
      %add3A_276 = arith.constant 2 : i32
      %add3A_277 = arith.addi %add3A_44, %add3A_276 : i32
      %get3A_278 = arith.index_cast %add3A_277 : i32 to index
      %get3A_279 = arith.constant 48 : index
      %get3A_280 = tpu.vector_load %arg8[%get3A_278, %get3A_279] {strides = array<i32>} : memref<80x128xf32, #tpu.memory_space<vmem>>, vector<16xf32>,
      %add3A_281 = arith.constant 2 : i32
      %add3A_282 = arith.addi %add3A_44, %add3A_281 : i32
      %get3A_283 = arith.index_cast %add3A_282 : i32 to index
      %get3A_284 = arith.constant 48 : index
      %get3A_285 = tpu.vector_load %arg9[%get3A_283, %get3A_284] {strides = array<i32>} : memref<80x128xf32, #tpu.memory_space<vmem>>, vector<16xf32>,
      %mul3A_286 = arith.mulf %get3A_280, %get3A_285 : vector<16xf32>
      %add3A_287 = arith.addf %add3A_275, %mul3A_286 : vector<16xf32>
      %add3A_288 = arith.constant 2 : i32
      %add3A_289 = arith.addi %add3A_44, %add3A_288 : i32
      %get3A_290 = arith.index_cast %add3A_289 : i32 to index
      %get3A_291 = arith.constant 64 : index
      %get3A_292 = tpu.vector_load %arg8[%get3A_290, %get3A_291] {strides = array<i32>} : memref<80x128xf32, #tpu.memory_space<vmem>>, vector<16xf32>,
      %add3A_293 = arith.constant 2 : i32
      %add3A_294 = arith.addi %add3A_44, %add3A_293 : i32
      %get3A_295 = arith.index_cast %add3A_294 : i32 to index
      %get3A_296 = arith.constant 64 : index
      %get3A_297 = tpu.vector_load %arg9[%get3A_295, %get3A_296] {strides = array<i32>} : memref<80x128xf32, #tpu.memory_space<vmem>>, vector<16xf32>,
      %mul3A_298 = arith.mulf %get3A_292, %get3A_297 : vector<16xf32>
      %add3A_299 = arith.addf %add3A_287, %mul3A_298 : vector<16xf32>
      %add3A_300 = arith.constant 2 : i32
      %add3A_301 = arith.addi %add3A_44, %add3A_300 : i32
      %get3A_302 = arith.index_cast %add3A_301 : i32 to index
      %get3A_303 = arith.constant 80 : index
      %get3A_304 = tpu.vector_load %arg8[%get3A_302, %get3A_303] {strides = array<i32>} : memref<80x128xf32, #tpu.memory_space<vmem>>, vector<16xf32>,
      %add3A_305 = arith.constant 2 : i32
      %add3A_306 = arith.addi %add3A_44, %add3A_305 : i32
      %get3A_307 = arith.index_cast %add3A_306 : i32 to index
      %get3A_308 = arith.constant 80 : index
      %get3A_309 = tpu.vector_load %arg9[%get3A_307, %get3A_308] {strides = array<i32>} : memref<80x128xf32, #tpu.memory_space<vmem>>, vector<16xf32>,
      %mul3A_310 = arith.mulf %get3A_304, %get3A_309 : vector<16xf32>
      %add3A_311 = arith.addf %add3A_299, %mul3A_310 : vector<16xf32>
      %add3A_312 = arith.constant 2 : i32
      %add3A_313 = arith.addi %add3A_44, %add3A_312 : i32
      %get3A_314 = arith.index_cast %add3A_313 : i32 to index
      %get3A_315 = arith.constant 96 : index
      %get3A_316 = tpu.vector_load %arg8[%get3A_314, %get3A_315] {strides = array<i32>} : memref<80x128xf32, #tpu.memory_space<vmem>>, vector<16xf32>,
      %add3A_317 = arith.constant 2 : i32
      %add3A_318 = arith.addi %add3A_44, %add3A_317 : i32
      %get3A_319 = arith.index_cast %add3A_318 : i32 to index
      %get3A_320 = arith.constant 96 : index
      %get3A_321 = tpu.vector_load %arg9[%get3A_319, %get3A_320] {strides = array<i32>} : memref<80x128xf32, #tpu.memory_space<vmem>>, vector<16xf32>,
      %mul3A_322 = arith.mulf %get3A_316, %get3A_321 : vector<16xf32>
      %add3A_323 = arith.addf %add3A_311, %mul3A_322 : vector<16xf32>
      %add3A_324 = arith.constant 2 : i32
      %add3A_325 = arith.addi %add3A_44, %add3A_324 : i32
      %get3A_326 = arith.index_cast %add3A_325 : i32 to index
      %get3A_327 = arith.constant 112 : index
      %get3A_328 = tpu.vector_load %arg8[%get3A_326, %get3A_327] {strides = array<i32>} : memref<80x128xf32, #tpu.memory_space<vmem>>, vector<16xf32>,
      %add3A_329 = arith.constant 2 : i32
      %add3A_330 = arith.addi %add3A_44, %add3A_329 : i32
      %get3A_331 = arith.index_cast %add3A_330 : i32 to index
      %get3A_332 = arith.constant 112 : index
      %get3A_333 = tpu.vector_load %arg9[%get3A_331, %get3A_332] {strides = array<i32>} : memref<80x128xf32, #tpu.memory_space<vmem>>, vector<16xf32>,
      %mul3A_334 = arith.mulf %get3A_328, %get3A_333 : vector<16xf32>
      %add3A_335 = arith.addf %add3A_323, %mul3A_334 : vector<16xf32>
      %swap3A_336 = arith.constant 2 : i32
      %swap3A_337 = arith.index_cast %swap3A_336 : i32 to index
      %swap3A_338 = arith.constant 0 : index
      %swap3A_339 = tpu.vector_load %arg13[%swap3A_337, %swap3A_338] {strides = array<i32>} : memref<16x17xf32, #tpu.memory_space<vmem>>, vector<16xf32>,
      tpu.vector_store %arg13[%swap3A_337, %swap3A_338], %add3A_335 {strides = array<i32>} : memref<16x17xf32, #tpu.memory_space<vmem>>, vector<16xf32>,
      %add3A_340 = arith.constant 3 : i32
      %add3A_341 = arith.addi %add3A_44, %add3A_340 : i32
      %get3A_342 = arith.index_cast %add3A_341 : i32 to index
      %get3A_343 = arith.constant 0 : index
      %get3A_344 = tpu.vector_load %arg8[%get3A_342, %get3A_343] {strides = array<i32>} : memref<80x128xf32, #tpu.memory_space<vmem>>, vector<16xf32>,
      %add3A_345 = arith.constant 3 : i32
      %add3A_346 = arith.addi %add3A_44, %add3A_345 : i32
      %get3A_347 = arith.index_cast %add3A_346 : i32 to index
      %get3A_348 = arith.constant 0 : index
      %get3A_349 = tpu.vector_load %arg9[%get3A_347, %get3A_348] {strides = array<i32>} : memref<80x128xf32, #tpu.memory_space<vmem>>, vector<16xf32>,
      %mul3A_350 = arith.mulf %get3A_344, %get3A_349 : vector<16xf32>
      %add3A_351 = arith.constant 3 : i32
      %add3A_352 = arith.addi %add3A_44, %add3A_351 : i32
      %get3A_353 = arith.index_cast %add3A_352 : i32 to index
      %get3A_354 = arith.constant 16 : index
      %get3A_355 = tpu.vector_load %arg8[%get3A_353, %get3A_354] {strides = array<i32>} : memref<80x128xf32, #tpu.memory_space<vmem>>, vector<16xf32>,
      %add3A_356 = arith.constant 3 : i32
      %add3A_357 = arith.addi %add3A_44, %add3A_356 : i32
      %get3A_358 = arith.index_cast %add3A_357 : i32 to index
      %get3A_359 = arith.constant 16 : index
      %get3A_360 = tpu.vector_load %arg9[%get3A_358, %get3A_359] {strides = array<i32>} : memref<80x128xf32, #tpu.memory_space<vmem>>, vector<16xf32>,
      %mul3A_361 = arith.mulf %get3A_355, %get3A_360 : vector<16xf32>
      %add3A_362 = arith.addf %mul3A_350, %mul3A_361 : vector<16xf32>
      %add3A_363 = arith.constant 3 : i32
      %add3A_364 = arith.addi %add3A_44, %add3A_363 : i32
      %get3A_365 = arith.index_cast %add3A_364 : i32 to index
      %get3A_366 = arith.constant 32 : index
      %get3A_367 = tpu.vector_load %arg8[%get3A_365, %get3A_366] {strides = array<i32>} : memref<80x128xf32, #tpu.memory_space<vmem>>, vector<16xf32>,
      %add3A_368 = arith.constant 3 : i32
      %add3A_369 = arith.addi %add3A_44, %add3A_368 : i32
      %get3A_370 = arith.index_cast %add3A_369 : i32 to index
      %get3A_371 = arith.constant 32 : index
      %get3A_372 = tpu.vector_load %arg9[%get3A_370, %get3A_371] {strides = array<i32>} : memref<80x128xf32, #tpu.memory_space<vmem>>, vector<16xf32>,
      %mul3A_373 = arith.mulf %get3A_367, %get3A_372 : vector<16xf32>
      %add3A_374 = arith.addf %add3A_362, %mul3A_373 : vector<16xf32>
      %add3A_375 = arith.constant 3 : i32
      %add3A_376 = arith.addi %add3A_44, %add3A_375 : i32
      %get3A_377 = arith.index_cast %add3A_376 : i32 to index
      %get3A_378 = arith.constant 48 : index
      %get3A_379 = tpu.vector_load %arg8[%get3A_377, %get3A_378] {strides = array<i32>} : memref<80x128xf32, #tpu.memory_space<vmem>>, vector<16xf32>,
      %add3A_380 = arith.constant 3 : i32
      %add3A_381 = arith.addi %add3A_44, %add3A_380 : i32
      %get3A_382 = arith.index_cast %add3A_381 : i32 to index
      %get3A_383 = arith.constant 48 : index
      %get3A_384 = tpu.vector_load %arg9[%get3A_382, %get3A_383] {strides = array<i32>} : memref<80x128xf32, #tpu.memory_space<vmem>>, vector<16xf32>,
      %mul3A_385 = arith.mulf %get3A_379, %get3A_384 : vector<16xf32>
      %add3A_386 = arith.addf %add3A_374, %mul3A_385 : vector<16xf32>
      %add3A_387 = arith.constant 3 : i32
      %add3A_388 = arith.addi %add3A_44, %add3A_387 : i32
      %get3A_389 = arith.index_cast %add3A_388 : i32 to index
      %get3A_390 = arith.constant 64 : index
      %get3A_391 = tpu.vector_load %arg8[%get3A_389, %get3A_390] {strides = array<i32>} : memref<80x128xf32, #tpu.memory_space<vmem>>, vector<16xf32>,
      %add3A_392 = arith.constant 3 : i32
      %add3A_393 = arith.addi %add3A_44, %add3A_392 : i32
      %get3A_394 = arith.index_cast %add3A_393 : i32 to index
      %get3A_395 = arith.constant 64 : index
      %get3A_396 = tpu.vector_load %arg9[%get3A_394, %get3A_395] {strides = array<i32>} : memref<80x128xf32, #tpu.memory_space<vmem>>, vector<16xf32>,
      %mul3A_397 = arith.mulf %get3A_391, %get3A_396 : vector<16xf32>
      %add3A_398 = arith.addf %add3A_386, %mul3A_397 : vector<16xf32>
      %add3A_399 = arith.constant 3 : i32
      %add3A_400 = arith.addi %add3A_44, %add3A_399 : i32
      %get3A_401 = arith.index_cast %add3A_400 : i32 to index
      %get3A_402 = arith.constant 80 : index
      %get3A_403 = tpu.vector_load %arg8[%get3A_401, %get3A_402] {strides = array<i32>} : memref<80x128xf32, #tpu.memory_space<vmem>>, vector<16xf32>,
      %add3A_404 = arith.constant 3 : i32
      %add3A_405 = arith.addi %add3A_44, %add3A_404 : i32
      %get3A_406 = arith.index_cast %add3A_405 : i32 to index
      %get3A_407 = arith.constant 80 : index
      %get3A_408 = tpu.vector_load %arg9[%get3A_406, %get3A_407] {strides = array<i32>} : memref<80x128xf32, #tpu.memory_space<vmem>>, vector<16xf32>,
      %mul3A_409 = arith.mulf %get3A_403, %get3A_408 : vector<16xf32>
      %add3A_410 = arith.addf %add3A_398, %mul3A_409 : vector<16xf32>
      %add3A_411 = arith.constant 3 : i32
      %add3A_412 = arith.addi %add3A_44, %add3A_411 : i32
      %get3A_413 = arith.index_cast %add3A_412 : i32 to index
      %get3A_414 = arith.constant 96 : index
      %get3A_415 = tpu.vector_load %arg8[%get3A_413, %get3A_414] {strides = array<i32>} : memref<80x128xf32, #tpu.memory_space<vmem>>, vector<16xf32>,
      %add3A_416 = arith.constant 3 : i32
      %add3A_417 = arith.addi %add3A_44, %add3A_416 : i32
      %get3A_418 = arith.index_cast %add3A_417 : i32 to index
      %get3A_419 = arith.constant 96 : index
      %get3A_420 = tpu.vector_load %arg9[%get3A_418, %get3A_419] {strides = array<i32>} : memref<80x128xf32, #tpu.memory_space<vmem>>, vector<16xf32>,
      %mul3A_421 = arith.mulf %get3A_415, %get3A_420 : vector<16xf32>
      %add3A_422 = arith.addf %add3A_410, %mul3A_421 : vector<16xf32>
      %add3A_423 = arith.constant 3 : i32
      %add3A_424 = arith.addi %add3A_44, %add3A_423 : i32
      %get3A_425 = arith.index_cast %add3A_424 : i32 to index
      %get3A_426 = arith.constant 112 : index
      %get3A_427 = tpu.vector_load %arg8[%get3A_425, %get3A_426] {strides = array<i32>} : memref<80x128xf32, #tpu.memory_space<vmem>>, vector<16xf32>,
      %add3A_428 = arith.constant 3 : i32
      %add3A_429 = arith.addi %add3A_44, %add3A_428 : i32
      %get3A_430 = arith.index_cast %add3A_429 : i32 to index
      %get3A_431 = arith.constant 112 : index
      %get3A_432 = tpu.vector_load %arg9[%get3A_430, %get3A_431] {strides = array<i32>} : memref<80x128xf32, #tpu.memory_space<vmem>>, vector<16xf32>,
      %mul3A_433 = arith.mulf %get3A_427, %get3A_432 : vector<16xf32>
      %add3A_434 = arith.addf %add3A_422, %mul3A_433 : vector<16xf32>
      %swap3A_435 = arith.constant 3 : i32
      %swap3A_436 = arith.index_cast %swap3A_435 : i32 to index
      %swap3A_437 = arith.constant 0 : index
      %swap3A_438 = tpu.vector_load %arg13[%swap3A_436, %swap3A_437] {strides = array<i32>} : memref<16x17xf32, #tpu.memory_space<vmem>>, vector<16xf32>,
      tpu.vector_store %arg13[%swap3A_436, %swap3A_437], %add3A_434 {strides = array<i32>} : memref<16x17xf32, #tpu.memory_space<vmem>>, vector<16xf32>,
      %add3A_439 = arith.constant 4 : i32
      %add3A_440 = arith.addi %add3A_44, %add3A_439 : i32
      %get3A_441 = arith.index_cast %add3A_440 : i32 to index
      %get3A_442 = arith.constant 0 : index
      %get3A_443 = tpu.vector_load %arg8[%get3A_441, %get3A_442] {strides = array<i32>} : memref<80x128xf32, #tpu.memory_space<vmem>>, vector<16xf32>,
      %add3A_444 = arith.constant 4 : i32
      %add3A_445 = arith.addi %add3A_44, %add3A_444 : i32
      %get3A_446 = arith.index_cast %add3A_445 : i32 to index
      %get3A_447 = arith.constant 0 : index
      %get3A_448 = tpu.vector_load %arg9[%get3A_446, %get3A_447] {strides = array<i32>} : memref<80x128xf32, #tpu.memory_space<vmem>>, vector<16xf32>,
      %mul3A_449 = arith.mulf %get3A_443, %get3A_448 : vector<16xf32>
      %add3A_450 = arith.constant 4 : i32
      %add3A_451 = arith.addi %add3A_44, %add3A_450 : i32
      %get3A_452 = arith.index_cast %add3A_451 : i32 to index
      %get3A_453 = arith.constant 16 : index
      %get3A_454 = tpu.vector_load %arg8[%get3A_452, %get3A_453] {strides = array<i32>} : memref<80x128xf32, #tpu.memory_space<vmem>>, vector<16xf32>,
      %add3A_455 = arith.constant 4 : i32
      %add3A_456 = arith.addi %add3A_44, %add3A_455 : i32
      %get3A_457 = arith.index_cast %add3A_456 : i32 to index
      %get3A_458 = arith.constant 16 : index
      %get3A_459 = tpu.vector_load %arg9[%get3A_457, %get3A_458] {strides = array<i32>} : memref<80x128xf32, #tpu.memory_space<vmem>>, vector<16xf32>,
      %mul3A_460 = arith.mulf %get3A_454, %get3A_459 : vector<16xf32>
      %add3A_461 = arith.addf %mul3A_449, %mul3A_460 : vector<16xf32>
      %add3A_462 = arith.constant 4 : i32
      %add3A_463 = arith.addi %add3A_44, %add3A_462 : i32
      %get3A_464 = arith.index_cast %add3A_463 : i32 to index
      %get3A_465 = arith.constant 32 : index
      %get3A_466 = tpu.vector_load %arg8[%get3A_464, %get3A_465] {strides = array<i32>} : memref<80x128xf32, #tpu.memory_space<vmem>>, vector<16xf32>,
      %add3A_467 = arith.constant 4 : i32
      %add3A_468 = arith.addi %add3A_44, %add3A_467 : i32
      %get3A_469 = arith.index_cast %add3A_468 : i32 to index
      %get3A_470 = arith.constant 32 : index
      %get3A_471 = tpu.vector_load %arg9[%get3A_469, %get3A_470] {strides = array<i32>} : memref<80x128xf32, #tpu.memory_space<vmem>>, vector<16xf32>,
      %mul3A_472 = arith.mulf %get3A_466, %get3A_471 : vector<16xf32>
      %add3A_473 = arith.addf %add3A_461, %mul3A_472 : vector<16xf32>
      %add3A_474 = arith.constant 4 : i32
      %add3A_475 = arith.addi %add3A_44, %add3A_474 : i32
      %get3A_476 = arith.index_cast %add3A_475 : i32 to index
      %get3A_477 = arith.constant 48 : index
      %get3A_478 = tpu.vector_load %arg8[%get3A_476, %get3A_477] {strides = array<i32>} : memref<80x128xf32, #tpu.memory_space<vmem>>, vector<16xf32>,
      %add3A_479 = arith.constant 4 : i32
      %add3A_480 = arith.addi %add3A_44, %add3A_479 : i32
      %get3A_481 = arith.index_cast %add3A_480 : i32 to index
      %get3A_482 = arith.constant 48 : index
      %get3A_483 = tpu.vector_load %arg9[%get3A_481, %get3A_482] {strides = array<i32>} : memref<80x128xf32, #tpu.memory_space<vmem>>, vector<16xf32>,
      %mul3A_484 = arith.mulf %get3A_478, %get3A_483 : vector<16xf32>
      %add3A_485 = arith.addf %add3A_473, %mul3A_484 : vector<16xf32>
      %add3A_486 = arith.constant 4 : i32
      %add3A_487 = arith.addi %add3A_44, %add3A_486 : i32
      %get3A_488 = arith.index_cast %add3A_487 : i32 to index
      %get3A_489 = arith.constant 64 : index
      %get3A_490 = tpu.vector_load %arg8[%get3A_488, %get3A_489] {strides = array<i32>} : memref<80x128xf32, #tpu.memory_space<vmem>>, vector<16xf32>,
      %add3A_491 = arith.constant 4 : i32
      %add3A_492 = arith.addi %add3A_44, %add3A_491 : i32
      %get3A_493 = arith.index_cast %add3A_492 : i32 to index
      %get3A_494 = arith.constant 64 : index
      %get3A_495 = tpu.vector_load %arg9[%get3A_493, %get3A_494] {strides = array<i32>} : memref<80x128xf32, #tpu.memory_space<vmem>>, vector<16xf32>,
      %mul3A_496 = arith.mulf %get3A_490, %get3A_495 : vector<16xf32>
      %add3A_497 = arith.addf %add3A_485, %mul3A_496 : vector<16xf32>
      %add3A_498 = arith.constant 4 : i32
      %add3A_499 = arith.addi %add3A_44, %add3A_498 : i32
      %get3A_500 = arith.index_cast %add3A_499 : i32 to index
      %get3A_501 = arith.constant 80 : index
      %get3A_502 = tpu.vector_load %arg8[%get3A_500, %get3A_501] {strides = array<i32>} : memref<80x128xf32, #tpu.memory_space<vmem>>, vector<16xf32>,
      %add3A_503 = arith.constant 4 : i32
      %add3A_504 = arith.addi %add3A_44, %add3A_503 : i32
      %get3A_505 = arith.index_cast %add3A_504 : i32 to index
      %get3A_506 = arith.constant 80 : index
      %get3A_507 = tpu.vector_load %arg9[%get3A_505, %get3A_506] {strides = array<i32>} : memref<80x128xf32, #tpu.memory_space<vmem>>, vector<16xf32>,
      %mul3A_508 = arith.mulf %get3A_502, %get3A_507 : vector<16xf32>
      %add3A_509 = arith.addf %add3A_497, %mul3A_508 : vector<16xf32>
      %add3A_510 = arith.constant 4 : i32
      %add3A_511 = arith.addi %add3A_44, %add3A_510 : i32
      %get3A_512 = arith.index_cast %add3A_511 : i32 to index
      %get3A_513 = arith.constant 96 : index
      %get3A_514 = tpu.vector_load %arg8[%get3A_512, %get3A_513] {strides = array<i32>} : memref<80x128xf32, #tpu.memory_space<vmem>>, vector<16xf32>,
      %add3A_515 = arith.constant 4 : i32
      %add3A_516 = arith.addi %add3A_44, %add3A_515 : i32
      %get3A_517 = arith.index_cast %add3A_516 : i32 to index
      %get3A_518 = arith.constant 96 : index
      %get3A_519 = tpu.vector_load %arg9[%get3A_517, %get3A_518] {strides = array<i32>} : memref<80x128xf32, #tpu.memory_space<vmem>>, vector<16xf32>,
      %mul3A_520 = arith.mulf %get3A_514, %get3A_519 : vector<16xf32>
      %add3A_521 = arith.addf %add3A_509, %mul3A_520 : vector<16xf32>
      %add3A_522 = arith.constant 4 : i32
      %add3A_523 = arith.addi %add3A_44, %add3A_522 : i32
      %get3A_524 = arith.index_cast %add3A_523 : i32 to index
      %get3A_525 = arith.constant 112 : index
      %get3A_526 = tpu.vector_load %arg8[%get3A_524, %get3A_525] {strides = array<i32>} : memref<80x128xf32, #tpu.memory_space<vmem>>, vector<16xf32>,
      %add3A_527 = arith.constant 4 : i32
      %add3A_528 = arith.addi %add3A_44, %add3A_527 : i32
      %get3A_529 = arith.index_cast %add3A_528 : i32 to index
      %get3A_530 = arith.constant 112 : index
      %get3A_531 = tpu.vector_load %arg9[%get3A_529, %get3A_530] {strides = array<i32>} : memref<80x128xf32, #tpu.memory_space<vmem>>, vector<16xf32>,
      %mul3A_532 = arith.mulf %get3A_526, %get3A_531 : vector<16xf32>
      %add3A_533 = arith.addf %add3A_521, %mul3A_532 : vector<16xf32>
      %swap3A_534 = arith.constant 4 : i32
      %swap3A_535 = arith.index_cast %swap3A_534 : i32 to index
      %swap3A_536 = arith.constant 0 : index
      %swap3A_537 = tpu.vector_load %arg13[%swap3A_535, %swap3A_536] {strides = array<i32>} : memref<16x17xf32, #tpu.memory_space<vmem>>, vector<16xf32>,
      tpu.vector_store %arg13[%swap3A_535, %swap3A_536], %add3A_533 {strides = array<i32>} : memref<16x17xf32, #tpu.memory_space<vmem>>, vector<16xf32>,
      %add3A_538 = arith.constant 5 : i32
      %add3A_539 = arith.addi %add3A_44, %add3A_538 : i32
      %get3A_540 = arith.index_cast %add3A_539 : i32 to index
      %get3A_541 = arith.constant 0 : index
      %get3A_542 = tpu.vector_load %arg8[%get3A_540, %get3A_541] {strides = array<i32>} : memref<80x128xf32, #tpu.memory_space<vmem>>, vector<16xf32>,
      %add3A_543 = arith.constant 5 : i32
      %add3A_544 = arith.addi %add3A_44, %add3A_543 : i32
      %get3A_545 = arith.index_cast %add3A_544 : i32 to index
      %get3A_546 = arith.constant 0 : index
      %get3A_547 = tpu.vector_load %arg9[%get3A_545, %get3A_546] {strides = array<i32>} : memref<80x128xf32, #tpu.memory_space<vmem>>, vector<16xf32>,
      %mul3A_548 = arith.mulf %get3A_542, %get3A_547 : vector<16xf32>
      %add3A_549 = arith.constant 5 : i32
      %add3A_550 = arith.addi %add3A_44, %add3A_549 : i32
      %get3A_551 = arith.index_cast %add3A_550 : i32 to index
      %get3A_552 = arith.constant 16 : index
      %get3A_553 = tpu.vector_load %arg8[%get3A_551, %get3A_552] {strides = array<i32>} : memref<80x128xf32, #tpu.memory_space<vmem>>, vector<16xf32>,
      %add3A_554 = arith.constant 5 : i32
      %add3A_555 = arith.addi %add3A_44, %add3A_554 : i32
      %get3A_556 = arith.index_cast %add3A_555 : i32 to index
      %get3A_557 = arith.constant 16 : index
      %get3A_558 = tpu.vector_load %arg9[%get3A_556, %get3A_557] {strides = array<i32>} : memref<80x128xf32, #tpu.memory_space<vmem>>, vector<16xf32>,
      %mul3A_559 = arith.mulf %get3A_553, %get3A_558 : vector<16xf32>
      %add3A_560 = arith.addf %mul3A_548, %mul3A_559 : vector<16xf32>
      %add3A_561 = arith.constant 5 : i32
      %add3A_562 = arith.addi %add3A_44, %add3A_561 : i32
      %get3A_563 = arith.index_cast %add3A_562 : i32 to index
      %get3A_564 = arith.constant 32 : index
      %get3A_565 = tpu.vector_load %arg8[%get3A_563, %get3A_564] {strides = array<i32>} : memref<80x128xf32, #tpu.memory_space<vmem>>, vector<16xf32>,
      %add3A_566 = arith.constant 5 : i32
      %add3A_567 = arith.addi %add3A_44, %add3A_566 : i32
      %get3A_568 = arith.index_cast %add3A_567 : i32 to index
      %get3A_569 = arith.constant 32 : index
      %get3A_570 = tpu.vector_load %arg9[%get3A_568, %get3A_569] {strides = array<i32>} : memref<80x128xf32, #tpu.memory_space<vmem>>, vector<16xf32>,
      %mul3A_571 = arith.mulf %get3A_565, %get3A_570 : vector<16xf32>
      %add3A_572 = arith.addf %add3A_560, %mul3A_571 : vector<16xf32>
      %add3A_573 = arith.constant 5 : i32
      %add3A_574 = arith.addi %add3A_44, %add3A_573 : i32
      %get3A_575 = arith.index_cast %add3A_574 : i32 to index
      %get3A_576 = arith.constant 48 : index
      %get3A_577 = tpu.vector_load %arg8[%get3A_575, %get3A_576] {strides = array<i32>} : memref<80x128xf32, #tpu.memory_space<vmem>>, vector<16xf32>,
      %add3A_578 = arith.constant 5 : i32
      %add3A_579 = arith.addi %add3A_44, %add3A_578 : i32
      %get3A_580 = arith.index_cast %add3A_579 : i32 to index
      %get3A_581 = arith.constant 48 : index
      %get3A_582 = tpu.vector_load %arg9[%get3A_580, %get3A_581] {strides = array<i32>} : memref<80x128xf32, #tpu.memory_space<vmem>>, vector<16xf32>,
      %mul3A_583 = arith.mulf %get3A_577, %get3A_582 : vector<16xf32>
      %add3A_584 = arith.addf %add3A_572, %mul3A_583 : vector<16xf32>
      %add3A_585 = arith.constant 5 : i32
      %add3A_586 = arith.addi %add3A_44, %add3A_585 : i32
      %get3A_587 = arith.index_cast %add3A_586 : i32 to index
      %get3A_588 = arith.constant 64 : index
      %get3A_589 = tpu.vector_load %arg8[%get3A_587, %get3A_588] {strides = array<i32>} : memref<80x128xf32, #tpu.memory_space<vmem>>, vector<16xf32>,
      %add3A_590 = arith.constant 5 : i32
      %add3A_591 = arith.addi %add3A_44, %add3A_590 : i32
      %get3A_592 = arith.index_cast %add3A_591 : i32 to index
      %get3A_593 = arith.constant 64 : index
      %get3A_594 = tpu.vector_load %arg9[%get3A_592, %get3A_593] {strides = array<i32>} : memref<80x128xf32, #tpu.memory_space<vmem>>, vector<16xf32>,
      %mul3A_595 = arith.mulf %get3A_589, %get3A_594 : vector<16xf32>
      %add3A_596 = arith.addf %add3A_584, %mul3A_595 : vector<16xf32>
      %add3A_597 = arith.constant 5 : i32
      %add3A_598 = arith.addi %add3A_44, %add3A_597 : i32
      %get3A_599 = arith.index_cast %add3A_598 : i32 to index
      %get3A_600 = arith.constant 80 : index
      %get3A_601 = tpu.vector_load %arg8[%get3A_599, %get3A_600] {strides = array<i32>} : memref<80x128xf32, #tpu.memory_space<vmem>>, vector<16xf32>,
      %add3A_602 = arith.constant 5 : i32
      %add3A_603 = arith.addi %add3A_44, %add3A_602 : i32
      %get3A_604 = arith.index_cast %add3A_603 : i32 to index
      %get3A_605 = arith.constant 80 : index
      %get3A_606 = tpu.vector_load %arg9[%get3A_604, %get3A_605] {strides = array<i32>} : memref<80x128xf32, #tpu.memory_space<vmem>>, vector<16xf32>,
      %mul3A_607 = arith.mulf %get3A_601, %get3A_606 : vector<16xf32>
      %add3A_608 = arith.addf %add3A_596, %mul3A_607 : vector<16xf32>
      %add3A_609 = arith.constant 5 : i32
      %add3A_610 = arith.addi %add3A_44, %add3A_609 : i32
      %get3A_611 = arith.index_cast %add3A_610 : i32 to index
      %get3A_612 = arith.constant 96 : index
      %get3A_613 = tpu.vector_load %arg8[%get3A_611, %get3A_612] {strides = array<i32>} : memref<80x128xf32, #tpu.memory_space<vmem>>, vector<16xf32>,
      %add3A_614 = arith.constant 5 : i32
      %add3A_615 = arith.addi %add3A_44, %add3A_614 : i32
      %get3A_616 = arith.index_cast %add3A_615 : i32 to index
      %get3A_617 = arith.constant 96 : index
      %get3A_618 = tpu.vector_load %arg9[%get3A_616, %get3A_617] {strides = array<i32>} : memref<80x128xf32, #tpu.memory_space<vmem>>, vector<16xf32>,
      %mul3A_619 = arith.mulf %get3A_613, %get3A_618 : vector<16xf32>
      %add3A_620 = arith.addf %add3A_608, %mul3A_619 : vector<16xf32>
      %add3A_621 = arith.constant 5 : i32
      %add3A_622 = arith.addi %add3A_44, %add3A_621 : i32
      %get3A_623 = arith.index_cast %add3A_622 : i32 to index
      %get3A_624 = arith.constant 112 : index
      %get3A_625 = tpu.vector_load %arg8[%get3A_623, %get3A_624] {strides = array<i32>} : memref<80x128xf32, #tpu.memory_space<vmem>>, vector<16xf32>,
      %add3A_626 = arith.constant 5 : i32
      %add3A_627 = arith.addi %add3A_44, %add3A_626 : i32
      %get3A_628 = arith.index_cast %add3A_627 : i32 to index
      %get3A_629 = arith.constant 112 : index
      %get3A_630 = tpu.vector_load %arg9[%get3A_628, %get3A_629] {strides = array<i32>} : memref<80x128xf32, #tpu.memory_space<vmem>>, vector<16xf32>,
      %mul3A_631 = arith.mulf %get3A_625, %get3A_630 : vector<16xf32>
      %add3A_632 = arith.addf %add3A_620, %mul3A_631 : vector<16xf32>
      %swap3A_633 = arith.constant 5 : i32
      %swap3A_634 = arith.index_cast %swap3A_633 : i32 to index
      %swap3A_635 = arith.constant 0 : index
      %swap3A_636 = tpu.vector_load %arg13[%swap3A_634, %swap3A_635] {strides = array<i32>} : memref<16x17xf32, #tpu.memory_space<vmem>>, vector<16xf32>,
      tpu.vector_store %arg13[%swap3A_634, %swap3A_635], %add3A_632 {strides = array<i32>} : memref<16x17xf32, #tpu.memory_space<vmem>>, vector<16xf32>,
      %add3A_637 = arith.constant 6 : i32
      %add3A_638 = arith.addi %add3A_44, %add3A_637 : i32
      %get3A_639 = arith.index_cast %add3A_638 : i32 to index
      %get3A_640 = arith.constant 0 : index
      %get3A_641 = tpu.vector_load %arg8[%get3A_639, %get3A_640] {strides = array<i32>} : memref<80x128xf32, #tpu.memory_space<vmem>>, vector<16xf32>,
      %add3A_642 = arith.constant 6 : i32
      %add3A_643 = arith.addi %add3A_44, %add3A_642 : i32
      %get3A_644 = arith.index_cast %add3A_643 : i32 to index
      %get3A_645 = arith.constant 0 : index
      %get3A_646 = tpu.vector_load %arg9[%get3A_644, %get3A_645] {strides = array<i32>} : memref<80x128xf32, #tpu.memory_space<vmem>>, vector<16xf32>,
      %mul3A_647 = arith.mulf %get3A_641, %get3A_646 : vector<16xf32>
      %add3A_648 = arith.constant 6 : i32
      %add3A_649 = arith.addi %add3A_44, %add3A_648 : i32
      %get3A_650 = arith.index_cast %add3A_649 : i32 to index
      %get3A_651 = arith.constant 16 : index
      %get3A_652 = tpu.vector_load %arg8[%get3A_650, %get3A_651] {strides = array<i32>} : memref<80x128xf32, #tpu.memory_space<vmem>>, vector<16xf32>,
      %add3A_653 = arith.constant 6 : i32
      %add3A_654 = arith.addi %add3A_44, %add3A_653 : i32
      %get3A_655 = arith.index_cast %add3A_654 : i32 to index
      %get3A_656 = arith.constant 16 : index
      %get3A_657 = tpu.vector_load %arg9[%get3A_655, %get3A_656] {strides = array<i32>} : memref<80x128xf32, #tpu.memory_space<vmem>>, vector<16xf32>,
      %mul3A_658 = arith.mulf %get3A_652, %get3A_657 : vector<16xf32>
      %add3A_659 = arith.addf %mul3A_647, %mul3A_658 : vector<16xf32>
      %add3A_660 = arith.constant 6 : i32
      %add3A_661 = arith.addi %add3A_44, %add3A_660 : i32
      %get3A_662 = arith.index_cast %add3A_661 : i32 to index
      %get3A_663 = arith.constant 32 : index
      %get3A_664 = tpu.vector_load %arg8[%get3A_662, %get3A_663] {strides = array<i32>} : memref<80x128xf32, #tpu.memory_space<vmem>>, vector<16xf32>,
      %add3A_665 = arith.constant 6 : i32
      %add3A_666 = arith.addi %add3A_44, %add3A_665 : i32
      %get3A_667 = arith.index_cast %add3A_666 : i32 to index
      %get3A_668 = arith.constant 32 : index
      %get3A_669 = tpu.vector_load %arg9[%get3A_667, %get3A_668] {strides = array<i32>} : memref<80x128xf32, #tpu.memory_space<vmem>>, vector<16xf32>,
      %mul3A_670 = arith.mulf %get3A_664, %get3A_669 : vector<16xf32>
      %add3A_671 = arith.addf %add3A_659, %mul3A_670 : vector<16xf32>
      %add3A_672 = arith.constant 6 : i32
      %add3A_673 = arith.addi %add3A_44, %add3A_672 : i32
      %get3A_674 = arith.index_cast %add3A_673 : i32 to index
      %get3A_675 = arith.constant 48 : index
      %get3A_676 = tpu.vector_load %arg8[%get3A_674, %get3A_675] {strides = array<i32>} : memref<80x128xf32, #tpu.memory_space<vmem>>, vector<16xf32>,
      %add3A_677 = arith.constant 6 : i32
      %add3A_678 = arith.addi %add3A_44, %add3A_677 : i32
      %get3A_679 = arith.index_cast %add3A_678 : i32 to index
      %get3A_680 = arith.constant 48 : index
      %get3A_681 = tpu.vector_load %arg9[%get3A_679, %get3A_680] {strides = array<i32>} : memref<80x128xf32, #tpu.memory_space<vmem>>, vector<16xf32>,
      %mul3A_682 = arith.mulf %get3A_676, %get3A_681 : vector<16xf32>
      %add3A_683 = arith.addf %add3A_671, %mul3A_682 : vector<16xf32>
      %add3A_684 = arith.constant 6 : i32
      %add3A_685 = arith.addi %add3A_44, %add3A_684 : i32
      %get3A_686 = arith.index_cast %add3A_685 : i32 to index
      %get3A_687 = arith.constant 64 : index
      %get3A_688 = tpu.vector_load %arg8[%get3A_686, %get3A_687] {strides = array<i32>} : memref<80x128xf32, #tpu.memory_space<vmem>>, vector<16xf32>,
      %add3A_689 = arith.constant 6 : i32
      %add3A_690 = arith.addi %add3A_44, %add3A_689 : i32
      %get3A_691 = arith.index_cast %add3A_690 : i32 to index
      %get3A_692 = arith.constant 64 : index
      %get3A_693 = tpu.vector_load %arg9[%get3A_691, %get3A_692] {strides = array<i32>} : memref<80x128xf32, #tpu.memory_space<vmem>>, vector<16xf32>,
      %mul3A_694 = arith.mulf %get3A_688, %get3A_693 : vector<16xf32>
      %add3A_695 = arith.addf %add3A_683, %mul3A_694 : vector<16xf32>
      %add3A_696 = arith.constant 6 : i32
      %add3A_697 = arith.addi %add3A_44, %add3A_696 : i32
      %get3A_698 = arith.index_cast %add3A_697 : i32 to index
      %get3A_699 = arith.constant 80 : index
      %get3A_700 = tpu.vector_load %arg8[%get3A_698, %get3A_699] {strides = array<i32>} : memref<80x128xf32, #tpu.memory_space<vmem>>, vector<16xf32>,
      %add3A_701 = arith.constant 6 : i32
      %add3A_702 = arith.addi %add3A_44, %add3A_701 : i32
      %get3A_703 = arith.index_cast %add3A_702 : i32 to index
      %get3A_704 = arith.constant 80 : index
      %get3A_705 = tpu.vector_load %arg9[%get3A_703, %get3A_704] {strides = array<i32>} : memref<80x128xf32, #tpu.memory_space<vmem>>, vector<16xf32>,
      %mul3A_706 = arith.mulf %get3A_700, %get3A_705 : vector<16xf32>
      %add3A_707 = arith.addf %add3A_695, %mul3A_706 : vector<16xf32>
      %add3A_708 = arith.constant 6 : i32
      %add3A_709 = arith.addi %add3A_44, %add3A_708 : i32
      %get3A_710 = arith.index_cast %add3A_709 : i32 to index
      %get3A_711 = arith.constant 96 : index
      %get3A_712 = tpu.vector_load %arg8[%get3A_710, %get3A_711] {strides = array<i32>} : memref<80x128xf32, #tpu.memory_space<vmem>>, vector<16xf32>,
      %add3A_713 = arith.constant 6 : i32
      %add3A_714 = arith.addi %add3A_44, %add3A_713 : i32
      %get3A_715 = arith.index_cast %add3A_714 : i32 to index
      %get3A_716 = arith.constant 96 : index
      %get3A_717 = tpu.vector_load %arg9[%get3A_715, %get3A_716] {strides = array<i32>} : memref<80x128xf32, #tpu.memory_space<vmem>>, vector<16xf32>,
      %mul3A_718 = arith.mulf %get3A_712, %get3A_717 : vector<16xf32>
      %add3A_719 = arith.addf %add3A_707, %mul3A_718 : vector<16xf32>
      %add3A_720 = arith.constant 6 : i32
      %add3A_721 = arith.addi %add3A_44, %add3A_720 : i32
      %get3A_722 = arith.index_cast %add3A_721 : i32 to index
      %get3A_723 = arith.constant 112 : index
      %get3A_724 = tpu.vector_load %arg8[%get3A_722, %get3A_723] {strides = array<i32>} : memref<80x128xf32, #tpu.memory_space<vmem>>, vector<16xf32>,
      %add3A_725 = arith.constant 6 : i32
      %add3A_726 = arith.addi %add3A_44, %add3A_725 : i32
      %get3A_727 = arith.index_cast %add3A_726 : i32 to index
      %get3A_728 = arith.constant 112 : index
      %get3A_729 = tpu.vector_load %arg9[%get3A_727, %get3A_728] {strides = array<i32>} : memref<80x128xf32, #tpu.memory_space<vmem>>, vector<16xf32>,
      %mul3A_730 = arith.mulf %get3A_724, %get3A_729 : vector<16xf32>
      %add3A_731 = arith.addf %add3A_719, %mul3A_730 : vector<16xf32>
      %swap3A_732 = arith.constant 6 : i32
      %swap3A_733 = arith.index_cast %swap3A_732 : i32 to index
      %swap3A_734 = arith.constant 0 : index
      %swap3A_735 = tpu.vector_load %arg13[%swap3A_733, %swap3A_734] {strides = array<i32>} : memref<16x17xf32, #tpu.memory_space<vmem>>, vector<16xf32>,
      tpu.vector_store %arg13[%swap3A_733, %swap3A_734], %add3A_731 {strides = array<i32>} : memref<16x17xf32, #tpu.memory_space<vmem>>, vector<16xf32>,
      %add3A_736 = arith.constant 7 : i32
      %add3A_737 = arith.addi %add3A_44, %add3A_736 : i32
      %get3A_738 = arith.index_cast %add3A_737 : i32 to index
      %get3A_739 = arith.constant 0 : index
      %get3A_740 = tpu.vector_load %arg8[%get3A_738, %get3A_739] {strides = array<i32>} : memref<80x128xf32, #tpu.memory_space<vmem>>, vector<16xf32>,
      %add3A_741 = arith.constant 7 : i32
      %add3A_742 = arith.addi %add3A_44, %add3A_741 : i32
      %get3A_743 = arith.index_cast %add3A_742 : i32 to index
      %get3A_744 = arith.constant 0 : index
      %get3A_745 = tpu.vector_load %arg9[%get3A_743, %get3A_744] {strides = array<i32>} : memref<80x128xf32, #tpu.memory_space<vmem>>, vector<16xf32>,
      %mul3A_746 = arith.mulf %get3A_740, %get3A_745 : vector<16xf32>
      %add3A_747 = arith.constant 7 : i32
      %add3A_748 = arith.addi %add3A_44, %add3A_747 : i32
      %get3A_749 = arith.index_cast %add3A_748 : i32 to index
      %get3A_750 = arith.constant 16 : index
      %get3A_751 = tpu.vector_load %arg8[%get3A_749, %get3A_750] {strides = array<i32>} : memref<80x128xf32, #tpu.memory_space<vmem>>, vector<16xf32>,
      %add3A_752 = arith.constant 7 : i32
      %add3A_753 = arith.addi %add3A_44, %add3A_752 : i32
      %get3A_754 = arith.index_cast %add3A_753 : i32 to index
      %get3A_755 = arith.constant 16 : index
      %get3A_756 = tpu.vector_load %arg9[%get3A_754, %get3A_755] {strides = array<i32>} : memref<80x128xf32, #tpu.memory_space<vmem>>, vector<16xf32>,
      %mul3A_757 = arith.mulf %get3A_751, %get3A_756 : vector<16xf32>
      %add3A_758 = arith.addf %mul3A_746, %mul3A_757 : vector<16xf32>
      %add3A_759 = arith.constant 7 : i32
      %add3A_760 = arith.addi %add3A_44, %add3A_759 : i32
      %get3A_761 = arith.index_cast %add3A_760 : i32 to index
      %get3A_762 = arith.constant 32 : index
      %get3A_763 = tpu.vector_load %arg8[%get3A_761, %get3A_762] {strides = array<i32>} : memref<80x128xf32, #tpu.memory_space<vmem>>, vector<16xf32>,
      %add3A_764 = arith.constant 7 : i32
      %add3A_765 = arith.addi %add3A_44, %add3A_764 : i32
      %get3A_766 = arith.index_cast %add3A_765 : i32 to index
      %get3A_767 = arith.constant 32 : index
      %get3A_768 = tpu.vector_load %arg9[%get3A_766, %get3A_767] {strides = array<i32>} : memref<80x128xf32, #tpu.memory_space<vmem>>, vector<16xf32>,
      %mul3A_769 = arith.mulf %get3A_763, %get3A_768 : vector<16xf32>
      %add3A_770 = arith.addf %add3A_758, %mul3A_769 : vector<16xf32>
      %add3A_771 = arith.constant 7 : i32
      %add3A_772 = arith.addi %add3A_44, %add3A_771 : i32
      %get3A_773 = arith.index_cast %add3A_772 : i32 to index
      %get3A_774 = arith.constant 48 : index
      %get3A_775 = tpu.vector_load %arg8[%get3A_773, %get3A_774] {strides = array<i32>} : memref<80x128xf32, #tpu.memory_space<vmem>>, vector<16xf32>,
      %add3A_776 = arith.constant 7 : i32
      %add3A_777 = arith.addi %add3A_44, %add3A_776 : i32
      %get3A_778 = arith.index_cast %add3A_777 : i32 to index
      %get3A_779 = arith.constant 48 : index
      %get3A_780 = tpu.vector_load %arg9[%get3A_778, %get3A_779] {strides = array<i32>} : memref<80x128xf32, #tpu.memory_space<vmem>>, vector<16xf32>,
      %mul3A_781 = arith.mulf %get3A_775, %get3A_780 : vector<16xf32>
      %add3A_782 = arith.addf %add3A_770, %mul3A_781 : vector<16xf32>
      %add3A_783 = arith.constant 7 : i32
      %add3A_784 = arith.addi %add3A_44, %add3A_783 : i32
      %get3A_785 = arith.index_cast %add3A_784 : i32 to index
      %get3A_786 = arith.constant 64 : index
      %get3A_787 = tpu.vector_load %arg8[%get3A_785, %get3A_786] {strides = array<i32>} : memref<80x128xf32, #tpu.memory_space<vmem>>, vector<16xf32>,
      %add3A_788 = arith.constant 7 : i32
      %add3A_789 = arith.addi %add3A_44, %add3A_788 : i32
      %get3A_790 = arith.index_cast %add3A_789 : i32 to index
      %get3A_791 = arith.constant 64 : index
      %get3A_792 = tpu.vector_load %arg9[%get3A_790, %get3A_791] {strides = array<i32>} : memref<80x128xf32, #tpu.memory_space<vmem>>, vector<16xf32>,
      %mul3A_793 = arith.mulf %get3A_787, %get3A_792 : vector<16xf32>
      %add3A_794 = arith.addf %add3A_782, %mul3A_793 : vector<16xf32>
      %add3A_795 = arith.constant 7 : i32
      %add3A_796 = arith.addi %add3A_44, %add3A_795 : i32
      %get3A_797 = arith.index_cast %add3A_796 : i32 to index
      %get3A_798 = arith.constant 80 : index
      %get3A_799 = tpu.vector_load %arg8[%get3A_797, %get3A_798] {strides = array<i32>} : memref<80x128xf32, #tpu.memory_space<vmem>>, vector<16xf32>,
      %add3A_800 = arith.constant 7 : i32
      %add3A_801 = arith.addi %add3A_44, %add3A_800 : i32
      %get3A_802 = arith.index_cast %add3A_801 : i32 to index
      %get3A_803 = arith.constant 80 : index
      %get3A_804 = tpu.vector_load %arg9[%get3A_802, %get3A_803] {strides = array<i32>} : memref<80x128xf32, #tpu.memory_space<vmem>>, vector<16xf32>,
      %mul3A_805 = arith.mulf %get3A_799, %get3A_804 : vector<16xf32>
      %add3A_806 = arith.addf %add3A_794, %mul3A_805 : vector<16xf32>
      %add3A_807 = arith.constant 7 : i32
      %add3A_808 = arith.addi %add3A_44, %add3A_807 : i32
      %get3A_809 = arith.index_cast %add3A_808 : i32 to index
      %get3A_810 = arith.constant 96 : index
      %get3A_811 = tpu.vector_load %arg8[%get3A_809, %get3A_810] {strides = array<i32>} : memref<80x128xf32, #tpu.memory_space<vmem>>, vector<16xf32>,
      %add3A_812 = arith.constant 7 : i32
      %add3A_813 = arith.addi %add3A_44, %add3A_812 : i32
      %get3A_814 = arith.index_cast %add3A_813 : i32 to index
      %get3A_815 = arith.constant 96 : index
      %get3A_816 = tpu.vector_load %arg9[%get3A_814, %get3A_815] {strides = array<i32>} : memref<80x128xf32, #tpu.memory_space<vmem>>, vector<16xf32>,
      %mul3A_817 = arith.mulf %get3A_811, %get3A_816 : vector<16xf32>
      %add3A_818 = arith.addf %add3A_806, %mul3A_817 : vector<16xf32>
      %add3A_819 = arith.constant 7 : i32
      %add3A_820 = arith.addi %add3A_44, %add3A_819 : i32
      %get3A_821 = arith.index_cast %add3A_820 : i32 to index
      %get3A_822 = arith.constant 112 : index
      %get3A_823 = tpu.vector_load %arg8[%get3A_821, %get3A_822] {strides = array<i32>} : memref<80x128xf32, #tpu.memory_space<vmem>>, vector<16xf32>,
      %add3A_824 = arith.constant 7 : i32
      %add3A_825 = arith.addi %add3A_44, %add3A_824 : i32
      %get3A_826 = arith.index_cast %add3A_825 : i32 to index
      %get3A_827 = arith.constant 112 : index
      %get3A_828 = tpu.vector_load %arg9[%get3A_826, %get3A_827] {strides = array<i32>} : memref<80x128xf32, #tpu.memory_space<vmem>>, vector<16xf32>,
      %mul3A_829 = arith.mulf %get3A_823, %get3A_828 : vector<16xf32>
      %add3A_830 = arith.addf %add3A_818, %mul3A_829 : vector<16xf32>
      %swap3A_831 = arith.constant 7 : i32
      %swap3A_832 = arith.index_cast %swap3A_831 : i32 to index
      %swap3A_833 = arith.constant 0 : index
      %swap3A_834 = tpu.vector_load %arg13[%swap3A_832, %swap3A_833] {strides = array<i32>} : memref<16x17xf32, #tpu.memory_space<vmem>>, vector<16xf32>,
      tpu.vector_store %arg13[%swap3A_832, %swap3A_833], %add3A_830 {strides = array<i32>} : memref<16x17xf32, #tpu.memory_space<vmem>>, vector<16xf32>,
      %add3A_835 = arith.constant 8 : i32
      %add3A_836 = arith.addi %add3A_44, %add3A_835 : i32
      %get3A_837 = arith.index_cast %add3A_836 : i32 to index
      %get3A_838 = arith.constant 0 : index
      %get3A_839 = tpu.vector_load %arg8[%get3A_837, %get3A_838] {strides = array<i32>} : memref<80x128xf32, #tpu.memory_space<vmem>>, vector<16xf32>,
      %add3A_840 = arith.constant 8 : i32
      %add3A_841 = arith.addi %add3A_44, %add3A_840 : i32
      %get3A_842 = arith.index_cast %add3A_841 : i32 to index
      %get3A_843 = arith.constant 0 : index
      %get3A_844 = tpu.vector_load %arg9[%get3A_842, %get3A_843] {strides = array<i32>} : memref<80x128xf32, #tpu.memory_space<vmem>>, vector<16xf32>,
      %mul3A_845 = arith.mulf %get3A_839, %get3A_844 : vector<16xf32>
      %add3A_846 = arith.constant 8 : i32
      %add3A_847 = arith.addi %add3A_44, %add3A_846 : i32
      %get3A_848 = arith.index_cast %add3A_847 : i32 to index
      %get3A_849 = arith.constant 16 : index
      %get3A_850 = tpu.vector_load %arg8[%get3A_848, %get3A_849] {strides = array<i32>} : memref<80x128xf32, #tpu.memory_space<vmem>>, vector<16xf32>,
      %add3A_851 = arith.constant 8 : i32
      %add3A_852 = arith.addi %add3A_44, %add3A_851 : i32
      %get3A_853 = arith.index_cast %add3A_852 : i32 to index
      %get3A_854 = arith.constant 16 : index
      %get3A_855 = tpu.vector_load %arg9[%get3A_853, %get3A_854] {strides = array<i32>} : memref<80x128xf32, #tpu.memory_space<vmem>>, vector<16xf32>,
      %mul3A_856 = arith.mulf %get3A_850, %get3A_855 : vector<16xf32>
      %add3A_857 = arith.addf %mul3A_845, %mul3A_856 : vector<16xf32>
      %add3A_858 = arith.constant 8 : i32
      %add3A_859 = arith.addi %add3A_44, %add3A_858 : i32
      %get3A_860 = arith.index_cast %add3A_859 : i32 to index
      %get3A_861 = arith.constant 32 : index
      %get3A_862 = tpu.vector_load %arg8[%get3A_860, %get3A_861] {strides = array<i32>} : memref<80x128xf32, #tpu.memory_space<vmem>>, vector<16xf32>,
      %add3A_863 = arith.constant 8 : i32
      %add3A_864 = arith.addi %add3A_44, %add3A_863 : i32
      %get3A_865 = arith.index_cast %add3A_864 : i32 to index
      %get3A_866 = arith.constant 32 : index
      %get3A_867 = tpu.vector_load %arg9[%get3A_865, %get3A_866] {strides = array<i32>} : memref<80x128xf32, #tpu.memory_space<vmem>>, vector<16xf32>,
      %mul3A_868 = arith.mulf %get3A_862, %get3A_867 : vector<16xf32>
      %add3A_869 = arith.addf %add3A_857, %mul3A_868 : vector<16xf32>
      %add3A_870 = arith.constant 8 : i32
      %add3A_871 = arith.addi %add3A_44, %add3A_870 : i32
      %get3A_872 = arith.index_cast %add3A_871 : i32 to index
      %get3A_873 = arith.constant 48 : index
      %get3A_874 = tpu.vector_load %arg8[%get3A_872, %get3A_873] {strides = array<i32>} : memref<80x128xf32, #tpu.memory_space<vmem>>, vector<16xf32>,
      %add3A_875 = arith.constant 8 : i32
      %add3A_876 = arith.addi %add3A_44, %add3A_875 : i32
      %get3A_877 = arith.index_cast %add3A_876 : i32 to index
      %get3A_878 = arith.constant 48 : index
      %get3A_879 = tpu.vector_load %arg9[%get3A_877, %get3A_878] {strides = array<i32>} : memref<80x128xf32, #tpu.memory_space<vmem>>, vector<16xf32>,
      %mul3A_880 = arith.mulf %get3A_874, %get3A_879 : vector<16xf32>
      %add3A_881 = arith.addf %add3A_869, %mul3A_880 : vector<16xf32>
      %add3A_882 = arith.constant 8 : i32
      %add3A_883 = arith.addi %add3A_44, %add3A_882 : i32
      %get3A_884 = arith.index_cast %add3A_883 : i32 to index
      %get3A_885 = arith.constant 64 : index
      %get3A_886 = tpu.vector_load %arg8[%get3A_884, %get3A_885] {strides = array<i32>} : memref<80x128xf32, #tpu.memory_space<vmem>>, vector<16xf32>,
      %add3A_887 = arith.constant 8 : i32
      %add3A_888 = arith.addi %add3A_44, %add3A_887 : i32
      %get3A_889 = arith.index_cast %add3A_888 : i32 to index
      %get3A_890 = arith.constant 64 : index
      %get3A_891 = tpu.vector_load %arg9[%get3A_889, %get3A_890] {strides = array<i32>} : memref<80x128xf32, #tpu.memory_space<vmem>>, vector<16xf32>,
      %mul3A_892 = arith.mulf %get3A_886, %get3A_891 : vector<16xf32>
      %add3A_893 = arith.addf %add3A_881, %mul3A_892 : vector<16xf32>
      %add3A_894 = arith.constant 8 : i32
      %add3A_895 = arith.addi %add3A_44, %add3A_894 : i32
      %get3A_896 = arith.index_cast %add3A_895 : i32 to index
      %get3A_897 = arith.constant 80 : index
      %get3A_898 = tpu.vector_load %arg8[%get3A_896, %get3A_897] {strides = array<i32>} : memref<80x128xf32, #tpu.memory_space<vmem>>, vector<16xf32>,
      %add3A_899 = arith.constant 8 : i32
      %add3A_900 = arith.addi %add3A_44, %add3A_899 : i32
      %get3A_901 = arith.index_cast %add3A_900 : i32 to index
      %get3A_902 = arith.constant 80 : index
      %get3A_903 = tpu.vector_load %arg9[%get3A_901, %get3A_902] {strides = array<i32>} : memref<80x128xf32, #tpu.memory_space<vmem>>, vector<16xf32>,
      %mul3A_904 = arith.mulf %get3A_898, %get3A_903 : vector<16xf32>
      %add3A_905 = arith.addf %add3A_893, %mul3A_904 : vector<16xf32>
      %add3A_906 = arith.constant 8 : i32
      %add3A_907 = arith.addi %add3A_44, %add3A_906 : i32
      %get3A_908 = arith.index_cast %add3A_907 : i32 to index
      %get3A_909 = arith.constant 96 : index
      %get3A_910 = tpu.vector_load %arg8[%get3A_908, %get3A_909] {strides = array<i32>} : memref<80x128xf32, #tpu.memory_space<vmem>>, vector<16xf32>,
      %add3A_911 = arith.constant 8 : i32
      %add3A_912 = arith.addi %add3A_44, %add3A_911 : i32
      %get3A_913 = arith.index_cast %add3A_912 : i32 to index
      %get3A_914 = arith.constant 96 : index
      %get3A_915 = tpu.vector_load %arg9[%get3A_913, %get3A_914] {strides = array<i32>} : memref<80x128xf32, #tpu.memory_space<vmem>>, vector<16xf32>,
      %mul3A_916 = arith.mulf %get3A_910, %get3A_915 : vector<16xf32>
      %add3A_917 = arith.addf %add3A_905, %mul3A_916 : vector<16xf32>
      %add3A_918 = arith.constant 8 : i32
      %add3A_919 = arith.addi %add3A_44, %add3A_918 : i32
      %get3A_920 = arith.index_cast %add3A_919 : i32 to index
      %get3A_921 = arith.constant 112 : index
      %get3A_922 = tpu.vector_load %arg8[%get3A_920, %get3A_921] {strides = array<i32>} : memref<80x128xf32, #tpu.memory_space<vmem>>, vector<16xf32>,
      %add3A_923 = arith.constant 8 : i32
      %add3A_924 = arith.addi %add3A_44, %add3A_923 : i32
      %get3A_925 = arith.index_cast %add3A_924 : i32 to index
      %get3A_926 = arith.constant 112 : index
      %get3A_927 = tpu.vector_load %arg9[%get3A_925, %get3A_926] {strides = array<i32>} : memref<80x128xf32, #tpu.memory_space<vmem>>, vector<16xf32>,
      %mul3A_928 = arith.mulf %get3A_922, %get3A_927 : vector<16xf32>
      %add3A_929 = arith.addf %add3A_917, %mul3A_928 : vector<16xf32>
      %swap3A_930 = arith.constant 8 : i32
      %swap3A_931 = arith.index_cast %swap3A_930 : i32 to index
      %swap3A_932 = arith.constant 0 : index
      %swap3A_933 = tpu.vector_load %arg13[%swap3A_931, %swap3A_932] {strides = array<i32>} : memref<16x17xf32, #tpu.memory_space<vmem>>, vector<16xf32>,
      tpu.vector_store %arg13[%swap3A_931, %swap3A_932], %add3A_929 {strides = array<i32>} : memref<16x17xf32, #tpu.memory_space<vmem>>, vector<16xf32>,
      %add3A_934 = arith.constant 9 : i32
      %add3A_935 = arith.addi %add3A_44, %add3A_934 : i32
      %get3A_936 = arith.index_cast %add3A_935 : i32 to index
      %get3A_937 = arith.constant 0 : index
      %get3A_938 = tpu.vector_load %arg8[%get3A_936, %get3A_937] {strides = array<i32>} : memref<80x128xf32, #tpu.memory_space<vmem>>, vector<16xf32>,
      %add3A_939 = arith.constant 9 : i32
      %add3A_940 = arith.addi %add3A_44, %add3A_939 : i32
      %get3A_941 = arith.index_cast %add3A_940 : i32 to index
      %get3A_942 = arith.constant 0 : index
      %get3A_943 = tpu.vector_load %arg9[%get3A_941, %get3A_942] {strides = array<i32>} : memref<80x128xf32, #tpu.memory_space<vmem>>, vector<16xf32>,
      %mul3A_944 = arith.mulf %get3A_938, %get3A_943 : vector<16xf32>
      %add3A_945 = arith.constant 9 : i32
      %add3A_946 = arith.addi %add3A_44, %add3A_945 : i32
      %get3A_947 = arith.index_cast %add3A_946 : i32 to index
      %get3A_948 = arith.constant 16 : index
      %get3A_949 = tpu.vector_load %arg8[%get3A_947, %get3A_948] {strides = array<i32>} : memref<80x128xf32, #tpu.memory_space<vmem>>, vector<16xf32>,
      %add3A_950 = arith.constant 9 : i32
      %add3A_951 = arith.addi %add3A_44, %add3A_950 : i32
      %get3A_952 = arith.index_cast %add3A_951 : i32 to index
      %get3A_953 = arith.constant 16 : index
      %get3A_954 = tpu.vector_load %arg9[%get3A_952, %get3A_953] {strides = array<i32>} : memref<80x128xf32, #tpu.memory_space<vmem>>, vector<16xf32>,
      %mul3A_955 = arith.mulf %get3A_949, %get3A_954 : vector<16xf32>
      %add3A_956 = arith.addf %mul3A_944, %mul3A_955 : vector<16xf32>
      %add3A_957 = arith.constant 9 : i32
      %add3A_958 = arith.addi %add3A_44, %add3A_957 : i32
      %get3A_959 = arith.index_cast %add3A_958 : i32 to index
      %get3A_960 = arith.constant 32 : index
      %get3A_961 = tpu.vector_load %arg8[%get3A_959, %get3A_960] {strides = array<i32>} : memref<80x128xf32, #tpu.memory_space<vmem>>, vector<16xf32>,
      %add3A_962 = arith.constant 9 : i32
      %add3A_963 = arith.addi %add3A_44, %add3A_962 : i32
      %get3A_964 = arith.index_cast %add3A_963 : i32 to index
      %get3A_965 = arith.constant 32 : index
      %get3A_966 = tpu.vector_load %arg9[%get3A_964, %get3A_965] {strides = array<i32>} : memref<80x128xf32, #tpu.memory_space<vmem>>, vector<16xf32>,
      %mul3A_967 = arith.mulf %get3A_961, %get3A_966 : vector<16xf32>
      %add3A_968 = arith.addf %add3A_956, %mul3A_967 : vector<16xf32>
      %add3A_969 = arith.constant 9 : i32
      %add3A_970 = arith.addi %add3A_44, %add3A_969 : i32
      %get3A_971 = arith.index_cast %add3A_970 : i32 to index
      %get3A_972 = arith.constant 48 : index
      %get3A_973 = tpu.vector_load %arg8[%get3A_971, %get3A_972] {strides = array<i32>} : memref<80x128xf32, #tpu.memory_space<vmem>>, vector<16xf32>,
      %add3A_974 = arith.constant 9 : i32
      %add3A_975 = arith.addi %add3A_44, %add3A_974 : i32
      %get3A_976 = arith.index_cast %add3A_975 : i32 to index
      %get3A_977 = arith.constant 48 : index
      %get3A_978 = tpu.vector_load %arg9[%get3A_976, %get3A_977] {strides = array<i32>} : memref<80x128xf32, #tpu.memory_space<vmem>>, vector<16xf32>,
      %mul3A_979 = arith.mulf %get3A_973, %get3A_978 : vector<16xf32>
      %add3A_980 = arith.addf %add3A_968, %mul3A_979 : vector<16xf32>
      %add3A_981 = arith.constant 9 : i32
      %add3A_982 = arith.addi %add3A_44, %add3A_981 : i32
      %get3A_983 = arith.index_cast %add3A_982 : i32 to index
      %get3A_984 = arith.constant 64 : index
      %get3A_985 = tpu.vector_load %arg8[%get3A_983, %get3A_984] {strides = array<i32>} : memref<80x128xf32, #tpu.memory_space<vmem>>, vector<16xf32>,
      %add3A_986 = arith.constant 9 : i32
      %add3A_987 = arith.addi %add3A_44, %add3A_986 : i32
      %get3A_988 = arith.index_cast %add3A_987 : i32 to index
      %get3A_989 = arith.constant 64 : index
      %get3A_990 = tpu.vector_load %arg9[%get3A_988, %get3A_989] {strides = array<i32>} : memref<80x128xf32, #tpu.memory_space<vmem>>, vector<16xf32>,
      %mul3A_991 = arith.mulf %get3A_985, %get3A_990 : vector<16xf32>
      %add3A_992 = arith.addf %add3A_980, %mul3A_991 : vector<16xf32>
      %add3A_993 = arith.constant 9 : i32
      %add3A_994 = arith.addi %add3A_44, %add3A_993 : i32
      %get3A_995 = arith.index_cast %add3A_994 : i32 to index
      %get3A_996 = arith.constant 80 : index
      %get3A_997 = tpu.vector_load %arg8[%get3A_995, %get3A_996] {strides = array<i32>} : memref<80x128xf32, #tpu.memory_space<vmem>>, vector<16xf32>,
      %add3A_998 = arith.constant 9 : i32
      %add3A_999 = arith.addi %add3A_44, %add3A_998 : i32
      %get3A_1000 = arith.index_cast %add3A_999 : i32 to index
      %get3A_1001 = arith.constant 80 : index
      %get3A_1002 = tpu.vector_load %arg9[%get3A_1000, %get3A_1001] {strides = array<i32>} : memref<80x128xf32, #tpu.memory_space<vmem>>, vector<16xf32>,
      %mul3A_1003 = arith.mulf %get3A_997, %get3A_1002 : vector<16xf32>
      %add3A_1004 = arith.addf %add3A_992, %mul3A_1003 : vector<16xf32>
      %add3A_1005 = arith.constant 9 : i32
      %add3A_1006 = arith.addi %add3A_44, %add3A_1005 : i32
      %get3A_1007 = arith.index_cast %add3A_1006 : i32 to index
      %get3A_1008 = arith.constant 96 : index
      %get3A_1009 = tpu.vector_load %arg8[%get3A_1007, %get3A_1008] {strides = array<i32>} : memref<80x128xf32, #tpu.memory_space<vmem>>, vector<16xf32>,
      %add3A_1010 = arith.constant 9 : i32
      %add3A_1011 = arith.addi %add3A_44, %add3A_1010 : i32
      %get3A_1012 = arith.index_cast %add3A_1011 : i32 to index
      %get3A_1013 = arith.constant 96 : index
      %get3A_1014 = tpu.vector_load %arg9[%get3A_1012, %get3A_1013] {strides = array<i32>} : memref<80x128xf32, #tpu.memory_space<vmem>>, vector<16xf32>,
      %mul3A_1015 = arith.mulf %get3A_1009, %get3A_1014 : vector<16xf32>
      %add3A_1016 = arith.addf %add3A_1004, %mul3A_1015 : vector<16xf32>
      %add3A_1017 = arith.constant 9 : i32
      %add3A_1018 = arith.addi %add3A_44, %add3A_1017 : i32
      %get3A_1019 = arith.index_cast %add3A_1018 : i32 to index
      %get3A_1020 = arith.constant 112 : index
      %get3A_1021 = tpu.vector_load %arg8[%get3A_1019, %get3A_1020] {strides = array<i32>} : memref<80x128xf32, #tpu.memory_space<vmem>>, vector<16xf32>,
      %add3A_1022 = arith.constant 9 : i32
      %add3A_1023 = arith.addi %add3A_44, %add3A_1022 : i32
      %get3A_1024 = arith.index_cast %add3A_1023 : i32 to index
      %get3A_1025 = arith.constant 112 : index
      %get3A_1026 = tpu.vector_load %arg9[%get3A_1024, %get3A_1025] {strides = array<i32>} : memref<80x128xf32, #tpu.memory_space<vmem>>, vector<16xf32>,
      %mul3A_1027 = arith.mulf %get3A_1021, %get3A_1026 : vector<16xf32>
      %add3A_1028 = arith.addf %add3A_1016, %mul3A_1027 : vector<16xf32>
      %swap3A_1029 = arith.constant 9 : i32
      %swap3A_1030 = arith.index_cast %swap3A_1029 : i32 to index
      %swap3A_1031 = arith.constant 0 : index
      %swap3A_1032 = tpu.vector_load %arg13[%swap3A_1030, %swap3A_1031] {strides = array<i32>} : memref<16x17xf32, #tpu.memory_space<vmem>>, vector<16xf32>,
      tpu.vector_store %arg13[%swap3A_1030, %swap3A_1031], %add3A_1028 {strides = array<i32>} : memref<16x17xf32, #tpu.memory_space<vmem>>, vector<16xf32>,
      %add3A_1033 = arith.constant 10 : i32
      %add3A_1034 = arith.addi %add3A_44, %add3A_1033 : i32
      %get3A_1035 = arith.index_cast %add3A_1034 : i32 to index
      %get3A_1036 = arith.constant 0 : index
      %get3A_1037 = tpu.vector_load %arg8[%get3A_1035, %get3A_1036] {strides = array<i32>} : memref<80x128xf32, #tpu.memory_space<vmem>>, vector<16xf32>,
      %add3A_1038 = arith.constant 10 : i32
      %add3A_1039 = arith.addi %add3A_44, %add3A_1038 : i32
      %get3A_1040 = arith.index_cast %add3A_1039 : i32 to index
      %get3A_1041 = arith.constant 0 : index
      %get3A_1042 = tpu.vector_load %arg9[%get3A_1040, %get3A_1041] {strides = array<i32>} : memref<80x128xf32, #tpu.memory_space<vmem>>, vector<16xf32>,
      %mul3A_1043 = arith.mulf %get3A_1037, %get3A_1042 : vector<16xf32>
      %add3A_1044 = arith.constant 10 : i32
      %add3A_1045 = arith.addi %add3A_44, %add3A_1044 : i32
      %get3A_1046 = arith.index_cast %add3A_1045 : i32 to index
      %get3A_1047 = arith.constant 16 : index
      %get3A_1048 = tpu.vector_load %arg8[%get3A_1046, %get3A_1047] {strides = array<i32>} : memref<80x128xf32, #tpu.memory_space<vmem>>, vector<16xf32>,
      %add3A_1049 = arith.constant 10 : i32
      %add3A_1050 = arith.addi %add3A_44, %add3A_1049 : i32
      %get3A_1051 = arith.index_cast %add3A_1050 : i32 to index
      %get3A_1052 = arith.constant 16 : index
      %get3A_1053 = tpu.vector_load %arg9[%get3A_1051, %get3A_1052] {strides = array<i32>} : memref<80x128xf32, #tpu.memory_space<vmem>>, vector<16xf32>,
      %mul3A_1054 = arith.mulf %get3A_1048, %get3A_1053 : vector<16xf32>
      %add3A_1055 = arith.addf %mul3A_1043, %mul3A_1054 : vector<16xf32>
      %add3A_1056 = arith.constant 10 : i32
      %add3A_1057 = arith.addi %add3A_44, %add3A_1056 : i32
      %get3A_1058 = arith.index_cast %add3A_1057 : i32 to index
      %get3A_1059 = arith.constant 32 : index
      %get3A_1060 = tpu.vector_load %arg8[%get3A_1058, %get3A_1059] {strides = array<i32>} : memref<80x128xf32, #tpu.memory_space<vmem>>, vector<16xf32>,
      %add3A_1061 = arith.constant 10 : i32
      %add3A_1062 = arith.addi %add3A_44, %add3A_1061 : i32
      %get3A_1063 = arith.index_cast %add3A_1062 : i32 to index
      %get3A_1064 = arith.constant 32 : index
      %get3A_1065 = tpu.vector_load %arg9[%get3A_1063, %get3A_1064] {strides = array<i32>} : memref<80x128xf32, #tpu.memory_space<vmem>>, vector<16xf32>,
      %mul3A_1066 = arith.mulf %get3A_1060, %get3A_1065 : vector<16xf32>
      %add3A_1067 = arith.addf %add3A_1055, %mul3A_1066 : vector<16xf32>
      %add3A_1068 = arith.constant 10 : i32
      %add3A_1069 = arith.addi %add3A_44, %add3A_1068 : i32
      %get3A_1070 = arith.index_cast %add3A_1069 : i32 to index
      %get3A_1071 = arith.constant 48 : index
      %get3A_1072 = tpu.vector_load %arg8[%get3A_1070, %get3A_1071] {strides = array<i32>} : memref<80x128xf32, #tpu.memory_space<vmem>>, vector<16xf32>,
      %add3A_1073 = arith.constant 10 : i32
      %add3A_1074 = arith.addi %add3A_44, %add3A_1073 : i32
      %get3A_1075 = arith.index_cast %add3A_1074 : i32 to index
      %get3A_1076 = arith.constant 48 : index
      %get3A_1077 = tpu.vector_load %arg9[%get3A_1075, %get3A_1076] {strides = array<i32>} : memref<80x128xf32, #tpu.memory_space<vmem>>, vector<16xf32>,
      %mul3A_1078 = arith.mulf %get3A_1072, %get3A_1077 : vector<16xf32>
      %add3A_1079 = arith.addf %add3A_1067, %mul3A_1078 : vector<16xf32>
      %add3A_1080 = arith.constant 10 : i32
      %add3A_1081 = arith.addi %add3A_44, %add3A_1080 : i32
      %get3A_1082 = arith.index_cast %add3A_1081 : i32 to index
      %get3A_1083 = arith.constant 64 : index
      %get3A_1084 = tpu.vector_load %arg8[%get3A_1082, %get3A_1083] {strides = array<i32>} : memref<80x128xf32, #tpu.memory_space<vmem>>, vector<16xf32>,
      %add3A_1085 = arith.constant 10 : i32
      %add3A_1086 = arith.addi %add3A_44, %add3A_1085 : i32
      %get3A_1087 = arith.index_cast %add3A_1086 : i32 to index
      %get3A_1088 = arith.constant 64 : index
      %get3A_1089 = tpu.vector_load %arg9[%get3A_1087, %get3A_1088] {strides = array<i32>} : memref<80x128xf32, #tpu.memory_space<vmem>>, vector<16xf32>,
      %mul3A_1090 = arith.mulf %get3A_1084, %get3A_1089 : vector<16xf32>
      %add3A_1091 = arith.addf %add3A_1079, %mul3A_1090 : vector<16xf32>
      %add3A_1092 = arith.constant 10 : i32
      %add3A_1093 = arith.addi %add3A_44, %add3A_1092 : i32
      %get3A_1094 = arith.index_cast %add3A_1093 : i32 to index
      %get3A_1095 = arith.constant 80 : index
      %get3A_1096 = tpu.vector_load %arg8[%get3A_1094, %get3A_1095] {strides = array<i32>} : memref<80x128xf32, #tpu.memory_space<vmem>>, vector<16xf32>,
      %add3A_1097 = arith.constant 10 : i32
      %add3A_1098 = arith.addi %add3A_44, %add3A_1097 : i32
      %get3A_1099 = arith.index_cast %add3A_1098 : i32 to index
      %get3A_1100 = arith.constant 80 : index
      %get3A_1101 = tpu.vector_load %arg9[%get3A_1099, %get3A_1100] {strides = array<i32>} : memref<80x128xf32, #tpu.memory_space<vmem>>, vector<16xf32>,
      %mul3A_1102 = arith.mulf %get3A_1096, %get3A_1101 : vector<16xf32>
      %add3A_1103 = arith.addf %add3A_1091, %mul3A_1102 : vector<16xf32>
      %add3A_1104 = arith.constant 10 : i32
      %add3A_1105 = arith.addi %add3A_44, %add3A_1104 : i32
      %get3A_1106 = arith.index_cast %add3A_1105 : i32 to index
      %get3A_1107 = arith.constant 96 : index
      %get3A_1108 = tpu.vector_load %arg8[%get3A_1106, %get3A_1107] {strides = array<i32>} : memref<80x128xf32, #tpu.memory_space<vmem>>, vector<16xf32>,
      %add3A_1109 = arith.constant 10 : i32
      %add3A_1110 = arith.addi %add3A_44, %add3A_1109 : i32
      %get3A_1111 = arith.index_cast %add3A_1110 : i32 to index
      %get3A_1112 = arith.constant 96 : index
      %get3A_1113 = tpu.vector_load %arg9[%get3A_1111, %get3A_1112] {strides = array<i32>} : memref<80x128xf32, #tpu.memory_space<vmem>>, vector<16xf32>,
      %mul3A_1114 = arith.mulf %get3A_1108, %get3A_1113 : vector<16xf32>
      %add3A_1115 = arith.addf %add3A_1103, %mul3A_1114 : vector<16xf32>
      %add3A_1116 = arith.constant 10 : i32
      %add3A_1117 = arith.addi %add3A_44, %add3A_1116 : i32
      %get3A_1118 = arith.index_cast %add3A_1117 : i32 to index
      %get3A_1119 = arith.constant 112 : index
      %get3A_1120 = tpu.vector_load %arg8[%get3A_1118, %get3A_1119] {strides = array<i32>} : memref<80x128xf32, #tpu.memory_space<vmem>>, vector<16xf32>,
      %add3A_1121 = arith.constant 10 : i32
      %add3A_1122 = arith.addi %add3A_44, %add3A_1121 : i32
      %get3A_1123 = arith.index_cast %add3A_1122 : i32 to index
      %get3A_1124 = arith.constant 112 : index
      %get3A_1125 = tpu.vector_load %arg9[%get3A_1123, %get3A_1124] {strides = array<i32>} : memref<80x128xf32, #tpu.memory_space<vmem>>, vector<16xf32>,
      %mul3A_1126 = arith.mulf %get3A_1120, %get3A_1125 : vector<16xf32>
      %add3A_1127 = arith.addf %add3A_1115, %mul3A_1126 : vector<16xf32>
      %swap3A_1128 = arith.constant 10 : i32
      %swap3A_1129 = arith.index_cast %swap3A_1128 : i32 to index
      %swap3A_1130 = arith.constant 0 : index
      %swap3A_1131 = tpu.vector_load %arg13[%swap3A_1129, %swap3A_1130] {strides = array<i32>} : memref<16x17xf32, #tpu.memory_space<vmem>>, vector<16xf32>,
      tpu.vector_store %arg13[%swap3A_1129, %swap3A_1130], %add3A_1127 {strides = array<i32>} : memref<16x17xf32, #tpu.memory_space<vmem>>, vector<16xf32>,
      %add3A_1132 = arith.constant 11 : i32
      %add3A_1133 = arith.addi %add3A_44, %add3A_1132 : i32
      %get3A_1134 = arith.index_cast %add3A_1133 : i32 to index
      %get3A_1135 = arith.constant 0 : index
      %get3A_1136 = tpu.vector_load %arg8[%get3A_1134, %get3A_1135] {strides = array<i32>} : memref<80x128xf32, #tpu.memory_space<vmem>>, vector<16xf32>,
      %add3A_1137 = arith.constant 11 : i32
      %add3A_1138 = arith.addi %add3A_44, %add3A_1137 : i32
      %get3A_1139 = arith.index_cast %add3A_1138 : i32 to index
      %get3A_1140 = arith.constant 0 : index
      %get3A_1141 = tpu.vector_load %arg9[%get3A_1139, %get3A_1140] {strides = array<i32>} : memref<80x128xf32, #tpu.memory_space<vmem>>, vector<16xf32>,
      %mul3A_1142 = arith.mulf %get3A_1136, %get3A_1141 : vector<16xf32>
      %add3A_1143 = arith.constant 11 : i32
      %add3A_1144 = arith.addi %add3A_44, %add3A_1143 : i32
      %get3A_1145 = arith.index_cast %add3A_1144 : i32 to index
      %get3A_1146 = arith.constant 16 : index
      %get3A_1147 = tpu.vector_load %arg8[%get3A_1145, %get3A_1146] {strides = array<i32>} : memref<80x128xf32, #tpu.memory_space<vmem>>, vector<16xf32>,
      %add3A_1148 = arith.constant 11 : i32
      %add3A_1149 = arith.addi %add3A_44, %add3A_1148 : i32
      %get3A_1150 = arith.index_cast %add3A_1149 : i32 to index
      %get3A_1151 = arith.constant 16 : index
      %get3A_1152 = tpu.vector_load %arg9[%get3A_1150, %get3A_1151] {strides = array<i32>} : memref<80x128xf32, #tpu.memory_space<vmem>>, vector<16xf32>,
      %mul3A_1153 = arith.mulf %get3A_1147, %get3A_1152 : vector<16xf32>
      %add3A_1154 = arith.addf %mul3A_1142, %mul3A_1153 : vector<16xf32>
      %add3A_1155 = arith.constant 11 : i32
      %add3A_1156 = arith.addi %add3A_44, %add3A_1155 : i32
      %get3A_1157 = arith.index_cast %add3A_1156 : i32 to index
      %get3A_1158 = arith.constant 32 : index
      %get3A_1159 = tpu.vector_load %arg8[%get3A_1157, %get3A_1158] {strides = array<i32>} : memref<80x128xf32, #tpu.memory_space<vmem>>, vector<16xf32>,
      %add3A_1160 = arith.constant 11 : i32
      %add3A_1161 = arith.addi %add3A_44, %add3A_1160 : i32
      %get3A_1162 = arith.index_cast %add3A_1161 : i32 to index
      %get3A_1163 = arith.constant 32 : index
      %get3A_1164 = tpu.vector_load %arg9[%get3A_1162, %get3A_1163] {strides = array<i32>} : memref<80x128xf32, #tpu.memory_space<vmem>>, vector<16xf32>,
      %mul3A_1165 = arith.mulf %get3A_1159, %get3A_1164 : vector<16xf32>
      %add3A_1166 = arith.addf %add3A_1154, %mul3A_1165 : vector<16xf32>
      %add3A_1167 = arith.constant 11 : i32
      %add3A_1168 = arith.addi %add3A_44, %add3A_1167 : i32
      %get3A_1169 = arith.index_cast %add3A_1168 : i32 to index
      %get3A_1170 = arith.constant 48 : index
      %get3A_1171 = tpu.vector_load %arg8[%get3A_1169, %get3A_1170] {strides = array<i32>} : memref<80x128xf32, #tpu.memory_space<vmem>>, vector<16xf32>,
      %add3A_1172 = arith.constant 11 : i32
      %add3A_1173 = arith.addi %add3A_44, %add3A_1172 : i32
      %get3A_1174 = arith.index_cast %add3A_1173 : i32 to index
      %get3A_1175 = arith.constant 48 : index
      %get3A_1176 = tpu.vector_load %arg9[%get3A_1174, %get3A_1175] {strides = array<i32>} : memref<80x128xf32, #tpu.memory_space<vmem>>, vector<16xf32>,
      %mul3A_1177 = arith.mulf %get3A_1171, %get3A_1176 : vector<16xf32>
      %add3A_1178 = arith.addf %add3A_1166, %mul3A_1177 : vector<16xf32>
      %add3A_1179 = arith.constant 11 : i32
      %add3A_1180 = arith.addi %add3A_44, %add3A_1179 : i32
      %get3A_1181 = arith.index_cast %add3A_1180 : i32 to index
      %get3A_1182 = arith.constant 64 : index
      %get3A_1183 = tpu.vector_load %arg8[%get3A_1181, %get3A_1182] {strides = array<i32>} : memref<80x128xf32, #tpu.memory_space<vmem>>, vector<16xf32>,
      %add3A_1184 = arith.constant 11 : i32
      %add3A_1185 = arith.addi %add3A_44, %add3A_1184 : i32
      %get3A_1186 = arith.index_cast %add3A_1185 : i32 to index
      %get3A_1187 = arith.constant 64 : index
      %get3A_1188 = tpu.vector_load %arg9[%get3A_1186, %get3A_1187] {strides = array<i32>} : memref<80x128xf32, #tpu.memory_space<vmem>>, vector<16xf32>,
      %mul3A_1189 = arith.mulf %get3A_1183, %get3A_1188 : vector<16xf32>
      %add3A_1190 = arith.addf %add3A_1178, %mul3A_1189 : vector<16xf32>
      %add3A_1191 = arith.constant 11 : i32
      %add3A_1192 = arith.addi %add3A_44, %add3A_1191 : i32
      %get3A_1193 = arith.index_cast %add3A_1192 : i32 to index
      %get3A_1194 = arith.constant 80 : index
      %get3A_1195 = tpu.vector_load %arg8[%get3A_1193, %get3A_1194] {strides = array<i32>} : memref<80x128xf32, #tpu.memory_space<vmem>>, vector<16xf32>,
      %add3A_1196 = arith.constant 11 : i32
      %add3A_1197 = arith.addi %add3A_44, %add3A_1196 : i32
      %get3A_1198 = arith.index_cast %add3A_1197 : i32 to index
      %get3A_1199 = arith.constant 80 : index
      %get3A_1200 = tpu.vector_load %arg9[%get3A_1198, %get3A_1199] {strides = array<i32>} : memref<80x128xf32, #tpu.memory_space<vmem>>, vector<16xf32>,
      %mul3A_1201 = arith.mulf %get3A_1195, %get3A_1200 : vector<16xf32>
      %add3A_1202 = arith.addf %add3A_1190, %mul3A_1201 : vector<16xf32>
      %add3A_1203 = arith.constant 11 : i32
      %add3A_1204 = arith.addi %add3A_44, %add3A_1203 : i32
      %get3A_1205 = arith.index_cast %add3A_1204 : i32 to index
      %get3A_1206 = arith.constant 96 : index
      %get3A_1207 = tpu.vector_load %arg8[%get3A_1205, %get3A_1206] {strides = array<i32>} : memref<80x128xf32, #tpu.memory_space<vmem>>, vector<16xf32>,
      %add3A_1208 = arith.constant 11 : i32
      %add3A_1209 = arith.addi %add3A_44, %add3A_1208 : i32
      %get3A_1210 = arith.index_cast %add3A_1209 : i32 to index
      %get3A_1211 = arith.constant 96 : index
      %get3A_1212 = tpu.vector_load %arg9[%get3A_1210, %get3A_1211] {strides = array<i32>} : memref<80x128xf32, #tpu.memory_space<vmem>>, vector<16xf32>,
      %mul3A_1213 = arith.mulf %get3A_1207, %get3A_1212 : vector<16xf32>
      %add3A_1214 = arith.addf %add3A_1202, %mul3A_1213 : vector<16xf32>
      %add3A_1215 = arith.constant 11 : i32
      %add3A_1216 = arith.addi %add3A_44, %add3A_1215 : i32
      %get3A_1217 = arith.index_cast %add3A_1216 : i32 to index
      %get3A_1218 = arith.constant 112 : index
      %get3A_1219 = tpu.vector_load %arg8[%get3A_1217, %get3A_1218] {strides = array<i32>} : memref<80x128xf32, #tpu.memory_space<vmem>>, vector<16xf32>,
      %add3A_1220 = arith.constant 11 : i32
      %add3A_1221 = arith.addi %add3A_44, %add3A_1220 : i32
      %get3A_1222 = arith.index_cast %add3A_1221 : i32 to index
      %get3A_1223 = arith.constant 112 : index
      %get3A_1224 = tpu.vector_load %arg9[%get3A_1222, %get3A_1223] {strides = array<i32>} : memref<80x128xf32, #tpu.memory_space<vmem>>, vector<16xf32>,
      %mul3A_1225 = arith.mulf %get3A_1219, %get3A_1224 : vector<16xf32>
      %add3A_1226 = arith.addf %add3A_1214, %mul3A_1225 : vector<16xf32>
      %swap3A_1227 = arith.constant 11 : i32
      %swap3A_1228 = arith.index_cast %swap3A_1227 : i32 to index
      %swap3A_1229 = arith.constant 0 : index
      %swap3A_1230 = tpu.vector_load %arg13[%swap3A_1228, %swap3A_1229] {strides = array<i32>} : memref<16x17xf32, #tpu.memory_space<vmem>>, vector<16xf32>,
      tpu.vector_store %arg13[%swap3A_1228, %swap3A_1229], %add3A_1226 {strides = array<i32>} : memref<16x17xf32, #tpu.memory_space<vmem>>, vector<16xf32>,
      %add3A_1231 = arith.constant 12 : i32
      %add3A_1232 = arith.addi %add3A_44, %add3A_1231 : i32
      %get3A_1233 = arith.index_cast %add3A_1232 : i32 to index
      %get3A_1234 = arith.constant 0 : index
      %get3A_1235 = tpu.vector_load %arg8[%get3A_1233, %get3A_1234] {strides = array<i32>} : memref<80x128xf32, #tpu.memory_space<vmem>>, vector<16xf32>,
      %add3A_1236 = arith.constant 12 : i32
      %add3A_1237 = arith.addi %add3A_44, %add3A_1236 : i32
      %get3A_1238 = arith.index_cast %add3A_1237 : i32 to index
      %get3A_1239 = arith.constant 0 : index
      %get3A_1240 = tpu.vector_load %arg9[%get3A_1238, %get3A_1239] {strides = array<i32>} : memref<80x128xf32, #tpu.memory_space<vmem>>, vector<16xf32>,
      %mul3A_1241 = arith.mulf %get3A_1235, %get3A_1240 : vector<16xf32>
      %add3A_1242 = arith.constant 12 : i32
      %add3A_1243 = arith.addi %add3A_44, %add3A_1242 : i32
      %get3A_1244 = arith.index_cast %add3A_1243 : i32 to index
      %get3A_1245 = arith.constant 16 : index
      %get3A_1246 = tpu.vector_load %arg8[%get3A_1244, %get3A_1245] {strides = array<i32>} : memref<80x128xf32, #tpu.memory_space<vmem>>, vector<16xf32>,
      %add3A_1247 = arith.constant 12 : i32
      %add3A_1248 = arith.addi %add3A_44, %add3A_1247 : i32
      %get3A_1249 = arith.index_cast %add3A_1248 : i32 to index
      %get3A_1250 = arith.constant 16 : index
      %get3A_1251 = tpu.vector_load %arg9[%get3A_1249, %get3A_1250] {strides = array<i32>} : memref<80x128xf32, #tpu.memory_space<vmem>>, vector<16xf32>,
      %mul3A_1252 = arith.mulf %get3A_1246, %get3A_1251 : vector<16xf32>
      %add3A_1253 = arith.addf %mul3A_1241, %mul3A_1252 : vector<16xf32>
      %add3A_1254 = arith.constant 12 : i32
      %add3A_1255 = arith.addi %add3A_44, %add3A_1254 : i32
      %get3A_1256 = arith.index_cast %add3A_1255 : i32 to index
      %get3A_1257 = arith.constant 32 : index
      %get3A_1258 = tpu.vector_load %arg8[%get3A_1256, %get3A_1257] {strides = array<i32>} : memref<80x128xf32, #tpu.memory_space<vmem>>, vector<16xf32>,
      %add3A_1259 = arith.constant 12 : i32
      %add3A_1260 = arith.addi %add3A_44, %add3A_1259 : i32
      %get3A_1261 = arith.index_cast %add3A_1260 : i32 to index
      %get3A_1262 = arith.constant 32 : index
      %get3A_1263 = tpu.vector_load %arg9[%get3A_1261, %get3A_1262] {strides = array<i32>} : memref<80x128xf32, #tpu.memory_space<vmem>>, vector<16xf32>,
      %mul3A_1264 = arith.mulf %get3A_1258, %get3A_1263 : vector<16xf32>
      %add3A_1265 = arith.addf %add3A_1253, %mul3A_1264 : vector<16xf32>
      %add3A_1266 = arith.constant 12 : i32
      %add3A_1267 = arith.addi %add3A_44, %add3A_1266 : i32
      %get3A_1268 = arith.index_cast %add3A_1267 : i32 to index
      %get3A_1269 = arith.constant 48 : index
      %get3A_1270 = tpu.vector_load %arg8[%get3A_1268, %get3A_1269] {strides = array<i32>} : memref<80x128xf32, #tpu.memory_space<vmem>>, vector<16xf32>,
      %add3A_1271 = arith.constant 12 : i32
      %add3A_1272 = arith.addi %add3A_44, %add3A_1271 : i32
      %get3A_1273 = arith.index_cast %add3A_1272 : i32 to index
      %get3A_1274 = arith.constant 48 : index
      %get3A_1275 = tpu.vector_load %arg9[%get3A_1273, %get3A_1274] {strides = array<i32>} : memref<80x128xf32, #tpu.memory_space<vmem>>, vector<16xf32>,
      %mul3A_1276 = arith.mulf %get3A_1270, %get3A_1275 : vector<16xf32>
      %add3A_1277 = arith.addf %add3A_1265, %mul3A_1276 : vector<16xf32>
      %add3A_1278 = arith.constant 12 : i32
      %add3A_1279 = arith.addi %add3A_44, %add3A_1278 : i32
      %get3A_1280 = arith.index_cast %add3A_1279 : i32 to index
      %get3A_1281 = arith.constant 64 : index
      %get3A_1282 = tpu.vector_load %arg8[%get3A_1280, %get3A_1281] {strides = array<i32>} : memref<80x128xf32, #tpu.memory_space<vmem>>, vector<16xf32>,
      %add3A_1283 = arith.constant 12 : i32
      %add3A_1284 = arith.addi %add3A_44, %add3A_1283 : i32
      %get3A_1285 = arith.index_cast %add3A_1284 : i32 to index
      %get3A_1286 = arith.constant 64 : index
      %get3A_1287 = tpu.vector_load %arg9[%get3A_1285, %get3A_1286] {strides = array<i32>} : memref<80x128xf32, #tpu.memory_space<vmem>>, vector<16xf32>,
      %mul3A_1288 = arith.mulf %get3A_1282, %get3A_1287 : vector<16xf32>
      %add3A_1289 = arith.addf %add3A_1277, %mul3A_1288 : vector<16xf32>
      %add3A_1290 = arith.constant 12 : i32
      %add3A_1291 = arith.addi %add3A_44, %add3A_1290 : i32
      %get3A_1292 = arith.index_cast %add3A_1291 : i32 to index
      %get3A_1293 = arith.constant 80 : index
      %get3A_1294 = tpu.vector_load %arg8[%get3A_1292, %get3A_1293] {strides = array<i32>} : memref<80x128xf32, #tpu.memory_space<vmem>>, vector<16xf32>,
      %add3A_1295 = arith.constant 12 : i32
      %add3A_1296 = arith.addi %add3A_44, %add3A_1295 : i32
      %get3A_1297 = arith.index_cast %add3A_1296 : i32 to index
      %get3A_1298 = arith.constant 80 : index
      %get3A_1299 = tpu.vector_load %arg9[%get3A_1297, %get3A_1298] {strides = array<i32>} : memref<80x128xf32, #tpu.memory_space<vmem>>, vector<16xf32>,
      %mul3A_1300 = arith.mulf %get3A_1294, %get3A_1299 : vector<16xf32>
      %add3A_1301 = arith.addf %add3A_1289, %mul3A_1300 : vector<16xf32>
      %add3A_1302 = arith.constant 12 : i32
      %add3A_1303 = arith.addi %add3A_44, %add3A_1302 : i32
      %get3A_1304 = arith.index_cast %add3A_1303 : i32 to index
      %get3A_1305 = arith.constant 96 : index
      %get3A_1306 = tpu.vector_load %arg8[%get3A_1304, %get3A_1305] {strides = array<i32>} : memref<80x128xf32, #tpu.memory_space<vmem>>, vector<16xf32>,
      %add3A_1307 = arith.constant 12 : i32
      %add3A_1308 = arith.addi %add3A_44, %add3A_1307 : i32
      %get3A_1309 = arith.index_cast %add3A_1308 : i32 to index
      %get3A_1310 = arith.constant 96 : index
      %get3A_1311 = tpu.vector_load %arg9[%get3A_1309, %get3A_1310] {strides = array<i32>} : memref<80x128xf32, #tpu.memory_space<vmem>>, vector<16xf32>,
      %mul3A_1312 = arith.mulf %get3A_1306, %get3A_1311 : vector<16xf32>
      %add3A_1313 = arith.addf %add3A_1301, %mul3A_1312 : vector<16xf32>
      %add3A_1314 = arith.constant 12 : i32
      %add3A_1315 = arith.addi %add3A_44, %add3A_1314 : i32
      %get3A_1316 = arith.index_cast %add3A_1315 : i32 to index
      %get3A_1317 = arith.constant 112 : index
      %get3A_1318 = tpu.vector_load %arg8[%get3A_1316, %get3A_1317] {strides = array<i32>} : memref<80x128xf32, #tpu.memory_space<vmem>>, vector<16xf32>,
      %add3A_1319 = arith.constant 12 : i32
      %add3A_1320 = arith.addi %add3A_44, %add3A_1319 : i32
      %get3A_1321 = arith.index_cast %add3A_1320 : i32 to index
      %get3A_1322 = arith.constant 112 : index
      %get3A_1323 = tpu.vector_load %arg9[%get3A_1321, %get3A_1322] {strides = array<i32>} : memref<80x128xf32, #tpu.memory_space<vmem>>, vector<16xf32>,
      %mul3A_1324 = arith.mulf %get3A_1318, %get3A_1323 : vector<16xf32>
      %add3A_1325 = arith.addf %add3A_1313, %mul3A_1324 : vector<16xf32>
      %swap3A_1326 = arith.constant 12 : i32
      %swap3A_1327 = arith.index_cast %swap3A_1326 : i32 to index
      %swap3A_1328 = arith.constant 0 : index
      %swap3A_1329 = tpu.vector_load %arg13[%swap3A_1327, %swap3A_1328] {strides = array<i32>} : memref<16x17xf32, #tpu.memory_space<vmem>>, vector<16xf32>,
      tpu.vector_store %arg13[%swap3A_1327, %swap3A_1328], %add3A_1325 {strides = array<i32>} : memref<16x17xf32, #tpu.memory_space<vmem>>, vector<16xf32>,
      %add3A_1330 = arith.constant 13 : i32
      %add3A_1331 = arith.addi %add3A_44, %add3A_1330 : i32
      %get3A_1332 = arith.index_cast %add3A_1331 : i32 to index
      %get3A_1333 = arith.constant 0 : index
      %get3A_1334 = tpu.vector_load %arg8[%get3A_1332, %get3A_1333] {strides = array<i32>} : memref<80x128xf32, #tpu.memory_space<vmem>>, vector<16xf32>,
      %add3A_1335 = arith.constant 13 : i32
      %add3A_1336 = arith.addi %add3A_44, %add3A_1335 : i32
      %get3A_1337 = arith.index_cast %add3A_1336 : i32 to index
      %get3A_1338 = arith.constant 0 : index
      %get3A_1339 = tpu.vector_load %arg9[%get3A_1337, %get3A_1338] {strides = array<i32>} : memref<80x128xf32, #tpu.memory_space<vmem>>, vector<16xf32>,
      %mul3A_1340 = arith.mulf %get3A_1334, %get3A_1339 : vector<16xf32>
      %add3A_1341 = arith.constant 13 : i32
      %add3A_1342 = arith.addi %add3A_44, %add3A_1341 : i32
      %get3A_1343 = arith.index_cast %add3A_1342 : i32 to index
      %get3A_1344 = arith.constant 16 : index
      %get3A_1345 = tpu.vector_load %arg8[%get3A_1343, %get3A_1344] {strides = array<i32>} : memref<80x128xf32, #tpu.memory_space<vmem>>, vector<16xf32>,
      %add3A_1346 = arith.constant 13 : i32
      %add3A_1347 = arith.addi %add3A_44, %add3A_1346 : i32
      %get3A_1348 = arith.index_cast %add3A_1347 : i32 to index
      %get3A_1349 = arith.constant 16 : index
      %get3A_1350 = tpu.vector_load %arg9[%get3A_1348, %get3A_1349] {strides = array<i32>} : memref<80x128xf32, #tpu.memory_space<vmem>>, vector<16xf32>,
      %mul3A_1351 = arith.mulf %get3A_1345, %get3A_1350 : vector<16xf32>
      %add3A_1352 = arith.addf %mul3A_1340, %mul3A_1351 : vector<16xf32>
      %add3A_1353 = arith.constant 13 : i32
      %add3A_1354 = arith.addi %add3A_44, %add3A_1353 : i32
      %get3A_1355 = arith.index_cast %add3A_1354 : i32 to index
      %get3A_1356 = arith.constant 32 : index
      %get3A_1357 = tpu.vector_load %arg8[%get3A_1355, %get3A_1356] {strides = array<i32>} : memref<80x128xf32, #tpu.memory_space<vmem>>, vector<16xf32>,
      %add3A_1358 = arith.constant 13 : i32
      %add3A_1359 = arith.addi %add3A_44, %add3A_1358 : i32
      %get3A_1360 = arith.index_cast %add3A_1359 : i32 to index
      %get3A_1361 = arith.constant 32 : index
      %get3A_1362 = tpu.vector_load %arg9[%get3A_1360, %get3A_1361] {strides = array<i32>} : memref<80x128xf32, #tpu.memory_space<vmem>>, vector<16xf32>,
      %mul3A_1363 = arith.mulf %get3A_1357, %get3A_1362 : vector<16xf32>
      %add3A_1364 = arith.addf %add3A_1352, %mul3A_1363 : vector<16xf32>
      %add3A_1365 = arith.constant 13 : i32
      %add3A_1366 = arith.addi %add3A_44, %add3A_1365 : i32
      %get3A_1367 = arith.index_cast %add3A_1366 : i32 to index
      %get3A_1368 = arith.constant 48 : index
      %get3A_1369 = tpu.vector_load %arg8[%get3A_1367, %get3A_1368] {strides = array<i32>} : memref<80x128xf32, #tpu.memory_space<vmem>>, vector<16xf32>,
      %add3A_1370 = arith.constant 13 : i32
      %add3A_1371 = arith.addi %add3A_44, %add3A_1370 : i32
      %get3A_1372 = arith.index_cast %add3A_1371 : i32 to index
      %get3A_1373 = arith.constant 48 : index
      %get3A_1374 = tpu.vector_load %arg9[%get3A_1372, %get3A_1373] {strides = array<i32>} : memref<80x128xf32, #tpu.memory_space<vmem>>, vector<16xf32>,
      %mul3A_1375 = arith.mulf %get3A_1369, %get3A_1374 : vector<16xf32>
      %add3A_1376 = arith.addf %add3A_1364, %mul3A_1375 : vector<16xf32>
      %add3A_1377 = arith.constant 13 : i32
      %add3A_1378 = arith.addi %add3A_44, %add3A_1377 : i32
      %get3A_1379 = arith.index_cast %add3A_1378 : i32 to index
      %get3A_1380 = arith.constant 64 : index
      %get3A_1381 = tpu.vector_load %arg8[%get3A_1379, %get3A_1380] {strides = array<i32>} : memref<80x128xf32, #tpu.memory_space<vmem>>, vector<16xf32>,
      %add3A_1382 = arith.constant 13 : i32
      %add3A_1383 = arith.addi %add3A_44, %add3A_1382 : i32
      %get3A_1384 = arith.index_cast %add3A_1383 : i32 to index
      %get3A_1385 = arith.constant 64 : index
      %get3A_1386 = tpu.vector_load %arg9[%get3A_1384, %get3A_1385] {strides = array<i32>} : memref<80x128xf32, #tpu.memory_space<vmem>>, vector<16xf32>,
      %mul3A_1387 = arith.mulf %get3A_1381, %get3A_1386 : vector<16xf32>
      %add3A_1388 = arith.addf %add3A_1376, %mul3A_1387 : vector<16xf32>
      %add3A_1389 = arith.constant 13 : i32
      %add3A_1390 = arith.addi %add3A_44, %add3A_1389 : i32
      %get3A_1391 = arith.index_cast %add3A_1390 : i32 to index
      %get3A_1392 = arith.constant 80 : index
      %get3A_1393 = tpu.vector_load %arg8[%get3A_1391, %get3A_1392] {strides = array<i32>} : memref<80x128xf32, #tpu.memory_space<vmem>>, vector<16xf32>,
      %add3A_1394 = arith.constant 13 : i32
      %add3A_1395 = arith.addi %add3A_44, %add3A_1394 : i32
      %get3A_1396 = arith.index_cast %add3A_1395 : i32 to index
      %get3A_1397 = arith.constant 80 : index
      %get3A_1398 = tpu.vector_load %arg9[%get3A_1396, %get3A_1397] {strides = array<i32>} : memref<80x128xf32, #tpu.memory_space<vmem>>, vector<16xf32>,
      %mul3A_1399 = arith.mulf %get3A_1393, %get3A_1398 : vector<16xf32>
      %add3A_1400 = arith.addf %add3A_1388, %mul3A_1399 : vector<16xf32>
      %add3A_1401 = arith.constant 13 : i32
      %add3A_1402 = arith.addi %add3A_44, %add3A_1401 : i32
      %get3A_1403 = arith.index_cast %add3A_1402 : i32 to index
      %get3A_1404 = arith.constant 96 : index
      %get3A_1405 = tpu.vector_load %arg8[%get3A_1403, %get3A_1404] {strides = array<i32>} : memref<80x128xf32, #tpu.memory_space<vmem>>, vector<16xf32>,
      %add3A_1406 = arith.constant 13 : i32
      %add3A_1407 = arith.addi %add3A_44, %add3A_1406 : i32
      %get3A_1408 = arith.index_cast %add3A_1407 : i32 to index
      %get3A_1409 = arith.constant 96 : index
      %get3A_1410 = tpu.vector_load %arg9[%get3A_1408, %get3A_1409] {strides = array<i32>} : memref<80x128xf32, #tpu.memory_space<vmem>>, vector<16xf32>,
      %mul3A_1411 = arith.mulf %get3A_1405, %get3A_1410 : vector<16xf32>
      %add3A_1412 = arith.addf %add3A_1400, %mul3A_1411 : vector<16xf32>
      %add3A_1413 = arith.constant 13 : i32
      %add3A_1414 = arith.addi %add3A_44, %add3A_1413 : i32
      %get3A_1415 = arith.index_cast %add3A_1414 : i32 to index
      %get3A_1416 = arith.constant 112 : index
      %get3A_1417 = tpu.vector_load %arg8[%get3A_1415, %get3A_1416] {strides = array<i32>} : memref<80x128xf32, #tpu.memory_space<vmem>>, vector<16xf32>,
      %add3A_1418 = arith.constant 13 : i32
      %add3A_1419 = arith.addi %add3A_44, %add3A_1418 : i32
      %get3A_1420 = arith.index_cast %add3A_1419 : i32 to index
      %get3A_1421 = arith.constant 112 : index
      %get3A_1422 = tpu.vector_load %arg9[%get3A_1420, %get3A_1421] {strides = array<i32>} : memref<80x128xf32, #tpu.memory_space<vmem>>, vector<16xf32>,
      %mul3A_1423 = arith.mulf %get3A_1417, %get3A_1422 : vector<16xf32>
      %add3A_1424 = arith.addf %add3A_1412, %mul3A_1423 : vector<16xf32>
      %swap3A_1425 = arith.constant 13 : i32
      %swap3A_1426 = arith.index_cast %swap3A_1425 : i32 to index
      %swap3A_1427 = arith.constant 0 : index
      %swap3A_1428 = tpu.vector_load %arg13[%swap3A_1426, %swap3A_1427] {strides = array<i32>} : memref<16x17xf32, #tpu.memory_space<vmem>>, vector<16xf32>,
      tpu.vector_store %arg13[%swap3A_1426, %swap3A_1427], %add3A_1424 {strides = array<i32>} : memref<16x17xf32, #tpu.memory_space<vmem>>, vector<16xf32>,
      %add3A_1429 = arith.constant 14 : i32
      %add3A_1430 = arith.addi %add3A_44, %add3A_1429 : i32
      %get3A_1431 = arith.index_cast %add3A_1430 : i32 to index
      %get3A_1432 = arith.constant 0 : index
      %get3A_1433 = tpu.vector_load %arg8[%get3A_1431, %get3A_1432] {strides = array<i32>} : memref<80x128xf32, #tpu.memory_space<vmem>>, vector<16xf32>,
      %add3A_1434 = arith.constant 14 : i32
      %add3A_1435 = arith.addi %add3A_44, %add3A_1434 : i32
      %get3A_1436 = arith.index_cast %add3A_1435 : i32 to index
      %get3A_1437 = arith.constant 0 : index
      %get3A_1438 = tpu.vector_load %arg9[%get3A_1436, %get3A_1437] {strides = array<i32>} : memref<80x128xf32, #tpu.memory_space<vmem>>, vector<16xf32>,
      %mul3A_1439 = arith.mulf %get3A_1433, %get3A_1438 : vector<16xf32>
      %add3A_1440 = arith.constant 14 : i32
      %add3A_1441 = arith.addi %add3A_44, %add3A_1440 : i32
      %get3A_1442 = arith.index_cast %add3A_1441 : i32 to index
      %get3A_1443 = arith.constant 16 : index
      %get3A_1444 = tpu.vector_load %arg8[%get3A_1442, %get3A_1443] {strides = array<i32>} : memref<80x128xf32, #tpu.memory_space<vmem>>, vector<16xf32>,
      %add3A_1445 = arith.constant 14 : i32
      %add3A_1446 = arith.addi %add3A_44, %add3A_1445 : i32
      %get3A_1447 = arith.index_cast %add3A_1446 : i32 to index
      %get3A_1448 = arith.constant 16 : index
      %get3A_1449 = tpu.vector_load %arg9[%get3A_1447, %get3A_1448] {strides = array<i32>} : memref<80x128xf32, #tpu.memory_space<vmem>>, vector<16xf32>,
      %mul3A_1450 = arith.mulf %get3A_1444, %get3A_1449 : vector<16xf32>
      %add3A_1451 = arith.addf %mul3A_1439, %mul3A_1450 : vector<16xf32>
      %add3A_1452 = arith.constant 14 : i32
      %add3A_1453 = arith.addi %add3A_44, %add3A_1452 : i32
      %get3A_1454 = arith.index_cast %add3A_1453 : i32 to index
      %get3A_1455 = arith.constant 32 : index
      %get3A_1456 = tpu.vector_load %arg8[%get3A_1454, %get3A_1455] {strides = array<i32>} : memref<80x128xf32, #tpu.memory_space<vmem>>, vector<16xf32>,
      %add3A_1457 = arith.constant 14 : i32
      %add3A_1458 = arith.addi %add3A_44, %add3A_1457 : i32
      %get3A_1459 = arith.index_cast %add3A_1458 : i32 to index
      %get3A_1460 = arith.constant 32 : index
      %get3A_1461 = tpu.vector_load %arg9[%get3A_1459, %get3A_1460] {strides = array<i32>} : memref<80x128xf32, #tpu.memory_space<vmem>>, vector<16xf32>,
      %mul3A_1462 = arith.mulf %get3A_1456, %get3A_1461 : vector<16xf32>
      %add3A_1463 = arith.addf %add3A_1451, %mul3A_1462 : vector<16xf32>
      %add3A_1464 = arith.constant 14 : i32
      %add3A_1465 = arith.addi %add3A_44, %add3A_1464 : i32
      %get3A_1466 = arith.index_cast %add3A_1465 : i32 to index
      %get3A_1467 = arith.constant 48 : index
      %get3A_1468 = tpu.vector_load %arg8[%get3A_1466, %get3A_1467] {strides = array<i32>} : memref<80x128xf32, #tpu.memory_space<vmem>>, vector<16xf32>,
      %add3A_1469 = arith.constant 14 : i32
      %add3A_1470 = arith.addi %add3A_44, %add3A_1469 : i32
      %get3A_1471 = arith.index_cast %add3A_1470 : i32 to index
      %get3A_1472 = arith.constant 48 : index
      %get3A_1473 = tpu.vector_load %arg9[%get3A_1471, %get3A_1472] {strides = array<i32>} : memref<80x128xf32, #tpu.memory_space<vmem>>, vector<16xf32>,
      %mul3A_1474 = arith.mulf %get3A_1468, %get3A_1473 : vector<16xf32>
      %add3A_1475 = arith.addf %add3A_1463, %mul3A_1474 : vector<16xf32>
      %add3A_1476 = arith.constant 14 : i32
      %add3A_1477 = arith.addi %add3A_44, %add3A_1476 : i32
      %get3A_1478 = arith.index_cast %add3A_1477 : i32 to index
      %get3A_1479 = arith.constant 64 : index
      %get3A_1480 = tpu.vector_load %arg8[%get3A_1478, %get3A_1479] {strides = array<i32>} : memref<80x128xf32, #tpu.memory_space<vmem>>, vector<16xf32>,
      %add3A_1481 = arith.constant 14 : i32
      %add3A_1482 = arith.addi %add3A_44, %add3A_1481 : i32
      %get3A_1483 = arith.index_cast %add3A_1482 : i32 to index
      %get3A_1484 = arith.constant 64 : index
      %get3A_1485 = tpu.vector_load %arg9[%get3A_1483, %get3A_1484] {strides = array<i32>} : memref<80x128xf32, #tpu.memory_space<vmem>>, vector<16xf32>,
      %mul3A_1486 = arith.mulf %get3A_1480, %get3A_1485 : vector<16xf32>
      %add3A_1487 = arith.addf %add3A_1475, %mul3A_1486 : vector<16xf32>
      %add3A_1488 = arith.constant 14 : i32
      %add3A_1489 = arith.addi %add3A_44, %add3A_1488 : i32
      %get3A_1490 = arith.index_cast %add3A_1489 : i32 to index
      %get3A_1491 = arith.constant 80 : index
      %get3A_1492 = tpu.vector_load %arg8[%get3A_1490, %get3A_1491] {strides = array<i32>} : memref<80x128xf32, #tpu.memory_space<vmem>>, vector<16xf32>,
      %add3A_1493 = arith.constant 14 : i32
      %add3A_1494 = arith.addi %add3A_44, %add3A_1493 : i32
      %get3A_1495 = arith.index_cast %add3A_1494 : i32 to index
      %get3A_1496 = arith.constant 80 : index
      %get3A_1497 = tpu.vector_load %arg9[%get3A_1495, %get3A_1496] {strides = array<i32>} : memref<80x128xf32, #tpu.memory_space<vmem>>, vector<16xf32>,
      %mul3A_1498 = arith.mulf %get3A_1492, %get3A_1497 : vector<16xf32>
      %add3A_1499 = arith.addf %add3A_1487, %mul3A_1498 : vector<16xf32>
      %add3A_1500 = arith.constant 14 : i32
      %add3A_1501 = arith.addi %add3A_44, %add3A_1500 : i32
      %get3A_1502 = arith.index_cast %add3A_1501 : i32 to index
      %get3A_1503 = arith.constant 96 : index
      %get3A_1504 = tpu.vector_load %arg8[%get3A_1502, %get3A_1503] {strides = array<i32>} : memref<80x128xf32, #tpu.memory_space<vmem>>, vector<16xf32>,
      %add3A_1505 = arith.constant 14 : i32
      %add3A_1506 = arith.addi %add3A_44, %add3A_1505 : i32
      %get3A_1507 = arith.index_cast %add3A_1506 : i32 to index
      %get3A_1508 = arith.constant 96 : index
      %get3A_1509 = tpu.vector_load %arg9[%get3A_1507, %get3A_1508] {strides = array<i32>} : memref<80x128xf32, #tpu.memory_space<vmem>>, vector<16xf32>,
      %mul3A_1510 = arith.mulf %get3A_1504, %get3A_1509 : vector<16xf32>
      %add3A_1511 = arith.addf %add3A_1499, %mul3A_1510 : vector<16xf32>
      %add3A_1512 = arith.constant 14 : i32
      %add3A_1513 = arith.addi %add3A_44, %add3A_1512 : i32
      %get3A_1514 = arith.index_cast %add3A_1513 : i32 to index
      %get3A_1515 = arith.constant 112 : index
      %get3A_1516 = tpu.vector_load %arg8[%get3A_1514, %get3A_1515] {strides = array<i32>} : memref<80x128xf32, #tpu.memory_space<vmem>>, vector<16xf32>,
      %add3A_1517 = arith.constant 14 : i32
      %add3A_1518 = arith.addi %add3A_44, %add3A_1517 : i32
      %get3A_1519 = arith.index_cast %add3A_1518 : i32 to index
      %get3A_1520 = arith.constant 112 : index
      %get3A_1521 = tpu.vector_load %arg9[%get3A_1519, %get3A_1520] {strides = array<i32>} : memref<80x128xf32, #tpu.memory_space<vmem>>, vector<16xf32>,
      %mul3A_1522 = arith.mulf %get3A_1516, %get3A_1521 : vector<16xf32>
      %add3A_1523 = arith.addf %add3A_1511, %mul3A_1522 : vector<16xf32>
      %swap3A_1524 = arith.constant 14 : i32
      %swap3A_1525 = arith.index_cast %swap3A_1524 : i32 to index
      %swap3A_1526 = arith.constant 0 : index
      %swap3A_1527 = tpu.vector_load %arg13[%swap3A_1525, %swap3A_1526] {strides = array<i32>} : memref<16x17xf32, #tpu.memory_space<vmem>>, vector<16xf32>,
      tpu.vector_store %arg13[%swap3A_1525, %swap3A_1526], %add3A_1523 {strides = array<i32>} : memref<16x17xf32, #tpu.memory_space<vmem>>, vector<16xf32>,
      %add3A_1528 = arith.constant 15 : i32
      %add3A_1529 = arith.addi %add3A_44, %add3A_1528 : i32
      %get3A_1530 = arith.index_cast %add3A_1529 : i32 to index
      %get3A_1531 = arith.constant 0 : index
      %get3A_1532 = tpu.vector_load %arg8[%get3A_1530, %get3A_1531] {strides = array<i32>} : memref<80x128xf32, #tpu.memory_space<vmem>>, vector<16xf32>,
      %add3A_1533 = arith.constant 15 : i32
      %add3A_1534 = arith.addi %add3A_44, %add3A_1533 : i32
      %get3A_1535 = arith.index_cast %add3A_1534 : i32 to index
      %get3A_1536 = arith.constant 0 : index
      %get3A_1537 = tpu.vector_load %arg9[%get3A_1535, %get3A_1536] {strides = array<i32>} : memref<80x128xf32, #tpu.memory_space<vmem>>, vector<16xf32>,
      %mul3A_1538 = arith.mulf %get3A_1532, %get3A_1537 : vector<16xf32>
      %add3A_1539 = arith.constant 15 : i32
      %add3A_1540 = arith.addi %add3A_44, %add3A_1539 : i32
      %get3A_1541 = arith.index_cast %add3A_1540 : i32 to index
      %get3A_1542 = arith.constant 16 : index
      %get3A_1543 = tpu.vector_load %arg8[%get3A_1541, %get3A_1542] {strides = array<i32>} : memref<80x128xf32, #tpu.memory_space<vmem>>, vector<16xf32>,
      %add3A_1544 = arith.constant 15 : i32
      %add3A_1545 = arith.addi %add3A_44, %add3A_1544 : i32
      %get3A_1546 = arith.index_cast %add3A_1545 : i32 to index
      %get3A_1547 = arith.constant 16 : index
      %get3A_1548 = tpu.vector_load %arg9[%get3A_1546, %get3A_1547] {strides = array<i32>} : memref<80x128xf32, #tpu.memory_space<vmem>>, vector<16xf32>,
      %mul3A_1549 = arith.mulf %get3A_1543, %get3A_1548 : vector<16xf32>
      %add3A_1550 = arith.addf %mul3A_1538, %mul3A_1549 : vector<16xf32>
      %add3A_1551 = arith.constant 15 : i32
      %add3A_1552 = arith.addi %add3A_44, %add3A_1551 : i32
      %get3A_1553 = arith.index_cast %add3A_1552 : i32 to index
      %get3A_1554 = arith.constant 32 : index
      %get3A_1555 = tpu.vector_load %arg8[%get3A_1553, %get3A_1554] {strides = array<i32>} : memref<80x128xf32, #tpu.memory_space<vmem>>, vector<16xf32>,
      %add3A_1556 = arith.constant 15 : i32
      %add3A_1557 = arith.addi %add3A_44, %add3A_1556 : i32
      %get3A_1558 = arith.index_cast %add3A_1557 : i32 to index
      %get3A_1559 = arith.constant 32 : index
      %get3A_1560 = tpu.vector_load %arg9[%get3A_1558, %get3A_1559] {strides = array<i32>} : memref<80x128xf32, #tpu.memory_space<vmem>>, vector<16xf32>,
      %mul3A_1561 = arith.mulf %get3A_1555, %get3A_1560 : vector<16xf32>
      %add3A_1562 = arith.addf %add3A_1550, %mul3A_1561 : vector<16xf32>
      %add3A_1563 = arith.constant 15 : i32
      %add3A_1564 = arith.addi %add3A_44, %add3A_1563 : i32
      %get3A_1565 = arith.index_cast %add3A_1564 : i32 to index
      %get3A_1566 = arith.constant 48 : index
      %get3A_1567 = tpu.vector_load %arg8[%get3A_1565, %get3A_1566] {strides = array<i32>} : memref<80x128xf32, #tpu.memory_space<vmem>>, vector<16xf32>,
      %add3A_1568 = arith.constant 15 : i32
      %add3A_1569 = arith.addi %add3A_44, %add3A_1568 : i32
      %get3A_1570 = arith.index_cast %add3A_1569 : i32 to index
      %get3A_1571 = arith.constant 48 : index
      %get3A_1572 = tpu.vector_load %arg9[%get3A_1570, %get3A_1571] {strides = array<i32>} : memref<80x128xf32, #tpu.memory_space<vmem>>, vector<16xf32>,
      %mul3A_1573 = arith.mulf %get3A_1567, %get3A_1572 : vector<16xf32>
      %add3A_1574 = arith.addf %add3A_1562, %mul3A_1573 : vector<16xf32>
      %add3A_1575 = arith.constant 15 : i32
      %add3A_1576 = arith.addi %add3A_44, %add3A_1575 : i32
      %get3A_1577 = arith.index_cast %add3A_1576 : i32 to index
      %get3A_1578 = arith.constant 64 : index
      %get3A_1579 = tpu.vector_load %arg8[%get3A_1577, %get3A_1578] {strides = array<i32>} : memref<80x128xf32, #tpu.memory_space<vmem>>, vector<16xf32>,
      %add3A_1580 = arith.constant 15 : i32
      %add3A_1581 = arith.addi %add3A_44, %add3A_1580 : i32
      %get3A_1582 = arith.index_cast %add3A_1581 : i32 to index
      %get3A_1583 = arith.constant 64 : index
      %get3A_1584 = tpu.vector_load %arg9[%get3A_1582, %get3A_1583] {strides = array<i32>} : memref<80x128xf32, #tpu.memory_space<vmem>>, vector<16xf32>,
      %mul3A_1585 = arith.mulf %get3A_1579, %get3A_1584 : vector<16xf32>
      %add3A_1586 = arith.addf %add3A_1574, %mul3A_1585 : vector<16xf32>
      %add3A_1587 = arith.constant 15 : i32
      %add3A_1588 = arith.addi %add3A_44, %add3A_1587 : i32
      %get3A_1589 = arith.index_cast %add3A_1588 : i32 to index
      %get3A_1590 = arith.constant 80 : index
      %get3A_1591 = tpu.vector_load %arg8[%get3A_1589, %get3A_1590] {strides = array<i32>} : memref<80x128xf32, #tpu.memory_space<vmem>>, vector<16xf32>,
      %add3A_1592 = arith.constant 15 : i32
      %add3A_1593 = arith.addi %add3A_44, %add3A_1592 : i32
      %get3A_1594 = arith.index_cast %add3A_1593 : i32 to index
      %get3A_1595 = arith.constant 80 : index
      %get3A_1596 = tpu.vector_load %arg9[%get3A_1594, %get3A_1595] {strides = array<i32>} : memref<80x128xf32, #tpu.memory_space<vmem>>, vector<16xf32>,
      %mul3A_1597 = arith.mulf %get3A_1591, %get3A_1596 : vector<16xf32>
      %add3A_1598 = arith.addf %add3A_1586, %mul3A_1597 : vector<16xf32>
      %add3A_1599 = arith.constant 15 : i32
      %add3A_1600 = arith.addi %add3A_44, %add3A_1599 : i32
      %get3A_1601 = arith.index_cast %add3A_1600 : i32 to index
      %get3A_1602 = arith.constant 96 : index
      %get3A_1603 = tpu.vector_load %arg8[%get3A_1601, %get3A_1602] {strides = array<i32>} : memref<80x128xf32, #tpu.memory_space<vmem>>, vector<16xf32>,
      %add3A_1604 = arith.constant 15 : i32
      %add3A_1605 = arith.addi %add3A_44, %add3A_1604 : i32
      %get3A_1606 = arith.index_cast %add3A_1605 : i32 to index
      %get3A_1607 = arith.constant 96 : index
      %get3A_1608 = tpu.vector_load %arg9[%get3A_1606, %get3A_1607] {strides = array<i32>} : memref<80x128xf32, #tpu.memory_space<vmem>>, vector<16xf32>,
      %mul3A_1609 = arith.mulf %get3A_1603, %get3A_1608 : vector<16xf32>
      %add3A_1610 = arith.addf %add3A_1598, %mul3A_1609 : vector<16xf32>
      %add3A_1611 = arith.constant 15 : i32
      %add3A_1612 = arith.addi %add3A_44, %add3A_1611 : i32
      %get3A_1613 = arith.index_cast %add3A_1612 : i32 to index
      %get3A_1614 = arith.constant 112 : index
      %get3A_1615 = tpu.vector_load %arg8[%get3A_1613, %get3A_1614] {strides = array<i32>} : memref<80x128xf32, #tpu.memory_space<vmem>>, vector<16xf32>,
      %add3A_1616 = arith.constant 15 : i32
      %add3A_1617 = arith.addi %add3A_44, %add3A_1616 : i32
      %get3A_1618 = arith.index_cast %add3A_1617 : i32 to index
      %get3A_1619 = arith.constant 112 : index
      %get3A_1620 = tpu.vector_load %arg9[%get3A_1618, %get3A_1619] {strides = array<i32>} : memref<80x128xf32, #tpu.memory_space<vmem>>, vector<16xf32>,
      %mul3A_1621 = arith.mulf %get3A_1615, %get3A_1620 : vector<16xf32>
      %add3A_1622 = arith.addf %add3A_1610, %mul3A_1621 : vector<16xf32>
      %swap3A_1623 = arith.constant 15 : i32
      %swap3A_1624 = arith.index_cast %swap3A_1623 : i32 to index
      %swap3A_1625 = arith.constant 0 : index
      %swap3A_1626 = tpu.vector_load %arg13[%swap3A_1624, %swap3A_1625] {strides = array<i32>} : memref<16x17xf32, #tpu.memory_space<vmem>>, vector<16xf32>,
      tpu.vector_store %arg13[%swap3A_1624, %swap3A_1625], %add3A_1622 {strides = array<i32>} : memref<16x17xf32, #tpu.memory_space<vmem>>, vector<16xf32>,
      %iota3A = tpu.iota {dimensions = array<i32: 0>} : vector<16xi32>
      %broadcast_in_dim3A = arith.constant 0 : i32
      %broadcast_in_dim3A_1627 = vector.broadcast %broadcast_in_dim3A : i32 to vector<16xi32>
      %gather3A = tpu.vector_load_idx %arg13[%iota3A, %broadcast_in_dim3A_1627] : memref<16x17xf32, #tpu.memory_space<vmem>>[vector<16xi32>, vector<16xi32>], vector<16xf32>,
      %broadcast_in_dim3A_1628 = arith.constant 1 : i32
      %broadcast_in_dim3A_1629 = vector.broadcast %broadcast_in_dim3A_1628 : i32 to vector<16xi32>
      %gather3A_1630 = tpu.vector_load_idx %arg13[%iota3A, %broadcast_in_dim3A_1629] : memref<16x17xf32, #tpu.memory_space<vmem>>[vector<16xi32>, vector<16xi32>], vector<16xf32>,
      %add3A_1631 = arith.addf %gather3A, %gather3A_1630 : vector<16xf32>
      %broadcast_in_dim3A_1632 = arith.constant 2 : i32
      %broadcast_in_dim3A_1633 = vector.broadcast %broadcast_in_dim3A_1632 : i32 to vector<16xi32>
      %gather3A_1634 = tpu.vector_load_idx %arg13[%iota3A, %broadcast_in_dim3A_1633] : memref<16x17xf32, #tpu.memory_space<vmem>>[vector<16xi32>, vector<16xi32>], vector<16xf32>,
      %add3A_1635 = arith.addf %add3A_1631, %gather3A_1634 : vector<16xf32>
      %broadcast_in_dim3A_1636 = arith.constant 3 : i32
      %broadcast_in_dim3A_1637 = vector.broadcast %broadcast_in_dim3A_1636 : i32 to vector<16xi32>
      %gather3A_1638 = tpu.vector_load_idx %arg13[%iota3A, %broadcast_in_dim3A_1637] : memref<16x17xf32, #tpu.memory_space<vmem>>[vector<16xi32>, vector<16xi32>], vector<16xf32>,
      %add3A_1639 = arith.addf %add3A_1635, %gather3A_1638 : vector<16xf32>
      %broadcast_in_dim3A_1640 = arith.constant 4 : i32
      %broadcast_in_dim3A_1641 = vector.broadcast %broadcast_in_dim3A_1640 : i32 to vector<16xi32>
      %gather3A_1642 = tpu.vector_load_idx %arg13[%iota3A, %broadcast_in_dim3A_1641] : memref<16x17xf32, #tpu.memory_space<vmem>>[vector<16xi32>, vector<16xi32>], vector<16xf32>,
      %add3A_1643 = arith.addf %add3A_1639, %gather3A_1642 : vector<16xf32>
      %broadcast_in_dim3A_1644 = arith.constant 5 : i32
      %broadcast_in_dim3A_1645 = vector.broadcast %broadcast_in_dim3A_1644 : i32 to vector<16xi32>
      %gather3A_1646 = tpu.vector_load_idx %arg13[%iota3A, %broadcast_in_dim3A_1645] : memref<16x17xf32, #tpu.memory_space<vmem>>[vector<16xi32>, vector<16xi32>], vector<16xf32>,
      %add3A_1647 = arith.addf %add3A_1643, %gather3A_1646 : vector<16xf32>
      %broadcast_in_dim3A_1648 = arith.constant 6 : i32
      %broadcast_in_dim3A_1649 = vector.broadcast %broadcast_in_dim3A_1648 : i32 to vector<16xi32>
      %gather3A_1650 = tpu.vector_load_idx %arg13[%iota3A, %broadcast_in_dim3A_1649] : memref<16x17xf32, #tpu.memory_space<vmem>>[vector<16xi32>, vector<16xi32>], vector<16xf32>,
      %add3A_1651 = arith.addf %add3A_1647, %gather3A_1650 : vector<16xf32>
      %broadcast_in_dim3A_1652 = arith.constant 7 : i32
      %broadcast_in_dim3A_1653 = vector.broadcast %broadcast_in_dim3A_1652 : i32 to vector<16xi32>
      %gather3A_1654 = tpu.vector_load_idx %arg13[%iota3A, %broadcast_in_dim3A_1653] : memref<16x17xf32, #tpu.memory_space<vmem>>[vector<16xi32>, vector<16xi32>], vector<16xf32>,
      %add3A_1655 = arith.addf %add3A_1651, %gather3A_1654 : vector<16xf32>
      %broadcast_in_dim3A_1656 = arith.constant 8 : i32
      %broadcast_in_dim3A_1657 = vector.broadcast %broadcast_in_dim3A_1656 : i32 to vector<16xi32>
      %gather3A_1658 = tpu.vector_load_idx %arg13[%iota3A, %broadcast_in_dim3A_1657] : memref<16x17xf32, #tpu.memory_space<vmem>>[vector<16xi32>, vector<16xi32>], vector<16xf32>,
      %add3A_1659 = arith.addf %add3A_1655, %gather3A_1658 : vector<16xf32>
      %broadcast_in_dim3A_1660 = arith.constant 9 : i32
      %broadcast_in_dim3A_1661 = vector.broadcast %broadcast_in_dim3A_1660 : i32 to vector<16xi32>
      %gather3A_1662 = tpu.vector_load_idx %arg13[%iota3A, %broadcast_in_dim3A_1661] : memref<16x17xf32, #tpu.memory_space<vmem>>[vector<16xi32>, vector<16xi32>], vector<16xf32>,
      %add3A_1663 = arith.addf %add3A_1659, %gather3A_1662 : vector<16xf32>
      %broadcast_in_dim3A_1664 = arith.constant 10 : i32
      %broadcast_in_dim3A_1665 = vector.broadcast %broadcast_in_dim3A_1664 : i32 to vector<16xi32>
      %gather3A_1666 = tpu.vector_load_idx %arg13[%iota3A, %broadcast_in_dim3A_1665] : memref<16x17xf32, #tpu.memory_space<vmem>>[vector<16xi32>, vector<16xi32>], vector<16xf32>,
      %add3A_1667 = arith.addf %add3A_1663, %gather3A_1666 : vector<16xf32>
      %broadcast_in_dim3A_1668 = arith.constant 11 : i32
      %broadcast_in_dim3A_1669 = vector.broadcast %broadcast_in_dim3A_1668 : i32 to vector<16xi32>
      %gather3A_1670 = tpu.vector_load_idx %arg13[%iota3A, %broadcast_in_dim3A_1669] : memref<16x17xf32, #tpu.memory_space<vmem>>[vector<16xi32>, vector<16xi32>], vector<16xf32>,
      %add3A_1671 = arith.addf %add3A_1667, %gather3A_1670 : vector<16xf32>
      %broadcast_in_dim3A_1672 = arith.constant 12 : i32
      %broadcast_in_dim3A_1673 = vector.broadcast %broadcast_in_dim3A_1672 : i32 to vector<16xi32>
      %gather3A_1674 = tpu.vector_load_idx %arg13[%iota3A, %broadcast_in_dim3A_1673] : memref<16x17xf32, #tpu.memory_space<vmem>>[vector<16xi32>, vector<16xi32>], vector<16xf32>,
      %add3A_1675 = arith.addf %add3A_1671, %gather3A_1674 : vector<16xf32>
      %broadcast_in_dim3A_1676 = arith.constant 13 : i32
      %broadcast_in_dim3A_1677 = vector.broadcast %broadcast_in_dim3A_1676 : i32 to vector<16xi32>
      %gather3A_1678 = tpu.vector_load_idx %arg13[%iota3A, %broadcast_in_dim3A_1677] : memref<16x17xf32, #tpu.memory_space<vmem>>[vector<16xi32>, vector<16xi32>], vector<16xf32>,
      %add3A_1679 = arith.addf %add3A_1675, %gather3A_1678 : vector<16xf32>
      %broadcast_in_dim3A_1680 = arith.constant 14 : i32
      %broadcast_in_dim3A_1681 = vector.broadcast %broadcast_in_dim3A_1680 : i32 to vector<16xi32>
      %gather3A_1682 = tpu.vector_load_idx %arg13[%iota3A, %broadcast_in_dim3A_1681] : memref<16x17xf32, #tpu.memory_space<vmem>>[vector<16xi32>, vector<16xi32>], vector<16xf32>,
      %add3A_1683 = arith.addf %add3A_1679, %gather3A_1682 : vector<16xf32>
      %broadcast_in_dim3A_1684 = arith.constant 15 : i32
      %broadcast_in_dim3A_1685 = vector.broadcast %broadcast_in_dim3A_1684 : i32 to vector<16xi32>
      %gather3A_1686 = tpu.vector_load_idx %arg13[%iota3A, %broadcast_in_dim3A_1685] : memref<16x17xf32, #tpu.memory_space<vmem>>[vector<16xi32>, vector<16xi32>], vector<16xf32>,
      %add3A_1687 = arith.addf %add3A_1683, %gather3A_1686 : vector<16xf32>
      %neg3A = arith.constant 0.000000e+00 : f32
      %neg3A_1688 = vector.broadcast %neg3A : f32 to vector<16xf32>
      %neg3A_1689 = arith.subf %neg3A_1688, %add3A_1687 : vector<16xf32>
      %exp3A = math.exp %neg3A_1689 : vector<16xf32>
      %add3A_1690 = arith.constant 1.000000e+00 : f32
      %add3A_1691 = vector.broadcast %add3A_1690 : f32 to vector<16xf32>
      %add3A_1692 = arith.addf %add3A_1691, %exp3A : vector<16xf32>
      %div3A = arith.constant 1.000000e+00 : f32
      %div3A_1693 = vector.broadcast %div3A : f32 to vector<16xf32>
      %div3A_1694 = arith.divf %div3A_1693, %add3A_1692 : vector<16xf32>
      %add3A_1695 = arith.constant 9920 : i32
      %add3A_1696 = arith.addi %add3A_1695, %add3A_44 : i32
      %swap3A_1697 = arith.index_cast %add3A_1696 : i32 to index
      %swap3A_1698 = tpu.vector_load %arg12[%swap3A_1697] {strides = array<i32>} : memref<10000xf32, #tpu.memory_space<vmem>>, vector<16xf32>,
      tpu.vector_store %arg12[%swap3A_1697], %div3A_1694 {strides = array<i32>} : memref<10000xf32, #tpu.memory_space<vmem>>, vector<16xf32>,
    }
    %scan3A_39 = arith.constant 5 : i32
    "tpu.region"() ({
      %run_scoped3A = tpu.sem_alloc : memref<!tpu.dma_semaphore, #tpu.memory_space<semaphore_mem>>
      %dma_start3A_40 = tpu.memref_slice %arg5[%mul3A_2] : memref<320000xf32, #tpu.memory_space<hbm>> -> memref<10000xf32, #tpu.memory_space<hbm>>
      %dma_start3A_41 = tpu.memref_slice %arg5[%mul3A_2] : memref<320000xf32, #tpu.memory_space<hbm>> -> memref<10000xf32, #tpu.memory_space<hbm>>
      tpu.enqueue_dma source(%arg12 : memref<10000xf32, #tpu.memory_space<vmem>>) target(%dma_start3A_41 : memref<10000xf32, #tpu.memory_space<hbm>>) target_semaphore(%run_scoped3A : memref<!tpu.dma_semaphore, #tpu.memory_space<semaphore_mem>>)
      %dma_wait3A_42 = tpu.memref_slice %arg5[%mul3A_2] : memref<320000xf32, #tpu.memory_space<hbm>> -> memref<10000xf32, #tpu.memory_space<hbm>>
      %dma_wait3A_43 = tpu.memref_slice %arg5[%mul3A_2] : memref<320000xf32, #tpu.memory_space<hbm>> -> memref<10000xf32, #tpu.memory_space<hbm>>
      tpu.wait_dma2 semaphore(%run_scoped3A : memref<!tpu.dma_semaphore, #tpu.memory_space<semaphore_mem>>) src(%arg12 : memref<10000xf32, #tpu.memory_space<vmem>>) dst(%dma_wait3A_43 : memref<10000xf32, #tpu.memory_space<hbm>>)
      tpu.yield
    }) : () -> ()
    return
  }
}

</mosaic_0001>

<sc_bundles>
// kernel: kernel.3.cloned.1.call-start
scs
__scs_entry_jumppad:
0x0: {  	(pc) =	sbr.rel $0x88, $3  }
0x1: {  	(tag) =	ssettag $0x0;
	lr =	simm.s32 $0x1  }
0x2: {  	[smem:$0x3F9F] =	sst lr;
	_ =	strace $0xD0000000  }
0x3: {  	_ = 	snop  }
0x4: {  	_ = 	snop  }
0x5: {  	_ = 	snop  }
0x6: {  	_ = 	snop  }
0x7: {  	_ = 	snop  }
__scs_overlays_trampoline_lowered:
0x8: {  	[smem:$0x3FAE] =	sst s0  }
0x9: {  	[smem:$0x3FAF] =	sst s1  }
0xa: {  	[smem:$0x3FB0] =	sst s2  }
0xb: {  	[smem:$0x3FB1] =	sst s3  }
0xc: {  	[smem:$0x3FB2] =	sst s4  }
0xd: {  	[smem:$0x3FB3] =	sst s5  }
0xe: {  	[smem:$0x3FB4] =	sst s6  }
0xf: {  	[smem:$0x3FB5] =	sst s7  }
0x10: {  	[smem:$0x3FB6] =	sst s8  }
0x11: {  	[smem:$0x3FB7] =	sst s9;
	s0 =	simm.s32 @!p0 $0x0  }
0x12: {  	s1 =	sld [smem:$0x3F9D];
	s0 =	simm.s32 @p0 $0x1  }
0x13: {  	[smem:$0x3FB8] =	sst s0;
	s0 =	simm.s32 @!p1 $0x0  }
0x14: {  	s2 =	sld [smem:$0x3F9C];
	s0 =	simm.s32 @p1 $0x1  }
0x15: {  	[smem:$0x3FB9] =	sst s0;
	s0 =	simm.s32 @!p2 $0x0  }
0x16: {  	s3 =	sld [smem:$0x3FDB];
	s0 =	simm.s32 @p2 $0x1  }
0x17: {  	s4 =	simm.s32 $0x1BF5;
	[smem:$0x3FBB] =	sst s0  }
0x18: {  	s0 =	sld [smem:$0x3F9E];
	_ =	swait.ge [sflag:s4], $0x0  }
0x19: {  	s7 =	sld [smem:$0x3F9F]  }
0x1a: {  	s8 =	sadd.s32 $0xFFFFE003, lr  }
0x1b: {  	s9 =	sadd.s32 $0xFFFFFEF7, lr;
	s5 =	simm.s32 $0xFFFFFFFF;
	p2 =	slt.u32 s8, $0xFFFFF086  }
0x1c: {  	p1 =	slt.u32 s9, $0xF7A;
	s5 =	simm.s32 @!p2 $0x0  }
0x1d: {  	s5 =	simm.s32 @p1 $0x1;
	p0 =	seq.s32 s7, s2  }
0x1e: {  	s7 =	smul.u32 @!p0 $0xF7A, s2;
	p2 =	seq.s32 @!p0 s5, $0x0  }
0x1f: {  	s9 =	smul.u32 $0xF7A, s1;
	s8 =	simm.s32 @!p0 $0x1BF5;
	p2 =	por !p2, p0  }
0x20: {  	[sflag:s8] =	ssyncset.s32 @!p0 $0xFFFFF086;
	s6 =	sadd.s32 @!p0 s3, s7;
	s7 =	simm.s32 @!p0 $0x108  }
0x21: {  	s3 =	sadd.s32 s3, s9;
	s6 =	sadd.s32 @!p0 $0x88, s6;
	s7 =	simm.s32 @p2 $0x1082  }
0x22: {  	[simem:s7], [sflag:s8] =	dma.local @!p0 [hbm:s6], $0xF7A  }
0x23: {  	s9 =	sor.u32 $0xD0000000, s2;
	s6 =	simm.s32 $0x108;
	_ =	swait.ge @!p0 [sflag:s8], $0x0  }
0x24: {  	s3 =	sadd.s32 $0x88, s3;
	s6 =	simm.s32 @!p1 $0x1082;
	[sflag:s4] =	ssyncset.s32 $0xFFFFF086  }
0x25: {  	[simem:s6], [sflag:s4] =	dma.local [hbm:s3], $0xF7A  }
0x26: {  	[smem:$0x3F9F] =	sst s1;
	(tag) =	ssettag s2;
	_ =	strace s9  }
0x27: {  	s1 =	sld [smem:$0x3FAF]  }
0x28: {  	s2 =	sld [smem:$0x3FB0]  }
0x29: {  	s4 =	sld [smem:$0x3FB2]  }
0x2a: {  	p0 =	seq.s32 s5, $0x0;
	s5 =	sld [smem:$0x3FB3]  }
0x2b: {  	s6 =	sld [smem:$0x3FB4]  }
0x2c: {  	s7 =	sld [smem:$0x3FB5]  }
0x2d: {  	s3 =	simm.s32 $0x108;
	s8 =	sld [smem:$0x3FB6]  }
0x2e: {  	s3 =	simm.s32 @!p0 $0x1082;
	s9 =	sld [smem:$0x3FB7]  }
0x2f: {  	lr =	sadd.s32 s0, s3;
	s0 =	sld [smem:$0x3FAE]  }
0x30: {  	s3 =	sld [smem:$0x3FB1]  }
0x31: {  	[smem:$0x3FBA] =	sst s10  }
0x32: {  	s10 =	sld [smem:$0x3FB8];
	_ =	sdelay $0x3  }
0x33: {  	p0 =	seq.s32 s10, $0x1;
	s10 =	sld [smem:$0x3FBA];
	_ =	sdelay $0x3  }
0x34: {  	[smem:$0x3FBA] =	sst s10  }
0x35: {  	s10 =	sld [smem:$0x3FB9];
	_ =	sdelay $0x3  }
0x36: {  	p1 =	seq.s32 s10, $0x1;
	s10 =	sld [smem:$0x3FBA];
	_ =	sdelay $0x3  }
0x37: {  	[smem:$0x3FBA] =	sst s10  }
0x38: {  	s10 =	sld [smem:$0x3FBB]  }
0x39: {  	_ = 	snop;
	(pc) =	sbr.ind lr, $3  }
0x3a: {  	_ = 	snop  }
0x3b: {  	_ = 	snop  }
0x3c: {  	p2 =	seq.s32 s10, $0x1;
	s10 =	sld [smem:$0x3FBA]  }
0x3d: {  	_ =	shalt  }
0x3e: {  	_ =	shalt  }
0x3f: {  	_ =	shalt  }
0x40: {  	_ =	shalt  }
0x41: {  	_ =	shalt  }
0x42: {  	_ =	shalt  }
0x43: {  	_ =	shalt  }
0x44: {  	_ =	shalt  }
0x45: {  	_ =	shalt  }
0x46: {  	_ =	shalt  }
0x47: {  	_ =	shalt  }
0x48: {  	_ =	shalt  }
0x49: {  	_ =	shalt  }
0x4a: {  	_ =	shalt  }
0x4b: {  	_ =	shalt  }
0x4c: {  	_ =	shalt  }
0x4d: {  	_ =	shalt  }
0x4e: {  	_ =	shalt  }
0x4f: {  	_ =	shalt  }
0x50: {  	_ =	shalt  }
0x51: {  	_ =	shalt  }
0x52: {  	_ =	shalt  }
0x53: {  	_ =	shalt  }
0x54: {  	_ =	shalt  }
0x55: {  	_ =	shalt  }
0x56: {  	_ =	shalt  }
0x57: {  	_ =	shalt  }
0x58: {  	_ =	shalt  }
0x59: {  	_ =	shalt  }
0x5a: {  	_ =	shalt  }
0x5b: {  	_ =	shalt  }
0x5c: {  	_ =	shalt  }
0x5d: {  	_ =	shalt  }
0x5e: {  	_ =	shalt  }
0x5f: {  	_ =	shalt  }
0x60: {  	_ =	shalt  }
0x61: {  	_ =	shalt  }
0x62: {  	_ =	shalt  }
0x63: {  	_ =	shalt  }
0x64: {  	_ =	shalt  }
0x65: {  	_ =	shalt  }
0x66: {  	_ =	shalt  }
0x67: {  	_ =	shalt  }
0x68: {  	_ =	shalt  }
0x69: {  	_ =	shalt  }
0x6a: {  	_ =	shalt  }
0x6b: {  	_ =	shalt  }
0x6c: {  	_ =	shalt  }
0x6d: {  	_ =	shalt  }
0x6e: {  	_ =	shalt  }
0x6f: {  	_ =	shalt  }
0x70: {  	_ =	shalt  }
0x71: {  	_ =	shalt  }
0x72: {  	_ =	shalt  }
0x73: {  	_ =	shalt  }
0x74: {  	_ =	shalt  }
0x75: {  	_ =	shalt  }
0x76: {  	_ =	shalt  }
0x77: {  	_ =	shalt  }
0x78: {  	_ =	shalt  }
0x79: {  	_ =	shalt  }
0x7a: {  	_ =	shalt  }
0x7b: {  	_ =	shalt  }
0x7c: {  	_ =	shalt  }
0x7d: {  	_ =	shalt  }
0x7e: {  	_ =	shalt  }
0x7f: {  	_ =	shalt  }
0x80: {  	_ =	shalt  }
0x81: {  	_ =	shalt  }
0x82: {  	_ =	shalt  }
0x83: {  	_ =	shalt  }
0x84: {  	_ =	shalt  }
0x85: {  	_ =	shalt  }
0x86: {  	_ =	shalt  }
0x87: {  	_ =	shalt  }
.Lfunc_end0:
.L_simem_size_0:
called_computation_lowered:
.L_overlay_start_0:
0x88: {  	s2 =	sld [smem:$0x3FD9]  }
0x89: {  	s3 =	sld [smem:$0x3FFE];
	_ =	sdelay $0x1  }
0x8a: {  	s1 =	srdreg.scid  }
0x8b: {  	s0 =	sand.u32 $0x1, s1  }
0x8c: {  	s17 =	sshll.u32 s0, $0xA;
	s2 =	sadd.s32 s3, s2  }
0x8d: {  	s2 =	sadd.s32 s2, s17  }
0x8e: {  	[smem:$0x3FC6] =	sst s2  }
0x8f: {  	_ = 	snop  }
0x90: {  	s2 =	sld [smem:$0x3FC9]  }
0x91: {  	s18 =	sld [smem:$0x3FD0];
	(tm) =	ssettm $0x1  }
0x92: {  	s4 =	sld [smem:$0x3FFB];
	_ =	sdelay $0x3  }
0x93: {  	_ =	strace s4  }
0x94: {  	s4 =	sld [smem:$0x3FFC];
	_ =	sdelay $0x3  }
0x95: {  	_ =	strace s4  }
0x96: {  	s4 =	sld [smem:$0x3FFD];
	_ =	sdelay $0x3  }
0x97: {  	_ =	strace s4  }
0x98: {  	_ =	strace $0x8FFFFFFF  }
0x99: {  	s19 =	sld [smem:$0x3FDB];
	_ =	sdelay $0x1  }
0x9a: {  	s5 =	simm.s32 $_scs_section_size  }
0x9b: {  	s6 =	simm.s32 $_size__tile_overlayer_lowered;
	s7 =	simm.s32 $_tile_overlayer_lowered  }
0x9c: {  	s22 =	simm.s32 $0x1BFF;
	s21 =	sshll.u32 s7, $0x1;
	s4 =	sadd.s32 s5, s19  }
0x9d: {  	s8 =	simm.s32 $0x0;
	s20 =	sshll.u32 s6, $0x1;
	s6 =	sadd.s32 s21, s4  }
0x9e: {  	[timem:s8], [sflag:s22] =	dma.local [hbm:s6], s20  }
0x9f: {  	_ =	swait.ge [sflag:s22], s20  }
0xa0: {  	s5 =	ssub.s32 $0x0, s20;
	[sflag:s22] =	ssyncset.done $0x0  }
0xa1: {  	[sflag:s22] =	ssyncadd.s32 s5;
	_ =	sdelay $0x1  }
0xa2: {  	s23 =	simm.s32 $0x1B8B  }
0xa3: {  	_ =	swait.ge [sflag:s23], $0x1  }
0xa4: {  	[sflag:s23] =	ssyncset.done $0x0  }
0xa5: {  	s25 =	simm.s32 $0x1B8E;
	s24 =	sld [smem:$0x3FFE];
	[sflag:s23] =	ssyncadd.s32 $0xFFFFFFFF  }
0xa6: {  	s26 =	simm.s32 $execute0_lowered;
	[smem:$0x3FD2] =	sst s25  }
0xa7: {  	s6 =	sshll.u32 s26, $0x1;
	_ =	strace $0x80000046;
	[dreg:$0x1] =	wrdreg $0xFFFFFFFF  }
0xa8: {  	s28 =	simm.s32 $_size_execute0_lowered;
	s4 =	sadd.s32 s4, s6;
	[dreg:$0x0] =	wrdreg $0x0  }
0xa9: {  	s6 =	sshll.u32 s28, $0x1;
	[dreg:$0x2] =	wrdreg s4  }
0xaa: {  	[dreg:$0x3] =	wrdreg s6  }
0xab: {  	[dreg:$0x4] =	wrdreg $0xC0  }
0xac: {  	_ =	task [dreg:s8], $0x5FFFF  }
0xad: {  	[dreg:$0x1] =	wrdreg $0xFFFFFFFF  }
0xae: {  	[dreg:$0x0] =	wrdreg $0x60  }
0xaf: {  	[dreg:$0x2] =	wrdreg s2  }
0xb0: {  	[dreg:$0x3] =	wrdreg s24  }
0xb1: {  	[dreg:$0x4] =	wrdreg s18  }
0xb2: {  	[dreg:$0x5] =	wrdreg $0x9  }
0xb3: {  	_ =	task.clear_ibuf [dreg:s8], $0x6FFFF;
	_ =	strace $0x90000046  }
0xb4: {  	s29 =	simm.s32 $0x9;
	_ =	strace $0x80000048  }
0xb5: {  	_ =	swait.ge [sflag:s29], $0x1  }
0xb6: {  	[sflag:s29] =	ssyncadd.s32 $0xFFFFFFFF  }
0xb7: {  	_ =	strace $0x90000048  }
0xb8: {  	_ =	sfence  }
0xb9: {  	s30 =	sld [smem:$0x0];
	_ =	sdelay $0x2  }
0xba: {  	s31 =	sshll.u32 s1, $0xD;
	s1 =	sshrl.u32 s1, $0x2  }
0xbb: {  	s3 =	sand.u32 $0x4000, s31;
	s1 =	sadd.s32 s1, s30  }
0xbc: {  	s0 =	sor.u32 s3, s0;
	s1 =	sshll.u32 s1, $0x11  }
0xbd: {  	s0 =	sor.u32 s1, s0  }
0xbe: {  	s0 =	sadd.s32 $0x8F2B, s0  }
0xbf: {  	[sflag:s0] =	ssyncadd.remote.s32 $0x1  }
0xc0: {  	_ =	sfence.sel $0xFFFF  }
0xc1: {  	[dreg:$0x0] =	wrdreg $0xFFFFFFFF;
	(pc) =	sbr.abs _section_cstart, $3  }
0xc2: {  	[dreg:$0x1] =	wrdreg $0xFFFFFFFF  }
0xc3: {  	_ =	task.clear_ibuf [dreg:s8], $0x2FFFF;
	_ =	strace $0x9FFFFFFF  }
0xc4: {  	(tm) =	ssettm $0x7FFFFFFF  }
0xc5: {  	_ =	shalt  }
tec
execute0_lowered:
.L_overlay_start_1:
0x0: {  	(tag) =	ssettag $0x1  }
0x1: {  	s1 =	rddreg [dreg:$0x0]  }
0x2: {  	s2 =	srdreg.scid;
	s5 =	rddreg [dreg:$0x1]  }
0x3: {  	s0 =	stileid.u32;
	s6 =	rddreg [dreg:$0x2];
	s3 =	simm.s32 $0x0  }
0x4: {  	s10 =	simm.s32 $0x50;
	s11 =	simm.s32 $0x4F00;
	s12 =	simm.s32 $0x7700  }
0x5: {  	v0 =	vlaneseq.u32;
	s13 =	simm.s32 $0x9F00;
	s14 =	simm.s32 $0x27D0;
	s15 =	simm.s32 $0xC700  }
0x6: {  	s16 =	simm.s32 $0x1;
	s17 =	simm.s32 $0x11680;
	s18 =	simm.s32 $0x2;
	v0 =	vmul.u32 $0x80, v0  }
0x7: {  	s19 =	simm.s32 $0xEF00;
	s4 =	sand.u32 $0x1, s2;
	s31 =	sshll.u32 s0, $0x1  }
0x8: {  	s20 =	simm.s32 $0x0;
	s2 =	sor.u32 s4, s31;
	s8 =	ssub.s32 $0x2, s4;
	v1 =	vor.u32 $0x1, v0;
	v2 =	vor.u32 $0x2, v0;
	v3 =	vor.u32 $0x3, v0  }
0x9: {  	[smem:$0x7FF] =	sst s3;
	s7 =	smul.u32 $0x4E2, s2;
	s9 =	sshrl.u32 s8, $0x1;
	v4 =	vor.u32 $0x4, v0;
	v5 =	vor.u32 $0x5, v0;
	v6 =	vor.u32 $0x6, v0  }
0xa: {  	s2 =	rddreg [dreg:$0x3];
	_ =	strace $0x80000047;
	v7 =	vor.u32 $0x7, v0;
	v8 =	vor.u32 $0x8, v0;
	v9 =	vor.u32 $0x9, v0;
	s8 =	ssub.s32 s8, s9  }
0xb: {  	v10 =	vor.u32 $0xA, v0;
	v11 =	vor.u32 $0xB, v0;
	v12 =	vor.u32 $0xC, v0;
	s9 =	simm.s32 $0x2780;
	s4 =	sadd.s32 s5, s7;
	s6 =	sadd.s32 s6, s7  }
0xc: {  	v13 =	vor.u32 $0xD, v0;
	v14 =	vor.u32 $0xE, v0;
	v15 =	vor.u32 $0xF, v0;
	s7 =	smax.u32 s8, $0x1;
	s8 =	simm.s32 $0x3;
	s5 =	sadd.s32 $0x9E00, s4  }
.LBB2_1:
0xd: {  	[tilespmem:s3], [sflag:$0x3] =	stream.linear.gather [hbm4b:s5+s3], $0x2710, $0x38;
	[tilespmem:$0x11E80] =	vst v63  }
0xe: {  	_ =	swait.ge [sflag:s8], $0x2710  }
0xf: {  	[sflag:s8] =	ssyncset.done $0x0  }
0x10: {  	[sflag:s8] =	ssyncadd.s32 $0xFFFFD8F0  }
0x11: {  	[tilespmem:s9], [sflag:$0x3] =	stream.linear.gather [hbm4b:s4+s3], $0x2710, $0x38;
	[tilespmem:$0x11E80] =	vst v63  }
0x12: {  	_ =	swait.ge [sflag:s8], $0x2710  }
0x13: {  	[sflag:s8] =	ssyncset.done $0x0  }
0x14: {  	[sflag:s8] =	ssyncadd.s32 $0xFFFFD8F0  }
0x15: {  	[tilespmem:s11], [sflag:$0x1] =	stream.indirect.gather [hbm4b:s1+s10], $0x80, s3, s10, $0xb8;
	[tilespmem:$0x11E80] =	vst v63  }
0x16: {  	_ = 	snop  }
0x17: {  	[tilespmem:s12], [sflag:$0x1] =	stream.indirect.gather [hbm4b:s1+s10], $0x80, s9, s10, $0xb8;
	[tilespmem:$0x11E80] =	vst v63  }
0x18: {  	_ = 	snop  }
0x19: {  	[tilespmem:s13], [sflag:$0x2] =	stream.indirect.gather [hbm4b:s1+s10], $0x80, s10, s10, $0xb8;
	[tilespmem:$0x11E80] =	vst v63  }
0x1a: {  	s21 =	simm.s32 $0x0  }
0x1b: {  	[tilespmem:s15], [sflag:$0x2] =	stream.indirect.gather [hbm4b:s1+s10], $0x80, s14, s10, $0xb8;
	[tilespmem:$0x11E80] =	vst v63  }
.LBB2_2:
0x1c: {  	_ =	swait.ge [sflag:s16], $0x2800  }
0x1d: {  	s22 =	smul.u32 $0x280, s21;
	[sflag:s16] =	ssyncset.done $0x0  }
0x1e: {  	[sflag:s16] =	ssyncadd.s32 $0xFFFFD800  }
0x1f: {  	s23 =	sshra.s32 s22, $0x2;
	_ =	swait.ge [sflag:s16], $0x2800  }
0x20: {  	s24 =	sadd.s32 $0xEF00, s23;
	[sflag:s16] =	ssyncset.done $0x0  }
0x21: {  	s22 =	simm.s32 $0x0;
	v16 =	vmov s24;
	[sflag:s16] =	ssyncadd.s32 $0xFFFFD800  }
.LBB2_3:
0x22: {  	s24 =	sshll.u32 s22, $0xB  }
0x23: {  	v17 =	vld [tilespmem:s24+$0x4F00]  }
0x24: {  	v18 =	vld [tilespmem:s24+$0x7700]  }
0x25: {  	v19 =	vld [tilespmem:s24+$0x4F10]  }
0x26: {  	v20 =	vld [tilespmem:s24+$0x7710]  }
0x27: {  	v21 =	vld [tilespmem:s24+$0x4F20]  }
0x28: {  	v22 =	vld [tilespmem:s24+$0x7720]  }
0x29: {  	v23 =	vld [tilespmem:s24+$0x4F30]  }
0x2a: {  	v24 =	vld [tilespmem:s24+$0x7730]  }
0x2b: {  	v32 =	vld [tilespmem:s24+$0x7740];
	v17 =	vmul.f32 v18, v17;
	v18 =	vmul.f32 v20, v19  }
0x2c: {  	v19 =	vld [tilespmem:s24+$0x4F40]  }
0x2d: {  	v33 =	vld [tilespmem:s24+$0x4F50];
	v17 =	vadd.f32 v18, v17;
	v18 =	vmul.f32 v22, v21  }
0x2e: {  	v34 =	vld [tilespmem:s24+$0x7750]  }
0x2f: {  	v35 =	vld [tilespmem:s24+$0x4F60];
	v17 =	vadd.f32 v18, v17;
	v18 =	vmul.f32 v24, v23  }
0x30: {  	v36 =	vld [tilespmem:s24+$0x7760]  }
0x31: {  	v37 =	vld [tilespmem:s24+$0x7770];
	v17 =	vadd.f32 v18, v17;
	v18 =	vmul.f32 v32, v19  }
0x32: {  	v19 =	vld [tilespmem:s24+$0x4F70]  }
0x33: {  	v17 =	vadd.f32 v18, v17;
	v18 =	vmul.f32 v34, v33;
	_ =	sdelay $0x1  }
0x34: {  	v17 =	vadd.f32 v18, v17;
	v18 =	vmul.f32 v36, v35;
	_ =	sdelay $0x1  }
0x35: {  	v17 =	vadd.f32 v18, v17;
	v18 =	vmul.f32 v37, v19;
	_ =	sdelay $0x1  }
0x36: {  	v17 =	vadd.f32 v18, v17;
	_ =	sdelay $0x1  }
0x37: {  	[tilespmem:$0x11680] =	vst v17  }
0x38: {  	v17 =	vld [tilespmem:s24+$0x4F80]  }
0x39: {  	v18 =	vld [tilespmem:s24+$0x7780]  }
0x3a: {  	v19 =	vld [tilespmem:s24+$0x4F90]  }
0x3b: {  	v38 =	vld [tilespmem:s24+$0x7790]  }
0x3c: {  	v39 =	vld [tilespmem:s24+$0x4FA0]  }
0x3d: {  	v40 =	vld [tilespmem:s24+$0x77A0]  }
0x3e: {  	v41 =	vld [tilespmem:s24+$0x4FB0]  }
0x3f: {  	v42 =	vld [tilespmem:s24+$0x77B0]  }
0x40: {  	v43 =	vld [tilespmem:s24+$0x77C0];
	v17 =	vmul.f32 v18, v17;
	v18 =	vmul.f32 v38, v19  }
0x41: {  	v19 =	vld [tilespmem:s24+$0x4FC0]  }
0x42: {  	v44 =	vld [tilespmem:s24+$0x4FD0];
	v17 =	vadd.f32 v18, v17;
	v18 =	vmul.f32 v40, v39  }
0x43: {  	v45 =	vld [tilespmem:s24+$0x77D0]  }
0x44: {  	v46 =	vld [tilespmem:s24+$0x4FE0];
	v17 =	vadd.f32 v18, v17;
	v18 =	vmul.f32 v42, v41  }
0x45: {  	v47 =	vld [tilespmem:s24+$0x77E0]  }
0x46: {  	v48 =	vld [tilespmem:s24+$0x77F0];
	v17 =	vadd.f32 v18, v17;
	v18 =	vmul.f32 v43, v19  }
0x47: {  	v19 =	vld [tilespmem:s24+$0x4FF0]  }
0x48: {  	v17 =	vadd.f32 v18, v17;
	v18 =	vmul.f32 v45, v44;
	_ =	sdelay $0x1  }
0x49: {  	v17 =	vadd.f32 v18, v17;
	v18 =	vmul.f32 v47, v46;
	_ =	sdelay $0x1  }
0x4a: {  	v17 =	vadd.f32 v18, v17;
	v18 =	vmul.f32 v48, v19;
	_ =	sdelay $0x1  }
0x4b: {  	v17 =	vadd.f32 v18, v17;
	_ =	sdelay $0x1  }
0x4c: {  	[tilespmem:$0x11700] =	vst v17  }
0x4d: {  	v17 =	vld [tilespmem:s24+$0x5000]  }
0x4e: {  	v18 =	vld [tilespmem:s24+$0x7800]  }
0x4f: {  	v19 =	vld [tilespmem:s24+$0x5010]  }
0x50: {  	v49 =	vld [tilespmem:s24+$0x7810]  }
0x51: {  	v50 =	vld [tilespmem:s24+$0x5020]  }
0x52: {  	v51 =	vld [tilespmem:s24+$0x7820]  }
0x53: {  	v52 =	vld [tilespmem:s24+$0x5030]  }
0x54: {  	v53 =	vld [tilespmem:s24+$0x7830]  }
0x55: {  	v54 =	vld [tilespmem:s24+$0x7840];
	v17 =	vmul.f32 v18, v17;
	v18 =	vmul.f32 v49, v19  }
0x56: {  	v19 =	vld [tilespmem:s24+$0x5040]  }
0x57: {  	v55 =	vld [tilespmem:s24+$0x5050];
	v17 =	vadd.f32 v18, v17;
	v18 =	vmul.f32 v51, v50  }
0x58: {  	v56 =	vld [tilespmem:s24+$0x7850]  }
0x59: {  	v57 =	vld [tilespmem:s24+$0x5060];
	v17 =	vadd.f32 v18, v17;
	v18 =	vmul.f32 v53, v52  }
0x5a: {  	v58 =	vld [tilespmem:s24+$0x7860]  }
0x5b: {  	v59 =	vld [tilespmem:s24+$0x7870];
	v17 =	vadd.f32 v18, v17;
	v18 =	vmul.f32 v54, v19  }
0x5c: {  	v19 =	vld [tilespmem:s24+$0x5070]  }
0x5d: {  	v17 =	vadd.f32 v18, v17;
	v18 =	vmul.f32 v56, v55;
	_ =	sdelay $0x1  }
0x5e: {  	v17 =	vadd.f32 v18, v17;
	v18 =	vmul.f32 v58, v57;
	_ =	sdelay $0x1  }
0x5f: {  	v17 =	vadd.f32 v18, v17;
	v18 =	vmul.f32 v59, v19;
	_ =	sdelay $0x1  }
0x60: {  	v17 =	vadd.f32 v18, v17;
	_ =	sdelay $0x1  }
0x61: {  	[tilespmem:$0x11780] =	vst v17  }
0x62: {  	v17 =	vld [tilespmem:s24+$0x5080]  }
0x63: {  	v18 =	vld [tilespmem:s24+$0x7880]  }
0x64: {  	v19 =	vld [tilespmem:s24+$0x5090]  }
0x65: {  	v60 =	vld [tilespmem:s24+$0x7890]  }
0x66: {  	v61 =	vld [tilespmem:s24+$0x50A0]  }
0x67: {  	v62 =	vld [tilespmem:s24+$0x78A0]  }
0x68: {  	v63 =	vld [tilespmem:s24+$0x50B0]  }
0x69: {  	v28 =	vld [tilespmem:s24+$0x78B0]  }
0x6a: {  	v29 =	vld [tilespmem:s24+$0x78C0];
	v17 =	vmul.f32 v18, v17;
	v18 =	vmul.f32 v60, v19  }
0x6b: {  	v19 =	vld [tilespmem:s24+$0x50C0]  }
0x6c: {  	v30 =	vld [tilespmem:s24+$0x50D0];
	v17 =	vadd.f32 v18, v17;
	v18 =	vmul.f32 v62, v61  }
0x6d: {  	v31 =	vld [tilespmem:s24+$0x78D0]  }
0x6e: {  	v32 =	vld [tilespmem:s24+$0x50E0];
	v17 =	vadd.f32 v18, v17;
	v18 =	vmul.f32 v28, v63  }
0x6f: {  	v33 =	vld [tilespmem:s24+$0x78E0]  }
0x70: {  	v34 =	vld [tilespmem:s24+$0x78F0];
	v17 =	vadd.f32 v18, v17;
	v18 =	vmul.f32 v29, v19  }
0x71: {  	v19 =	vld [tilespmem:s24+$0x50F0]  }
0x72: {  	v17 =	vadd.f32 v18, v17;
	v18 =	vmul.f32 v31, v30;
	_ =	sdelay $0x1  }
0x73: {  	v17 =	vadd.f32 v18, v17;
	v18 =	vmul.f32 v33, v32;
	_ =	sdelay $0x1  }
0x74: {  	v17 =	vadd.f32 v18, v17;
	v18 =	vmul.f32 v34, v19;
	_ =	sdelay $0x1  }
0x75: {  	v17 =	vadd.f32 v18, v17;
	_ =	sdelay $0x1  }
0x76: {  	[tilespmem:$0x11800] =	vst v17  }
0x77: {  	v17 =	vld [tilespmem:s24+$0x5100]  }
0x78: {  	v18 =	vld [tilespmem:s24+$0x7900]  }
0x79: {  	v19 =	vld [tilespmem:s24+$0x5110]  }
0x7a: {  	v35 =	vld [tilespmem:s24+$0x7910]  }
0x7b: {  	v36 =	vld [tilespmem:s24+$0x5120]  }
0x7c: {  	v37 =	vld [tilespmem:s24+$0x7920]  }
0x7d: {  	v38 =	vld [tilespmem:s24+$0x5130]  }
0x7e: {  	v39 =	vld [tilespmem:s24+$0x7930]  }
0x7f: {  	v40 =	vld [tilespmem:s24+$0x7940];
	v17 =	vmul.f32 v18, v17;
	v18 =	vmul.f32 v35, v19  }
0x80: {  	v19 =	vld [tilespmem:s24+$0x5140]  }
0x81: {  	v41 =	vld [tilespmem:s24+$0x5150];
	v17 =	vadd.f32 v18, v17;
	v18 =	vmul.f32 v37, v36  }
0x82: {  	v42 =	vld [tilespmem:s24+$0x7950]  }
0x83: {  	v43 =	vld [tilespmem:s24+$0x5160];
	v17 =	vadd.f32 v18, v17;
	v18 =	vmul.f32 v39, v38  }
0x84: {  	v44 =	vld [tilespmem:s24+$0x7960]  }
0x85: {  	v45 =	vld [tilespmem:s24+$0x7970];
	v17 =	vadd.f32 v18, v17;
	v18 =	vmul.f32 v40, v19  }
0x86: {  	v19 =	vld [tilespmem:s24+$0x5170]  }
0x87: {  	v17 =	vadd.f32 v18, v17;
	v18 =	vmul.f32 v42, v41;
	_ =	sdelay $0x1  }
0x88: {  	v17 =	vadd.f32 v18, v17;
	v18 =	vmul.f32 v44, v43;
	_ =	sdelay $0x1  }
0x89: {  	v17 =	vadd.f32 v18, v17;
	v18 =	vmul.f32 v45, v19;
	_ =	sdelay $0x1  }
0x8a: {  	v17 =	vadd.f32 v18, v17;
	_ =	sdelay $0x1  }
0x8b: {  	[tilespmem:$0x11880] =	vst v17  }
0x8c: {  	v17 =	vld [tilespmem:s24+$0x5180]  }
0x8d: {  	v18 =	vld [tilespmem:s24+$0x7980]  }
0x8e: {  	v19 =	vld [tilespmem:s24+$0x5190]  }
0x8f: {  	v46 =	vld [tilespmem:s24+$0x7990]  }
0x90: {  	v47 =	vld [tilespmem:s24+$0x51A0]  }
0x91: {  	v48 =	vld [tilespmem:s24+$0x79A0]  }
0x92: {  	v49 =	vld [tilespmem:s24+$0x51B0]  }
0x93: {  	v50 =	vld [tilespmem:s24+$0x79B0]  }
0x94: {  	v51 =	vld [tilespmem:s24+$0x79C0];
	v17 =	vmul.f32 v18, v17;
	v18 =	vmul.f32 v46, v19  }
0x95: {  	v19 =	vld [tilespmem:s24+$0x51C0]  }
0x96: {  	v52 =	vld [tilespmem:s24+$0x51D0];
	v17 =	vadd.f32 v18, v17;
	v18 =	vmul.f32 v48, v47  }
0x97: {  	v53 =	vld [tilespmem:s24+$0x79D0]  }
0x98: {  	v54 =	vld [tilespmem:s24+$0x51E0];
	v17 =	vadd.f32 v18, v17;
	v18 =	vmul.f32 v50, v49  }
0x99: {  	v55 =	vld [tilespmem:s24+$0x79E0]  }
0x9a: {  	v56 =	vld [tilespmem:s24+$0x79F0];
	v17 =	vadd.f32 v18, v17;
	v18 =	vmul.f32 v51, v19  }
0x9b: {  	v19 =	vld [tilespmem:s24+$0x51F0]  }
0x9c: {  	v17 =	vadd.f32 v18, v17;
	v18 =	vmul.f32 v53, v52;
	_ =	sdelay $0x1  }
0x9d: {  	v17 =	vadd.f32 v18, v17;
	v18 =	vmul.f32 v55, v54;
	_ =	sdelay $0x1  }
0x9e: {  	v17 =	vadd.f32 v18, v17;
	v18 =	vmul.f32 v56, v19;
	_ =	sdelay $0x1  }
0x9f: {  	v17 =	vadd.f32 v18, v17;
	_ =	sdelay $0x1  }
0xa0: {  	[tilespmem:$0x11900] =	vst v17  }
0xa1: {  	v17 =	vld [tilespmem:s24+$0x5200]  }
0xa2: {  	v18 =	vld [tilespmem:s24+$0x7A00]  }
0xa3: {  	v19 =	vld [tilespmem:s24+$0x5210]  }
0xa4: {  	v57 =	vld [tilespmem:s24+$0x7A10]  }
0xa5: {  	v58 =	vld [tilespmem:s24+$0x5220]  }
0xa6: {  	v59 =	vld [tilespmem:s24+$0x7A20]  }
0xa7: {  	v60 =	vld [tilespmem:s24+$0x5230]  }
0xa8: {  	v61 =	vld [tilespmem:s24+$0x7A30]  }
0xa9: {  	v62 =	vld [tilespmem:s24+$0x7A40];
	v17 =	vmul.f32 v18, v17;
	v18 =	vmul.f32 v57, v19  }
0xaa: {  	v19 =	vld [tilespmem:s24+$0x5240]  }
0xab: {  	v63 =	vld [tilespmem:s24+$0x5250];
	v17 =	vadd.f32 v18, v17;
	v18 =	vmul.f32 v59, v58  }
0xac: {  	v28 =	vld [tilespmem:s24+$0x7A50]  }
0xad: {  	v29 =	vld [tilespmem:s24+$0x5260];
	v17 =	vadd.f32 v18, v17;
	v18 =	vmul.f32 v61, v60  }
0xae: {  	v30 =	vld [tilespmem:s24+$0x7A60]  }
0xaf: {  	v31 =	vld [tilespmem:s24+$0x7A70];
	v17 =	vadd.f32 v18, v17;
	v18 =	vmul.f32 v62, v19  }
0xb0: {  	v19 =	vld [tilespmem:s24+$0x5270]  }
0xb1: {  	v17 =	vadd.f32 v18, v17;
	v18 =	vmul.f32 v28, v63;
	_ =	sdelay $0x1  }
0xb2: {  	v17 =	vadd.f32 v18, v17;
	v18 =	vmul.f32 v30, v29;
	_ =	sdelay $0x1  }
0xb3: {  	v17 =	vadd.f32 v18, v17;
	v18 =	vmul.f32 v31, v19;
	_ =	sdelay $0x1  }
0xb4: {  	v17 =	vadd.f32 v18, v17;
	_ =	sdelay $0x1  }
0xb5: {  	[tilespmem:$0x11980] =	vst v17  }
0xb6: {  	v17 =	vld [tilespmem:s24+$0x5280]  }
0xb7: {  	v18 =	vld [tilespmem:s24+$0x7A80]  }
0xb8: {  	v19 =	vld [tilespmem:s24+$0x5290]  }
0xb9: {  	v32 =	vld [tilespmem:s24+$0x7A90]  }
0xba: {  	v33 =	vld [tilespmem:s24+$0x52A0]  }
0xbb: {  	v34 =	vld [tilespmem:s24+$0x7AA0]  }
0xbc: {  	v35 =	vld [tilespmem:s24+$0x52B0]  }
0xbd: {  	v36 =	vld [tilespmem:s24+$0x7AB0]  }
0xbe: {  	v37 =	vld [tilespmem:s24+$0x7AC0];
	v17 =	vmul.f32 v18, v17;
	v18 =	vmul.f32 v32, v19  }
0xbf: {  	v19 =	vld [tilespmem:s24+$0x52C0]  }
0xc0: {  	v38 =	vld [tilespmem:s24+$0x52D0];
	v17 =	vadd.f32 v18, v17;
	v18 =	vmul.f32 v34, v33  }
0xc1: {  	v39 =	vld [tilespmem:s24+$0x7AD0]  }
0xc2: {  	v40 =	vld [tilespmem:s24+$0x52E0];
	v17 =	vadd.f32 v18, v17;
	v18 =	vmul.f32 v36, v35  }
0xc3: {  	v41 =	vld [tilespmem:s24+$0x7AE0]  }
0xc4: {  	v42 =	vld [tilespmem:s24+$0x7AF0];
	v17 =	vadd.f32 v18, v17;
	v18 =	vmul.f32 v37, v19  }
0xc5: {  	v19 =	vld [tilespmem:s24+$0x52F0]  }
0xc6: {  	v17 =	vadd.f32 v18, v17;
	v18 =	vmul.f32 v39, v38;
	_ =	sdelay $0x1  }
0xc7: {  	v17 =	vadd.f32 v18, v17;
	v18 =	vmul.f32 v41, v40;
	_ =	sdelay $0x1  }
0xc8: {  	v17 =	vadd.f32 v18, v17;
	v18 =	vmul.f32 v42, v19;
	_ =	sdelay $0x1  }
0xc9: {  	v17 =	vadd.f32 v18, v17;
	_ =	sdelay $0x1  }
0xca: {  	[tilespmem:$0x11A00] =	vst v17  }
0xcb: {  	v17 =	vld [tilespmem:s24+$0x5300]  }
0xcc: {  	v18 =	vld [tilespmem:s24+$0x7B00]  }
0xcd: {  	v19 =	vld [tilespmem:s24+$0x5310]  }
0xce: {  	v43 =	vld [tilespmem:s24+$0x7B10]  }
0xcf: {  	v44 =	vld [tilespmem:s24+$0x5320]  }
0xd0: {  	v45 =	vld [tilespmem:s24+$0x7B20]  }
0xd1: {  	v46 =	vld [tilespmem:s24+$0x5330]  }
0xd2: {  	v47 =	vld [tilespmem:s24+$0x7B30]  }
0xd3: {  	v48 =	vld [tilespmem:s24+$0x7B40];
	v17 =	vmul.f32 v18, v17;
	v18 =	vmul.f32 v43, v19  }
0xd4: {  	v19 =	vld [tilespmem:s24+$0x5340]  }
0xd5: {  	v49 =	vld [tilespmem:s24+$0x5350];
	v17 =	vadd.f32 v18, v17;
	v18 =	vmul.f32 v45, v44  }
0xd6: {  	v50 =	vld [tilespmem:s24+$0x7B50]  }
0xd7: {  	v51 =	vld [tilespmem:s24+$0x5360];
	v17 =	vadd.f32 v18, v17;
	v18 =	vmul.f32 v47, v46  }
0xd8: {  	v52 =	vld [tilespmem:s24+$0x7B60]  }
0xd9: {  	v53 =	vld [tilespmem:s24+$0x7B70];
	v17 =	vadd.f32 v18, v17;
	v18 =	vmul.f32 v48, v19  }
0xda: {  	v19 =	vld [tilespmem:s24+$0x5370]  }
0xdb: {  	v17 =	vadd.f32 v18, v17;
	v18 =	vmul.f32 v50, v49;
	_ =	sdelay $0x1  }
0xdc: {  	v17 =	vadd.f32 v18, v17;
	v18 =	vmul.f32 v52, v51;
	_ =	sdelay $0x1  }
0xdd: {  	v17 =	vadd.f32 v18, v17;
	v18 =	vmul.f32 v53, v19;
	_ =	sdelay $0x1  }
0xde: {  	v17 =	vadd.f32 v18, v17;
	_ =	sdelay $0x1  }
0xdf: {  	[tilespmem:$0x11A80] =	vst v17  }
0xe0: {  	v17 =	vld [tilespmem:s24+$0x5380]  }
0xe1: {  	v18 =	vld [tilespmem:s24+$0x7B80]  }
0xe2: {  	v19 =	vld [tilespmem:s24+$0x5390]  }
0xe3: {  	v54 =	vld [tilespmem:s24+$0x7B90]  }
0xe4: {  	v55 =	vld [tilespmem:s24+$0x53A0]  }
0xe5: {  	v56 =	vld [tilespmem:s24+$0x7BA0]  }
0xe6: {  	v57 =	vld [tilespmem:s24+$0x53B0]  }
0xe7: {  	v58 =	vld [tilespmem:s24+$0x7BB0]  }
0xe8: {  	v59 =	vld [tilespmem:s24+$0x7BC0];
	v17 =	vmul.f32 v18, v17;
	v18 =	vmul.f32 v54, v19  }
0xe9: {  	v19 =	vld [tilespmem:s24+$0x53C0]  }
0xea: {  	v60 =	vld [tilespmem:s24+$0x53D0];
	v17 =	vadd.f32 v18, v17;
	v18 =	vmul.f32 v56, v55  }
0xeb: {  	v61 =	vld [tilespmem:s24+$0x7BD0]  }
0xec: {  	v62 =	vld [tilespmem:s24+$0x53E0];
	v17 =	vadd.f32 v18, v17;
	v18 =	vmul.f32 v58, v57  }
0xed: {  	v63 =	vld [tilespmem:s24+$0x7BE0]  }
0xee: {  	v28 =	vld [tilespmem:s24+$0x7BF0];
	v17 =	vadd.f32 v18, v17;
	v18 =	vmul.f32 v59, v19  }
0xef: {  	v19 =	vld [tilespmem:s24+$0x53F0]  }
0xf0: {  	v17 =	vadd.f32 v18, v17;
	v18 =	vmul.f32 v61, v60;
	_ =	sdelay $0x1  }
0xf1: {  	v17 =	vadd.f32 v18, v17;
	v18 =	vmul.f32 v63, v62;
	_ =	sdelay $0x1  }
0xf2: {  	v17 =	vadd.f32 v18, v17;
	v18 =	vmul.f32 v28, v19;
	_ =	sdelay $0x1  }
0xf3: {  	v17 =	vadd.f32 v18, v17;
	_ =	sdelay $0x1  }
0xf4: {  	[tilespmem:$0x11B00] =	vst v17  }
0xf5: {  	v17 =	vld [tilespmem:s24+$0x5400]  }
0xf6: {  	v18 =	vld [tilespmem:s24+$0x7C00]  }
0xf7: {  	v19 =	vld [tilespmem:s24+$0x5410]  }
0xf8: {  	v29 =	vld [tilespmem:s24+$0x7C10]  }
0xf9: {  	v30 =	vld [tilespmem:s24+$0x5420]  }
0xfa: {  	v31 =	vld [tilespmem:s24+$0x7C20]  }
0xfb: {  	v32 =	vld [tilespmem:s24+$0x5430]  }
0xfc: {  	v33 =	vld [tilespmem:s24+$0x7C30]  }
0xfd: {  	v34 =	vld [tilespmem:s24+$0x7C40];
	v17 =	vmul.f32 v18, v17;
	v18 =	vmul.f32 v29, v19  }
0xfe: {  	v19 =	vld [tilespmem:s24+$0x5440]  }
0xff: {  	v35 =	vld [tilespmem:s24+$0x5450];
	v17 =	vadd.f32 v18, v17;
	v18 =	vmul.f32 v31, v30  }
0x100: {  	v36 =	vld [tilespmem:s24+$0x7C50]  }
0x101: {  	v37 =	vld [tilespmem:s24+$0x5460];
	v17 =	vadd.f32 v18, v17;
	v18 =	vmul.f32 v33, v32  }
0x102: {  	v38 =	vld [tilespmem:s24+$0x7C60]  }
0x103: {  	v39 =	vld [tilespmem:s24+$0x7C70];
	v17 =	vadd.f32 v18, v17;
	v18 =	vmul.f32 v34, v19  }
0x104: {  	v19 =	vld [tilespmem:s24+$0x5470]  }
0x105: {  	v17 =	vadd.f32 v18, v17;
	v18 =	vmul.f32 v36, v35;
	_ =	sdelay $0x1  }
0x106: {  	v17 =	vadd.f32 v18, v17;
	v18 =	vmul.f32 v38, v37;
	_ =	sdelay $0x1  }
0x107: {  	v17 =	vadd.f32 v18, v17;
	v18 =	vmul.f32 v39, v19;
	_ =	sdelay $0x1  }
0x108: {  	v17 =	vadd.f32 v18, v17;
	_ =	sdelay $0x1  }
0x109: {  	[tilespmem:$0x11B80] =	vst v17  }
0x10a: {  	v17 =	vld [tilespmem:s24+$0x5480]  }
0x10b: {  	v18 =	vld [tilespmem:s24+$0x7C80]  }
0x10c: {  	v19 =	vld [tilespmem:s24+$0x5490]  }
0x10d: {  	v40 =	vld [tilespmem:s24+$0x7C90]  }
0x10e: {  	v41 =	vld [tilespmem:s24+$0x54A0]  }
0x10f: {  	v42 =	vld [tilespmem:s24+$0x7CA0]  }
0x110: {  	v43 =	vld [tilespmem:s24+$0x54B0]  }
0x111: {  	v44 =	vld [tilespmem:s24+$0x7CB0]  }
0x112: {  	v45 =	vld [tilespmem:s24+$0x7CC0];
	v17 =	vmul.f32 v18, v17;
	v18 =	vmul.f32 v40, v19  }
0x113: {  	v19 =	vld [tilespmem:s24+$0x54C0]  }
0x114: {  	v46 =	vld [tilespmem:s24+$0x54D0];
	v17 =	vadd.f32 v18, v17;
	v18 =	vmul.f32 v42, v41  }
0x115: {  	v47 =	vld [tilespmem:s24+$0x7CD0]  }
0x116: {  	v48 =	vld [tilespmem:s24+$0x54E0];
	v17 =	vadd.f32 v18, v17;
	v18 =	vmul.f32 v44, v43  }
0x117: {  	v49 =	vld [tilespmem:s24+$0x7CE0]  }
0x118: {  	v50 =	vld [tilespmem:s24+$0x7CF0];
	v17 =	vadd.f32 v18, v17;
	v18 =	vmul.f32 v45, v19  }
0x119: {  	v19 =	vld [tilespmem:s24+$0x54F0]  }
0x11a: {  	v17 =	vadd.f32 v18, v17;
	v18 =	vmul.f32 v47, v46;
	_ =	sdelay $0x1  }
0x11b: {  	v17 =	vadd.f32 v18, v17;
	v18 =	vmul.f32 v49, v48;
	_ =	sdelay $0x1  }
0x11c: {  	v17 =	vadd.f32 v18, v17;
	v18 =	vmul.f32 v50, v19;
	_ =	sdelay $0x1  }
0x11d: {  	v17 =	vadd.f32 v18, v17;
	_ =	sdelay $0x1  }
0x11e: {  	[tilespmem:$0x11C00] =	vst v17  }
0x11f: {  	v17 =	vld [tilespmem:s24+$0x5500]  }
0x120: {  	v18 =	vld [tilespmem:s24+$0x7D00]  }
0x121: {  	v19 =	vld [tilespmem:s24+$0x5510]  }
0x122: {  	v51 =	vld [tilespmem:s24+$0x7D10]  }
0x123: {  	v52 =	vld [tilespmem:s24+$0x5520]  }
0x124: {  	v53 =	vld [tilespmem:s24+$0x7D20]  }
0x125: {  	v54 =	vld [tilespmem:s24+$0x5530]  }
0x126: {  	v55 =	vld [tilespmem:s24+$0x7D30]  }
0x127: {  	v56 =	vld [tilespmem:s24+$0x7D40];
	v17 =	vmul.f32 v18, v17;
	v18 =	vmul.f32 v51, v19  }
0x128: {  	v19 =	vld [tilespmem:s24+$0x5540]  }
0x129: {  	v57 =	vld [tilespmem:s24+$0x5550];
	v17 =	vadd.f32 v18, v17;
	v18 =	vmul.f32 v53, v52  }
0x12a: {  	v58 =	vld [tilespmem:s24+$0x7D50]  }
0x12b: {  	v59 =	vld [tilespmem:s24+$0x5560];
	v17 =	vadd.f32 v18, v17;
	v18 =	vmul.f32 v55, v54  }
0x12c: {  	v60 =	vld [tilespmem:s24+$0x7D60]  }
0x12d: {  	v61 =	vld [tilespmem:s24+$0x7D70];
	v17 =	vadd.f32 v18, v17;
	v18 =	vmul.f32 v56, v19  }
0x12e: {  	v19 =	vld [tilespmem:s24+$0x5570]  }
0x12f: {  	v17 =	vadd.f32 v18, v17;
	v18 =	vmul.f32 v58, v57;
	_ =	sdelay $0x1  }
0x130: {  	v17 =	vadd.f32 v18, v17;
	v18 =	vmul.f32 v60, v59;
	_ =	sdelay $0x1  }
0x131: {  	v17 =	vadd.f32 v18, v17;
	v18 =	vmul.f32 v61, v19;
	_ =	sdelay $0x1  }
0x132: {  	v17 =	vadd.f32 v18, v17;
	_ =	sdelay $0x1  }
0x133: {  	[tilespmem:$0x11C80] =	vst v17  }
0x134: {  	v17 =	vld [tilespmem:s24+$0x5580]  }
0x135: {  	v18 =	vld [tilespmem:s24+$0x7D80]  }
0x136: {  	v19 =	vld [tilespmem:s24+$0x5590]  }
0x137: {  	v62 =	vld [tilespmem:s24+$0x7D90]  }
0x138: {  	v63 =	vld [tilespmem:s24+$0x55A0]  }
0x139: {  	v28 =	vld [tilespmem:s24+$0x7DA0]  }
0x13a: {  	v29 =	vld [tilespmem:s24+$0x55B0]  }
0x13b: {  	v30 =	vld [tilespmem:s24+$0x7DB0]  }
0x13c: {  	v31 =	vld [tilespmem:s24+$0x7DC0];
	v17 =	vmul.f32 v18, v17;
	v18 =	vmul.f32 v62, v19  }
0x13d: {  	v19 =	vld [tilespmem:s24+$0x55C0]  }
0x13e: {  	v32 =	vld [tilespmem:s24+$0x55D0];
	v17 =	vadd.f32 v18, v17;
	v18 =	vmul.f32 v28, v63  }
0x13f: {  	v33 =	vld [tilespmem:s24+$0x7DD0]  }
0x140: {  	v34 =	vld [tilespmem:s24+$0x55E0];
	v17 =	vadd.f32 v18, v17;
	v18 =	vmul.f32 v30, v29  }
0x141: {  	v35 =	vld [tilespmem:s24+$0x7DE0]  }
0x142: {  	v36 =	vld [tilespmem:s24+$0x7DF0];
	v17 =	vadd.f32 v18, v17;
	v18 =	vmul.f32 v31, v19  }
0x143: {  	v19 =	vld [tilespmem:s24+$0x55F0]  }
0x144: {  	v17 =	vadd.f32 v18, v17;
	v18 =	vmul.f32 v33, v32;
	_ =	sdelay $0x1  }
0x145: {  	v17 =	vadd.f32 v18, v17;
	v18 =	vmul.f32 v35, v34;
	_ =	sdelay $0x1  }
0x146: {  	v17 =	vadd.f32 v18, v17;
	v18 =	vmul.f32 v36, v19;
	_ =	sdelay $0x1  }
0x147: {  	v17 =	vadd.f32 v18, v17;
	_ =	sdelay $0x1  }
0x148: {  	[tilespmem:$0x11D00] =	vst v17  }
0x149: {  	v17 =	vld [tilespmem:s24+$0x5600]  }
0x14a: {  	v18 =	vld [tilespmem:s24+$0x7E00]  }
0x14b: {  	v19 =	vld [tilespmem:s24+$0x5610]  }
0x14c: {  	v37 =	vld [tilespmem:s24+$0x7E10]  }
0x14d: {  	v38 =	vld [tilespmem:s24+$0x5620]  }
0x14e: {  	v39 =	vld [tilespmem:s24+$0x7E20]  }
0x14f: {  	v40 =	vld [tilespmem:s24+$0x5630]  }
0x150: {  	v41 =	vld [tilespmem:s24+$0x7E30]  }
0x151: {  	v42 =	vld [tilespmem:s24+$0x7E40];
	v17 =	vmul.f32 v18, v17;
	v18 =	vmul.f32 v37, v19  }
0x152: {  	v19 =	vld [tilespmem:s24+$0x5640]  }
0x153: {  	v43 =	vld [tilespmem:s24+$0x5650];
	v17 =	vadd.f32 v18, v17;
	v18 =	vmul.f32 v39, v38  }
0x154: {  	v44 =	vld [tilespmem:s24+$0x7E50]  }
0x155: {  	v45 =	vld [tilespmem:s24+$0x5660];
	v17 =	vadd.f32 v18, v17;
	v18 =	vmul.f32 v41, v40  }
0x156: {  	v46 =	vld [tilespmem:s24+$0x7E60]  }
0x157: {  	v47 =	vld [tilespmem:s24+$0x7E70];
	v17 =	vadd.f32 v18, v17;
	v18 =	vmul.f32 v42, v19  }
0x158: {  	v19 =	vld [tilespmem:s24+$0x5670]  }
0x159: {  	v17 =	vadd.f32 v18, v17;
	v18 =	vmul.f32 v44, v43;
	_ =	sdelay $0x1  }
0x15a: {  	v17 =	vadd.f32 v18, v17;
	v18 =	vmul.f32 v46, v45;
	_ =	sdelay $0x1  }
0x15b: {  	v17 =	vadd.f32 v18, v17;
	v18 =	vmul.f32 v47, v19;
	_ =	sdelay $0x1  }
0x15c: {  	v17 =	vadd.f32 v18, v17;
	_ =	sdelay $0x1  }
0x15d: {  	[tilespmem:$0x11D80] =	vst v17  }
0x15e: {  	v17 =	vld [tilespmem:s24+$0x5680]  }
0x15f: {  	v18 =	vld [tilespmem:s24+$0x7E80]  }
0x160: {  	v19 =	vld [tilespmem:s24+$0x5690]  }
0x161: {  	v48 =	vld [tilespmem:s24+$0x7E90]  }
0x162: {  	v49 =	vld [tilespmem:s24+$0x56A0]  }
0x163: {  	v50 =	vld [tilespmem:s24+$0x7EA0]  }
0x164: {  	v51 =	vld [tilespmem:s24+$0x56B0]  }
0x165: {  	v52 =	vld [tilespmem:s24+$0x7EB0]  }
0x166: {  	v53 =	vld [tilespmem:s24+$0x7EC0];
	v17 =	vmul.f32 v18, v17;
	v18 =	vmul.f32 v48, v19  }
0x167: {  	v19 =	vld [tilespmem:s24+$0x56C0]  }
0x168: {  	v54 =	vld [tilespmem:s24+$0x56D0];
	v17 =	vadd.f32 v18, v17;
	v18 =	vmul.f32 v50, v49  }
0x169: {  	v55 =	vld [tilespmem:s24+$0x7ED0]  }
0x16a: {  	v56 =	vld [tilespmem:s24+$0x56E0];
	v17 =	vadd.f32 v18, v17;
	v18 =	vmul.f32 v52, v51  }
0x16b: {  	v57 =	vld [tilespmem:s24+$0x7EE0]  }
0x16c: {  	v58 =	vld [tilespmem:s24+$0x7EF0];
	v17 =	vadd.f32 v18, v17;
	v18 =	vmul.f32 v53, v19  }
0x16d: {  	v19 =	vld [tilespmem:s24+$0x56F0]  }
0x16e: {  	v17 =	vadd.f32 v18, v17;
	v18 =	vmul.f32 v55, v54;
	_ =	sdelay $0x1  }
0x16f: {  	v17 =	vadd.f32 v18, v17;
	v18 =	vmul.f32 v57, v56;
	_ =	sdelay $0x1  }
0x170: {  	v17 =	vadd.f32 v18, v17;
	v18 =	vmul.f32 v58, v19;
	_ =	sdelay $0x1  }
0x171: {  	v17 =	vadd.f32 v18, v17;
	_ =	sdelay $0x1  }
0x172: {  	[tilespmem:$0x11E00] =	vst v17  }
0x173: {  	v17 =	vld.idx.msk [tilespmem:v0+s17+$0x0], $0xffff  }
0x174: {  	v18 =	vld.idx.msk [tilespmem:v1+s17+$0x0], $0xffff;
	_ =	sdelay $0x1  }
0x175: {  	v19 =	vld.idx.msk [tilespmem:v2+s17+$0x0], $0xffff;
	_ =	sdelay $0x1  }
0x176: {  	v59 =	vld.idx.msk [tilespmem:v3+s17+$0x0], $0xffff  }
0x177: {  	v17 =	vadd.f32 v18, v17  }
0x178: {  	v18 =	vld.idx.msk [tilespmem:v4+s17+$0x0], $0xffff  }
0x179: {  	v17 =	vadd.f32 v19, v17  }
0x17a: {  	v19 =	vld.idx.msk [tilespmem:v5+s17+$0x0], $0xffff  }
0x17b: {  	v17 =	vadd.f32 v59, v17  }
0x17c: {  	v60 =	vld.idx.msk [tilespmem:v6+s17+$0x0], $0xffff  }
0x17d: {  	v17 =	vadd.f32 v18, v17  }
0x17e: {  	v18 =	vld.idx.msk [tilespmem:v7+s17+$0x0], $0xffff  }
0x17f: {  	v17 =	vadd.f32 v19, v17  }
0x180: {  	v19 =	vld.idx.msk [tilespmem:v8+s17+$0x0], $0xffff  }
0x181: {  	v17 =	vadd.f32 v60, v17  }
0x182: {  	v61 =	vld.idx.msk [tilespmem:v9+s17+$0x0], $0xffff  }
0x183: {  	v17 =	vadd.f32 v18, v17  }
0x184: {  	v18 =	vld.idx.msk [tilespmem:v10+s17+$0x0], $0xffff  }
0x185: {  	v17 =	vadd.f32 v19, v17  }
0x186: {  	v19 =	vld.idx.msk [tilespmem:v11+s17+$0x0], $0xffff  }
0x187: {  	v17 =	vadd.f32 v61, v17  }
0x188: {  	v62 =	vld.idx.msk [tilespmem:v12+s17+$0x0], $0xffff  }
0x189: {  	v17 =	vadd.f32 v18, v17  }
0x18a: {  	v18 =	vld.idx.msk [tilespmem:v13+s17+$0x0], $0xffff  }
0x18b: {  	v17 =	vadd.f32 v19, v17  }
0x18c: {  	v19 =	vld.idx.msk [tilespmem:v14+s17+$0x0], $0xffff  }
0x18d: {  	v17 =	vadd.f32 v62, v17  }
0x18e: {  	v63 =	vld.idx.msk [tilespmem:v15+s17+$0x0], $0xffff  }
0x18f: {  	v17 =	vadd.f32 v18, v17;
	_ =	sdelay $0x1  }
0x190: {  	v17 =	vadd.f32 v19, v17;
	_ =	sdelay $0x1  }
0x191: {  	v17 =	vadd.f32 v63, v17;
	_ =	sdelay $0x1  }
0x192: {  	v17 =	vsub.f32 $0.0e+00, v17;
	_ =	sdelay $0x1  }
0x193: {  	v17 =	vmul.f32 $1.442695020e+00, v17;
	_ =	sdelay $0x1  }
0x194: {  	(erf) = vpow2.f32 v17;
	_ =	sdelay $0x8  }
0x195: {  	v17 =	vpop (erf)  }
0x196: {  	v17 =	vadd.f32 $1.000000000e+00, v17;
	_ =	sdelay $0x1  }
0x197: {  	(erf) = vrcp.f32 v17;
	_ =	sdelay $0x4  }
0x198: {  	p0 =	sne.s32 s22, $0x4  }
.Ltmp0:
0x199: {  	_ = 	snop;
	(pc) =	sbr.rel @p0 .LBB2_3-.Ltmp0, $4  }
0x19a: {  	_ = 	snop  }
0x19b: {  	s31 =	sshll.u32 s22, $0x4  }
0x19c: {  	s24 =	sand.u32 $0x3FFFFFF0, s31;
	v17 =	vpop (erf)  }
0x19d: {  	s22 =	sadd.s32 $0x1, s22;
	[tilespmem:v16+s24+$0x0 ss:$0x1] =	vst.idx.msk $0xffff, v17  }
0x19e: {  	s22 =	smul.u32 $0xA0, s21;
	_ =	sdelay $0x1  }
0x19f: {  	s24 =	sadd.s32 $0xA0, s22  }
0x1a0: {  	[tilespmem:s11], [sflag:$0x1] =	stream.indirect.gather [hbm4b:s1+s10], $0x80, s24, s10, $0xb8;
	[tilespmem:$0x11E80] =	vst v63  }
0x1a1: {  	s30 =	sadd.s32 $0x2820, s22  }
0x1a2: {  	[tilespmem:s12], [sflag:$0x1] =	stream.indirect.gather [hbm4b:s1+s10], $0x80, s30, s10, $0xb8;
	[tilespmem:$0x11E80] =	vst v63  }
0x1a3: {  	_ =	swait.ge [sflag:s18], $0x2800  }
0x1a4: {  	[sflag:s18] =	ssyncset.done $0x0  }
0x1a5: {  	[sflag:s18] =	ssyncadd.s32 $0xFFFFD800  }
0x1a6: {  	_ =	swait.ge [sflag:s18], $0x2800  }
0x1a7: {  	s31 =	sadd.s32 $0xEF50, s23;
	[sflag:s18] =	ssyncset.done $0x0  }
0x1a8: {  	s23 =	simm.s32 $0x0;
	v16 =	vmov s31;
	[sflag:s18] =	ssyncadd.s32 $0xFFFFD800  }
.LBB2_5:
0x1a9: {  	s24 =	sshll.u32 s23, $0xB  }
0x1aa: {  	v17 =	vld [tilespmem:s24+$0x9F00]  }
0x1ab: {  	v18 =	vld [tilespmem:s24+$0xC700]  }
0x1ac: {  	v19 =	vld [tilespmem:s24+$0x9F10]  }
0x1ad: {  	v20 =	vld [tilespmem:s24+$0xC710]  }
0x1ae: {  	v21 =	vld [tilespmem:s24+$0x9F20]  }
0x1af: {  	v22 =	vld [tilespmem:s24+$0xC720]  }
0x1b0: {  	v23 =	vld [tilespmem:s24+$0x9F30]  }
0x1b1: {  	v24 =	vld [tilespmem:s24+$0xC730]  }
0x1b2: {  	v32 =	vld [tilespmem:s24+$0xC740];
	v17 =	vmul.f32 v18, v17;
	v18 =	vmul.f32 v20, v19  }
0x1b3: {  	v19 =	vld [tilespmem:s24+$0x9F40]  }
0x1b4: {  	v33 =	vld [tilespmem:s24+$0x9F50];
	v17 =	vadd.f32 v18, v17;
	v18 =	vmul.f32 v22, v21  }
0x1b5: {  	v34 =	vld [tilespmem:s24+$0xC750]  }
0x1b6: {  	v35 =	vld [tilespmem:s24+$0x9F60];
	v17 =	vadd.f32 v18, v17;
	v18 =	vmul.f32 v24, v23  }
0x1b7: {  	v36 =	vld [tilespmem:s24+$0xC760]  }
0x1b8: {  	v37 =	vld [tilespmem:s24+$0xC770];
	v17 =	vadd.f32 v18, v17;
	v18 =	vmul.f32 v32, v19  }
0x1b9: {  	v19 =	vld [tilespmem:s24+$0x9F70]  }
0x1ba: {  	v17 =	vadd.f32 v18, v17;
	v18 =	vmul.f32 v34, v33;
	_ =	sdelay $0x1  }
0x1bb: {  	v17 =	vadd.f32 v18, v17;
	v18 =	vmul.f32 v36, v35;
	_ =	sdelay $0x1  }
0x1bc: {  	v17 =	vadd.f32 v18, v17;
	v18 =	vmul.f32 v37, v19;
	_ =	sdelay $0x1  }
0x1bd: {  	v17 =	vadd.f32 v18, v17;
	_ =	sdelay $0x1  }
0x1be: {  	[tilespmem:$0x11680] =	vst v17  }
0x1bf: {  	v17 =	vld [tilespmem:s24+$0x9F80]  }
0x1c0: {  	v18 =	vld [tilespmem:s24+$0xC780]  }
0x1c1: {  	v19 =	vld [tilespmem:s24+$0x9F90]  }
0x1c2: {  	v38 =	vld [tilespmem:s24+$0xC790]  }
0x1c3: {  	v39 =	vld [tilespmem:s24+$0x9FA0]  }
0x1c4: {  	v40 =	vld [tilespmem:s24+$0xC7A0]  }
0x1c5: {  	v41 =	vld [tilespmem:s24+$0x9FB0]  }
0x1c6: {  	v42 =	vld [tilespmem:s24+$0xC7B0]  }
0x1c7: {  	v43 =	vld [tilespmem:s24+$0xC7C0];
	v17 =	vmul.f32 v18, v17;
	v18 =	vmul.f32 v38, v19  }
0x1c8: {  	v19 =	vld [tilespmem:s24+$0x9FC0]  }
0x1c9: {  	v44 =	vld [tilespmem:s24+$0x9FD0];
	v17 =	vadd.f32 v18, v17;
	v18 =	vmul.f32 v40, v39  }
0x1ca: {  	v45 =	vld [tilespmem:s24+$0xC7D0]  }
0x1cb: {  	v46 =	vld [tilespmem:s24+$0x9FE0];
	v17 =	vadd.f32 v18, v17;
	v18 =	vmul.f32 v42, v41  }
0x1cc: {  	v47 =	vld [tilespmem:s24+$0xC7E0]  }
0x1cd: {  	v48 =	vld [tilespmem:s24+$0xC7F0];
	v17 =	vadd.f32 v18, v17;
	v18 =	vmul.f32 v43, v19  }
0x1ce: {  	v19 =	vld [tilespmem:s24+$0x9FF0]  }
0x1cf: {  	v17 =	vadd.f32 v18, v17;
	v18 =	vmul.f32 v45, v44;
	_ =	sdelay $0x1  }
0x1d0: {  	v17 =	vadd.f32 v18, v17;
	v18 =	vmul.f32 v47, v46;
	_ =	sdelay $0x1  }
0x1d1: {  	v17 =	vadd.f32 v18, v17;
	v18 =	vmul.f32 v48, v19;
	_ =	sdelay $0x1  }
0x1d2: {  	v17 =	vadd.f32 v18, v17;
	_ =	sdelay $0x1  }
0x1d3: {  	[tilespmem:$0x11700] =	vst v17  }
0x1d4: {  	v17 =	vld [tilespmem:s24+$0xA000]  }
0x1d5: {  	v18 =	vld [tilespmem:s24+$0xC800]  }
0x1d6: {  	v19 =	vld [tilespmem:s24+$0xA010]  }
0x1d7: {  	v49 =	vld [tilespmem:s24+$0xC810]  }
0x1d8: {  	v50 =	vld [tilespmem:s24+$0xA020]  }
0x1d9: {  	v51 =	vld [tilespmem:s24+$0xC820]  }
0x1da: {  	v52 =	vld [tilespmem:s24+$0xA030]  }
0x1db: {  	v53 =	vld [tilespmem:s24+$0xC830]  }
0x1dc: {  	v54 =	vld [tilespmem:s24+$0xC840];
	v17 =	vmul.f32 v18, v17;
	v18 =	vmul.f32 v49, v19  }
0x1dd: {  	v19 =	vld [tilespmem:s24+$0xA040]  }
0x1de: {  	v55 =	vld [tilespmem:s24+$0xA050];
	v17 =	vadd.f32 v18, v17;
	v18 =	vmul.f32 v51, v50  }
0x1df: {  	v56 =	vld [tilespmem:s24+$0xC850]  }
0x1e0: {  	v57 =	vld [tilespmem:s24+$0xA060];
	v17 =	vadd.f32 v18, v17;
	v18 =	vmul.f32 v53, v52  }
0x1e1: {  	v58 =	vld [tilespmem:s24+$0xC860]  }
0x1e2: {  	v59 =	vld [tilespmem:s24+$0xC870];
	v17 =	vadd.f32 v18, v17;
	v18 =	vmul.f32 v54, v19  }
0x1e3: {  	v19 =	vld [tilespmem:s24+$0xA070]  }
0x1e4: {  	v17 =	vadd.f32 v18, v17;
	v18 =	vmul.f32 v56, v55;
	_ =	sdelay $0x1  }
0x1e5: {  	v17 =	vadd.f32 v18, v17;
	v18 =	vmul.f32 v58, v57;
	_ =	sdelay $0x1  }
0x1e6: {  	v17 =	vadd.f32 v18, v17;
	v18 =	vmul.f32 v59, v19;
	_ =	sdelay $0x1  }
0x1e7: {  	v17 =	vadd.f32 v18, v17;
	_ =	sdelay $0x1  }
0x1e8: {  	[tilespmem:$0x11780] =	vst v17  }
0x1e9: {  	v17 =	vld [tilespmem:s24+$0xA080]  }
0x1ea: {  	v18 =	vld [tilespmem:s24+$0xC880]  }
0x1eb: {  	v19 =	vld [tilespmem:s24+$0xA090]  }
0x1ec: {  	v60 =	vld [tilespmem:s24+$0xC890]  }
0x1ed: {  	v61 =	vld [tilespmem:s24+$0xA0A0]  }
0x1ee: {  	v62 =	vld [tilespmem:s24+$0xC8A0]  }
0x1ef: {  	v63 =	vld [tilespmem:s24+$0xA0B0]  }
0x1f0: {  	v28 =	vld [tilespmem:s24+$0xC8B0]  }
0x1f1: {  	v29 =	vld [tilespmem:s24+$0xC8C0];
	v17 =	vmul.f32 v18, v17;
	v18 =	vmul.f32 v60, v19  }
0x1f2: {  	v19 =	vld [tilespmem:s24+$0xA0C0]  }
0x1f3: {  	v30 =	vld [tilespmem:s24+$0xA0D0];
	v17 =	vadd.f32 v18, v17;
	v18 =	vmul.f32 v62, v61  }
0x1f4: {  	v31 =	vld [tilespmem:s24+$0xC8D0]  }
0x1f5: {  	v32 =	vld [tilespmem:s24+$0xA0E0];
	v17 =	vadd.f32 v18, v17;
	v18 =	vmul.f32 v28, v63  }
0x1f6: {  	v33 =	vld [tilespmem:s24+$0xC8E0]  }
0x1f7: {  	v34 =	vld [tilespmem:s24+$0xC8F0];
	v17 =	vadd.f32 v18, v17;
	v18 =	vmul.f32 v29, v19  }
0x1f8: {  	v19 =	vld [tilespmem:s24+$0xA0F0]  }
0x1f9: {  	v17 =	vadd.f32 v18, v17;
	v18 =	vmul.f32 v31, v30;
	_ =	sdelay $0x1  }
0x1fa: {  	v17 =	vadd.f32 v18, v17;
	v18 =	vmul.f32 v33, v32;
	_ =	sdelay $0x1  }
0x1fb: {  	v17 =	vadd.f32 v18, v17;
	v18 =	vmul.f32 v34, v19;
	_ =	sdelay $0x1  }
0x1fc: {  	v17 =	vadd.f32 v18, v17;
	_ =	sdelay $0x1  }
0x1fd: {  	[tilespmem:$0x11800] =	vst v17  }
0x1fe: {  	v17 =	vld [tilespmem:s24+$0xA100]  }
0x1ff: {  	v18 =	vld [tilespmem:s24+$0xC900]  }
0x200: {  	v19 =	vld [tilespmem:s24+$0xA110]  }
0x201: {  	v35 =	vld [tilespmem:s24+$0xC910]  }
0x202: {  	v36 =	vld [tilespmem:s24+$0xA120]  }
0x203: {  	v37 =	vld [tilespmem:s24+$0xC920]  }
0x204: {  	v38 =	vld [tilespmem:s24+$0xA130]  }
0x205: {  	v39 =	vld [tilespmem:s24+$0xC930]  }
0x206: {  	v40 =	vld [tilespmem:s24+$0xC940];
	v17 =	vmul.f32 v18, v17;
	v18 =	vmul.f32 v35, v19  }
0x207: {  	v19 =	vld [tilespmem:s24+$0xA140]  }
0x208: {  	v41 =	vld [tilespmem:s24+$0xA150];
	v17 =	vadd.f32 v18, v17;
	v18 =	vmul.f32 v37, v36  }
0x209: {  	v42 =	vld [tilespmem:s24+$0xC950]  }
0x20a: {  	v43 =	vld [tilespmem:s24+$0xA160];
	v17 =	vadd.f32 v18, v17;
	v18 =	vmul.f32 v39, v38  }
0x20b: {  	v44 =	vld [tilespmem:s24+$0xC960]  }
0x20c: {  	v45 =	vld [tilespmem:s24+$0xC970];
	v17 =	vadd.f32 v18, v17;
	v18 =	vmul.f32 v40, v19  }
0x20d: {  	v19 =	vld [tilespmem:s24+$0xA170]  }
0x20e: {  	v17 =	vadd.f32 v18, v17;
	v18 =	vmul.f32 v42, v41;
	_ =	sdelay $0x1  }
0x20f: {  	v17 =	vadd.f32 v18, v17;
	v18 =	vmul.f32 v44, v43;
	_ =	sdelay $0x1  }
0x210: {  	v17 =	vadd.f32 v18, v17;
	v18 =	vmul.f32 v45, v19;
	_ =	sdelay $0x1  }
0x211: {  	v17 =	vadd.f32 v18, v17;
	_ =	sdelay $0x1  }
0x212: {  	[tilespmem:$0x11880] =	vst v17  }
0x213: {  	v17 =	vld [tilespmem:s24+$0xA180]  }
0x214: {  	v18 =	vld [tilespmem:s24+$0xC980]  }
0x215: {  	v19 =	vld [tilespmem:s24+$0xA190]  }
0x216: {  	v46 =	vld [tilespmem:s24+$0xC990]  }
0x217: {  	v47 =	vld [tilespmem:s24+$0xA1A0]  }
0x218: {  	v48 =	vld [tilespmem:s24+$0xC9A0]  }
0x219: {  	v49 =	vld [tilespmem:s24+$0xA1B0]  }
0x21a: {  	v50 =	vld [tilespmem:s24+$0xC9B0]  }
0x21b: {  	v51 =	vld [tilespmem:s24+$0xC9C0];
	v17 =	vmul.f32 v18, v17;
	v18 =	vmul.f32 v46, v19  }
0x21c: {  	v19 =	vld [tilespmem:s24+$0xA1C0]  }
0x21d: {  	v52 =	vld [tilespmem:s24+$0xA1D0];
	v17 =	vadd.f32 v18, v17;
	v18 =	vmul.f32 v48, v47  }
0x21e: {  	v53 =	vld [tilespmem:s24+$0xC9D0]  }
0x21f: {  	v54 =	vld [tilespmem:s24+$0xA1E0];
	v17 =	vadd.f32 v18, v17;
	v18 =	vmul.f32 v50, v49  }
0x220: {  	v55 =	vld [tilespmem:s24+$0xC9E0]  }
0x221: {  	v56 =	vld [tilespmem:s24+$0xC9F0];
	v17 =	vadd.f32 v18, v17;
	v18 =	vmul.f32 v51, v19  }
0x222: {  	v19 =	vld [tilespmem:s24+$0xA1F0]  }
0x223: {  	v17 =	vadd.f32 v18, v17;
	v18 =	vmul.f32 v53, v52;
	_ =	sdelay $0x1  }
0x224: {  	v17 =	vadd.f32 v18, v17;
	v18 =	vmul.f32 v55, v54;
	_ =	sdelay $0x1  }
0x225: {  	v17 =	vadd.f32 v18, v17;
	v18 =	vmul.f32 v56, v19;
	_ =	sdelay $0x1  }
0x226: {  	v17 =	vadd.f32 v18, v17;
	_ =	sdelay $0x1  }
0x227: {  	[tilespmem:$0x11900] =	vst v17  }
0x228: {  	v17 =	vld [tilespmem:s24+$0xA200]  }
0x229: {  	v18 =	vld [tilespmem:s24+$0xCA00]  }
0x22a: {  	v19 =	vld [tilespmem:s24+$0xA210]  }
0x22b: {  	v57 =	vld [tilespmem:s24+$0xCA10]  }
0x22c: {  	v58 =	vld [tilespmem:s24+$0xA220]  }
0x22d: {  	v59 =	vld [tilespmem:s24+$0xCA20]  }
0x22e: {  	v60 =	vld [tilespmem:s24+$0xA230]  }
0x22f: {  	v61 =	vld [tilespmem:s24+$0xCA30]  }
0x230: {  	v62 =	vld [tilespmem:s24+$0xCA40];
	v17 =	vmul.f32 v18, v17;
	v18 =	vmul.f32 v57, v19  }
0x231: {  	v19 =	vld [tilespmem:s24+$0xA240]  }
0x232: {  	v63 =	vld [tilespmem:s24+$0xA250];
	v17 =	vadd.f32 v18, v17;
	v18 =	vmul.f32 v59, v58  }
0x233: {  	v28 =	vld [tilespmem:s24+$0xCA50]  }
0x234: {  	v29 =	vld [tilespmem:s24+$0xA260];
	v17 =	vadd.f32 v18, v17;
	v18 =	vmul.f32 v61, v60  }
0x235: {  	v30 =	vld [tilespmem:s24+$0xCA60]  }
0x236: {  	v31 =	vld [tilespmem:s24+$0xCA70];
	v17 =	vadd.f32 v18, v17;
	v18 =	vmul.f32 v62, v19  }
0x237: {  	v19 =	vld [tilespmem:s24+$0xA270]  }
0x238: {  	v17 =	vadd.f32 v18, v17;
	v18 =	vmul.f32 v28, v63;
	_ =	sdelay $0x1  }
0x239: {  	v17 =	vadd.f32 v18, v17;
	v18 =	vmul.f32 v30, v29;
	_ =	sdelay $0x1  }
0x23a: {  	v17 =	vadd.f32 v18, v17;
	v18 =	vmul.f32 v31, v19;
	_ =	sdelay $0x1  }
0x23b: {  	v17 =	vadd.f32 v18, v17;
	_ =	sdelay $0x1  }
0x23c: {  	[tilespmem:$0x11980] =	vst v17  }
0x23d: {  	v17 =	vld [tilespmem:s24+$0xA280]  }
0x23e: {  	v18 =	vld [tilespmem:s24+$0xCA80]  }
0x23f: {  	v19 =	vld [tilespmem:s24+$0xA290]  }
0x240: {  	v32 =	vld [tilespmem:s24+$0xCA90]  }
0x241: {  	v33 =	vld [tilespmem:s24+$0xA2A0]  }
0x242: {  	v34 =	vld [tilespmem:s24+$0xCAA0]  }
0x243: {  	v35 =	vld [tilespmem:s24+$0xA2B0]  }
0x244: {  	v36 =	vld [tilespmem:s24+$0xCAB0]  }
0x245: {  	v37 =	vld [tilespmem:s24+$0xCAC0];
	v17 =	vmul.f32 v18, v17;
	v18 =	vmul.f32 v32, v19  }
0x246: {  	v19 =	vld [tilespmem:s24+$0xA2C0]  }
0x247: {  	v38 =	vld [tilespmem:s24+$0xA2D0];
	v17 =	vadd.f32 v18, v17;
	v18 =	vmul.f32 v34, v33  }
0x248: {  	v39 =	vld [tilespmem:s24+$0xCAD0]  }
0x249: {  	v40 =	vld [tilespmem:s24+$0xA2E0];
	v17 =	vadd.f32 v18, v17;
	v18 =	vmul.f32 v36, v35  }
0x24a: {  	v41 =	vld [tilespmem:s24+$0xCAE0]  }
0x24b: {  	v42 =	vld [tilespmem:s24+$0xCAF0];
	v17 =	vadd.f32 v18, v17;
	v18 =	vmul.f32 v37, v19  }
0x24c: {  	v19 =	vld [tilespmem:s24+$0xA2F0]  }
0x24d: {  	v17 =	vadd.f32 v18, v17;
	v18 =	vmul.f32 v39, v38;
	_ =	sdelay $0x1  }
0x24e: {  	v17 =	vadd.f32 v18, v17;
	v18 =	vmul.f32 v41, v40;
	_ =	sdelay $0x1  }
0x24f: {  	v17 =	vadd.f32 v18, v17;
	v18 =	vmul.f32 v42, v19;
	_ =	sdelay $0x1  }
0x250: {  	v17 =	vadd.f32 v18, v17;
	_ =	sdelay $0x1  }
0x251: {  	[tilespmem:$0x11A00] =	vst v17  }
0x252: {  	v17 =	vld [tilespmem:s24+$0xA300]  }
0x253: {  	v18 =	vld [tilespmem:s24+$0xCB00]  }
0x254: {  	v19 =	vld [tilespmem:s24+$0xA310]  }
0x255: {  	v43 =	vld [tilespmem:s24+$0xCB10]  }
0x256: {  	v44 =	vld [tilespmem:s24+$0xA320]  }
0x257: {  	v45 =	vld [tilespmem:s24+$0xCB20]  }
0x258: {  	v46 =	vld [tilespmem:s24+$0xA330]  }
0x259: {  	v47 =	vld [tilespmem:s24+$0xCB30]  }
0x25a: {  	v48 =	vld [tilespmem:s24+$0xCB40];
	v17 =	vmul.f32 v18, v17;
	v18 =	vmul.f32 v43, v19  }
0x25b: {  	v19 =	vld [tilespmem:s24+$0xA340]  }
0x25c: {  	v49 =	vld [tilespmem:s24+$0xA350];
	v17 =	vadd.f32 v18, v17;
	v18 =	vmul.f32 v45, v44  }
0x25d: {  	v50 =	vld [tilespmem:s24+$0xCB50]  }
0x25e: {  	v51 =	vld [tilespmem:s24+$0xA360];
	v17 =	vadd.f32 v18, v17;
	v18 =	vmul.f32 v47, v46  }
0x25f: {  	v52 =	vld [tilespmem:s24+$0xCB60]  }
0x260: {  	v53 =	vld [tilespmem:s24+$0xCB70];
	v17 =	vadd.f32 v18, v17;
	v18 =	vmul.f32 v48, v19  }
0x261: {  	v19 =	vld [tilespmem:s24+$0xA370]  }
0x262: {  	v17 =	vadd.f32 v18, v17;
	v18 =	vmul.f32 v50, v49;
	_ =	sdelay $0x1  }
0x263: {  	v17 =	vadd.f32 v18, v17;
	v18 =	vmul.f32 v52, v51;
	_ =	sdelay $0x1  }
0x264: {  	v17 =	vadd.f32 v18, v17;
	v18 =	vmul.f32 v53, v19;
	_ =	sdelay $0x1  }
0x265: {  	v17 =	vadd.f32 v18, v17;
	_ =	sdelay $0x1  }
0x266: {  	[tilespmem:$0x11A80] =	vst v17  }
0x267: {  	v17 =	vld [tilespmem:s24+$0xA380]  }
0x268: {  	v18 =	vld [tilespmem:s24+$0xCB80]  }
0x269: {  	v19 =	vld [tilespmem:s24+$0xA390]  }
0x26a: {  	v54 =	vld [tilespmem:s24+$0xCB90]  }
0x26b: {  	v55 =	vld [tilespmem:s24+$0xA3A0]  }
0x26c: {  	v56 =	vld [tilespmem:s24+$0xCBA0]  }
0x26d: {  	v57 =	vld [tilespmem:s24+$0xA3B0]  }
0x26e: {  	v58 =	vld [tilespmem:s24+$0xCBB0]  }
0x26f: {  	v59 =	vld [tilespmem:s24+$0xCBC0];
	v17 =	vmul.f32 v18, v17;
	v18 =	vmul.f32 v54, v19  }
0x270: {  	v19 =	vld [tilespmem:s24+$0xA3C0]  }
0x271: {  	v60 =	vld [tilespmem:s24+$0xA3D0];
	v17 =	vadd.f32 v18, v17;
	v18 =	vmul.f32 v56, v55  }
0x272: {  	v61 =	vld [tilespmem:s24+$0xCBD0]  }
0x273: {  	v62 =	vld [tilespmem:s24+$0xA3E0];
	v17 =	vadd.f32 v18, v17;
	v18 =	vmul.f32 v58, v57  }
0x274: {  	v63 =	vld [tilespmem:s24+$0xCBE0]  }
0x275: {  	v28 =	vld [tilespmem:s24+$0xCBF0];
	v17 =	vadd.f32 v18, v17;
	v18 =	vmul.f32 v59, v19  }
0x276: {  	v19 =	vld [tilespmem:s24+$0xA3F0]  }
0x277: {  	v17 =	vadd.f32 v18, v17;
	v18 =	vmul.f32 v61, v60;
	_ =	sdelay $0x1  }
0x278: {  	v17 =	vadd.f32 v18, v17;
	v18 =	vmul.f32 v63, v62;
	_ =	sdelay $0x1  }
0x279: {  	v17 =	vadd.f32 v18, v17;
	v18 =	vmul.f32 v28, v19;
	_ =	sdelay $0x1  }
0x27a: {  	v17 =	vadd.f32 v18, v17;
	_ =	sdelay $0x1  }
0x27b: {  	[tilespmem:$0x11B00] =	vst v17  }
0x27c: {  	v17 =	vld [tilespmem:s24+$0xA400]  }
0x27d: {  	v18 =	vld [tilespmem:s24+$0xCC00]  }
0x27e: {  	v19 =	vld [tilespmem:s24+$0xA410]  }
0x27f: {  	v29 =	vld [tilespmem:s24+$0xCC10]  }
0x280: {  	v30 =	vld [tilespmem:s24+$0xA420]  }
0x281: {  	v31 =	vld [tilespmem:s24+$0xCC20]  }
0x282: {  	v32 =	vld [tilespmem:s24+$0xA430]  }
0x283: {  	v33 =	vld [tilespmem:s24+$0xCC30]  }
0x284: {  	v34 =	vld [tilespmem:s24+$0xCC40];
	v17 =	vmul.f32 v18, v17;
	v18 =	vmul.f32 v29, v19  }
0x285: {  	v19 =	vld [tilespmem:s24+$0xA440]  }
0x286: {  	v35 =	vld [tilespmem:s24+$0xA450];
	v17 =	vadd.f32 v18, v17;
	v18 =	vmul.f32 v31, v30  }
0x287: {  	v36 =	vld [tilespmem:s24+$0xCC50]  }
0x288: {  	v37 =	vld [tilespmem:s24+$0xA460];
	v17 =	vadd.f32 v18, v17;
	v18 =	vmul.f32 v33, v32  }
0x289: {  	v38 =	vld [tilespmem:s24+$0xCC60]  }
0x28a: {  	v39 =	vld [tilespmem:s24+$0xCC70];
	v17 =	vadd.f32 v18, v17;
	v18 =	vmul.f32 v34, v19  }
0x28b: {  	v19 =	vld [tilespmem:s24+$0xA470]  }
0x28c: {  	v17 =	vadd.f32 v18, v17;
	v18 =	vmul.f32 v36, v35;
	_ =	sdelay $0x1  }
0x28d: {  	v17 =	vadd.f32 v18, v17;
	v18 =	vmul.f32 v38, v37;
	_ =	sdelay $0x1  }
0x28e: {  	v17 =	vadd.f32 v18, v17;
	v18 =	vmul.f32 v39, v19;
	_ =	sdelay $0x1  }
0x28f: {  	v17 =	vadd.f32 v18, v17;
	_ =	sdelay $0x1  }
0x290: {  	[tilespmem:$0x11B80] =	vst v17  }
0x291: {  	v17 =	vld [tilespmem:s24+$0xA480]  }
0x292: {  	v18 =	vld [tilespmem:s24+$0xCC80]  }
0x293: {  	v19 =	vld [tilespmem:s24+$0xA490]  }
0x294: {  	v40 =	vld [tilespmem:s24+$0xCC90]  }
0x295: {  	v41 =	vld [tilespmem:s24+$0xA4A0]  }
0x296: {  	v42 =	vld [tilespmem:s24+$0xCCA0]  }
0x297: {  	v43 =	vld [tilespmem:s24+$0xA4B0]  }
0x298: {  	v44 =	vld [tilespmem:s24+$0xCCB0]  }
0x299: {  	v45 =	vld [tilespmem:s24+$0xCCC0];
	v17 =	vmul.f32 v18, v17;
	v18 =	vmul.f32 v40, v19  }
0x29a: {  	v19 =	vld [tilespmem:s24+$0xA4C0]  }
0x29b: {  	v46 =	vld [tilespmem:s24+$0xA4D0];
	v17 =	vadd.f32 v18, v17;
	v18 =	vmul.f32 v42, v41  }
0x29c: {  	v47 =	vld [tilespmem:s24+$0xCCD0]  }
0x29d: {  	v48 =	vld [tilespmem:s24+$0xA4E0];
	v17 =	vadd.f32 v18, v17;
	v18 =	vmul.f32 v44, v43  }
0x29e: {  	v49 =	vld [tilespmem:s24+$0xCCE0]  }
0x29f: {  	v50 =	vld [tilespmem:s24+$0xCCF0];
	v17 =	vadd.f32 v18, v17;
	v18 =	vmul.f32 v45, v19  }
0x2a0: {  	v19 =	vld [tilespmem:s24+$0xA4F0]  }
0x2a1: {  	v17 =	vadd.f32 v18, v17;
	v18 =	vmul.f32 v47, v46;
	_ =	sdelay $0x1  }
0x2a2: {  	v17 =	vadd.f32 v18, v17;
	v18 =	vmul.f32 v49, v48;
	_ =	sdelay $0x1  }
0x2a3: {  	v17 =	vadd.f32 v18, v17;
	v18 =	vmul.f32 v50, v19;
	_ =	sdelay $0x1  }
0x2a4: {  	v17 =	vadd.f32 v18, v17;
	_ =	sdelay $0x1  }
0x2a5: {  	[tilespmem:$0x11C00] =	vst v17  }
0x2a6: {  	v17 =	vld [tilespmem:s24+$0xA500]  }
0x2a7: {  	v18 =	vld [tilespmem:s24+$0xCD00]  }
0x2a8: {  	v19 =	vld [tilespmem:s24+$0xA510]  }
0x2a9: {  	v51 =	vld [tilespmem:s24+$0xCD10]  }
0x2aa: {  	v52 =	vld [tilespmem:s24+$0xA520]  }
0x2ab: {  	v53 =	vld [tilespmem:s24+$0xCD20]  }
0x2ac: {  	v54 =	vld [tilespmem:s24+$0xA530]  }
0x2ad: {  	v55 =	vld [tilespmem:s24+$0xCD30]  }
0x2ae: {  	v56 =	vld [tilespmem:s24+$0xCD40];
	v17 =	vmul.f32 v18, v17;
	v18 =	vmul.f32 v51, v19  }
0x2af: {  	v19 =	vld [tilespmem:s24+$0xA540]  }
0x2b0: {  	v57 =	vld [tilespmem:s24+$0xA550];
	v17 =	vadd.f32 v18, v17;
	v18 =	vmul.f32 v53, v52  }
0x2b1: {  	v58 =	vld [tilespmem:s24+$0xCD50]  }
0x2b2: {  	v59 =	vld [tilespmem:s24+$0xA560];
	v17 =	vadd.f32 v18, v17;
	v18 =	vmul.f32 v55, v54  }
0x2b3: {  	v60 =	vld [tilespmem:s24+$0xCD60]  }
0x2b4: {  	v61 =	vld [tilespmem:s24+$0xCD70];
	v17 =	vadd.f32 v18, v17;
	v18 =	vmul.f32 v56, v19  }
0x2b5: {  	v19 =	vld [tilespmem:s24+$0xA570]  }
0x2b6: {  	v17 =	vadd.f32 v18, v17;
	v18 =	vmul.f32 v58, v57;
	_ =	sdelay $0x1  }
0x2b7: {  	v17 =	vadd.f32 v18, v17;
	v18 =	vmul.f32 v60, v59;
	_ =	sdelay $0x1  }
0x2b8: {  	v17 =	vadd.f32 v18, v17;
	v18 =	vmul.f32 v61, v19;
	_ =	sdelay $0x1  }
0x2b9: {  	v17 =	vadd.f32 v18, v17;
	_ =	sdelay $0x1  }
0x2ba: {  	[tilespmem:$0x11C80] =	vst v17  }
0x2bb: {  	v17 =	vld [tilespmem:s24+$0xA580]  }
0x2bc: {  	v18 =	vld [tilespmem:s24+$0xCD80]  }
0x2bd: {  	v19 =	vld [tilespmem:s24+$0xA590]  }
0x2be: {  	v62 =	vld [tilespmem:s24+$0xCD90]  }
0x2bf: {  	v63 =	vld [tilespmem:s24+$0xA5A0]  }
0x2c0: {  	v28 =	vld [tilespmem:s24+$0xCDA0]  }
0x2c1: {  	v29 =	vld [tilespmem:s24+$0xA5B0]  }
0x2c2: {  	v30 =	vld [tilespmem:s24+$0xCDB0]  }
0x2c3: {  	v31 =	vld [tilespmem:s24+$0xCDC0];
	v17 =	vmul.f32 v18, v17;
	v18 =	vmul.f32 v62, v19  }
0x2c4: {  	v19 =	vld [tilespmem:s24+$0xA5C0]  }
0x2c5: {  	v32 =	vld [tilespmem:s24+$0xA5D0];
	v17 =	vadd.f32 v18, v17;
	v18 =	vmul.f32 v28, v63  }
0x2c6: {  	v33 =	vld [tilespmem:s24+$0xCDD0]  }
0x2c7: {  	v34 =	vld [tilespmem:s24+$0xA5E0];
	v17 =	vadd.f32 v18, v17;
	v18 =	vmul.f32 v30, v29  }
0x2c8: {  	v35 =	vld [tilespmem:s24+$0xCDE0]  }
0x2c9: {  	v36 =	vld [tilespmem:s24+$0xCDF0];
	v17 =	vadd.f32 v18, v17;
	v18 =	vmul.f32 v31, v19  }
0x2ca: {  	v19 =	vld [tilespmem:s24+$0xA5F0]  }
0x2cb: {  	v17 =	vadd.f32 v18, v17;
	v18 =	vmul.f32 v33, v32;
	_ =	sdelay $0x1  }
0x2cc: {  	v17 =	vadd.f32 v18, v17;
	v18 =	vmul.f32 v35, v34;
	_ =	sdelay $0x1  }
0x2cd: {  	v17 =	vadd.f32 v18, v17;
	v18 =	vmul.f32 v36, v19;
	_ =	sdelay $0x1  }
0x2ce: {  	v17 =	vadd.f32 v18, v17;
	_ =	sdelay $0x1  }
0x2cf: {  	[tilespmem:$0x11D00] =	vst v17  }
0x2d0: {  	v17 =	vld [tilespmem:s24+$0xA600]  }
0x2d1: {  	v18 =	vld [tilespmem:s24+$0xCE00]  }
0x2d2: {  	v19 =	vld [tilespmem:s24+$0xA610]  }
0x2d3: {  	v37 =	vld [tilespmem:s24+$0xCE10]  }
0x2d4: {  	v38 =	vld [tilespmem:s24+$0xA620]  }
0x2d5: {  	v39 =	vld [tilespmem:s24+$0xCE20]  }
0x2d6: {  	v40 =	vld [tilespmem:s24+$0xA630]  }
0x2d7: {  	v41 =	vld [tilespmem:s24+$0xCE30]  }
0x2d8: {  	v42 =	vld [tilespmem:s24+$0xCE40];
	v17 =	vmul.f32 v18, v17;
	v18 =	vmul.f32 v37, v19  }
0x2d9: {  	v19 =	vld [tilespmem:s24+$0xA640]  }
0x2da: {  	v43 =	vld [tilespmem:s24+$0xA650];
	v17 =	vadd.f32 v18, v17;
	v18 =	vmul.f32 v39, v38  }
0x2db: {  	v44 =	vld [tilespmem:s24+$0xCE50]  }
0x2dc: {  	v45 =	vld [tilespmem:s24+$0xA660];
	v17 =	vadd.f32 v18, v17;
	v18 =	vmul.f32 v41, v40  }
0x2dd: {  	v46 =	vld [tilespmem:s24+$0xCE60]  }
0x2de: {  	v47 =	vld [tilespmem:s24+$0xCE70];
	v17 =	vadd.f32 v18, v17;
	v18 =	vmul.f32 v42, v19  }
0x2df: {  	v19 =	vld [tilespmem:s24+$0xA670]  }
0x2e0: {  	v17 =	vadd.f32 v18, v17;
	v18 =	vmul.f32 v44, v43;
	_ =	sdelay $0x1  }
0x2e1: {  	v17 =	vadd.f32 v18, v17;
	v18 =	vmul.f32 v46, v45;
	_ =	sdelay $0x1  }
0x2e2: {  	v17 =	vadd.f32 v18, v17;
	v18 =	vmul.f32 v47, v19;
	_ =	sdelay $0x1  }
0x2e3: {  	v17 =	vadd.f32 v18, v17;
	_ =	sdelay $0x1  }
0x2e4: {  	[tilespmem:$0x11D80] =	vst v17  }
0x2e5: {  	v17 =	vld [tilespmem:s24+$0xA680]  }
0x2e6: {  	v18 =	vld [tilespmem:s24+$0xCE80]  }
0x2e7: {  	v19 =	vld [tilespmem:s24+$0xA690]  }
0x2e8: {  	v48 =	vld [tilespmem:s24+$0xCE90]  }
0x2e9: {  	v49 =	vld [tilespmem:s24+$0xA6A0]  }
0x2ea: {  	v50 =	vld [tilespmem:s24+$0xCEA0]  }
0x2eb: {  	v51 =	vld [tilespmem:s24+$0xA6B0]  }
0x2ec: {  	v52 =	vld [tilespmem:s24+$0xCEB0]  }
0x2ed: {  	v53 =	vld [tilespmem:s24+$0xCEC0];
	v17 =	vmul.f32 v18, v17;
	v18 =	vmul.f32 v48, v19  }
0x2ee: {  	v19 =	vld [tilespmem:s24+$0xA6C0]  }
0x2ef: {  	v54 =	vld [tilespmem:s24+$0xA6D0];
	v17 =	vadd.f32 v18, v17;
	v18 =	vmul.f32 v50, v49  }
0x2f0: {  	v55 =	vld [tilespmem:s24+$0xCED0]  }
0x2f1: {  	v56 =	vld [tilespmem:s24+$0xA6E0];
	v17 =	vadd.f32 v18, v17;
	v18 =	vmul.f32 v52, v51  }
0x2f2: {  	v57 =	vld [tilespmem:s24+$0xCEE0]  }
0x2f3: {  	v58 =	vld [tilespmem:s24+$0xCEF0];
	v17 =	vadd.f32 v18, v17;
	v18 =	vmul.f32 v53, v19  }
0x2f4: {  	v19 =	vld [tilespmem:s24+$0xA6F0]  }
0x2f5: {  	v17 =	vadd.f32 v18, v17;
	v18 =	vmul.f32 v55, v54;
	_ =	sdelay $0x1  }
0x2f6: {  	v17 =	vadd.f32 v18, v17;
	v18 =	vmul.f32 v57, v56;
	_ =	sdelay $0x1  }
0x2f7: {  	v17 =	vadd.f32 v18, v17;
	v18 =	vmul.f32 v58, v19;
	_ =	sdelay $0x1  }
0x2f8: {  	v17 =	vadd.f32 v18, v17;
	_ =	sdelay $0x1  }
0x2f9: {  	[tilespmem:$0x11E00] =	vst v17  }
0x2fa: {  	v17 =	vld.idx.msk [tilespmem:v0+s17+$0x0], $0xffff  }
0x2fb: {  	v18 =	vld.idx.msk [tilespmem:v1+s17+$0x0], $0xffff;
	_ =	sdelay $0x1  }
0x2fc: {  	v19 =	vld.idx.msk [tilespmem:v2+s17+$0x0], $0xffff;
	_ =	sdelay $0x1  }
0x2fd: {  	v59 =	vld.idx.msk [tilespmem:v3+s17+$0x0], $0xffff  }
0x2fe: {  	v17 =	vadd.f32 v18, v17  }
0x2ff: {  	v18 =	vld.idx.msk [tilespmem:v4+s17+$0x0], $0xffff  }
0x300: {  	v17 =	vadd.f32 v19, v17  }
0x301: {  	v19 =	vld.idx.msk [tilespmem:v5+s17+$0x0], $0xffff  }
0x302: {  	v17 =	vadd.f32 v59, v17  }
0x303: {  	v60 =	vld.idx.msk [tilespmem:v6+s17+$0x0], $0xffff  }
0x304: {  	v17 =	vadd.f32 v18, v17  }
0x305: {  	v18 =	vld.idx.msk [tilespmem:v7+s17+$0x0], $0xffff  }
0x306: {  	v17 =	vadd.f32 v19, v17  }
0x307: {  	v19 =	vld.idx.msk [tilespmem:v8+s17+$0x0], $0xffff  }
0x308: {  	v17 =	vadd.f32 v60, v17  }
0x309: {  	v61 =	vld.idx.msk [tilespmem:v9+s17+$0x0], $0xffff  }
0x30a: {  	v17 =	vadd.f32 v18, v17  }
0x30b: {  	v18 =	vld.idx.msk [tilespmem:v10+s17+$0x0], $0xffff  }
0x30c: {  	v17 =	vadd.f32 v19, v17  }
0x30d: {  	v19 =	vld.idx.msk [tilespmem:v11+s17+$0x0], $0xffff  }
0x30e: {  	v17 =	vadd.f32 v61, v17  }
0x30f: {  	v62 =	vld.idx.msk [tilespmem:v12+s17+$0x0], $0xffff  }
0x310: {  	v17 =	vadd.f32 v18, v17  }
0x311: {  	v18 =	vld.idx.msk [tilespmem:v13+s17+$0x0], $0xffff  }
0x312: {  	v17 =	vadd.f32 v19, v17  }
0x313: {  	v19 =	vld.idx.msk [tilespmem:v14+s17+$0x0], $0xffff  }
0x314: {  	v17 =	vadd.f32 v62, v17  }
0x315: {  	v63 =	vld.idx.msk [tilespmem:v15+s17+$0x0], $0xffff  }
0x316: {  	v17 =	vadd.f32 v18, v17;
	_ =	sdelay $0x1  }
0x317: {  	v17 =	vadd.f32 v19, v17;
	_ =	sdelay $0x1  }
0x318: {  	v17 =	vadd.f32 v63, v17;
	_ =	sdelay $0x1  }
0x319: {  	v17 =	vsub.f32 $0.0e+00, v17;
	_ =	sdelay $0x1  }
0x31a: {  	v17 =	vmul.f32 $1.442695020e+00, v17;
	_ =	sdelay $0x1  }
0x31b: {  	(erf) = vpow2.f32 v17;
	_ =	sdelay $0x8  }
0x31c: {  	v17 =	vpop (erf)  }
0x31d: {  	v17 =	vadd.f32 $1.000000000e+00, v17;
	_ =	sdelay $0x1  }
0x31e: {  	(erf) = vrcp.f32 v17;
	_ =	sdelay $0x4  }
0x31f: {  	p0 =	sne.s32 s23, $0x4  }
.Ltmp1:
0x320: {  	_ = 	snop;
	(pc) =	sbr.rel @p0 .LBB2_5-.Ltmp1, $4  }
0x321: {  	_ = 	snop  }
0x322: {  	s31 =	sshll.u32 s23, $0x4  }
0x323: {  	s24 =	sand.u32 $0x3FFFFFF0, s31;
	v17 =	vpop (erf)  }
0x324: {  	s23 =	sadd.s32 $0x1, s23;
	[tilespmem:v16+s24+$0x0 ss:$0x1] =	vst.idx.msk $0xffff, v17  }
0x325: {  	p0 =	seq.s32 s21, $0x3D  }
.Ltmp2:
0x326: {  	_ = 	snop;
	(pc) =	sbr.rel @p0 .LBB2_8-.Ltmp2, $1  }
0x327: {  	_ =	sdelay $0x3  }
.Ltmp3:
0x328: {  	(pc) =	sbr.rel .LBB2_2-.Ltmp3, $4  }
0x329: {  	s23 =	sadd.s32 $0xF0, s22  }
0x32a: {  	[tilespmem:s13], [sflag:$0x2] =	stream.indirect.gather [hbm4b:s1+s10], $0x80, s23, s10, $0xb8;
	[tilespmem:$0x11E80] =	vst v63  }
0x32b: {  	s31 =	sadd.s32 $0x2870, s22;
	s21 =	sadd.s32 $0x1, s21  }
0x32c: {  	[tilespmem:s15], [sflag:$0x2] =	stream.indirect.gather [hbm4b:s1+s10], $0x80, s31, s10, $0xb8;
	[tilespmem:$0x11E80] =	vst v63  }
.LBB2_8:
0x32d: {  	_ =	swait.ge [sflag:s16], $0x2800  }
0x32e: {  	[sflag:s16] =	ssyncset.done $0x0  }
0x32f: {  	[sflag:s16] =	ssyncadd.s32 $0xFFFFD800  }
0x330: {  	_ =	swait.ge [sflag:s16], $0x2800  }
0x331: {  	[sflag:s16] =	ssyncset.done $0x0  }
0x332: {  	s21 =	simm.s32 $0x0;
	[sflag:s16] =	ssyncadd.s32 $0xFFFFD800  }
.LBB2_9:
0x333: {  	s22 =	sshll.u32 s21, $0xB  }
0x334: {  	v16 =	vld [tilespmem:s22+$0x4F00]  }
0x335: {  	v17 =	vld [tilespmem:s22+$0x7700]  }
0x336: {  	v18 =	vld [tilespmem:s22+$0x4F10]  }
0x337: {  	v19 =	vld [tilespmem:s22+$0x7710]  }
0x338: {  	v20 =	vld [tilespmem:s22+$0x4F20]  }
0x339: {  	v21 =	vld [tilespmem:s22+$0x7720]  }
0x33a: {  	v22 =	vld [tilespmem:s22+$0x4F30]  }
0x33b: {  	v23 =	vld [tilespmem:s22+$0x7730]  }
0x33c: {  	v36 =	vld [tilespmem:s22+$0x4F40];
	v16 =	vmul.f32 v17, v16;
	v17 =	vmul.f32 v19, v18  }
0x33d: {  	v37 =	vld [tilespmem:s22+$0x7740]  }
0x33e: {  	v38 =	vld [tilespmem:s22+$0x4F50];
	v16 =	vadd.f32 v17, v16;
	v17 =	vmul.f32 v21, v20  }
0x33f: {  	v39 =	vld [tilespmem:s22+$0x7750]  }
0x340: {  	v40 =	vld [tilespmem:s22+$0x4F60];
	v16 =	vadd.f32 v17, v16;
	v17 =	vmul.f32 v23, v22  }
0x341: {  	v41 =	vld [tilespmem:s22+$0x7760]  }
0x342: {  	v42 =	vld [tilespmem:s22+$0x4F70];
	v16 =	vadd.f32 v17, v16;
	v17 =	vmul.f32 v37, v36  }
0x343: {  	v43 =	vld [tilespmem:s22+$0x7770]  }
0x344: {  	v16 =	vadd.f32 v17, v16;
	v17 =	vmul.f32 v39, v38;
	_ =	sdelay $0x1  }
0x345: {  	v16 =	vadd.f32 v17, v16;
	v17 =	vmul.f32 v41, v40;
	_ =	sdelay $0x1  }
0x346: {  	v16 =	vadd.f32 v17, v16;
	v17 =	vmul.f32 v43, v42;
	_ =	sdelay $0x1  }
0x347: {  	v16 =	vadd.f32 v17, v16;
	_ =	sdelay $0x1  }
0x348: {  	[tilespmem:$0x11680] =	vst v16  }
0x349: {  	v16 =	vld [tilespmem:s22+$0x4F80]  }
0x34a: {  	v17 =	vld [tilespmem:s22+$0x7780]  }
0x34b: {  	v44 =	vld [tilespmem:s22+$0x4F90]  }
0x34c: {  	v45 =	vld [tilespmem:s22+$0x7790]  }
0x34d: {  	v46 =	vld [tilespmem:s22+$0x4FA0]  }
0x34e: {  	v47 =	vld [tilespmem:s22+$0x77A0]  }
0x34f: {  	v48 =	vld [tilespmem:s22+$0x4FB0]  }
0x350: {  	v49 =	vld [tilespmem:s22+$0x77B0]  }
0x351: {  	v50 =	vld [tilespmem:s22+$0x4FC0];
	v16 =	vmul.f32 v17, v16;
	v17 =	vmul.f32 v45, v44  }
0x352: {  	v51 =	vld [tilespmem:s22+$0x77C0]  }
0x353: {  	v52 =	vld [tilespmem:s22+$0x4FD0];
	v16 =	vadd.f32 v17, v16;
	v17 =	vmul.f32 v47, v46  }
0x354: {  	v53 =	vld [tilespmem:s22+$0x77D0]  }
0x355: {  	v54 =	vld [tilespmem:s22+$0x4FE0];
	v16 =	vadd.f32 v17, v16;
	v17 =	vmul.f32 v49, v48  }
0x356: {  	v55 =	vld [tilespmem:s22+$0x77E0]  }
0x357: {  	v56 =	vld [tilespmem:s22+$0x4FF0];
	v16 =	vadd.f32 v17, v16;
	v17 =	vmul.f32 v51, v50  }
0x358: {  	v57 =	vld [tilespmem:s22+$0x77F0]  }
0x359: {  	v16 =	vadd.f32 v17, v16;
	v17 =	vmul.f32 v53, v52;
	_ =	sdelay $0x1  }
0x35a: {  	v16 =	vadd.f32 v17, v16;
	v17 =	vmul.f32 v55, v54;
	_ =	sdelay $0x1  }
0x35b: {  	v16 =	vadd.f32 v17, v16;
	v17 =	vmul.f32 v57, v56;
	_ =	sdelay $0x1  }
0x35c: {  	v16 =	vadd.f32 v17, v16;
	_ =	sdelay $0x1  }
0x35d: {  	[tilespmem:$0x11700] =	vst v16  }
0x35e: {  	v16 =	vld [tilespmem:s22+$0x5000]  }
0x35f: {  	v17 =	vld [tilespmem:s22+$0x7800]  }
0x360: {  	v58 =	vld [tilespmem:s22+$0x5010]  }
0x361: {  	v59 =	vld [tilespmem:s22+$0x7810]  }
0x362: {  	v60 =	vld [tilespmem:s22+$0x5020]  }
0x363: {  	v61 =	vld [tilespmem:s22+$0x7820]  }
0x364: {  	v62 =	vld [tilespmem:s22+$0x5030]  }
0x365: {  	v63 =	vld [tilespmem:s22+$0x7830]  }
0x366: {  	v24 =	vld [tilespmem:s22+$0x5040];
	v16 =	vmul.f32 v17, v16;
	v17 =	vmul.f32 v59, v58  }
0x367: {  	v25 =	vld [tilespmem:s22+$0x7840]  }
0x368: {  	v26 =	vld [tilespmem:s22+$0x5050];
	v16 =	vadd.f32 v17, v16;
	v17 =	vmul.f32 v61, v60  }
0x369: {  	v27 =	vld [tilespmem:s22+$0x7850]  }
0x36a: {  	v28 =	vld [tilespmem:s22+$0x5060];
	v16 =	vadd.f32 v17, v16;
	v17 =	vmul.f32 v63, v62  }
0x36b: {  	v29 =	vld [tilespmem:s22+$0x7860]  }
0x36c: {  	v30 =	vld [tilespmem:s22+$0x5070];
	v16 =	vadd.f32 v17, v16;
	v17 =	vmul.f32 v25, v24  }
0x36d: {  	v31 =	vld [tilespmem:s22+$0x7870]  }
0x36e: {  	v16 =	vadd.f32 v17, v16;
	v17 =	vmul.f32 v27, v26;
	_ =	sdelay $0x1  }
0x36f: {  	v16 =	vadd.f32 v17, v16;
	v17 =	vmul.f32 v29, v28;
	_ =	sdelay $0x1  }
0x370: {  	v16 =	vadd.f32 v17, v16;
	v17 =	vmul.f32 v31, v30;
	_ =	sdelay $0x1  }
0x371: {  	v16 =	vadd.f32 v17, v16;
	_ =	sdelay $0x1  }
0x372: {  	[tilespmem:$0x11780] =	vst v16  }
0x373: {  	v16 =	vld [tilespmem:s22+$0x5080]  }
0x374: {  	v17 =	vld [tilespmem:s22+$0x7880]  }
0x375: {  	v32 =	vld [tilespmem:s22+$0x5090]  }
0x376: {  	v33 =	vld [tilespmem:s22+$0x7890]  }
0x377: {  	v34 =	vld [tilespmem:s22+$0x50A0]  }
0x378: {  	v35 =	vld [tilespmem:s22+$0x78A0]  }
0x379: {  	v36 =	vld [tilespmem:s22+$0x50B0]  }
0x37a: {  	v37 =	vld [tilespmem:s22+$0x78B0]  }
0x37b: {  	v38 =	vld [tilespmem:s22+$0x50C0];
	v16 =	vmul.f32 v17, v16;
	v17 =	vmul.f32 v33, v32  }
0x37c: {  	v39 =	vld [tilespmem:s22+$0x78C0]  }
0x37d: {  	v40 =	vld [tilespmem:s22+$0x50D0];
	v16 =	vadd.f32 v17, v16;
	v17 =	vmul.f32 v35, v34  }
0x37e: {  	v41 =	vld [tilespmem:s22+$0x78D0]  }
0x37f: {  	v42 =	vld [tilespmem:s22+$0x50E0];
	v16 =	vadd.f32 v17, v16;
	v17 =	vmul.f32 v37, v36  }
0x380: {  	v43 =	vld [tilespmem:s22+$0x78E0]  }
0x381: {  	v44 =	vld [tilespmem:s22+$0x50F0];
	v16 =	vadd.f32 v17, v16;
	v17 =	vmul.f32 v39, v38  }
0x382: {  	v45 =	vld [tilespmem:s22+$0x78F0]  }
0x383: {  	v16 =	vadd.f32 v17, v16;
	v17 =	vmul.f32 v41, v40;
	_ =	sdelay $0x1  }
0x384: {  	v16 =	vadd.f32 v17, v16;
	v17 =	vmul.f32 v43, v42;
	_ =	sdelay $0x1  }
0x385: {  	v16 =	vadd.f32 v17, v16;
	v17 =	vmul.f32 v45, v44;
	_ =	sdelay $0x1  }
0x386: {  	v16 =	vadd.f32 v17, v16;
	_ =	sdelay $0x1  }
0x387: {  	[tilespmem:$0x11800] =	vst v16  }
0x388: {  	v16 =	vld [tilespmem:s22+$0x5100]  }
0x389: {  	v17 =	vld [tilespmem:s22+$0x7900]  }
0x38a: {  	v46 =	vld [tilespmem:s22+$0x5110]  }
0x38b: {  	v47 =	vld [tilespmem:s22+$0x7910]  }
0x38c: {  	v48 =	vld [tilespmem:s22+$0x5120]  }
0x38d: {  	v49 =	vld [tilespmem:s22+$0x7920]  }
0x38e: {  	v50 =	vld [tilespmem:s22+$0x5130]  }
0x38f: {  	v51 =	vld [tilespmem:s22+$0x7930]  }
0x390: {  	v52 =	vld [tilespmem:s22+$0x5140];
	v16 =	vmul.f32 v17, v16;
	v17 =	vmul.f32 v47, v46  }
0x391: {  	v53 =	vld [tilespmem:s22+$0x7940]  }
0x392: {  	v54 =	vld [tilespmem:s22+$0x5150];
	v16 =	vadd.f32 v17, v16;
	v17 =	vmul.f32 v49, v48  }
0x393: {  	v55 =	vld [tilespmem:s22+$0x7950]  }
0x394: {  	v56 =	vld [tilespmem:s22+$0x5160];
	v16 =	vadd.f32 v17, v16;
	v17 =	vmul.f32 v51, v50  }
0x395: {  	v57 =	vld [tilespmem:s22+$0x7960]  }
0x396: {  	v58 =	vld [tilespmem:s22+$0x5170];
	v16 =	vadd.f32 v17, v16;
	v17 =	vmul.f32 v53, v52  }
0x397: {  	v59 =	vld [tilespmem:s22+$0x7970]  }
0x398: {  	v16 =	vadd.f32 v17, v16;
	v17 =	vmul.f32 v55, v54;
	_ =	sdelay $0x1  }
0x399: {  	v16 =	vadd.f32 v17, v16;
	v17 =	vmul.f32 v57, v56;
	_ =	sdelay $0x1  }
0x39a: {  	v16 =	vadd.f32 v17, v16;
	v17 =	vmul.f32 v59, v58;
	_ =	sdelay $0x1  }
0x39b: {  	v16 =	vadd.f32 v17, v16;
	_ =	sdelay $0x1  }
0x39c: {  	[tilespmem:$0x11880] =	vst v16  }
0x39d: {  	v16 =	vld [tilespmem:s22+$0x5180]  }
0x39e: {  	v17 =	vld [tilespmem:s22+$0x7980]  }
0x39f: {  	v60 =	vld [tilespmem:s22+$0x5190]  }
0x3a0: {  	v61 =	vld [tilespmem:s22+$0x7990]  }
0x3a1: {  	v62 =	vld [tilespmem:s22+$0x51A0]  }
0x3a2: {  	v63 =	vld [tilespmem:s22+$0x79A0]  }
0x3a3: {  	v24 =	vld [tilespmem:s22+$0x51B0]  }
0x3a4: {  	v25 =	vld [tilespmem:s22+$0x79B0]  }
0x3a5: {  	v26 =	vld [tilespmem:s22+$0x51C0];
	v16 =	vmul.f32 v17, v16;
	v17 =	vmul.f32 v61, v60  }
0x3a6: {  	v27 =	vld [tilespmem:s22+$0x79C0]  }
0x3a7: {  	v28 =	vld [tilespmem:s22+$0x51D0];
	v16 =	vadd.f32 v17, v16;
	v17 =	vmul.f32 v63, v62  }
0x3a8: {  	v29 =	vld [tilespmem:s22+$0x79D0]  }
0x3a9: {  	v30 =	vld [tilespmem:s22+$0x51E0];
	v16 =	vadd.f32 v17, v16;
	v17 =	vmul.f32 v25, v24  }
0x3aa: {  	v31 =	vld [tilespmem:s22+$0x79E0]  }
0x3ab: {  	v32 =	vld [tilespmem:s22+$0x51F0];
	v16 =	vadd.f32 v17, v16;
	v17 =	vmul.f32 v27, v26  }
0x3ac: {  	v33 =	vld [tilespmem:s22+$0x79F0]  }
0x3ad: {  	v16 =	vadd.f32 v17, v16;
	v17 =	vmul.f32 v29, v28;
	_ =	sdelay $0x1  }
0x3ae: {  	v16 =	vadd.f32 v17, v16;
	v17 =	vmul.f32 v31, v30;
	_ =	sdelay $0x1  }
0x3af: {  	v16 =	vadd.f32 v17, v16;
	v17 =	vmul.f32 v33, v32;
	_ =	sdelay $0x1  }
0x3b0: {  	v16 =	vadd.f32 v17, v16;
	_ =	sdelay $0x1  }
0x3b1: {  	[tilespmem:$0x11900] =	vst v16  }
0x3b2: {  	v16 =	vld [tilespmem:s22+$0x5200]  }
0x3b3: {  	v17 =	vld [tilespmem:s22+$0x7A00]  }
0x3b4: {  	v34 =	vld [tilespmem:s22+$0x5210]  }
0x3b5: {  	v35 =	vld [tilespmem:s22+$0x7A10]  }
0x3b6: {  	v36 =	vld [tilespmem:s22+$0x5220]  }
0x3b7: {  	v37 =	vld [tilespmem:s22+$0x7A20]  }
0x3b8: {  	v38 =	vld [tilespmem:s22+$0x5230]  }
0x3b9: {  	v39 =	vld [tilespmem:s22+$0x7A30]  }
0x3ba: {  	v40 =	vld [tilespmem:s22+$0x5240];
	v16 =	vmul.f32 v17, v16;
	v17 =	vmul.f32 v35, v34  }
0x3bb: {  	v41 =	vld [tilespmem:s22+$0x7A40]  }
0x3bc: {  	v42 =	vld [tilespmem:s22+$0x5250];
	v16 =	vadd.f32 v17, v16;
	v17 =	vmul.f32 v37, v36  }
0x3bd: {  	v43 =	vld [tilespmem:s22+$0x7A50]  }
0x3be: {  	v44 =	vld [tilespmem:s22+$0x5260];
	v16 =	vadd.f32 v17, v16;
	v17 =	vmul.f32 v39, v38  }
0x3bf: {  	v45 =	vld [tilespmem:s22+$0x7A60]  }
0x3c0: {  	v46 =	vld [tilespmem:s22+$0x5270];
	v16 =	vadd.f32 v17, v16;
	v17 =	vmul.f32 v41, v40  }
0x3c1: {  	v47 =	vld [tilespmem:s22+$0x7A70]  }
0x3c2: {  	v16 =	vadd.f32 v17, v16;
	v17 =	vmul.f32 v43, v42;
	_ =	sdelay $0x1  }
0x3c3: {  	v16 =	vadd.f32 v17, v16;
	v17 =	vmul.f32 v45, v44;
	_ =	sdelay $0x1  }
0x3c4: {  	v16 =	vadd.f32 v17, v16;
	v17 =	vmul.f32 v47, v46;
	_ =	sdelay $0x1  }
0x3c5: {  	v16 =	vadd.f32 v17, v16;
	_ =	sdelay $0x1  }
0x3c6: {  	[tilespmem:$0x11980] =	vst v16  }
0x3c7: {  	v16 =	vld [tilespmem:s22+$0x5280]  }
0x3c8: {  	v17 =	vld [tilespmem:s22+$0x7A80]  }
0x3c9: {  	v48 =	vld [tilespmem:s22+$0x5290]  }
0x3ca: {  	v49 =	vld [tilespmem:s22+$0x7A90]  }
0x3cb: {  	v50 =	vld [tilespmem:s22+$0x52A0]  }
0x3cc: {  	v51 =	vld [tilespmem:s22+$0x7AA0]  }
0x3cd: {  	v52 =	vld [tilespmem:s22+$0x52B0]  }
0x3ce: {  	v53 =	vld [tilespmem:s22+$0x7AB0]  }
0x3cf: {  	v54 =	vld [tilespmem:s22+$0x52C0];
	v16 =	vmul.f32 v17, v16;
	v17 =	vmul.f32 v49, v48  }
0x3d0: {  	v55 =	vld [tilespmem:s22+$0x7AC0]  }
0x3d1: {  	v56 =	vld [tilespmem:s22+$0x52D0];
	v16 =	vadd.f32 v17, v16;
	v17 =	vmul.f32 v51, v50  }
0x3d2: {  	v57 =	vld [tilespmem:s22+$0x7AD0]  }
0x3d3: {  	v58 =	vld [tilespmem:s22+$0x52E0];
	v16 =	vadd.f32 v17, v16;
	v17 =	vmul.f32 v53, v52  }
0x3d4: {  	v59 =	vld [tilespmem:s22+$0x7AE0]  }
0x3d5: {  	v60 =	vld [tilespmem:s22+$0x52F0];
	v16 =	vadd.f32 v17, v16;
	v17 =	vmul.f32 v55, v54  }
0x3d6: {  	v61 =	vld [tilespmem:s22+$0x7AF0]  }
0x3d7: {  	v16 =	vadd.f32 v17, v16;
	v17 =	vmul.f32 v57, v56;
	_ =	sdelay $0x1  }
0x3d8: {  	v16 =	vadd.f32 v17, v16;
	v17 =	vmul.f32 v59, v58;
	_ =	sdelay $0x1  }
0x3d9: {  	v16 =	vadd.f32 v17, v16;
	v17 =	vmul.f32 v61, v60;
	_ =	sdelay $0x1  }
0x3da: {  	v16 =	vadd.f32 v17, v16;
	_ =	sdelay $0x1  }
0x3db: {  	[tilespmem:$0x11A00] =	vst v16  }
0x3dc: {  	v16 =	vld [tilespmem:s22+$0x5300]  }
0x3dd: {  	v17 =	vld [tilespmem:s22+$0x7B00]  }
0x3de: {  	v62 =	vld [tilespmem:s22+$0x5310]  }
0x3df: {  	v63 =	vld [tilespmem:s22+$0x7B10]  }
0x3e0: {  	v24 =	vld [tilespmem:s22+$0x5320]  }
0x3e1: {  	v25 =	vld [tilespmem:s22+$0x7B20]  }
0x3e2: {  	v26 =	vld [tilespmem:s22+$0x5330]  }
0x3e3: {  	v27 =	vld [tilespmem:s22+$0x7B30]  }
0x3e4: {  	v28 =	vld [tilespmem:s22+$0x5340];
	v16 =	vmul.f32 v17, v16;
	v17 =	vmul.f32 v63, v62  }
0x3e5: {  	v29 =	vld [tilespmem:s22+$0x7B40]  }
0x3e6: {  	v30 =	vld [tilespmem:s22+$0x5350];
	v16 =	vadd.f32 v17, v16;
	v17 =	vmul.f32 v25, v24  }
0x3e7: {  	v31 =	vld [tilespmem:s22+$0x7B50]  }
0x3e8: {  	v32 =	vld [tilespmem:s22+$0x5360];
	v16 =	vadd.f32 v17, v16;
	v17 =	vmul.f32 v27, v26  }
0x3e9: {  	v33 =	vld [tilespmem:s22+$0x7B60]  }
0x3ea: {  	v34 =	vld [tilespmem:s22+$0x5370];
	v16 =	vadd.f32 v17, v16;
	v17 =	vmul.f32 v29, v28  }
0x3eb: {  	v35 =	vld [tilespmem:s22+$0x7B70]  }
0x3ec: {  	v16 =	vadd.f32 v17, v16;
	v17 =	vmul.f32 v31, v30;
	_ =	sdelay $0x1  }
0x3ed: {  	v16 =	vadd.f32 v17, v16;
	v17 =	vmul.f32 v33, v32;
	_ =	sdelay $0x1  }
0x3ee: {  	v16 =	vadd.f32 v17, v16;
	v17 =	vmul.f32 v35, v34;
	_ =	sdelay $0x1  }
0x3ef: {  	v16 =	vadd.f32 v17, v16;
	_ =	sdelay $0x1  }
0x3f0: {  	[tilespmem:$0x11A80] =	vst v16  }
0x3f1: {  	v16 =	vld [tilespmem:s22+$0x5380]  }
0x3f2: {  	v17 =	vld [tilespmem:s22+$0x7B80]  }
0x3f3: {  	v36 =	vld [tilespmem:s22+$0x5390]  }
0x3f4: {  	v37 =	vld [tilespmem:s22+$0x7B90]  }
0x3f5: {  	v38 =	vld [tilespmem:s22+$0x53A0]  }
0x3f6: {  	v39 =	vld [tilespmem:s22+$0x7BA0]  }
0x3f7: {  	v40 =	vld [tilespmem:s22+$0x53B0]  }
0x3f8: {  	v41 =	vld [tilespmem:s22+$0x7BB0]  }
0x3f9: {  	v42 =	vld [tilespmem:s22+$0x53C0];
	v16 =	vmul.f32 v17, v16;
	v17 =	vmul.f32 v37, v36  }
0x3fa: {  	v43 =	vld [tilespmem:s22+$0x7BC0]  }
0x3fb: {  	v44 =	vld [tilespmem:s22+$0x53D0];
	v16 =	vadd.f32 v17, v16;
	v17 =	vmul.f32 v39, v38  }
0x3fc: {  	v45 =	vld [tilespmem:s22+$0x7BD0]  }
0x3fd: {  	v46 =	vld [tilespmem:s22+$0x53E0];
	v16 =	vadd.f32 v17, v16;
	v17 =	vmul.f32 v41, v40  }
0x3fe: {  	v47 =	vld [tilespmem:s22+$0x7BE0]  }
0x3ff: {  	v48 =	vld [tilespmem:s22+$0x53F0];
	v16 =	vadd.f32 v17, v16;
	v17 =	vmul.f32 v43, v42  }
0x400: {  	v49 =	vld [tilespmem:s22+$0x7BF0]  }
0x401: {  	v16 =	vadd.f32 v17, v16;
	v17 =	vmul.f32 v45, v44;
	_ =	sdelay $0x1  }
0x402: {  	v16 =	vadd.f32 v17, v16;
	v17 =	vmul.f32 v47, v46;
	_ =	sdelay $0x1  }
0x403: {  	v16 =	vadd.f32 v17, v16;
	v17 =	vmul.f32 v49, v48;
	_ =	sdelay $0x1  }
0x404: {  	v16 =	vadd.f32 v17, v16;
	_ =	sdelay $0x1  }
0x405: {  	[tilespmem:$0x11B00] =	vst v16  }
0x406: {  	v16 =	vld [tilespmem:s22+$0x5400]  }
0x407: {  	v17 =	vld [tilespmem:s22+$0x7C00]  }
0x408: {  	v50 =	vld [tilespmem:s22+$0x5410]  }
0x409: {  	v51 =	vld [tilespmem:s22+$0x7C10]  }
0x40a: {  	v52 =	vld [tilespmem:s22+$0x5420]  }
0x40b: {  	v53 =	vld [tilespmem:s22+$0x7C20]  }
0x40c: {  	v54 =	vld [tilespmem:s22+$0x5430]  }
0x40d: {  	v55 =	vld [tilespmem:s22+$0x7C30]  }
0x40e: {  	v56 =	vld [tilespmem:s22+$0x5440];
	v16 =	vmul.f32 v17, v16;
	v17 =	vmul.f32 v51, v50  }
0x40f: {  	v57 =	vld [tilespmem:s22+$0x7C40]  }
0x410: {  	v58 =	vld [tilespmem:s22+$0x5450];
	v16 =	vadd.f32 v17, v16;
	v17 =	vmul.f32 v53, v52  }
0x411: {  	v59 =	vld [tilespmem:s22+$0x7C50]  }
0x412: {  	v60 =	vld [tilespmem:s22+$0x5460];
	v16 =	vadd.f32 v17, v16;
	v17 =	vmul.f32 v55, v54  }
0x413: {  	v61 =	vld [tilespmem:s22+$0x7C60]  }
0x414: {  	v62 =	vld [tilespmem:s22+$0x5470];
	v16 =	vadd.f32 v17, v16;
	v17 =	vmul.f32 v57, v56  }
0x415: {  	v63 =	vld [tilespmem:s22+$0x7C70]  }
0x416: {  	v16 =	vadd.f32 v17, v16;
	v17 =	vmul.f32 v59, v58;
	_ =	sdelay $0x1  }
0x417: {  	v16 =	vadd.f32 v17, v16;
	v17 =	vmul.f32 v61, v60;
	_ =	sdelay $0x1  }
0x418: {  	v16 =	vadd.f32 v17, v16;
	v17 =	vmul.f32 v63, v62;
	_ =	sdelay $0x1  }
0x419: {  	v16 =	vadd.f32 v17, v16;
	_ =	sdelay $0x1  }
0x41a: {  	[tilespmem:$0x11B80] =	vst v16  }
0x41b: {  	v16 =	vld [tilespmem:s22+$0x5480]  }
0x41c: {  	v17 =	vld [tilespmem:s22+$0x7C80]  }
0x41d: {  	v24 =	vld [tilespmem:s22+$0x5490]  }
0x41e: {  	v25 =	vld [tilespmem:s22+$0x7C90]  }
0x41f: {  	v26 =	vld [tilespmem:s22+$0x54A0]  }
0x420: {  	v27 =	vld [tilespmem:s22+$0x7CA0]  }
0x421: {  	v28 =	vld [tilespmem:s22+$0x54B0]  }
0x422: {  	v29 =	vld [tilespmem:s22+$0x7CB0]  }
0x423: {  	v30 =	vld [tilespmem:s22+$0x54C0];
	v16 =	vmul.f32 v17, v16;
	v17 =	vmul.f32 v25, v24  }
0x424: {  	v31 =	vld [tilespmem:s22+$0x7CC0]  }
0x425: {  	v32 =	vld [tilespmem:s22+$0x54D0];
	v16 =	vadd.f32 v17, v16;
	v17 =	vmul.f32 v27, v26  }
0x426: {  	v33 =	vld [tilespmem:s22+$0x7CD0]  }
0x427: {  	v34 =	vld [tilespmem:s22+$0x54E0];
	v16 =	vadd.f32 v17, v16;
	v17 =	vmul.f32 v29, v28  }
0x428: {  	v35 =	vld [tilespmem:s22+$0x7CE0]  }
0x429: {  	v36 =	vld [tilespmem:s22+$0x54F0];
	v16 =	vadd.f32 v17, v16;
	v17 =	vmul.f32 v31, v30  }
0x42a: {  	v37 =	vld [tilespmem:s22+$0x7CF0]  }
0x42b: {  	v16 =	vadd.f32 v17, v16;
	v17 =	vmul.f32 v33, v32;
	_ =	sdelay $0x1  }
0x42c: {  	v16 =	vadd.f32 v17, v16;
	v17 =	vmul.f32 v35, v34;
	_ =	sdelay $0x1  }
0x42d: {  	v16 =	vadd.f32 v17, v16;
	v17 =	vmul.f32 v37, v36;
	_ =	sdelay $0x1  }
0x42e: {  	v16 =	vadd.f32 v17, v16;
	_ =	sdelay $0x1  }
0x42f: {  	[tilespmem:$0x11C00] =	vst v16  }
0x430: {  	v16 =	vld [tilespmem:s22+$0x5500]  }
0x431: {  	v17 =	vld [tilespmem:s22+$0x7D00]  }
0x432: {  	v38 =	vld [tilespmem:s22+$0x5510]  }
0x433: {  	v39 =	vld [tilespmem:s22+$0x7D10]  }
0x434: {  	v40 =	vld [tilespmem:s22+$0x5520]  }
0x435: {  	v41 =	vld [tilespmem:s22+$0x7D20]  }
0x436: {  	v42 =	vld [tilespmem:s22+$0x5530]  }
0x437: {  	v43 =	vld [tilespmem:s22+$0x7D30]  }
0x438: {  	v44 =	vld [tilespmem:s22+$0x5540];
	v16 =	vmul.f32 v17, v16;
	v17 =	vmul.f32 v39, v38  }
0x439: {  	v45 =	vld [tilespmem:s22+$0x7D40]  }
0x43a: {  	v46 =	vld [tilespmem:s22+$0x5550];
	v16 =	vadd.f32 v17, v16;
	v17 =	vmul.f32 v41, v40  }
0x43b: {  	v47 =	vld [tilespmem:s22+$0x7D50]  }
0x43c: {  	v48 =	vld [tilespmem:s22+$0x5560];
	v16 =	vadd.f32 v17, v16;
	v17 =	vmul.f32 v43, v42  }
0x43d: {  	v49 =	vld [tilespmem:s22+$0x7D60]  }
0x43e: {  	v50 =	vld [tilespmem:s22+$0x5570];
	v16 =	vadd.f32 v17, v16;
	v17 =	vmul.f32 v45, v44  }
0x43f: {  	v51 =	vld [tilespmem:s22+$0x7D70]  }
0x440: {  	v16 =	vadd.f32 v17, v16;
	v17 =	vmul.f32 v47, v46;
	_ =	sdelay $0x1  }
0x441: {  	v16 =	vadd.f32 v17, v16;
	v17 =	vmul.f32 v49, v48;
	_ =	sdelay $0x1  }
0x442: {  	v16 =	vadd.f32 v17, v16;
	v17 =	vmul.f32 v51, v50;
	_ =	sdelay $0x1  }
0x443: {  	v16 =	vadd.f32 v17, v16;
	_ =	sdelay $0x1  }
0x444: {  	[tilespmem:$0x11C80] =	vst v16  }
0x445: {  	v16 =	vld [tilespmem:s22+$0x5580]  }
0x446: {  	v17 =	vld [tilespmem:s22+$0x7D80]  }
0x447: {  	v52 =	vld [tilespmem:s22+$0x5590]  }
0x448: {  	v53 =	vld [tilespmem:s22+$0x7D90]  }
0x449: {  	v54 =	vld [tilespmem:s22+$0x55A0]  }
0x44a: {  	v55 =	vld [tilespmem:s22+$0x7DA0]  }
0x44b: {  	v56 =	vld [tilespmem:s22+$0x55B0]  }
0x44c: {  	v57 =	vld [tilespmem:s22+$0x7DB0]  }
0x44d: {  	v58 =	vld [tilespmem:s22+$0x55C0];
	v16 =	vmul.f32 v17, v16;
	v17 =	vmul.f32 v53, v52  }
0x44e: {  	v59 =	vld [tilespmem:s22+$0x7DC0]  }
0x44f: {  	v60 =	vld [tilespmem:s22+$0x55D0];
	v16 =	vadd.f32 v17, v16;
	v17 =	vmul.f32 v55, v54  }
0x450: {  	v61 =	vld [tilespmem:s22+$0x7DD0]  }
0x451: {  	v62 =	vld [tilespmem:s22+$0x55E0];
	v16 =	vadd.f32 v17, v16;
	v17 =	vmul.f32 v57, v56  }
0x452: {  	v63 =	vld [tilespmem:s22+$0x7DE0]  }
0x453: {  	v24 =	vld [tilespmem:s22+$0x55F0];
	v16 =	vadd.f32 v17, v16;
	v17 =	vmul.f32 v59, v58  }
0x454: {  	v25 =	vld [tilespmem:s22+$0x7DF0]  }
0x455: {  	v16 =	vadd.f32 v17, v16;
	v17 =	vmul.f32 v61, v60;
	_ =	sdelay $0x1  }
0x456: {  	v16 =	vadd.f32 v17, v16;
	v17 =	vmul.f32 v63, v62;
	_ =	sdelay $0x1  }
0x457: {  	v16 =	vadd.f32 v17, v16;
	v17 =	vmul.f32 v25, v24;
	_ =	sdelay $0x1  }
0x458: {  	v16 =	vadd.f32 v17, v16;
	_ =	sdelay $0x1  }
0x459: {  	[tilespmem:$0x11D00] =	vst v16  }
0x45a: {  	v16 =	vld [tilespmem:s22+$0x5600]  }
0x45b: {  	v17 =	vld [tilespmem:s22+$0x7E00]  }
0x45c: {  	v26 =	vld [tilespmem:s22+$0x5610]  }
0x45d: {  	v27 =	vld [tilespmem:s22+$0x7E10]  }
0x45e: {  	v28 =	vld [tilespmem:s22+$0x5620]  }
0x45f: {  	v29 =	vld [tilespmem:s22+$0x7E20]  }
0x460: {  	v30 =	vld [tilespmem:s22+$0x5630]  }
0x461: {  	v31 =	vld [tilespmem:s22+$0x7E30]  }
0x462: {  	v32 =	vld [tilespmem:s22+$0x5640];
	v16 =	vmul.f32 v17, v16;
	v17 =	vmul.f32 v27, v26  }
0x463: {  	v33 =	vld [tilespmem:s22+$0x7E40]  }
0x464: {  	v34 =	vld [tilespmem:s22+$0x5650];
	v16 =	vadd.f32 v17, v16;
	v17 =	vmul.f32 v29, v28  }
0x465: {  	v35 =	vld [tilespmem:s22+$0x7E50]  }
0x466: {  	v36 =	vld [tilespmem:s22+$0x5660];
	v16 =	vadd.f32 v17, v16;
	v17 =	vmul.f32 v31, v30  }
0x467: {  	v37 =	vld [tilespmem:s22+$0x7E60]  }
0x468: {  	v38 =	vld [tilespmem:s22+$0x5670];
	v16 =	vadd.f32 v17, v16;
	v17 =	vmul.f32 v33, v32  }
0x469: {  	v39 =	vld [tilespmem:s22+$0x7E70]  }
0x46a: {  	v16 =	vadd.f32 v17, v16;
	v17 =	vmul.f32 v35, v34;
	_ =	sdelay $0x1  }
0x46b: {  	v16 =	vadd.f32 v17, v16;
	v17 =	vmul.f32 v37, v36;
	_ =	sdelay $0x1  }
0x46c: {  	v16 =	vadd.f32 v17, v16;
	v17 =	vmul.f32 v39, v38;
	_ =	sdelay $0x1  }
0x46d: {  	v16 =	vadd.f32 v17, v16;
	_ =	sdelay $0x1  }
0x46e: {  	[tilespmem:$0x11D80] =	vst v16  }
0x46f: {  	v16 =	vld [tilespmem:s22+$0x5680]  }
0x470: {  	v17 =	vld [tilespmem:s22+$0x7E80]  }
0x471: {  	v40 =	vld [tilespmem:s22+$0x5690]  }
0x472: {  	v41 =	vld [tilespmem:s22+$0x7E90]  }
0x473: {  	v42 =	vld [tilespmem:s22+$0x56A0]  }
0x474: {  	v43 =	vld [tilespmem:s22+$0x7EA0]  }
0x475: {  	v44 =	vld [tilespmem:s22+$0x56B0]  }
0x476: {  	v45 =	vld [tilespmem:s22+$0x7EB0]  }
0x477: {  	v46 =	vld [tilespmem:s22+$0x56C0];
	v16 =	vmul.f32 v17, v16;
	v17 =	vmul.f32 v41, v40  }
0x478: {  	v47 =	vld [tilespmem:s22+$0x7EC0]  }
0x479: {  	v48 =	vld [tilespmem:s22+$0x56D0];
	v16 =	vadd.f32 v17, v16;
	v17 =	vmul.f32 v43, v42  }
0x47a: {  	v49 =	vld [tilespmem:s22+$0x7ED0]  }
0x47b: {  	v50 =	vld [tilespmem:s22+$0x56E0];
	v16 =	vadd.f32 v17, v16;
	v17 =	vmul.f32 v45, v44  }
0x47c: {  	v51 =	vld [tilespmem:s22+$0x7EE0]  }
0x47d: {  	v52 =	vld [tilespmem:s22+$0x56F0];
	v16 =	vadd.f32 v17, v16;
	v17 =	vmul.f32 v47, v46  }
0x47e: {  	v53 =	vld [tilespmem:s22+$0x7EF0]  }
0x47f: {  	v16 =	vadd.f32 v17, v16;
	v17 =	vmul.f32 v49, v48;
	_ =	sdelay $0x1  }
0x480: {  	v16 =	vadd.f32 v17, v16;
	v17 =	vmul.f32 v51, v50;
	_ =	sdelay $0x1  }
0x481: {  	v16 =	vadd.f32 v17, v16;
	v17 =	vmul.f32 v53, v52;
	_ =	sdelay $0x1  }
0x482: {  	v16 =	vadd.f32 v17, v16;
	_ =	sdelay $0x1  }
0x483: {  	[tilespmem:$0x11E00] =	vst v16  }
0x484: {  	v16 =	vld.idx.msk [tilespmem:v0+s17+$0x0], $0xffff  }
0x485: {  	v17 =	vld.idx.msk [tilespmem:v1+s17+$0x0], $0xffff;
	_ =	sdelay $0x1  }
0x486: {  	v54 =	vld.idx.msk [tilespmem:v2+s17+$0x0], $0xffff;
	_ =	sdelay $0x1  }
0x487: {  	v55 =	vld.idx.msk [tilespmem:v3+s17+$0x0], $0xffff  }
0x488: {  	v16 =	vadd.f32 v17, v16  }
0x489: {  	v17 =	vld.idx.msk [tilespmem:v4+s17+$0x0], $0xffff  }
0x48a: {  	v16 =	vadd.f32 v54, v16  }
0x48b: {  	v56 =	vld.idx.msk [tilespmem:v5+s17+$0x0], $0xffff  }
0x48c: {  	v16 =	vadd.f32 v55, v16  }
0x48d: {  	v57 =	vld.idx.msk [tilespmem:v6+s17+$0x0], $0xffff  }
0x48e: {  	v16 =	vadd.f32 v17, v16  }
0x48f: {  	v17 =	vld.idx.msk [tilespmem:v7+s17+$0x0], $0xffff  }
0x490: {  	v16 =	vadd.f32 v56, v16  }
0x491: {  	v58 =	vld.idx.msk [tilespmem:v8+s17+$0x0], $0xffff  }
0x492: {  	v16 =	vadd.f32 v57, v16  }
0x493: {  	v59 =	vld.idx.msk [tilespmem:v9+s17+$0x0], $0xffff  }
0x494: {  	v16 =	vadd.f32 v17, v16  }
0x495: {  	v17 =	vld.idx.msk [tilespmem:v10+s17+$0x0], $0xffff  }
0x496: {  	v16 =	vadd.f32 v58, v16  }
0x497: {  	v60 =	vld.idx.msk [tilespmem:v11+s17+$0x0], $0xffff  }
0x498: {  	v16 =	vadd.f32 v59, v16  }
0x499: {  	v61 =	vld.idx.msk [tilespmem:v12+s17+$0x0], $0xffff  }
0x49a: {  	v16 =	vadd.f32 v17, v16  }
0x49b: {  	v17 =	vld.idx.msk [tilespmem:v13+s17+$0x0], $0xffff  }
0x49c: {  	v16 =	vadd.f32 v60, v16  }
0x49d: {  	v62 =	vld.idx.msk [tilespmem:v14+s17+$0x0], $0xffff  }
0x49e: {  	v16 =	vadd.f32 v61, v16  }
0x49f: {  	v63 =	vld.idx.msk [tilespmem:v15+s17+$0x0], $0xffff  }
0x4a0: {  	v16 =	vadd.f32 v17, v16;
	_ =	sdelay $0x1  }
0x4a1: {  	v16 =	vadd.f32 v62, v16;
	_ =	sdelay $0x1  }
0x4a2: {  	v16 =	vadd.f32 v63, v16;
	_ =	sdelay $0x1  }
0x4a3: {  	v16 =	vsub.f32 $0.0e+00, v16;
	_ =	sdelay $0x1  }
0x4a4: {  	v16 =	vmul.f32 $1.442695020e+00, v16;
	_ =	sdelay $0x1  }
0x4a5: {  	(erf) = vpow2.f32 v16;
	_ =	sdelay $0x8  }
0x4a6: {  	v16 =	vpop (erf)  }
0x4a7: {  	v16 =	vadd.f32 $1.000000000e+00, v16;
	_ =	sdelay $0x1  }
0x4a8: {  	(erf) = vrcp.f32 v16;
	_ =	sdelay $0x4  }
0x4a9: {  	p0 =	sne.s32 s21, $0x4  }
.Ltmp4:
0x4aa: {  	_ = 	snop;
	(pc) =	sbr.rel @p0 .LBB2_9-.Ltmp4, $4  }
0x4ab: {  	_ = 	snop  }
0x4ac: {  	s31 =	sshll.u32 s21, $0x4  }
0x4ad: {  	s22 =	sand.u32 $0x3FFFFFF0, s31;
	v16 =	vpop (erf)  }
0x4ae: {  	s21 =	sadd.s32 $0x1, s21;
	[tilespmem:s22+$0x115C0] =	vst v16  }
0x4af: {  	s20 =	sadd.s32 $0x1, s20  }
0x4b0: {  	p0 =	sne.s32 s20, s7  }
.Ltmp5:
0x4b1: {  	_ = 	snop;
	(pc) =	sbr.rel @p0 .LBB2_1-.Ltmp5, $4  }
0x4b2: {  	[hbm4b:s6+s3] =	stream.linear.scatter [tilespmem:s19], [sflag:$0x3], $0x2710, $0x38;
	[tilespmem:$0x11E80] =	vst v63  }
0x4b3: {  	_ =	swait.ge [sflag:s8], $0x2710  }
0x4b4: {  	[sflag:s8] =	ssyncset.done $0x0  }
0x4b5: {  	[sflag:s8] =	ssyncadd.s32 $0xFFFFD8F0  }
0x4b6: {  	_ =	sfence.sel $0x180000  }
0x4b7: {  	[bflag:$0x0] =	sbarrier.arrive $0xFFFF  }
0x4b8: {  	p0 =	sne.s32 s0, $0x0;
	_ =	strace $0x90000047  }
0x4b9: {  	s0 =	sadd.s32 @!p0 $0x100000, s2;
	[bflag:$0x2] =	sbarrier.arrive $0xFFFF  }
0x4ba: {  	[sflag:s0] =	ssyncadd.tile.s32 @!p0 $0x1;
	_ =	shalt  }
.Lfunc_end2:
_tile_overlayer_lowered:
.L_overlay_start_2:
0x4bb: {  	(tag) =	ssettag $0x2  }
0x4bc: {  	s0 =	rddreg [dreg:$0x0];
	s2 =	stileid.u32  }
0x4bd: {  	s1 =	rddreg [dreg:$0x1];
	p0 =	sne.s32 s2, $0x0  }
0x4be: {  	s3 =	rddreg [dreg:$0x2];
	[bflag:$0x3] =	sbarrier.arrive $0xFFFF;
	s2 =	simm.s32 @!p0 $0x1C03  }
0x4bf: {  	[timem:s3], [sflag:s2] =	dma.local @!p0 [hbm:s0], s1  }
0x4c0: {  	s0 =	simm.s32 @!p0 $0x3  }
0x4c1: {  	_ =	swait.ge @!p0 [sflag:s0], s1  }
0x4c2: {  	s1 =	ssub.s32 @!p0 $0x0, s1;
	[sflag:s0] =	ssyncset.done @!p0 $0x0  }
0x4c3: {  	[sflag:s0] =	ssyncadd.s32 @!p0 s1  }
0x4c4: {  	[bflag:$0x3] =	sbarrier.arrive $0xFFFF  }
0x4c5: {  	_ =	shalt  }

</sc_bundles>
